<compile_context>
chip_gen: v7x
topology: tpu7x:2x2x1
jax: 0.10.2.dev20260603
libtpu: 0.0.44.dev20260713+nightly
codegen_flags: <defaults>
</compile_context>

<pallas_src>
import functools

import jax
import jax.numpy as jnp
from jax import lax
from jax.experimental import pallas as pl
from jax.experimental.pallas import tpu as pltpu
from jax.experimental.pallas import tpu_sc as plsc

N = 10000
E = 320000
D = 128
EF = 16
TASK = 2

NTILES = 32
NPAD = 10016
ROWS_PER_TILE = NPAD // 16
EDGES_PER_TILE = E // NTILES
K = 48
CAP = 10080
NCH = CAP // K
SRCB = 2000
RB = 400
CB = 2560

_SC_PARAMS = pltpu.CompilerParams(use_tc_tiling_on_sc=False,
                                  needs_layout_passes=False)


def _c_body(eft_ref, w0_ref, w1_ref, c0_ref, c1_ref):
    e = eft_ref[...]
    dn = (((0,), (0,)), ((), ()))
    c0_ref[...] = lax.dot_general(e, w0_ref[...], dn,
                                  preferred_element_type=jnp.float32)
    c1_ref[...] = lax.dot_general(e, w1_ref[...], dn,
                                  preferred_element_type=jnp.float32)


_c_call = pl.pallas_call(
    _c_body,
    grid=(E // CB,),
    in_specs=[pl.BlockSpec((EF, CB), lambda i: (0, i)),
              pl.BlockSpec((EF, D), lambda i: (0, 0)),
              pl.BlockSpec((EF, D), lambda i: (0, 0))],
    out_specs=[pl.BlockSpec((CB, D), lambda i: (i, 0)),
               pl.BlockSpec((CB, D), lambda i: (i, 0))],
    out_shape=[jax.ShapeDtypeStruct((E, D), jnp.float32),
               jax.ShapeDtypeStruct((E, D), jnp.float32)],
)


def _ab_body(h_ref, wa_ref, wb_ref, a_ref, b_ref):
    h = h_ref[...]
    a_ref[...] = jnp.dot(h, wa_ref[...], preferred_element_type=jnp.float32)
    b_ref[...] = jnp.dot(h, wb_ref[...], preferred_element_type=jnp.float32)


_ab_call = pl.pallas_call(
    _ab_body,
    grid=(N // RB,),
    in_specs=[pl.BlockSpec((RB, D), lambda i: (i, 0)),
              pl.BlockSpec((D, D), lambda i: (0, 0)),
              pl.BlockSpec((D, D), lambda i: (0, 0))],
    out_specs=[pl.BlockSpec((RB, D), lambda i: (i, 0)),
               pl.BlockSpec((RB, D), lambda i: (i, 0))],
    out_shape=[jax.ShapeDtypeStruct((N, D), jnp.float32),
               jax.ShapeDtypeStruct((N, D), jnp.float32)],
)


def _node_update(h, red_ref, recv_ref, wh_ref, wr_ref):
    red = red_ref[0] + red_ref[1]
    x = (jnp.dot(h, wh_ref[...], preferred_element_type=jnp.float32)
         + jnp.dot(red, wr_ref[...], preferred_element_type=jnp.float32))
    o = jnp.maximum(x, x * 0.01)
    cnt = recv_ref[0, :, 0] + recv_ref[1, :, 0]
    return jnp.where((cnt > 0.0)[:, None], o, 0.0)


def _update_body(h_ref, red_ref, recv_ref, wh_ref, wr_ref, out_ref):
    out_ref[...] = _node_update(h_ref[...], red_ref, recv_ref, wh_ref, wr_ref)


def _update_ab_body(h_ref, red_ref, recv_ref, wh_ref, wr_ref, wa_ref, wb_ref,
                    out_ref, a_ref, b_ref):
    h1 = _node_update(h_ref[...], red_ref, recv_ref, wh_ref, wr_ref)
    out_ref[...] = h1
    a_ref[...] = jnp.dot(h1, wa_ref[...], preferred_element_type=jnp.float32)
    b_ref[...] = jnp.dot(h1, wb_ref[...], preferred_element_type=jnp.float32)


_update_call = pl.pallas_call(
    _update_body,
    grid=(N // RB,),
    in_specs=[pl.BlockSpec((RB, D), lambda i: (i, 0)),
              pl.BlockSpec((2, RB, D), lambda i: (0, i, 0)),
              pl.BlockSpec((2, RB, EF), lambda i: (0, i, 0)),
              pl.BlockSpec((D, D), lambda i: (0, 0)),
              pl.BlockSpec((D, D), lambda i: (0, 0))],
    out_specs=[pl.BlockSpec((RB, D), lambda i: (i, 0))],
    out_shape=[jax.ShapeDtypeStruct((N, D), jnp.float32)],
)

_update_ab_call = pl.pallas_call(
    _update_ab_body,
    grid=(N // RB,),
    in_specs=[pl.BlockSpec((RB, D), lambda i: (i, 0)),
              pl.BlockSpec((2, RB, D), lambda i: (0, i, 0)),
              pl.BlockSpec((2, RB, EF), lambda i: (0, i, 0)),
              pl.BlockSpec((D, D), lambda i: (0, 0)),
              pl.BlockSpec((D, D), lambda i: (0, 0)),
              pl.BlockSpec((D, D), lambda i: (0, 0)),
              pl.BlockSpec((D, D), lambda i: (0, 0))],
    out_specs=[pl.BlockSpec((RB, D), lambda i: (i, 0)),
               pl.BlockSpec((RB, D), lambda i: (i, 0)),
               pl.BlockSpec((RB, D), lambda i: (i, 0))],
    out_shape=[jax.ShapeDtypeStruct((N, D), jnp.float32),
               jax.ShapeDtypeStruct((N, D), jnp.float32),
               jax.ShapeDtypeStruct((N, D), jnp.float32)],
)



def _compact_body(src_hbm, dst_hbm, nt_hbm,
                  csrc_out, cdst_out, ceid_out, cnt_out, recv_out,
                  recv_sh, nt_v, srcb_v, dstb_v,
                  csrc_v, cdst_v, ceid_v, cdst2_v, ones_v, cnt_v):
    c = lax.axis_index("c")
    s = lax.axis_index("s")
    wid = c * 16 + s

    pltpu.sync_copy(nt_hbm, nt_v)

    zero16i = jnp.zeros((16,), jnp.int32)

    def _prefill(g, carry):
        sl = pl.ds(g * 16, 16)
        csrc_v[sl] = zero16i
        cdst_v[sl] = zero16i
        ceid_v[sl] = zero16i
        return carry

    lax.fori_loop(0, CAP // 16, _prefill, 0)

    def _zero_ones(r, carry):
        ones_v[r, :] = jnp.zeros((16,), jnp.float32)
        return carry

    lax.fori_loop(0, K, _zero_ones, 0)

    row0 = s * ROWS_PER_TILE
    for i in range(ROWS_PER_TILE // K):
        pltpu.sync_copy(ones_v, recv_sh.at[pl.ds(row0 + i * K, K)])
    _rem = ROWS_PER_TILE % K
    if _rem:
        pltpu.sync_copy(ones_v.at[pl.ds(0, _rem)],
                        recv_sh.at[pl.ds(row0 + (ROWS_PER_TILE // K) * K, _rem)])

    off = jnp.int32(0)
    for ib in range(EDGES_PER_TILE // SRCB):
        base = wid * EDGES_PER_TILE + ib * SRCB
        pltpu.sync_copy(src_hbm.at[pl.ds(base, SRCB)], srcb_v)
        pltpu.sync_copy(dst_hbm.at[pl.ds(base, SRCB)], dstb_v)

        def _grp(t, o, _base=base):
            sl = pl.ds(t * 16, 16)
            sv = srcb_v[sl]
            dv = dstb_v[sl]
            fl = plsc.load_gather(nt_v, [sv])
            msk = fl == TASK
            npos = plsc.all_reduce_population_count(msk)[0]
            plsc.store_compressed(csrc_v.at[pl.ds(o, 16)], sv, mask=msk)
            plsc.store_compressed(cdst_v.at[pl.ds(o, 16)], dv, mask=msk)
            eid = _base + t * 16 + lax.iota(jnp.int32, 16)
            plsc.store_compressed(ceid_v.at[pl.ds(o, 16)], eid, mask=msk)
            return o + npos

        off = lax.fori_loop(0, SRCB // 16, _grp, off)
    n = off

    def _c2(g, carry):
        sl = pl.ds(g * 16, 16)
        row = g // 3
        col = (g % 3) * 16
        cdst2_v[row, pl.ds(col, 16)] = cdst_v[sl]
        return carry

    lax.fori_loop(0, CAP // 16, _c2, 0)

    cnt_v[...] = jnp.broadcast_to(n, (16,))
    pltpu.sync_copy(cnt_v, cnt_out.at[wid])
    pltpu.sync_copy(csrc_v, csrc_out.at[wid])
    pltpu.sync_copy(cdst_v, cdst_out.at[wid])
    pltpu.sync_copy(ceid_v, ceid_out.at[wid])

    plsc.subcore_barrier()

    nch = (n + (K - 1)) // K

    def _rchunk(j, carry):
        def _fill(r, inner, _j=j):
            pos = _j * K + r
            ones_v[r, :] = jnp.where(pos < n,
                                     jnp.full((16,), 1.0, jnp.float32),
                                     jnp.zeros((16,), jnp.float32))
            return inner

        lax.fori_loop(0, K, _fill, 0)
        pltpu.sync_copy(ones_v, recv_sh.at[cdst2_v.at[j]], add=True)
        return carry

    lax.fori_loop(0, nch, _rchunk, 0)

    plsc.subcore_barrier()
    pltpu.sync_copy(recv_sh.at[pl.ds(row0, ROWS_PER_TILE)],
                    recv_out.at[c, pl.ds(row0, ROWS_PER_TILE)])


_compact_call = functools.partial(
    pl.kernel,
    out_type=[jax.ShapeDtypeStruct((NTILES, CAP), jnp.int32),
              jax.ShapeDtypeStruct((NTILES, CAP), jnp.int32),
              jax.ShapeDtypeStruct((NTILES, CAP), jnp.int32),
              jax.ShapeDtypeStruct((NTILES, 16), jnp.int32),
              jax.ShapeDtypeStruct((2, NPAD, EF), jnp.float32)],
    mesh=plsc.VectorSubcoreMesh(core_axis_name="c", subcore_axis_name="s"),
    compiler_params=_SC_PARAMS,
    scratch_types=[
        pltpu.VMEM_SHARED((NPAD, EF), jnp.float32),
        pltpu.VMEM((N,), jnp.int32),
        pltpu.VMEM((SRCB,), jnp.int32),
        pltpu.VMEM((SRCB,), jnp.int32),
        pltpu.VMEM((CAP,), jnp.int32),
        pltpu.VMEM((CAP,), jnp.int32),
        pltpu.VMEM((CAP,), jnp.int32),
        pltpu.VMEM((NCH, K), jnp.int32),
        pltpu.VMEM((K, EF), jnp.float32),
        pltpu.VMEM((16,), jnp.int32),
    ],
)(_compact_body)



def _edge_body(csrc_hbm, cdst_hbm, ceid_hbm, cnt_hbm, a_hbm, b_hbm, c_hbm,
               red_out,
               red_sh, csrc2_v, cdst2_v, ceid2_v, cnt_v, a_v, b_v, c_v,
               sem_a, sem_b, sem_c):
    c = lax.axis_index("c")
    s = lax.axis_index("s")
    wid = c * 16 + s

    pltpu.sync_copy(csrc_hbm.at[wid], csrc2_v)
    pltpu.sync_copy(cdst_hbm.at[wid], cdst2_v)
    pltpu.sync_copy(ceid_hbm.at[wid], ceid2_v)
    pltpu.sync_copy(cnt_hbm.at[wid], cnt_v)
    n = jnp.max(cnt_v[...])

    def _zero_a(r, carry):
        for j in range(D // 16):
            a_v[r, pl.ds(j * 16, 16)] = jnp.zeros((16,), jnp.float32)
        return carry

    lax.fori_loop(0, K, _zero_a, 0)

    row0 = s * ROWS_PER_TILE
    for i in range(ROWS_PER_TILE // K):
        pltpu.sync_copy(a_v, red_sh.at[pl.ds(row0 + i * K, K)])
    _rem = ROWS_PER_TILE % K
    if _rem:
        pltpu.sync_copy(a_v.at[pl.ds(0, _rem)],
                        red_sh.at[pl.ds(row0 + (ROWS_PER_TILE // K) * K, _rem)])

    plsc.subcore_barrier()

    nch = (n + (K - 1)) // K

    def _chunk(jc, carry):
        cpa = pltpu.async_copy(a_hbm.at[csrc2_v.at[jc]], a_v, sem_a)
        cpb = pltpu.async_copy(b_hbm.at[cdst2_v.at[jc]], b_v, sem_b)
        cpc = pltpu.async_copy(c_hbm.at[ceid2_v.at[jc]], c_v, sem_c)
        cpa.wait()
        cpb.wait()
        cpc.wait()

        def _compute_row(r, inner, _jc=jc):
            pos = _jc * K + r
            valid = pos < n
            for j in range(D // 16):
                sl2 = pl.ds(j * 16, 16)
                m = a_v[r, sl2] + b_v[r, sl2] + c_v[r, sl2]
                m = jnp.maximum(m, m * 0.01)
                a_v[r, sl2] = jnp.where(valid, m, jnp.zeros((16,), jnp.float32))
            return inner

        lax.fori_loop(0, K, _compute_row, 0)
        pltpu.sync_copy(a_v, red_sh.at[cdst2_v.at[jc]], add=True)
        return carry

    lax.fori_loop(0, nch, _chunk, 0)

    plsc.subcore_barrier()
    pltpu.sync_copy(red_sh.at[pl.ds(row0, ROWS_PER_TILE)],
                    red_out.at[c, pl.ds(row0, ROWS_PER_TILE)])


_edge_call = functools.partial(
    pl.kernel,
    out_type=[jax.ShapeDtypeStruct((2, NPAD, D), jnp.float32)],
    mesh=plsc.VectorSubcoreMesh(core_axis_name="c", subcore_axis_name="s"),
    compiler_params=_SC_PARAMS,
    scratch_types=[
        pltpu.VMEM_SHARED((NPAD, D), jnp.float32),
        pltpu.VMEM((NCH, K), jnp.int32),
        pltpu.VMEM((NCH, K), jnp.int32),
        pltpu.VMEM((NCH, K), jnp.int32),
        pltpu.VMEM((16,), jnp.int32),
        pltpu.VMEM((K, D), jnp.float32),
        pltpu.VMEM((K, D), jnp.float32),
        pltpu.VMEM((K, D), jnp.float32),
        pltpu.SemaphoreType.DMA,
        pltpu.SemaphoreType.DMA,
        pltpu.SemaphoreType.DMA,
    ],
)(_edge_body)



def kernel(nf, ef, edge_index, node_type, We0, Wn0, We1, Wn1):
    src = edge_index[0]
    dst = edge_index[1]
    a0, b0 = _ab_call(nf, We0[:D], We0[D:2 * D])
    c0, c1 = _c_call(ef.T, We0[2 * D:], We1[2 * D:])
    csrc, cdst, ceid, cnt, recv = _compact_call(src, dst, node_type)
    csrc = csrc.reshape(NTILES, NCH, K)
    cdst = cdst.reshape(NTILES, NCH, K)
    ceid = ceid.reshape(NTILES, NCH, K)
    red0, = _edge_call(csrc, cdst, ceid, cnt, a0, b0, c0)
    h1, a1, b1 = _update_ab_call(nf, red0, recv, Wn0[:D], Wn0[D:],
                                 We1[:D], We1[D:2 * D])
    red1, = _edge_call(csrc, cdst, ceid, cnt, a1, b1, c1)
    h2, = _update_call(h1, red1, recv, Wn1[:D], Wn1[D:])
    return h2

# --- scband reference (transcript-rebuilt; emitter-appended) ---
"""Pipeline reference for scband-gnn-14027363189299 (READ-ONLY COPY).

The authoritative reference and input builder live on the scoring server;
editing this copy changes nothing except your own understanding.
"""

import jax, jax.numpy as jnp
import numpy as np

N = 10000
E = 320000
D = 128
EF = 16
TASK_TYPE = 2


def setup_inputs(seed: int = 0) -> dict:
    key = jax.random.key(seed)
    ks = jax.random.split(key, 8)
    nf = jax.random.normal(ks[0], (N, D), dtype=jnp.float32)
    ef = jax.random.normal(ks[1], (E, EF), dtype=jnp.float32)
    edge_index = jax.random.randint(ks[2], (2, E), 0, N, dtype=jnp.int32)
    node_type = jax.random.randint(ks[3], (N,), 0, 4, dtype=jnp.int32)
    # layer 0: GNNLayer(in_dim=128, out_dim=128, ef_dim=16)
    We0 = jax.random.normal(ks[4], (2 * D + EF, D), dtype=jnp.float32) * 0.05
    Wn0 = jax.random.normal(ks[5], (D + D, D), dtype=jnp.float32) * 0.05
    # layer 1: GNNLayer(in_dim=128, out_dim=128, ef_dim=16)
    We1 = jax.random.normal(ks[6], (2 * D + EF, D), dtype=jnp.float32) * 0.05
    Wn1 = jax.random.normal(ks[7], (D + D, D), dtype=jnp.float32) * 0.05
    return {"nf": nf, "ef": ef, "edge_index": edge_index, "node_type": node_type,
            "We0": We0, "Wn0": Wn0, "We1": We1, "Wn1": Wn1}


def _gnn_layer(h, ef, src, dst, edge_active, We, Wn):
    # message_func: concat(src_nf, dst_nf, ef) -> Linear (no bias) -> LeakyReLU(0.01)
    e_in = jnp.concatenate([h[src], h[dst], ef], axis=-1)
    msg = jax.nn.leaky_relu(e_in @ We, negative_slope=0.01)
    # push only from task nodes: zero messages on inactive edges
    msg = jnp.where(edge_active[:, None], msg, 0.0)
    # reduce_func: sum over mailbox at dst
    red = jax.ops.segment_sum(msg, dst, num_segments=N)
    # apply_node_func: concat(nf, red_msg) -> Linear (no bias) -> LeakyReLU(0.01)
    out = jax.nn.leaky_relu(jnp.concatenate([h, red], axis=-1) @ Wn, negative_slope=0.01)
    # DGL push only applies to nodes that received messages; others keep zero out_nf
    recv = jax.ops.segment_sum(edge_active.astype(jnp.float32), dst, num_segments=N)
    return jnp.where((recv > 0)[:, None], out, 0.0)


def reference(nf, ef, edge_index, node_type, We0, Wn0, We1, Wn1):
    src = edge_index[0]
    dst = edge_index[1]
    edge_active = node_type[src] == TASK_TYPE
    h = nf
    h = _gnn_layer(h, ef, src, dst, edge_active, We0, Wn0)
    h = _gnn_layer(h, ef, src, dst, edge_active, We1, Wn1)
    return h

if __name__ == "__main__":
    import jax
    _d = setup_inputs()
    print(jax.jit(kernel)(*tuple(_d.values())))

</pallas_src>

<mosaic_0001>
#map = affine_map<(d0, d1) -> (0, 0, 0)>
#map1 = affine_map<(d0, d1) -> (0, 0)>
module attributes {stable_mosaic.version = 14 : i64} {
  func.func @_edge_body(%arg0: i32, %arg1: i32, %arg2: memref<32x210x48xi32, #tpu.memory_space<hbm>>, %arg3: memref<32x210x48xi32, #tpu.memory_space<hbm>>, %arg4: memref<32x210x48xi32, #tpu.memory_space<hbm>>, %arg5: memref<32x16xi32, #tpu.memory_space<hbm>>, %arg6: memref<10000x128xf32, #tpu.memory_space<hbm>>, %arg7: memref<10000x128xf32, #tpu.memory_space<hbm>>, %arg8: memref<320000x128xf32, #tpu.memory_space<hbm>>, %arg9: memref<2x10016x128xf32, #tpu.memory_space<hbm>>, %arg10: memref<10016x128xf32, #tpu.memory_space<vmem_shared>>, %arg11: memref<210x48xi32, #tpu.memory_space<vmem>>, %arg12: memref<210x48xi32, #tpu.memory_space<vmem>>, %arg13: memref<210x48xi32, #tpu.memory_space<vmem>>, %arg14: memref<16xi32, #tpu.memory_space<vmem>>, %arg15: memref<48x128xf32, #tpu.memory_space<vmem>>, %arg16: memref<48x128xf32, #tpu.memory_space<vmem>>, %arg17: memref<48x128xf32, #tpu.memory_space<vmem>>, %arg18: memref<!tpu.dma_semaphore, #tpu.memory_space<semaphore_mem>>, %arg19: memref<!tpu.dma_semaphore, #tpu.memory_space<semaphore_mem>>, %arg20: memref<!tpu.dma_semaphore, #tpu.memory_space<semaphore_mem>>) attributes {dimension_semantics = [#tpu.dimension_semantics<core_parallel>, #tpu.dimension_semantics<subcore_parallel>], iteration_bounds = array<i64: 2, 16>, scalar_prefetch = 0 : i64, scratch_operands = 11 : i64, tpu.core_type = #tpu.core_type<sc_vector_subcore>, window_params = [{transform_indices = #map}, {transform_indices = #map}, {transform_indices = #map}, {transform_indices = #map1}, {transform_indices = #map1}, {transform_indices = #map1}, {transform_indices = #map1}, {transform_indices = #map}]} {
    %mul3A = arith.constant 16 : i32
    %mul3A_0 = arith.muli %arg0, %mul3A : i32
    %add3A = arith.addi %mul3A_0, %arg1 : i32
    "tpu.region"() ({
      %run_scoped3A = tpu.sem_alloc : memref<!tpu.dma_semaphore, #tpu.memory_space<semaphore_mem>>
      %dma_start3A = arith.constant 0 : i32
      %dma_start3A_72 = arith.constant 0 : i32
      %dma_start3A_73 = tpu.memref_slice %arg2[%add3A, %dma_start3A, %dma_start3A_72] : memref<32x210x48xi32, #tpu.memory_space<hbm>> -> memref<1x210x48xi32, #tpu.memory_space<hbm>>
      %dma_start3A_74 = tpu.memref_squeeze %dma_start3A_73 : memref<1x210x48xi32, #tpu.memory_space<hbm>> -> memref<210x48xi32, #tpu.memory_space<hbm>>
      %dma_start3A_75 = arith.constant 0 : i32
      %dma_start3A_76 = arith.constant 0 : i32
      %dma_start3A_77 = tpu.memref_slice %arg2[%add3A, %dma_start3A_75, %dma_start3A_76] : memref<32x210x48xi32, #tpu.memory_space<hbm>> -> memref<1x210x48xi32, #tpu.memory_space<hbm>>
      %dma_start3A_78 = tpu.memref_squeeze %dma_start3A_77 : memref<1x210x48xi32, #tpu.memory_space<hbm>> -> memref<210x48xi32, #tpu.memory_space<hbm>>
      tpu.enqueue_dma source(%dma_start3A_78 : memref<210x48xi32, #tpu.memory_space<hbm>>) target(%arg11 : memref<210x48xi32, #tpu.memory_space<vmem>>) target_semaphore(%run_scoped3A : memref<!tpu.dma_semaphore, #tpu.memory_space<semaphore_mem>>)
      %dma_wait3A = arith.constant 0 : i32
      %dma_wait3A_79 = arith.constant 0 : i32
      %dma_wait3A_80 = tpu.memref_slice %arg2[%add3A, %dma_wait3A, %dma_wait3A_79] : memref<32x210x48xi32, #tpu.memory_space<hbm>> -> memref<1x210x48xi32, #tpu.memory_space<hbm>>
      %dma_wait3A_81 = tpu.memref_squeeze %dma_wait3A_80 : memref<1x210x48xi32, #tpu.memory_space<hbm>> -> memref<210x48xi32, #tpu.memory_space<hbm>>
      %dma_wait3A_82 = arith.constant 0 : i32
      %dma_wait3A_83 = arith.constant 0 : i32
      %dma_wait3A_84 = tpu.memref_slice %arg2[%add3A, %dma_wait3A_82, %dma_wait3A_83] : memref<32x210x48xi32, #tpu.memory_space<hbm>> -> memref<1x210x48xi32, #tpu.memory_space<hbm>>
      %dma_wait3A_85 = tpu.memref_squeeze %dma_wait3A_84 : memref<1x210x48xi32, #tpu.memory_space<hbm>> -> memref<210x48xi32, #tpu.memory_space<hbm>>
      tpu.wait_dma2 semaphore(%run_scoped3A : memref<!tpu.dma_semaphore, #tpu.memory_space<semaphore_mem>>) src(%dma_wait3A_85 : memref<210x48xi32, #tpu.memory_space<hbm>>) dst(%arg11 : memref<210x48xi32, #tpu.memory_space<vmem>>)
      tpu.yield
    }) : () -> ()
    "tpu.region"() ({
      %run_scoped3A = tpu.sem_alloc : memref<!tpu.dma_semaphore, #tpu.memory_space<semaphore_mem>>
      %dma_start3A = arith.constant 0 : i32
      %dma_start3A_72 = arith.constant 0 : i32
      %dma_start3A_73 = tpu.memref_slice %arg3[%add3A, %dma_start3A, %dma_start3A_72] : memref<32x210x48xi32, #tpu.memory_space<hbm>> -> memref<1x210x48xi32, #tpu.memory_space<hbm>>
      %dma_start3A_74 = tpu.memref_squeeze %dma_start3A_73 : memref<1x210x48xi32, #tpu.memory_space<hbm>> -> memref<210x48xi32, #tpu.memory_space<hbm>>
      %dma_start3A_75 = arith.constant 0 : i32
      %dma_start3A_76 = arith.constant 0 : i32
      %dma_start3A_77 = tpu.memref_slice %arg3[%add3A, %dma_start3A_75, %dma_start3A_76] : memref<32x210x48xi32, #tpu.memory_space<hbm>> -> memref<1x210x48xi32, #tpu.memory_space<hbm>>
      %dma_start3A_78 = tpu.memref_squeeze %dma_start3A_77 : memref<1x210x48xi32, #tpu.memory_space<hbm>> -> memref<210x48xi32, #tpu.memory_space<hbm>>
      tpu.enqueue_dma source(%dma_start3A_78 : memref<210x48xi32, #tpu.memory_space<hbm>>) target(%arg12 : memref<210x48xi32, #tpu.memory_space<vmem>>) target_semaphore(%run_scoped3A : memref<!tpu.dma_semaphore, #tpu.memory_space<semaphore_mem>>)
      %dma_wait3A = arith.constant 0 : i32
      %dma_wait3A_79 = arith.constant 0 : i32
      %dma_wait3A_80 = tpu.memref_slice %arg3[%add3A, %dma_wait3A, %dma_wait3A_79] : memref<32x210x48xi32, #tpu.memory_space<hbm>> -> memref<1x210x48xi32, #tpu.memory_space<hbm>>
      %dma_wait3A_81 = tpu.memref_squeeze %dma_wait3A_80 : memref<1x210x48xi32, #tpu.memory_space<hbm>> -> memref<210x48xi32, #tpu.memory_space<hbm>>
      %dma_wait3A_82 = arith.constant 0 : i32
      %dma_wait3A_83 = arith.constant 0 : i32
      %dma_wait3A_84 = tpu.memref_slice %arg3[%add3A, %dma_wait3A_82, %dma_wait3A_83] : memref<32x210x48xi32, #tpu.memory_space<hbm>> -> memref<1x210x48xi32, #tpu.memory_space<hbm>>
      %dma_wait3A_85 = tpu.memref_squeeze %dma_wait3A_84 : memref<1x210x48xi32, #tpu.memory_space<hbm>> -> memref<210x48xi32, #tpu.memory_space<hbm>>
      tpu.wait_dma2 semaphore(%run_scoped3A : memref<!tpu.dma_semaphore, #tpu.memory_space<semaphore_mem>>) src(%dma_wait3A_85 : memref<210x48xi32, #tpu.memory_space<hbm>>) dst(%arg12 : memref<210x48xi32, #tpu.memory_space<vmem>>)
      tpu.yield
    }) : () -> ()
    "tpu.region"() ({
      %run_scoped3A = tpu.sem_alloc : memref<!tpu.dma_semaphore, #tpu.memory_space<semaphore_mem>>
      %dma_start3A = arith.constant 0 : i32
      %dma_start3A_72 = arith.constant 0 : i32
      %dma_start3A_73 = tpu.memref_slice %arg4[%add3A, %dma_start3A, %dma_start3A_72] : memref<32x210x48xi32, #tpu.memory_space<hbm>> -> memref<1x210x48xi32, #tpu.memory_space<hbm>>
      %dma_start3A_74 = tpu.memref_squeeze %dma_start3A_73 : memref<1x210x48xi32, #tpu.memory_space<hbm>> -> memref<210x48xi32, #tpu.memory_space<hbm>>
      %dma_start3A_75 = arith.constant 0 : i32
      %dma_start3A_76 = arith.constant 0 : i32
      %dma_start3A_77 = tpu.memref_slice %arg4[%add3A, %dma_start3A_75, %dma_start3A_76] : memref<32x210x48xi32, #tpu.memory_space<hbm>> -> memref<1x210x48xi32, #tpu.memory_space<hbm>>
      %dma_start3A_78 = tpu.memref_squeeze %dma_start3A_77 : memref<1x210x48xi32, #tpu.memory_space<hbm>> -> memref<210x48xi32, #tpu.memory_space<hbm>>
      tpu.enqueue_dma source(%dma_start3A_78 : memref<210x48xi32, #tpu.memory_space<hbm>>) target(%arg13 : memref<210x48xi32, #tpu.memory_space<vmem>>) target_semaphore(%run_scoped3A : memref<!tpu.dma_semaphore, #tpu.memory_space<semaphore_mem>>)
      %dma_wait3A = arith.constant 0 : i32
      %dma_wait3A_79 = arith.constant 0 : i32
      %dma_wait3A_80 = tpu.memref_slice %arg4[%add3A, %dma_wait3A, %dma_wait3A_79] : memref<32x210x48xi32, #tpu.memory_space<hbm>> -> memref<1x210x48xi32, #tpu.memory_space<hbm>>
      %dma_wait3A_81 = tpu.memref_squeeze %dma_wait3A_80 : memref<1x210x48xi32, #tpu.memory_space<hbm>> -> memref<210x48xi32, #tpu.memory_space<hbm>>
      %dma_wait3A_82 = arith.constant 0 : i32
      %dma_wait3A_83 = arith.constant 0 : i32
      %dma_wait3A_84 = tpu.memref_slice %arg4[%add3A, %dma_wait3A_82, %dma_wait3A_83] : memref<32x210x48xi32, #tpu.memory_space<hbm>> -> memref<1x210x48xi32, #tpu.memory_space<hbm>>
      %dma_wait3A_85 = tpu.memref_squeeze %dma_wait3A_84 : memref<1x210x48xi32, #tpu.memory_space<hbm>> -> memref<210x48xi32, #tpu.memory_space<hbm>>
      tpu.wait_dma2 semaphore(%run_scoped3A : memref<!tpu.dma_semaphore, #tpu.memory_space<semaphore_mem>>) src(%dma_wait3A_85 : memref<210x48xi32, #tpu.memory_space<hbm>>) dst(%arg13 : memref<210x48xi32, #tpu.memory_space<vmem>>)
      tpu.yield
    }) : () -> ()
    "tpu.region"() ({
      %run_scoped3A = tpu.sem_alloc : memref<!tpu.dma_semaphore, #tpu.memory_space<semaphore_mem>>
      %dma_start3A = arith.constant 0 : i32
      %dma_start3A_72 = tpu.memref_slice %arg5[%add3A, %dma_start3A] : memref<32x16xi32, #tpu.memory_space<hbm>> -> memref<1x16xi32, #tpu.memory_space<hbm>>
      %dma_start3A_73 = tpu.memref_squeeze %dma_start3A_72 : memref<1x16xi32, #tpu.memory_space<hbm>> -> memref<16xi32, #tpu.memory_space<hbm>>
      %dma_start3A_74 = arith.constant 0 : i32
      %dma_start3A_75 = tpu.memref_slice %arg5[%add3A, %dma_start3A_74] : memref<32x16xi32, #tpu.memory_space<hbm>> -> memref<1x16xi32, #tpu.memory_space<hbm>>
      %dma_start3A_76 = tpu.memref_squeeze %dma_start3A_75 : memref<1x16xi32, #tpu.memory_space<hbm>> -> memref<16xi32, #tpu.memory_space<hbm>>
      tpu.enqueue_dma source(%dma_start3A_76 : memref<16xi32, #tpu.memory_space<hbm>>) target(%arg14 : memref<16xi32, #tpu.memory_space<vmem>>) target_semaphore(%run_scoped3A : memref<!tpu.dma_semaphore, #tpu.memory_space<semaphore_mem>>)
      %dma_wait3A = arith.constant 0 : i32
      %dma_wait3A_77 = tpu.memref_slice %arg5[%add3A, %dma_wait3A] : memref<32x16xi32, #tpu.memory_space<hbm>> -> memref<1x16xi32, #tpu.memory_space<hbm>>
      %dma_wait3A_78 = tpu.memref_squeeze %dma_wait3A_77 : memref<1x16xi32, #tpu.memory_space<hbm>> -> memref<16xi32, #tpu.memory_space<hbm>>
      %dma_wait3A_79 = arith.constant 0 : i32
      %dma_wait3A_80 = tpu.memref_slice %arg5[%add3A, %dma_wait3A_79] : memref<32x16xi32, #tpu.memory_space<hbm>> -> memref<1x16xi32, #tpu.memory_space<hbm>>
      %dma_wait3A_81 = tpu.memref_squeeze %dma_wait3A_80 : memref<1x16xi32, #tpu.memory_space<hbm>> -> memref<16xi32, #tpu.memory_space<hbm>>
      tpu.wait_dma2 semaphore(%run_scoped3A : memref<!tpu.dma_semaphore, #tpu.memory_space<semaphore_mem>>) src(%dma_wait3A_81 : memref<16xi32, #tpu.memory_space<hbm>>) dst(%arg14 : memref<16xi32, #tpu.memory_space<vmem>>)
      tpu.yield
    }) : () -> ()
    %get3A = arith.constant 0 : index
    %get3A_1 = tpu.vector_load %arg14[%get3A] {strides = array<i32>} : memref<16xi32, #tpu.memory_space<vmem>>, vector<16xi32>,
    %reduce_max3A = arith.constant true
    %reduce_max3A_2 = vector.broadcast %reduce_max3A : i1 to vector<16xi1>
    %reduce_max3A_3 = arith.constant -2147483648 : i32
    %reduce_max3A_4 = vector.broadcast %reduce_max3A_3 : i32 to vector<16xi32>
    %reduce_max3A_5 = arith.xori %get3A_1, %reduce_max3A_4 : vector<16xi32>
    %reduce_max3A_6 = tpu.scan <max>, %reduce_max3A_5 masked %reduce_max3A_2 : vector<16xi32>, vector<16xi1> -> vector<16xi32>
    %reduce_max3A_7 = arith.xori %reduce_max3A_6, %reduce_max3A_4 : vector<16xi32>
    %reduce_max3A_8 = vector.extract %reduce_max3A_7[15] : i32 from vector<16xi32>
    %scan3A = arith.constant 0 : i32
    %scan3A_9 = arith.constant 0 : i32
    %scan3A_10 = arith.constant 48 : i32
    %scan3A_11 = arith.addi %scan3A_9, %scan3A_10 : i32
    %scan3A_12 = arith.constant 1 : i32
    scf.for %scan3A_72 = %scan3A_9 to %scan3A_11 step %scan3A_12  : i32 {
      %broadcast_in_dim3A = arith.constant 0.000000e+00 : f32
      %broadcast_in_dim3A_73 = vector.broadcast %broadcast_in_dim3A : f32 to vector<16xf32>
      %swap3A = arith.index_cast %scan3A_72 : i32 to index
      %swap3A_74 = arith.constant 0 : index
      %swap3A_75 = tpu.vector_load %arg15[%swap3A, %swap3A_74] {strides = array<i32>} : memref<48x128xf32, #tpu.memory_space<vmem>>, vector<16xf32>,
      tpu.vector_store %arg15[%swap3A, %swap3A_74], %broadcast_in_dim3A_73 {strides = array<i32>} : memref<48x128xf32, #tpu.memory_space<vmem>>, vector<16xf32>,
      %broadcast_in_dim3A_76 = arith.constant 0.000000e+00 : f32
      %broadcast_in_dim3A_77 = vector.broadcast %broadcast_in_dim3A_76 : f32 to vector<16xf32>
      %swap3A_78 = arith.index_cast %scan3A_72 : i32 to index
      %swap3A_79 = arith.constant 16 : index
      %swap3A_80 = tpu.vector_load %arg15[%swap3A_78, %swap3A_79] {strides = array<i32>} : memref<48x128xf32, #tpu.memory_space<vmem>>, vector<16xf32>,
      tpu.vector_store %arg15[%swap3A_78, %swap3A_79], %broadcast_in_dim3A_77 {strides = array<i32>} : memref<48x128xf32, #tpu.memory_space<vmem>>, vector<16xf32>,
      %broadcast_in_dim3A_81 = arith.constant 0.000000e+00 : f32
      %broadcast_in_dim3A_82 = vector.broadcast %broadcast_in_dim3A_81 : f32 to vector<16xf32>
      %swap3A_83 = arith.index_cast %scan3A_72 : i32 to index
      %swap3A_84 = arith.constant 32 : index
      %swap3A_85 = tpu.vector_load %arg15[%swap3A_83, %swap3A_84] {strides = array<i32>} : memref<48x128xf32, #tpu.memory_space<vmem>>, vector<16xf32>,
      tpu.vector_store %arg15[%swap3A_83, %swap3A_84], %broadcast_in_dim3A_82 {strides = array<i32>} : memref<48x128xf32, #tpu.memory_space<vmem>>, vector<16xf32>,
      %broadcast_in_dim3A_86 = arith.constant 0.000000e+00 : f32
      %broadcast_in_dim3A_87 = vector.broadcast %broadcast_in_dim3A_86 : f32 to vector<16xf32>
      %swap3A_88 = arith.index_cast %scan3A_72 : i32 to index
      %swap3A_89 = arith.constant 48 : index
      %swap3A_90 = tpu.vector_load %arg15[%swap3A_88, %swap3A_89] {strides = array<i32>} : memref<48x128xf32, #tpu.memory_space<vmem>>, vector<16xf32>,
      tpu.vector_store %arg15[%swap3A_88, %swap3A_89], %broadcast_in_dim3A_87 {strides = array<i32>} : memref<48x128xf32, #tpu.memory_space<vmem>>, vector<16xf32>,
      %broadcast_in_dim3A_91 = arith.constant 0.000000e+00 : f32
      %broadcast_in_dim3A_92 = vector.broadcast %broadcast_in_dim3A_91 : f32 to vector<16xf32>
      %swap3A_93 = arith.index_cast %scan3A_72 : i32 to index
      %swap3A_94 = arith.constant 64 : index
      %swap3A_95 = tpu.vector_load %arg15[%swap3A_93, %swap3A_94] {strides = array<i32>} : memref<48x128xf32, #tpu.memory_space<vmem>>, vector<16xf32>,
      tpu.vector_store %arg15[%swap3A_93, %swap3A_94], %broadcast_in_dim3A_92 {strides = array<i32>} : memref<48x128xf32, #tpu.memory_space<vmem>>, vector<16xf32>,
      %broadcast_in_dim3A_96 = arith.constant 0.000000e+00 : f32
      %broadcast_in_dim3A_97 = vector.broadcast %broadcast_in_dim3A_96 : f32 to vector<16xf32>
      %swap3A_98 = arith.index_cast %scan3A_72 : i32 to index
      %swap3A_99 = arith.constant 80 : index
      %swap3A_100 = tpu.vector_load %arg15[%swap3A_98, %swap3A_99] {strides = array<i32>} : memref<48x128xf32, #tpu.memory_space<vmem>>, vector<16xf32>,
      tpu.vector_store %arg15[%swap3A_98, %swap3A_99], %broadcast_in_dim3A_97 {strides = array<i32>} : memref<48x128xf32, #tpu.memory_space<vmem>>, vector<16xf32>,
      %broadcast_in_dim3A_101 = arith.constant 0.000000e+00 : f32
      %broadcast_in_dim3A_102 = vector.broadcast %broadcast_in_dim3A_101 : f32 to vector<16xf32>
      %swap3A_103 = arith.index_cast %scan3A_72 : i32 to index
      %swap3A_104 = arith.constant 96 : index
      %swap3A_105 = tpu.vector_load %arg15[%swap3A_103, %swap3A_104] {strides = array<i32>} : memref<48x128xf32, #tpu.memory_space<vmem>>, vector<16xf32>,
      tpu.vector_store %arg15[%swap3A_103, %swap3A_104], %broadcast_in_dim3A_102 {strides = array<i32>} : memref<48x128xf32, #tpu.memory_space<vmem>>, vector<16xf32>,
      %broadcast_in_dim3A_106 = arith.constant 0.000000e+00 : f32
      %broadcast_in_dim3A_107 = vector.broadcast %broadcast_in_dim3A_106 : f32 to vector<16xf32>
      %swap3A_108 = arith.index_cast %scan3A_72 : i32 to index
      %swap3A_109 = arith.constant 112 : index
      %swap3A_110 = tpu.vector_load %arg15[%swap3A_108, %swap3A_109] {strides = array<i32>} : memref<48x128xf32, #tpu.memory_space<vmem>>, vector<16xf32>,
      tpu.vector_store %arg15[%swap3A_108, %swap3A_109], %broadcast_in_dim3A_107 {strides = array<i32>} : memref<48x128xf32, #tpu.memory_space<vmem>>, vector<16xf32>,
    }
    %scan3A_13 = arith.constant 48 : i32
    %mul3A_14 = arith.constant 626 : i32
    %mul3A_15 = arith.muli %arg1, %mul3A_14 : i32
    %add3A_16 = arith.constant 0 : i32
    %add3A_17 = arith.addi %mul3A_15, %add3A_16 : i32
    "tpu.region"() ({
      %run_scoped3A = tpu.sem_alloc : memref<!tpu.dma_semaphore, #tpu.memory_space<semaphore_mem>>
      %dma_start3A = arith.constant 0 : i32
      %dma_start3A_72 = tpu.memref_slice %arg10[%add3A_17, %dma_start3A] : memref<10016x128xf32, #tpu.memory_space<vmem_shared>> -> memref<48x128xf32, #tpu.memory_space<vmem_shared>>
      %dma_start3A_73 = arith.constant 0 : i32
      %dma_start3A_74 = tpu.memref_slice %arg10[%add3A_17, %dma_start3A_73] : memref<10016x128xf32, #tpu.memory_space<vmem_shared>> -> memref<48x128xf32, #tpu.memory_space<vmem_shared>>
      tpu.enqueue_dma source(%arg15 : memref<48x128xf32, #tpu.memory_space<vmem>>) target(%dma_start3A_74 : memref<48x128xf32, #tpu.memory_space<vmem_shared>>) target_semaphore(%run_scoped3A : memref<!tpu.dma_semaphore, #tpu.memory_space<semaphore_mem>>)
      %dma_wait3A = arith.constant 0 : i32
      %dma_wait3A_75 = tpu.memref_slice %arg10[%add3A_17, %dma_wait3A] : memref<10016x128xf32, #tpu.memory_space<vmem_shared>> -> memref<48x128xf32, #tpu.memory_space<vmem_shared>>
      %dma_wait3A_76 = arith.constant 0 : i32
      %dma_wait3A_77 = tpu.memref_slice %arg10[%add3A_17, %dma_wait3A_76] : memref<10016x128xf32, #tpu.memory_space<vmem_shared>> -> memref<48x128xf32, #tpu.memory_space<vmem_shared>>
      tpu.wait_dma2 semaphore(%run_scoped3A : memref<!tpu.dma_semaphore, #tpu.memory_space<semaphore_mem>>) src(%arg15 : memref<48x128xf32, #tpu.memory_space<vmem>>) dst(%dma_wait3A_77 : memref<48x128xf32, #tpu.memory_space<vmem_shared>>)
      tpu.yield
    }) : () -> ()
    %add3A_18 = arith.constant 48 : i32
    %add3A_19 = arith.addi %mul3A_15, %add3A_18 : i32
    "tpu.region"() ({
      %run_scoped3A = tpu.sem_alloc : memref<!tpu.dma_semaphore, #tpu.memory_space<semaphore_mem>>
      %dma_start3A = arith.constant 0 : i32
      %dma_start3A_72 = tpu.memref_slice %arg10[%add3A_19, %dma_start3A] : memref<10016x128xf32, #tpu.memory_space<vmem_shared>> -> memref<48x128xf32, #tpu.memory_space<vmem_shared>>
      %dma_start3A_73 = arith.constant 0 : i32
      %dma_start3A_74 = tpu.memref_slice %arg10[%add3A_19, %dma_start3A_73] : memref<10016x128xf32, #tpu.memory_space<vmem_shared>> -> memref<48x128xf32, #tpu.memory_space<vmem_shared>>
      tpu.enqueue_dma source(%arg15 : memref<48x128xf32, #tpu.memory_space<vmem>>) target(%dma_start3A_74 : memref<48x128xf32, #tpu.memory_space<vmem_shared>>) target_semaphore(%run_scoped3A : memref<!tpu.dma_semaphore, #tpu.memory_space<semaphore_mem>>)
      %dma_wait3A = arith.constant 0 : i32
      %dma_wait3A_75 = tpu.memref_slice %arg10[%add3A_19, %dma_wait3A] : memref<10016x128xf32, #tpu.memory_space<vmem_shared>> -> memref<48x128xf32, #tpu.memory_space<vmem_shared>>
      %dma_wait3A_76 = arith.constant 0 : i32
      %dma_wait3A_77 = tpu.memref_slice %arg10[%add3A_19, %dma_wait3A_76] : memref<10016x128xf32, #tpu.memory_space<vmem_shared>> -> memref<48x128xf32, #tpu.memory_space<vmem_shared>>
      tpu.wait_dma2 semaphore(%run_scoped3A : memref<!tpu.dma_semaphore, #tpu.memory_space<semaphore_mem>>) src(%arg15 : memref<48x128xf32, #tpu.memory_space<vmem>>) dst(%dma_wait3A_77 : memref<48x128xf32, #tpu.memory_space<vmem_shared>>)
      tpu.yield
    }) : () -> ()
    %add3A_20 = arith.constant 96 : i32
    %add3A_21 = arith.addi %mul3A_15, %add3A_20 : i32
    "tpu.region"() ({
      %run_scoped3A = tpu.sem_alloc : memref<!tpu.dma_semaphore, #tpu.memory_space<semaphore_mem>>
      %dma_start3A = arith.constant 0 : i32
      %dma_start3A_72 = tpu.memref_slice %arg10[%add3A_21, %dma_start3A] : memref<10016x128xf32, #tpu.memory_space<vmem_shared>> -> memref<48x128xf32, #tpu.memory_space<vmem_shared>>
      %dma_start3A_73 = arith.constant 0 : i32
      %dma_start3A_74 = tpu.memref_slice %arg10[%add3A_21, %dma_start3A_73] : memref<10016x128xf32, #tpu.memory_space<vmem_shared>> -> memref<48x128xf32, #tpu.memory_space<vmem_shared>>
      tpu.enqueue_dma source(%arg15 : memref<48x128xf32, #tpu.memory_space<vmem>>) target(%dma_start3A_74 : memref<48x128xf32, #tpu.memory_space<vmem_shared>>) target_semaphore(%run_scoped3A : memref<!tpu.dma_semaphore, #tpu.memory_space<semaphore_mem>>)
      %dma_wait3A = arith.constant 0 : i32
      %dma_wait3A_75 = tpu.memref_slice %arg10[%add3A_21, %dma_wait3A] : memref<10016x128xf32, #tpu.memory_space<vmem_shared>> -> memref<48x128xf32, #tpu.memory_space<vmem_shared>>
      %dma_wait3A_76 = arith.constant 0 : i32
      %dma_wait3A_77 = tpu.memref_slice %arg10[%add3A_21, %dma_wait3A_76] : memref<10016x128xf32, #tpu.memory_space<vmem_shared>> -> memref<48x128xf32, #tpu.memory_space<vmem_shared>>
      tpu.wait_dma2 semaphore(%run_scoped3A : memref<!tpu.dma_semaphore, #tpu.memory_space<semaphore_mem>>) src(%arg15 : memref<48x128xf32, #tpu.memory_space<vmem>>) dst(%dma_wait3A_77 : memref<48x128xf32, #tpu.memory_space<vmem_shared>>)
      tpu.yield
    }) : () -> ()
    %add3A_22 = arith.constant 144 : i32
    %add3A_23 = arith.addi %mul3A_15, %add3A_22 : i32
    "tpu.region"() ({
      %run_scoped3A = tpu.sem_alloc : memref<!tpu.dma_semaphore, #tpu.memory_space<semaphore_mem>>
      %dma_start3A = arith.constant 0 : i32
      %dma_start3A_72 = tpu.memref_slice %arg10[%add3A_23, %dma_start3A] : memref<10016x128xf32, #tpu.memory_space<vmem_shared>> -> memref<48x128xf32, #tpu.memory_space<vmem_shared>>
      %dma_start3A_73 = arith.constant 0 : i32
      %dma_start3A_74 = tpu.memref_slice %arg10[%add3A_23, %dma_start3A_73] : memref<10016x128xf32, #tpu.memory_space<vmem_shared>> -> memref<48x128xf32, #tpu.memory_space<vmem_shared>>
      tpu.enqueue_dma source(%arg15 : memref<48x128xf32, #tpu.memory_space<vmem>>) target(%dma_start3A_74 : memref<48x128xf32, #tpu.memory_space<vmem_shared>>) target_semaphore(%run_scoped3A : memref<!tpu.dma_semaphore, #tpu.memory_space<semaphore_mem>>)
      %dma_wait3A = arith.constant 0 : i32
      %dma_wait3A_75 = tpu.memref_slice %arg10[%add3A_23, %dma_wait3A] : memref<10016x128xf32, #tpu.memory_space<vmem_shared>> -> memref<48x128xf32, #tpu.memory_space<vmem_shared>>
      %dma_wait3A_76 = arith.constant 0 : i32
      %dma_wait3A_77 = tpu.memref_slice %arg10[%add3A_23, %dma_wait3A_76] : memref<10016x128xf32, #tpu.memory_space<vmem_shared>> -> memref<48x128xf32, #tpu.memory_space<vmem_shared>>
      tpu.wait_dma2 semaphore(%run_scoped3A : memref<!tpu.dma_semaphore, #tpu.memory_space<semaphore_mem>>) src(%arg15 : memref<48x128xf32, #tpu.memory_space<vmem>>) dst(%dma_wait3A_77 : memref<48x128xf32, #tpu.memory_space<vmem_shared>>)
      tpu.yield
    }) : () -> ()
    %add3A_24 = arith.constant 192 : i32
    %add3A_25 = arith.addi %mul3A_15, %add3A_24 : i32
    "tpu.region"() ({
      %run_scoped3A = tpu.sem_alloc : memref<!tpu.dma_semaphore, #tpu.memory_space<semaphore_mem>>
      %dma_start3A = arith.constant 0 : i32
      %dma_start3A_72 = tpu.memref_slice %arg10[%add3A_25, %dma_start3A] : memref<10016x128xf32, #tpu.memory_space<vmem_shared>> -> memref<48x128xf32, #tpu.memory_space<vmem_shared>>
      %dma_start3A_73 = arith.constant 0 : i32
      %dma_start3A_74 = tpu.memref_slice %arg10[%add3A_25, %dma_start3A_73] : memref<10016x128xf32, #tpu.memory_space<vmem_shared>> -> memref<48x128xf32, #tpu.memory_space<vmem_shared>>
      tpu.enqueue_dma source(%arg15 : memref<48x128xf32, #tpu.memory_space<vmem>>) target(%dma_start3A_74 : memref<48x128xf32, #tpu.memory_space<vmem_shared>>) target_semaphore(%run_scoped3A : memref<!tpu.dma_semaphore, #tpu.memory_space<semaphore_mem>>)
      %dma_wait3A = arith.constant 0 : i32
      %dma_wait3A_75 = tpu.memref_slice %arg10[%add3A_25, %dma_wait3A] : memref<10016x128xf32, #tpu.memory_space<vmem_shared>> -> memref<48x128xf32, #tpu.memory_space<vmem_shared>>
      %dma_wait3A_76 = arith.constant 0 : i32
      %dma_wait3A_77 = tpu.memref_slice %arg10[%add3A_25, %dma_wait3A_76] : memref<10016x128xf32, #tpu.memory_space<vmem_shared>> -> memref<48x128xf32, #tpu.memory_space<vmem_shared>>
      tpu.wait_dma2 semaphore(%run_scoped3A : memref<!tpu.dma_semaphore, #tpu.memory_space<semaphore_mem>>) src(%arg15 : memref<48x128xf32, #tpu.memory_space<vmem>>) dst(%dma_wait3A_77 : memref<48x128xf32, #tpu.memory_space<vmem_shared>>)
      tpu.yield
    }) : () -> ()
    %add3A_26 = arith.constant 240 : i32
    %add3A_27 = arith.addi %mul3A_15, %add3A_26 : i32
    "tpu.region"() ({
      %run_scoped3A = tpu.sem_alloc : memref<!tpu.dma_semaphore, #tpu.memory_space<semaphore_mem>>
      %dma_start3A = arith.constant 0 : i32
      %dma_start3A_72 = tpu.memref_slice %arg10[%add3A_27, %dma_start3A] : memref<10016x128xf32, #tpu.memory_space<vmem_shared>> -> memref<48x128xf32, #tpu.memory_space<vmem_shared>>
      %dma_start3A_73 = arith.constant 0 : i32
      %dma_start3A_74 = tpu.memref_slice %arg10[%add3A_27, %dma_start3A_73] : memref<10016x128xf32, #tpu.memory_space<vmem_shared>> -> memref<48x128xf32, #tpu.memory_space<vmem_shared>>
      tpu.enqueue_dma source(%arg15 : memref<48x128xf32, #tpu.memory_space<vmem>>) target(%dma_start3A_74 : memref<48x128xf32, #tpu.memory_space<vmem_shared>>) target_semaphore(%run_scoped3A : memref<!tpu.dma_semaphore, #tpu.memory_space<semaphore_mem>>)
      %dma_wait3A = arith.constant 0 : i32
      %dma_wait3A_75 = tpu.memref_slice %arg10[%add3A_27, %dma_wait3A] : memref<10016x128xf32, #tpu.memory_space<vmem_shared>> -> memref<48x128xf32, #tpu.memory_space<vmem_shared>>
      %dma_wait3A_76 = arith.constant 0 : i32
      %dma_wait3A_77 = tpu.memref_slice %arg10[%add3A_27, %dma_wait3A_76] : memref<10016x128xf32, #tpu.memory_space<vmem_shared>> -> memref<48x128xf32, #tpu.memory_space<vmem_shared>>
      tpu.wait_dma2 semaphore(%run_scoped3A : memref<!tpu.dma_semaphore, #tpu.memory_space<semaphore_mem>>) src(%arg15 : memref<48x128xf32, #tpu.memory_space<vmem>>) dst(%dma_wait3A_77 : memref<48x128xf32, #tpu.memory_space<vmem_shared>>)
      tpu.yield
    }) : () -> ()
    %add3A_28 = arith.constant 288 : i32
    %add3A_29 = arith.addi %mul3A_15, %add3A_28 : i32
    "tpu.region"() ({
      %run_scoped3A = tpu.sem_alloc : memref<!tpu.dma_semaphore, #tpu.memory_space<semaphore_mem>>
      %dma_start3A = arith.constant 0 : i32
      %dma_start3A_72 = tpu.memref_slice %arg10[%add3A_29, %dma_start3A] : memref<10016x128xf32, #tpu.memory_space<vmem_shared>> -> memref<48x128xf32, #tpu.memory_space<vmem_shared>>
      %dma_start3A_73 = arith.constant 0 : i32
      %dma_start3A_74 = tpu.memref_slice %arg10[%add3A_29, %dma_start3A_73] : memref<10016x128xf32, #tpu.memory_space<vmem_shared>> -> memref<48x128xf32, #tpu.memory_space<vmem_shared>>
      tpu.enqueue_dma source(%arg15 : memref<48x128xf32, #tpu.memory_space<vmem>>) target(%dma_start3A_74 : memref<48x128xf32, #tpu.memory_space<vmem_shared>>) target_semaphore(%run_scoped3A : memref<!tpu.dma_semaphore, #tpu.memory_space<semaphore_mem>>)
      %dma_wait3A = arith.constant 0 : i32
      %dma_wait3A_75 = tpu.memref_slice %arg10[%add3A_29, %dma_wait3A] : memref<10016x128xf32, #tpu.memory_space<vmem_shared>> -> memref<48x128xf32, #tpu.memory_space<vmem_shared>>
      %dma_wait3A_76 = arith.constant 0 : i32
      %dma_wait3A_77 = tpu.memref_slice %arg10[%add3A_29, %dma_wait3A_76] : memref<10016x128xf32, #tpu.memory_space<vmem_shared>> -> memref<48x128xf32, #tpu.memory_space<vmem_shared>>
      tpu.wait_dma2 semaphore(%run_scoped3A : memref<!tpu.dma_semaphore, #tpu.memory_space<semaphore_mem>>) src(%arg15 : memref<48x128xf32, #tpu.memory_space<vmem>>) dst(%dma_wait3A_77 : memref<48x128xf32, #tpu.memory_space<vmem_shared>>)
      tpu.yield
    }) : () -> ()
    %add3A_30 = arith.constant 336 : i32
    %add3A_31 = arith.addi %mul3A_15, %add3A_30 : i32
    "tpu.region"() ({
      %run_scoped3A = tpu.sem_alloc : memref<!tpu.dma_semaphore, #tpu.memory_space<semaphore_mem>>
      %dma_start3A = arith.constant 0 : i32
      %dma_start3A_72 = tpu.memref_slice %arg10[%add3A_31, %dma_start3A] : memref<10016x128xf32, #tpu.memory_space<vmem_shared>> -> memref<48x128xf32, #tpu.memory_space<vmem_shared>>
      %dma_start3A_73 = arith.constant 0 : i32
      %dma_start3A_74 = tpu.memref_slice %arg10[%add3A_31, %dma_start3A_73] : memref<10016x128xf32, #tpu.memory_space<vmem_shared>> -> memref<48x128xf32, #tpu.memory_space<vmem_shared>>
      tpu.enqueue_dma source(%arg15 : memref<48x128xf32, #tpu.memory_space<vmem>>) target(%dma_start3A_74 : memref<48x128xf32, #tpu.memory_space<vmem_shared>>) target_semaphore(%run_scoped3A : memref<!tpu.dma_semaphore, #tpu.memory_space<semaphore_mem>>)
      %dma_wait3A = arith.constant 0 : i32
      %dma_wait3A_75 = tpu.memref_slice %arg10[%add3A_31, %dma_wait3A] : memref<10016x128xf32, #tpu.memory_space<vmem_shared>> -> memref<48x128xf32, #tpu.memory_space<vmem_shared>>
      %dma_wait3A_76 = arith.constant 0 : i32
      %dma_wait3A_77 = tpu.memref_slice %arg10[%add3A_31, %dma_wait3A_76] : memref<10016x128xf32, #tpu.memory_space<vmem_shared>> -> memref<48x128xf32, #tpu.memory_space<vmem_shared>>
      tpu.wait_dma2 semaphore(%run_scoped3A : memref<!tpu.dma_semaphore, #tpu.memory_space<semaphore_mem>>) src(%arg15 : memref<48x128xf32, #tpu.memory_space<vmem>>) dst(%dma_wait3A_77 : memref<48x128xf32, #tpu.memory_space<vmem_shared>>)
      tpu.yield
    }) : () -> ()
    %add3A_32 = arith.constant 384 : i32
    %add3A_33 = arith.addi %mul3A_15, %add3A_32 : i32
    "tpu.region"() ({
      %run_scoped3A = tpu.sem_alloc : memref<!tpu.dma_semaphore, #tpu.memory_space<semaphore_mem>>
      %dma_start3A = arith.constant 0 : i32
      %dma_start3A_72 = tpu.memref_slice %arg10[%add3A_33, %dma_start3A] : memref<10016x128xf32, #tpu.memory_space<vmem_shared>> -> memref<48x128xf32, #tpu.memory_space<vmem_shared>>
      %dma_start3A_73 = arith.constant 0 : i32
      %dma_start3A_74 = tpu.memref_slice %arg10[%add3A_33, %dma_start3A_73] : memref<10016x128xf32, #tpu.memory_space<vmem_shared>> -> memref<48x128xf32, #tpu.memory_space<vmem_shared>>
      tpu.enqueue_dma source(%arg15 : memref<48x128xf32, #tpu.memory_space<vmem>>) target(%dma_start3A_74 : memref<48x128xf32, #tpu.memory_space<vmem_shared>>) target_semaphore(%run_scoped3A : memref<!tpu.dma_semaphore, #tpu.memory_space<semaphore_mem>>)
      %dma_wait3A = arith.constant 0 : i32
      %dma_wait3A_75 = tpu.memref_slice %arg10[%add3A_33, %dma_wait3A] : memref<10016x128xf32, #tpu.memory_space<vmem_shared>> -> memref<48x128xf32, #tpu.memory_space<vmem_shared>>
      %dma_wait3A_76 = arith.constant 0 : i32
      %dma_wait3A_77 = tpu.memref_slice %arg10[%add3A_33, %dma_wait3A_76] : memref<10016x128xf32, #tpu.memory_space<vmem_shared>> -> memref<48x128xf32, #tpu.memory_space<vmem_shared>>
      tpu.wait_dma2 semaphore(%run_scoped3A : memref<!tpu.dma_semaphore, #tpu.memory_space<semaphore_mem>>) src(%arg15 : memref<48x128xf32, #tpu.memory_space<vmem>>) dst(%dma_wait3A_77 : memref<48x128xf32, #tpu.memory_space<vmem_shared>>)
      tpu.yield
    }) : () -> ()
    %add3A_34 = arith.constant 432 : i32
    %add3A_35 = arith.addi %mul3A_15, %add3A_34 : i32
    "tpu.region"() ({
      %run_scoped3A = tpu.sem_alloc : memref<!tpu.dma_semaphore, #tpu.memory_space<semaphore_mem>>
      %dma_start3A = arith.constant 0 : i32
      %dma_start3A_72 = tpu.memref_slice %arg10[%add3A_35, %dma_start3A] : memref<10016x128xf32, #tpu.memory_space<vmem_shared>> -> memref<48x128xf32, #tpu.memory_space<vmem_shared>>
      %dma_start3A_73 = arith.constant 0 : i32
      %dma_start3A_74 = tpu.memref_slice %arg10[%add3A_35, %dma_start3A_73] : memref<10016x128xf32, #tpu.memory_space<vmem_shared>> -> memref<48x128xf32, #tpu.memory_space<vmem_shared>>
      tpu.enqueue_dma source(%arg15 : memref<48x128xf32, #tpu.memory_space<vmem>>) target(%dma_start3A_74 : memref<48x128xf32, #tpu.memory_space<vmem_shared>>) target_semaphore(%run_scoped3A : memref<!tpu.dma_semaphore, #tpu.memory_space<semaphore_mem>>)
      %dma_wait3A = arith.constant 0 : i32
      %dma_wait3A_75 = tpu.memref_slice %arg10[%add3A_35, %dma_wait3A] : memref<10016x128xf32, #tpu.memory_space<vmem_shared>> -> memref<48x128xf32, #tpu.memory_space<vmem_shared>>
      %dma_wait3A_76 = arith.constant 0 : i32
      %dma_wait3A_77 = tpu.memref_slice %arg10[%add3A_35, %dma_wait3A_76] : memref<10016x128xf32, #tpu.memory_space<vmem_shared>> -> memref<48x128xf32, #tpu.memory_space<vmem_shared>>
      tpu.wait_dma2 semaphore(%run_scoped3A : memref<!tpu.dma_semaphore, #tpu.memory_space<semaphore_mem>>) src(%arg15 : memref<48x128xf32, #tpu.memory_space<vmem>>) dst(%dma_wait3A_77 : memref<48x128xf32, #tpu.memory_space<vmem_shared>>)
      tpu.yield
    }) : () -> ()
    %add3A_36 = arith.constant 480 : i32
    %add3A_37 = arith.addi %mul3A_15, %add3A_36 : i32
    "tpu.region"() ({
      %run_scoped3A = tpu.sem_alloc : memref<!tpu.dma_semaphore, #tpu.memory_space<semaphore_mem>>
      %dma_start3A = arith.constant 0 : i32
      %dma_start3A_72 = tpu.memref_slice %arg10[%add3A_37, %dma_start3A] : memref<10016x128xf32, #tpu.memory_space<vmem_shared>> -> memref<48x128xf32, #tpu.memory_space<vmem_shared>>
      %dma_start3A_73 = arith.constant 0 : i32
      %dma_start3A_74 = tpu.memref_slice %arg10[%add3A_37, %dma_start3A_73] : memref<10016x128xf32, #tpu.memory_space<vmem_shared>> -> memref<48x128xf32, #tpu.memory_space<vmem_shared>>
      tpu.enqueue_dma source(%arg15 : memref<48x128xf32, #tpu.memory_space<vmem>>) target(%dma_start3A_74 : memref<48x128xf32, #tpu.memory_space<vmem_shared>>) target_semaphore(%run_scoped3A : memref<!tpu.dma_semaphore, #tpu.memory_space<semaphore_mem>>)
      %dma_wait3A = arith.constant 0 : i32
      %dma_wait3A_75 = tpu.memref_slice %arg10[%add3A_37, %dma_wait3A] : memref<10016x128xf32, #tpu.memory_space<vmem_shared>> -> memref<48x128xf32, #tpu.memory_space<vmem_shared>>
      %dma_wait3A_76 = arith.constant 0 : i32
      %dma_wait3A_77 = tpu.memref_slice %arg10[%add3A_37, %dma_wait3A_76] : memref<10016x128xf32, #tpu.memory_space<vmem_shared>> -> memref<48x128xf32, #tpu.memory_space<vmem_shared>>
      tpu.wait_dma2 semaphore(%run_scoped3A : memref<!tpu.dma_semaphore, #tpu.memory_space<semaphore_mem>>) src(%arg15 : memref<48x128xf32, #tpu.memory_space<vmem>>) dst(%dma_wait3A_77 : memref<48x128xf32, #tpu.memory_space<vmem_shared>>)
      tpu.yield
    }) : () -> ()
    %add3A_38 = arith.constant 528 : i32
    %add3A_39 = arith.addi %mul3A_15, %add3A_38 : i32
    "tpu.region"() ({
      %run_scoped3A = tpu.sem_alloc : memref<!tpu.dma_semaphore, #tpu.memory_space<semaphore_mem>>
      %dma_start3A = arith.constant 0 : i32
      %dma_start3A_72 = tpu.memref_slice %arg10[%add3A_39, %dma_start3A] : memref<10016x128xf32, #tpu.memory_space<vmem_shared>> -> memref<48x128xf32, #tpu.memory_space<vmem_shared>>
      %dma_start3A_73 = arith.constant 0 : i32
      %dma_start3A_74 = tpu.memref_slice %arg10[%add3A_39, %dma_start3A_73] : memref<10016x128xf32, #tpu.memory_space<vmem_shared>> -> memref<48x128xf32, #tpu.memory_space<vmem_shared>>
      tpu.enqueue_dma source(%arg15 : memref<48x128xf32, #tpu.memory_space<vmem>>) target(%dma_start3A_74 : memref<48x128xf32, #tpu.memory_space<vmem_shared>>) target_semaphore(%run_scoped3A : memref<!tpu.dma_semaphore, #tpu.memory_space<semaphore_mem>>)
      %dma_wait3A = arith.constant 0 : i32
      %dma_wait3A_75 = tpu.memref_slice %arg10[%add3A_39, %dma_wait3A] : memref<10016x128xf32, #tpu.memory_space<vmem_shared>> -> memref<48x128xf32, #tpu.memory_space<vmem_shared>>
      %dma_wait3A_76 = arith.constant 0 : i32
      %dma_wait3A_77 = tpu.memref_slice %arg10[%add3A_39, %dma_wait3A_76] : memref<10016x128xf32, #tpu.memory_space<vmem_shared>> -> memref<48x128xf32, #tpu.memory_space<vmem_shared>>
      tpu.wait_dma2 semaphore(%run_scoped3A : memref<!tpu.dma_semaphore, #tpu.memory_space<semaphore_mem>>) src(%arg15 : memref<48x128xf32, #tpu.memory_space<vmem>>) dst(%dma_wait3A_77 : memref<48x128xf32, #tpu.memory_space<vmem_shared>>)
      tpu.yield
    }) : () -> ()
    %add3A_40 = arith.constant 576 : i32
    %add3A_41 = arith.addi %mul3A_15, %add3A_40 : i32
    "tpu.region"() ({
      %run_scoped3A = tpu.sem_alloc : memref<!tpu.dma_semaphore, #tpu.memory_space<semaphore_mem>>
      %dma_start3A = arith.constant 0 : i32
      %dma_start3A_72 = tpu.memref_slice %arg10[%add3A_41, %dma_start3A] : memref<10016x128xf32, #tpu.memory_space<vmem_shared>> -> memref<48x128xf32, #tpu.memory_space<vmem_shared>>
      %dma_start3A_73 = arith.constant 0 : i32
      %dma_start3A_74 = tpu.memref_slice %arg10[%add3A_41, %dma_start3A_73] : memref<10016x128xf32, #tpu.memory_space<vmem_shared>> -> memref<48x128xf32, #tpu.memory_space<vmem_shared>>
      tpu.enqueue_dma source(%arg15 : memref<48x128xf32, #tpu.memory_space<vmem>>) target(%dma_start3A_74 : memref<48x128xf32, #tpu.memory_space<vmem_shared>>) target_semaphore(%run_scoped3A : memref<!tpu.dma_semaphore, #tpu.memory_space<semaphore_mem>>)
      %dma_wait3A = arith.constant 0 : i32
      %dma_wait3A_75 = tpu.memref_slice %arg10[%add3A_41, %dma_wait3A] : memref<10016x128xf32, #tpu.memory_space<vmem_shared>> -> memref<48x128xf32, #tpu.memory_space<vmem_shared>>
      %dma_wait3A_76 = arith.constant 0 : i32
      %dma_wait3A_77 = tpu.memref_slice %arg10[%add3A_41, %dma_wait3A_76] : memref<10016x128xf32, #tpu.memory_space<vmem_shared>> -> memref<48x128xf32, #tpu.memory_space<vmem_shared>>
      tpu.wait_dma2 semaphore(%run_scoped3A : memref<!tpu.dma_semaphore, #tpu.memory_space<semaphore_mem>>) src(%arg15 : memref<48x128xf32, #tpu.memory_space<vmem>>) dst(%dma_wait3A_77 : memref<48x128xf32, #tpu.memory_space<vmem_shared>>)
      tpu.yield
    }) : () -> ()
    %add3A_42 = arith.constant 624 : i32
    %add3A_43 = arith.addi %mul3A_15, %add3A_42 : i32
    "tpu.region"() ({
      %run_scoped3A = tpu.sem_alloc : memref<!tpu.dma_semaphore, #tpu.memory_space<semaphore_mem>>
      %dma_start3A = arith.constant 0 : i32
      %dma_start3A_72 = arith.constant 0 : i32
      %dma_start3A_73 = tpu.memref_slice %arg15[%dma_start3A, %dma_start3A_72] : memref<48x128xf32, #tpu.memory_space<vmem>> -> memref<2x128xf32, #tpu.memory_space<vmem>>
      %dma_start3A_74 = arith.constant 0 : i32
      %dma_start3A_75 = tpu.memref_slice %arg10[%add3A_43, %dma_start3A_74] : memref<10016x128xf32, #tpu.memory_space<vmem_shared>> -> memref<2x128xf32, #tpu.memory_space<vmem_shared>>
      %dma_start3A_76 = arith.constant 0 : i32
      %dma_start3A_77 = tpu.memref_slice %arg10[%add3A_43, %dma_start3A_76] : memref<10016x128xf32, #tpu.memory_space<vmem_shared>> -> memref<2x128xf32, #tpu.memory_space<vmem_shared>>
      %dma_start3A_78 = arith.constant 0 : i32
      %dma_start3A_79 = arith.constant 0 : i32
      %dma_start3A_80 = tpu.memref_slice %arg15[%dma_start3A_78, %dma_start3A_79] : memref<48x128xf32, #tpu.memory_space<vmem>> -> memref<2x128xf32, #tpu.memory_space<vmem>>
      tpu.enqueue_dma source(%dma_start3A_80 : memref<2x128xf32, #tpu.memory_space<vmem>>) target(%dma_start3A_77 : memref<2x128xf32, #tpu.memory_space<vmem_shared>>) target_semaphore(%run_scoped3A : memref<!tpu.dma_semaphore, #tpu.memory_space<semaphore_mem>>)
      %dma_wait3A = arith.constant 0 : i32
      %dma_wait3A_81 = arith.constant 0 : i32
      %dma_wait3A_82 = tpu.memref_slice %arg15[%dma_wait3A, %dma_wait3A_81] : memref<48x128xf32, #tpu.memory_space<vmem>> -> memref<2x128xf32, #tpu.memory_space<vmem>>
      %dma_wait3A_83 = arith.constant 0 : i32
      %dma_wait3A_84 = tpu.memref_slice %arg10[%add3A_43, %dma_wait3A_83] : memref<10016x128xf32, #tpu.memory_space<vmem_shared>> -> memref<2x128xf32, #tpu.memory_space<vmem_shared>>
      %dma_wait3A_85 = arith.constant 0 : i32
      %dma_wait3A_86 = tpu.memref_slice %arg10[%add3A_43, %dma_wait3A_85] : memref<10016x128xf32, #tpu.memory_space<vmem_shared>> -> memref<2x128xf32, #tpu.memory_space<vmem_shared>>
      %dma_wait3A_87 = arith.constant 0 : i32
      %dma_wait3A_88 = arith.constant 0 : i32
      %dma_wait3A_89 = tpu.memref_slice %arg15[%dma_wait3A_87, %dma_wait3A_88] : memref<48x128xf32, #tpu.memory_space<vmem>> -> memref<2x128xf32, #tpu.memory_space<vmem>>
      tpu.wait_dma2 semaphore(%run_scoped3A : memref<!tpu.dma_semaphore, #tpu.memory_space<semaphore_mem>>) src(%dma_wait3A_89 : memref<2x128xf32, #tpu.memory_space<vmem>>) dst(%dma_wait3A_86 : memref<2x128xf32, #tpu.memory_space<vmem_shared>>)
      tpu.yield
    }) : () -> ()
    %barrier3A = arith.constant 0 : index
    tpu.barrier barrier_id(%barrier3A)
    %add3A_44 = arith.constant 47 : i32
    %add3A_45 = arith.addi %reduce_max3A_8, %add3A_44 : i32
    %jit3A = arith.constant 48 : i32
    %div3A = arith.divsi %add3A_45, %jit3A : i32
    %sign3A = arith.constant 0 : i32
    %sign3A_46 = arith.cmpi sgt, %add3A_45, %sign3A : i32
    %sign3A_47 = arith.extui %sign3A_46 : i1 to i32
    %sign3A_48 = arith.constant 0 : i32
    %sign3A_49 = arith.cmpi slt, %add3A_45, %sign3A_48 : i32
    %sign3A_50 = arith.extui %sign3A_49 : i1 to i32
    %sign3A_51 = arith.subi %sign3A_47, %sign3A_50 : i32
    %sign3A_52 = arith.constant 0 : i32
    %sign3A_53 = arith.cmpi sgt, %jit3A, %sign3A_52 : i32
    %sign3A_54 = arith.extui %sign3A_53 : i1 to i32
    %sign3A_55 = arith.constant 0 : i32
    %sign3A_56 = arith.cmpi slt, %jit3A, %sign3A_55 : i32
    %sign3A_57 = arith.extui %sign3A_56 : i1 to i32
    %sign3A_58 = arith.subi %sign3A_54, %sign3A_57 : i32
    %ne3A = arith.cmpi ne, %sign3A_51, %sign3A_58 : i32
    %rem3A = arith.remsi %add3A_45, %jit3A : i32
    %ne3A_59 = arith.constant 0 : i32
    %ne3A_60 = arith.cmpi ne, %rem3A, %ne3A_59 : i32
    %and3A = arith.andi %ne3A, %ne3A_60 : i1
    %sub3A = arith.constant 1 : i32
    %sub3A_61 = arith.subi %div3A, %sub3A : i32
    %select_n3A = arith.select %and3A, %sub3A_61, %div3A : i32
    %while3A = arith.constant 0 : i32
    %while3A_62 = arith.constant 0 : i32
    %while3A_63 = arith.subi %select_n3A, %while3A_62 : i32
    %while3A_64 = arith.addi %while3A_62, %while3A_63 : i32
    %while3A_65 = arith.constant 1 : i32
    %while3A_66 = arith.divsi %while3A_63, %while3A_65 : i32
    %while3A_67 = arith.muli %while3A_66, %while3A_65 : i32
    %while3A_68 = arith.addi %while3A_62, %while3A_67 : i32
    %while3A_69 = arith.constant 1 : i32
    scf.for %while3A_72 = %while3A_62 to %while3A_68 step %while3A_69  : i32 {
      %dma_start3A = arith.constant 0 : i32
      %dma_start3A_73 = tpu.memref_slice %arg11[%while3A_72, %dma_start3A] : memref<210x48xi32, #tpu.memory_space<vmem>> -> memref<1x48xi32, #tpu.memory_space<vmem>>
      %dma_start3A_74 = tpu.memref_squeeze %dma_start3A_73 : memref<1x48xi32, #tpu.memory_space<vmem>> -> memref<48xi32, #tpu.memory_space<vmem>>
      %dma_start3A_75 = arith.constant 0 : i32
      %dma_start3A_76 = arith.constant 0 : i32
      %dma_start3A_77 = tpu.memref_slice %arg6[%dma_start3A_75, %dma_start3A_76] : memref<10000x128xf32, #tpu.memory_space<hbm>> -> memref<10000x128xf32, #tpu.memory_space<hbm>>
      tpu.enqueue_indirect_dma source(%dma_start3A_77 : memref<10000x128xf32, #tpu.memory_space<hbm>>) target(%arg15 : memref<48x128xf32, #tpu.memory_space<vmem>>) offsets(%dma_start3A_74 : memref<48xi32, #tpu.memory_space<vmem>>) semaphore(%arg18 : memref<!tpu.dma_semaphore, #tpu.memory_space<semaphore_mem>>)
      %dma_start3A_78 = arith.constant 0 : i32
      %dma_start3A_79 = tpu.memref_slice %arg12[%while3A_72, %dma_start3A_78] : memref<210x48xi32, #tpu.memory_space<vmem>> -> memref<1x48xi32, #tpu.memory_space<vmem>>
      %dma_start3A_80 = tpu.memref_squeeze %dma_start3A_79 : memref<1x48xi32, #tpu.memory_space<vmem>> -> memref<48xi32, #tpu.memory_space<vmem>>
      %dma_start3A_81 = arith.constant 0 : i32
      %dma_start3A_82 = arith.constant 0 : i32
      %dma_start3A_83 = tpu.memref_slice %arg7[%dma_start3A_81, %dma_start3A_82] : memref<10000x128xf32, #tpu.memory_space<hbm>> -> memref<10000x128xf32, #tpu.memory_space<hbm>>
      tpu.enqueue_indirect_dma source(%dma_start3A_83 : memref<10000x128xf32, #tpu.memory_space<hbm>>) target(%arg16 : memref<48x128xf32, #tpu.memory_space<vmem>>) offsets(%dma_start3A_80 : memref<48xi32, #tpu.memory_space<vmem>>) semaphore(%arg19 : memref<!tpu.dma_semaphore, #tpu.memory_space<semaphore_mem>>)
      %dma_start3A_84 = arith.constant 0 : i32
      %dma_start3A_85 = tpu.memref_slice %arg13[%while3A_72, %dma_start3A_84] : memref<210x48xi32, #tpu.memory_space<vmem>> -> memref<1x48xi32, #tpu.memory_space<vmem>>
      %dma_start3A_86 = tpu.memref_squeeze %dma_start3A_85 : memref<1x48xi32, #tpu.memory_space<vmem>> -> memref<48xi32, #tpu.memory_space<vmem>>
      %dma_start3A_87 = arith.constant 0 : i32
      %dma_start3A_88 = arith.constant 0 : i32
      %dma_start3A_89 = tpu.memref_slice %arg8[%dma_start3A_87, %dma_start3A_88] : memref<320000x128xf32, #tpu.memory_space<hbm>> -> memref<320000x128xf32, #tpu.memory_space<hbm>>
      tpu.enqueue_indirect_dma source(%dma_start3A_89 : memref<320000x128xf32, #tpu.memory_space<hbm>>) target(%arg17 : memref<48x128xf32, #tpu.memory_space<vmem>>) offsets(%dma_start3A_86 : memref<48xi32, #tpu.memory_space<vmem>>) semaphore(%arg20 : memref<!tpu.dma_semaphore, #tpu.memory_space<semaphore_mem>>)
      %dma_wait3A = arith.constant 0 : i32
      %dma_wait3A_90 = tpu.memref_slice %arg11[%while3A_72, %dma_wait3A] : memref<210x48xi32, #tpu.memory_space<vmem>> -> memref<1x48xi32, #tpu.memory_space<vmem>>
      %dma_wait3A_91 = tpu.memref_squeeze %dma_wait3A_90 : memref<1x48xi32, #tpu.memory_space<vmem>> -> memref<48xi32, #tpu.memory_space<vmem>>
      %dma_wait3A_92 = arith.constant 0 : i32
      %dma_wait3A_93 = arith.constant 0 : i32
      %dma_wait3A_94 = tpu.memref_slice %arg6[%dma_wait3A_92, %dma_wait3A_93] : memref<10000x128xf32, #tpu.memory_space<hbm>> -> memref<10000x128xf32, #tpu.memory_space<hbm>>
      tpu.wait_indirect_dma semaphore(%arg18 : memref<!tpu.dma_semaphore, #tpu.memory_space<semaphore_mem>>) src(%dma_wait3A_94 : memref<10000x128xf32, #tpu.memory_space<hbm>>) dst(%arg15 : memref<48x128xf32, #tpu.memory_space<vmem>>)
      %dma_wait3A_95 = arith.constant 0 : i32
      %dma_wait3A_96 = tpu.memref_slice %arg12[%while3A_72, %dma_wait3A_95] : memref<210x48xi32, #tpu.memory_space<vmem>> -> memref<1x48xi32, #tpu.memory_space<vmem>>
      %dma_wait3A_97 = tpu.memref_squeeze %dma_wait3A_96 : memref<1x48xi32, #tpu.memory_space<vmem>> -> memref<48xi32, #tpu.memory_space<vmem>>
      %dma_wait3A_98 = arith.constant 0 : i32
      %dma_wait3A_99 = arith.constant 0 : i32
      %dma_wait3A_100 = tpu.memref_slice %arg7[%dma_wait3A_98, %dma_wait3A_99] : memref<10000x128xf32, #tpu.memory_space<hbm>> -> memref<10000x128xf32, #tpu.memory_space<hbm>>
      tpu.wait_indirect_dma semaphore(%arg19 : memref<!tpu.dma_semaphore, #tpu.memory_space<semaphore_mem>>) src(%dma_wait3A_100 : memref<10000x128xf32, #tpu.memory_space<hbm>>) dst(%arg16 : memref<48x128xf32, #tpu.memory_space<vmem>>)
      %dma_wait3A_101 = arith.constant 0 : i32
      %dma_wait3A_102 = tpu.memref_slice %arg13[%while3A_72, %dma_wait3A_101] : memref<210x48xi32, #tpu.memory_space<vmem>> -> memref<1x48xi32, #tpu.memory_space<vmem>>
      %dma_wait3A_103 = tpu.memref_squeeze %dma_wait3A_102 : memref<1x48xi32, #tpu.memory_space<vmem>> -> memref<48xi32, #tpu.memory_space<vmem>>
      %dma_wait3A_104 = arith.constant 0 : i32
      %dma_wait3A_105 = arith.constant 0 : i32
      %dma_wait3A_106 = tpu.memref_slice %arg8[%dma_wait3A_104, %dma_wait3A_105] : memref<320000x128xf32, #tpu.memory_space<hbm>> -> memref<320000x128xf32, #tpu.memory_space<hbm>>
      tpu.wait_indirect_dma semaphore(%arg20 : memref<!tpu.dma_semaphore, #tpu.memory_space<semaphore_mem>>) src(%dma_wait3A_106 : memref<320000x128xf32, #tpu.memory_space<hbm>>) dst(%arg17 : memref<48x128xf32, #tpu.memory_space<vmem>>)
      %scan3A_107 = arith.constant 0 : i32
      %scan3A_108 = arith.constant 0 : i32
      %scan3A_109 = arith.constant 48 : i32
      %scan3A_110 = arith.addi %scan3A_108, %scan3A_109 : i32
      %scan3A_111 = arith.constant 1 : i32
      scf.for %scan3A_113 = %scan3A_108 to %scan3A_110 step %scan3A_111  : i32 {
        %mul3A_114 = arith.constant 48 : i32
        %mul3A_115 = arith.muli %while3A_72, %mul3A_114 : i32
        %add3A_116 = arith.addi %mul3A_115, %scan3A_113 : i32
        %lt3A = arith.cmpi slt, %add3A_116, %reduce_max3A_8 : i32
        %get3A_117 = arith.index_cast %scan3A_113 : i32 to index
        %get3A_118 = arith.constant 0 : index
        %get3A_119 = tpu.vector_load %arg15[%get3A_117, %get3A_118] {strides = array<i32>} : memref<48x128xf32, #tpu.memory_space<vmem>>, vector<16xf32>,
        %get3A_120 = arith.index_cast %scan3A_113 : i32 to index
        %get3A_121 = arith.constant 0 : index
        %get3A_122 = tpu.vector_load %arg16[%get3A_120, %get3A_121] {strides = array<i32>} : memref<48x128xf32, #tpu.memory_space<vmem>>, vector<16xf32>,
        %add3A_123 = arith.addf %get3A_119, %get3A_122 : vector<16xf32>
        %get3A_124 = arith.index_cast %scan3A_113 : i32 to index
        %get3A_125 = arith.constant 0 : index
        %get3A_126 = tpu.vector_load %arg17[%get3A_124, %get3A_125] {strides = array<i32>} : memref<48x128xf32, #tpu.memory_space<vmem>>, vector<16xf32>,
        %add3A_127 = arith.addf %add3A_123, %get3A_126 : vector<16xf32>
        %mul3A_128 = arith.constant 0.00999999977 : f32
        %mul3A_129 = vector.broadcast %mul3A_128 : f32 to vector<16xf32>
        %mul3A_130 = arith.mulf %add3A_127, %mul3A_129 : vector<16xf32>
        %max3A = arith.maximumf %add3A_127, %mul3A_130 : vector<16xf32>
        %broadcast_in_dim3A = arith.constant 0.000000e+00 : f32
        %broadcast_in_dim3A_131 = vector.broadcast %broadcast_in_dim3A : f32 to vector<16xf32>
        %select_n3A_132 = arith.select %lt3A, %max3A, %broadcast_in_dim3A_131 : vector<16xf32>
        %swap3A = arith.index_cast %scan3A_113 : i32 to index
        %swap3A_133 = arith.constant 0 : index
        %swap3A_134 = tpu.vector_load %arg15[%swap3A, %swap3A_133] {strides = array<i32>} : memref<48x128xf32, #tpu.memory_space<vmem>>, vector<16xf32>,
        tpu.vector_store %arg15[%swap3A, %swap3A_133], %select_n3A_132 {strides = array<i32>} : memref<48x128xf32, #tpu.memory_space<vmem>>, vector<16xf32>,
        %get3A_135 = arith.index_cast %scan3A_113 : i32 to index
        %get3A_136 = arith.constant 16 : index
        %get3A_137 = tpu.vector_load %arg15[%get3A_135, %get3A_136] {strides = array<i32>} : memref<48x128xf32, #tpu.memory_space<vmem>>, vector<16xf32>,
        %get3A_138 = arith.index_cast %scan3A_113 : i32 to index
        %get3A_139 = arith.constant 16 : index
        %get3A_140 = tpu.vector_load %arg16[%get3A_138, %get3A_139] {strides = array<i32>} : memref<48x128xf32, #tpu.memory_space<vmem>>, vector<16xf32>,
        %add3A_141 = arith.addf %get3A_137, %get3A_140 : vector<16xf32>
        %get3A_142 = arith.index_cast %scan3A_113 : i32 to index
        %get3A_143 = arith.constant 16 : index
        %get3A_144 = tpu.vector_load %arg17[%get3A_142, %get3A_143] {strides = array<i32>} : memref<48x128xf32, #tpu.memory_space<vmem>>, vector<16xf32>,
        %add3A_145 = arith.addf %add3A_141, %get3A_144 : vector<16xf32>
        %mul3A_146 = arith.constant 0.00999999977 : f32
        %mul3A_147 = vector.broadcast %mul3A_146 : f32 to vector<16xf32>
        %mul3A_148 = arith.mulf %add3A_145, %mul3A_147 : vector<16xf32>
        %max3A_149 = arith.maximumf %add3A_145, %mul3A_148 : vector<16xf32>
        %broadcast_in_dim3A_150 = arith.constant 0.000000e+00 : f32
        %broadcast_in_dim3A_151 = vector.broadcast %broadcast_in_dim3A_150 : f32 to vector<16xf32>
        %select_n3A_152 = arith.select %lt3A, %max3A_149, %broadcast_in_dim3A_151 : vector<16xf32>
        %swap3A_153 = arith.index_cast %scan3A_113 : i32 to index
        %swap3A_154 = arith.constant 16 : index
        %swap3A_155 = tpu.vector_load %arg15[%swap3A_153, %swap3A_154] {strides = array<i32>} : memref<48x128xf32, #tpu.memory_space<vmem>>, vector<16xf32>,
        tpu.vector_store %arg15[%swap3A_153, %swap3A_154], %select_n3A_152 {strides = array<i32>} : memref<48x128xf32, #tpu.memory_space<vmem>>, vector<16xf32>,
        %get3A_156 = arith.index_cast %scan3A_113 : i32 to index
        %get3A_157 = arith.constant 32 : index
        %get3A_158 = tpu.vector_load %arg15[%get3A_156, %get3A_157] {strides = array<i32>} : memref<48x128xf32, #tpu.memory_space<vmem>>, vector<16xf32>,
        %get3A_159 = arith.index_cast %scan3A_113 : i32 to index
        %get3A_160 = arith.constant 32 : index
        %get3A_161 = tpu.vector_load %arg16[%get3A_159, %get3A_160] {strides = array<i32>} : memref<48x128xf32, #tpu.memory_space<vmem>>, vector<16xf32>,
        %add3A_162 = arith.addf %get3A_158, %get3A_161 : vector<16xf32>
        %get3A_163 = arith.index_cast %scan3A_113 : i32 to index
        %get3A_164 = arith.constant 32 : index
        %get3A_165 = tpu.vector_load %arg17[%get3A_163, %get3A_164] {strides = array<i32>} : memref<48x128xf32, #tpu.memory_space<vmem>>, vector<16xf32>,
        %add3A_166 = arith.addf %add3A_162, %get3A_165 : vector<16xf32>
        %mul3A_167 = arith.constant 0.00999999977 : f32
        %mul3A_168 = vector.broadcast %mul3A_167 : f32 to vector<16xf32>
        %mul3A_169 = arith.mulf %add3A_166, %mul3A_168 : vector<16xf32>
        %max3A_170 = arith.maximumf %add3A_166, %mul3A_169 : vector<16xf32>
        %broadcast_in_dim3A_171 = arith.constant 0.000000e+00 : f32
        %broadcast_in_dim3A_172 = vector.broadcast %broadcast_in_dim3A_171 : f32 to vector<16xf32>
        %select_n3A_173 = arith.select %lt3A, %max3A_170, %broadcast_in_dim3A_172 : vector<16xf32>
        %swap3A_174 = arith.index_cast %scan3A_113 : i32 to index
        %swap3A_175 = arith.constant 32 : index
        %swap3A_176 = tpu.vector_load %arg15[%swap3A_174, %swap3A_175] {strides = array<i32>} : memref<48x128xf32, #tpu.memory_space<vmem>>, vector<16xf32>,
        tpu.vector_store %arg15[%swap3A_174, %swap3A_175], %select_n3A_173 {strides = array<i32>} : memref<48x128xf32, #tpu.memory_space<vmem>>, vector<16xf32>,
        %get3A_177 = arith.index_cast %scan3A_113 : i32 to index
        %get3A_178 = arith.constant 48 : index
        %get3A_179 = tpu.vector_load %arg15[%get3A_177, %get3A_178] {strides = array<i32>} : memref<48x128xf32, #tpu.memory_space<vmem>>, vector<16xf32>,
        %get3A_180 = arith.index_cast %scan3A_113 : i32 to index
        %get3A_181 = arith.constant 48 : index
        %get3A_182 = tpu.vector_load %arg16[%get3A_180, %get3A_181] {strides = array<i32>} : memref<48x128xf32, #tpu.memory_space<vmem>>, vector<16xf32>,
        %add3A_183 = arith.addf %get3A_179, %get3A_182 : vector<16xf32>
        %get3A_184 = arith.index_cast %scan3A_113 : i32 to index
        %get3A_185 = arith.constant 48 : index
        %get3A_186 = tpu.vector_load %arg17[%get3A_184, %get3A_185] {strides = array<i32>} : memref<48x128xf32, #tpu.memory_space<vmem>>, vector<16xf32>,
        %add3A_187 = arith.addf %add3A_183, %get3A_186 : vector<16xf32>
        %mul3A_188 = arith.constant 0.00999999977 : f32
        %mul3A_189 = vector.broadcast %mul3A_188 : f32 to vector<16xf32>
        %mul3A_190 = arith.mulf %add3A_187, %mul3A_189 : vector<16xf32>
        %max3A_191 = arith.maximumf %add3A_187, %mul3A_190 : vector<16xf32>
        %broadcast_in_dim3A_192 = arith.constant 0.000000e+00 : f32
        %broadcast_in_dim3A_193 = vector.broadcast %broadcast_in_dim3A_192 : f32 to vector<16xf32>
        %select_n3A_194 = arith.select %lt3A, %max3A_191, %broadcast_in_dim3A_193 : vector<16xf32>
        %swap3A_195 = arith.index_cast %scan3A_113 : i32 to index
        %swap3A_196 = arith.constant 48 : index
        %swap3A_197 = tpu.vector_load %arg15[%swap3A_195, %swap3A_196] {strides = array<i32>} : memref<48x128xf32, #tpu.memory_space<vmem>>, vector<16xf32>,
        tpu.vector_store %arg15[%swap3A_195, %swap3A_196], %select_n3A_194 {strides = array<i32>} : memref<48x128xf32, #tpu.memory_space<vmem>>, vector<16xf32>,
        %get3A_198 = arith.index_cast %scan3A_113 : i32 to index
        %get3A_199 = arith.constant 64 : index
        %get3A_200 = tpu.vector_load %arg15[%get3A_198, %get3A_199] {strides = array<i32>} : memref<48x128xf32, #tpu.memory_space<vmem>>, vector<16xf32>,
        %get3A_201 = arith.index_cast %scan3A_113 : i32 to index
        %get3A_202 = arith.constant 64 : index
        %get3A_203 = tpu.vector_load %arg16[%get3A_201, %get3A_202] {strides = array<i32>} : memref<48x128xf32, #tpu.memory_space<vmem>>, vector<16xf32>,
        %add3A_204 = arith.addf %get3A_200, %get3A_203 : vector<16xf32>
        %get3A_205 = arith.index_cast %scan3A_113 : i32 to index
        %get3A_206 = arith.constant 64 : index
        %get3A_207 = tpu.vector_load %arg17[%get3A_205, %get3A_206] {strides = array<i32>} : memref<48x128xf32, #tpu.memory_space<vmem>>, vector<16xf32>,
        %add3A_208 = arith.addf %add3A_204, %get3A_207 : vector<16xf32>
        %mul3A_209 = arith.constant 0.00999999977 : f32
        %mul3A_210 = vector.broadcast %mul3A_209 : f32 to vector<16xf32>
        %mul3A_211 = arith.mulf %add3A_208, %mul3A_210 : vector<16xf32>
        %max3A_212 = arith.maximumf %add3A_208, %mul3A_211 : vector<16xf32>
        %broadcast_in_dim3A_213 = arith.constant 0.000000e+00 : f32
        %broadcast_in_dim3A_214 = vector.broadcast %broadcast_in_dim3A_213 : f32 to vector<16xf32>
        %select_n3A_215 = arith.select %lt3A, %max3A_212, %broadcast_in_dim3A_214 : vector<16xf32>
        %swap3A_216 = arith.index_cast %scan3A_113 : i32 to index
        %swap3A_217 = arith.constant 64 : index
        %swap3A_218 = tpu.vector_load %arg15[%swap3A_216, %swap3A_217] {strides = array<i32>} : memref<48x128xf32, #tpu.memory_space<vmem>>, vector<16xf32>,
        tpu.vector_store %arg15[%swap3A_216, %swap3A_217], %select_n3A_215 {strides = array<i32>} : memref<48x128xf32, #tpu.memory_space<vmem>>, vector<16xf32>,
        %get3A_219 = arith.index_cast %scan3A_113 : i32 to index
        %get3A_220 = arith.constant 80 : index
        %get3A_221 = tpu.vector_load %arg15[%get3A_219, %get3A_220] {strides = array<i32>} : memref<48x128xf32, #tpu.memory_space<vmem>>, vector<16xf32>,
        %get3A_222 = arith.index_cast %scan3A_113 : i32 to index
        %get3A_223 = arith.constant 80 : index
        %get3A_224 = tpu.vector_load %arg16[%get3A_222, %get3A_223] {strides = array<i32>} : memref<48x128xf32, #tpu.memory_space<vmem>>, vector<16xf32>,
        %add3A_225 = arith.addf %get3A_221, %get3A_224 : vector<16xf32>
        %get3A_226 = arith.index_cast %scan3A_113 : i32 to index
        %get3A_227 = arith.constant 80 : index
        %get3A_228 = tpu.vector_load %arg17[%get3A_226, %get3A_227] {strides = array<i32>} : memref<48x128xf32, #tpu.memory_space<vmem>>, vector<16xf32>,
        %add3A_229 = arith.addf %add3A_225, %get3A_228 : vector<16xf32>
        %mul3A_230 = arith.constant 0.00999999977 : f32
        %mul3A_231 = vector.broadcast %mul3A_230 : f32 to vector<16xf32>
        %mul3A_232 = arith.mulf %add3A_229, %mul3A_231 : vector<16xf32>
        %max3A_233 = arith.maximumf %add3A_229, %mul3A_232 : vector<16xf32>
        %broadcast_in_dim3A_234 = arith.constant 0.000000e+00 : f32
        %broadcast_in_dim3A_235 = vector.broadcast %broadcast_in_dim3A_234 : f32 to vector<16xf32>
        %select_n3A_236 = arith.select %lt3A, %max3A_233, %broadcast_in_dim3A_235 : vector<16xf32>
        %swap3A_237 = arith.index_cast %scan3A_113 : i32 to index
        %swap3A_238 = arith.constant 80 : index
        %swap3A_239 = tpu.vector_load %arg15[%swap3A_237, %swap3A_238] {strides = array<i32>} : memref<48x128xf32, #tpu.memory_space<vmem>>, vector<16xf32>,
        tpu.vector_store %arg15[%swap3A_237, %swap3A_238], %select_n3A_236 {strides = array<i32>} : memref<48x128xf32, #tpu.memory_space<vmem>>, vector<16xf32>,
        %get3A_240 = arith.index_cast %scan3A_113 : i32 to index
        %get3A_241 = arith.constant 96 : index
        %get3A_242 = tpu.vector_load %arg15[%get3A_240, %get3A_241] {strides = array<i32>} : memref<48x128xf32, #tpu.memory_space<vmem>>, vector<16xf32>,
        %get3A_243 = arith.index_cast %scan3A_113 : i32 to index
        %get3A_244 = arith.constant 96 : index
        %get3A_245 = tpu.vector_load %arg16[%get3A_243, %get3A_244] {strides = array<i32>} : memref<48x128xf32, #tpu.memory_space<vmem>>, vector<16xf32>,
        %add3A_246 = arith.addf %get3A_242, %get3A_245 : vector<16xf32>
        %get3A_247 = arith.index_cast %scan3A_113 : i32 to index
        %get3A_248 = arith.constant 96 : index
        %get3A_249 = tpu.vector_load %arg17[%get3A_247, %get3A_248] {strides = array<i32>} : memref<48x128xf32, #tpu.memory_space<vmem>>, vector<16xf32>,
        %add3A_250 = arith.addf %add3A_246, %get3A_249 : vector<16xf32>
        %mul3A_251 = arith.constant 0.00999999977 : f32
        %mul3A_252 = vector.broadcast %mul3A_251 : f32 to vector<16xf32>
        %mul3A_253 = arith.mulf %add3A_250, %mul3A_252 : vector<16xf32>
        %max3A_254 = arith.maximumf %add3A_250, %mul3A_253 : vector<16xf32>
        %broadcast_in_dim3A_255 = arith.constant 0.000000e+00 : f32
        %broadcast_in_dim3A_256 = vector.broadcast %broadcast_in_dim3A_255 : f32 to vector<16xf32>
        %select_n3A_257 = arith.select %lt3A, %max3A_254, %broadcast_in_dim3A_256 : vector<16xf32>
        %swap3A_258 = arith.index_cast %scan3A_113 : i32 to index
        %swap3A_259 = arith.constant 96 : index
        %swap3A_260 = tpu.vector_load %arg15[%swap3A_258, %swap3A_259] {strides = array<i32>} : memref<48x128xf32, #tpu.memory_space<vmem>>, vector<16xf32>,
        tpu.vector_store %arg15[%swap3A_258, %swap3A_259], %select_n3A_257 {strides = array<i32>} : memref<48x128xf32, #tpu.memory_space<vmem>>, vector<16xf32>,
        %get3A_261 = arith.index_cast %scan3A_113 : i32 to index
        %get3A_262 = arith.constant 112 : index
        %get3A_263 = tpu.vector_load %arg15[%get3A_261, %get3A_262] {strides = array<i32>} : memref<48x128xf32, #tpu.memory_space<vmem>>, vector<16xf32>,
        %get3A_264 = arith.index_cast %scan3A_113 : i32 to index
        %get3A_265 = arith.constant 112 : index
        %get3A_266 = tpu.vector_load %arg16[%get3A_264, %get3A_265] {strides = array<i32>} : memref<48x128xf32, #tpu.memory_space<vmem>>, vector<16xf32>,
        %add3A_267 = arith.addf %get3A_263, %get3A_266 : vector<16xf32>
        %get3A_268 = arith.index_cast %scan3A_113 : i32 to index
        %get3A_269 = arith.constant 112 : index
        %get3A_270 = tpu.vector_load %arg17[%get3A_268, %get3A_269] {strides = array<i32>} : memref<48x128xf32, #tpu.memory_space<vmem>>, vector<16xf32>,
        %add3A_271 = arith.addf %add3A_267, %get3A_270 : vector<16xf32>
        %mul3A_272 = arith.constant 0.00999999977 : f32
        %mul3A_273 = vector.broadcast %mul3A_272 : f32 to vector<16xf32>
        %mul3A_274 = arith.mulf %add3A_271, %mul3A_273 : vector<16xf32>
        %max3A_275 = arith.maximumf %add3A_271, %mul3A_274 : vector<16xf32>
        %broadcast_in_dim3A_276 = arith.constant 0.000000e+00 : f32
        %broadcast_in_dim3A_277 = vector.broadcast %broadcast_in_dim3A_276 : f32 to vector<16xf32>
        %select_n3A_278 = arith.select %lt3A, %max3A_275, %broadcast_in_dim3A_277 : vector<16xf32>
        %swap3A_279 = arith.index_cast %scan3A_113 : i32 to index
        %swap3A_280 = arith.constant 112 : index
        %swap3A_281 = tpu.vector_load %arg15[%swap3A_279, %swap3A_280] {strides = array<i32>} : memref<48x128xf32, #tpu.memory_space<vmem>>, vector<16xf32>,
        tpu.vector_store %arg15[%swap3A_279, %swap3A_280], %select_n3A_278 {strides = array<i32>} : memref<48x128xf32, #tpu.memory_space<vmem>>, vector<16xf32>,
      }
      %scan3A_112 = arith.constant 48 : i32
      "tpu.region"() ({
        %run_scoped3A = tpu.sem_alloc : memref<!tpu.dma_semaphore, #tpu.memory_space<semaphore_mem>>
        %dma_start3A_113 = arith.constant 0 : i32
        %dma_start3A_114 = tpu.memref_slice %arg12[%while3A_72, %dma_start3A_113] : memref<210x48xi32, #tpu.memory_space<vmem>> -> memref<1x48xi32, #tpu.memory_space<vmem>>
        %dma_start3A_115 = tpu.memref_squeeze %dma_start3A_114 : memref<1x48xi32, #tpu.memory_space<vmem>> -> memref<48xi32, #tpu.memory_space<vmem>>
        %dma_start3A_116 = arith.constant 0 : i32
        %dma_start3A_117 = arith.constant 0 : i32
        %dma_start3A_118 = tpu.memref_slice %arg10[%dma_start3A_116, %dma_start3A_117] : memref<10016x128xf32, #tpu.memory_space<vmem_shared>> -> memref<10016x128xf32, #tpu.memory_space<vmem_shared>>
        tpu.enqueue_indirect_dma source(%arg15 : memref<48x128xf32, #tpu.memory_space<vmem>>) target(%dma_start3A_118 : memref<10016x128xf32, #tpu.memory_space<vmem_shared>>) offsets(%dma_start3A_115 : memref<48xi32, #tpu.memory_space<vmem>>) semaphore(%run_scoped3A : memref<!tpu.dma_semaphore, #tpu.memory_space<semaphore_mem>>) {add = true}
        %dma_wait3A_119 = arith.constant 0 : i32
        %dma_wait3A_120 = tpu.memref_slice %arg12[%while3A_72, %dma_wait3A_119] : memref<210x48xi32, #tpu.memory_space<vmem>> -> memref<1x48xi32, #tpu.memory_space<vmem>>
        %dma_wait3A_121 = tpu.memref_squeeze %dma_wait3A_120 : memref<1x48xi32, #tpu.memory_space<vmem>> -> memref<48xi32, #tpu.memory_space<vmem>>
        %dma_wait3A_122 = arith.constant 0 : i32
        %dma_wait3A_123 = arith.constant 0 : i32
        %dma_wait3A_124 = tpu.memref_slice %arg10[%dma_wait3A_122, %dma_wait3A_123] : memref<10016x128xf32, #tpu.memory_space<vmem_shared>> -> memref<10016x128xf32, #tpu.memory_space<vmem_shared>>
        tpu.wait_indirect_dma semaphore(%run_scoped3A : memref<!tpu.dma_semaphore, #tpu.memory_space<semaphore_mem>>) src(%arg15 : memref<48x128xf32, #tpu.memory_space<vmem>>) dst(%dma_wait3A_124 : memref<10016x128xf32, #tpu.memory_space<vmem_shared>>)
        tpu.yield
      }) : () -> ()
    }
    %while3A_70 = arith.constant 1 : i32
    scf.for %while3A_72 = %while3A_68 to %while3A_64 step %while3A_70  : i32 {
      %dma_start3A = arith.constant 0 : i32
      %dma_start3A_73 = tpu.memref_slice %arg11[%while3A_72, %dma_start3A] : memref<210x48xi32, #tpu.memory_space<vmem>> -> memref<1x48xi32, #tpu.memory_space<vmem>>
      %dma_start3A_74 = tpu.memref_squeeze %dma_start3A_73 : memref<1x48xi32, #tpu.memory_space<vmem>> -> memref<48xi32, #tpu.memory_space<vmem>>
      %dma_start3A_75 = arith.constant 0 : i32
      %dma_start3A_76 = arith.constant 0 : i32
      %dma_start3A_77 = tpu.memref_slice %arg6[%dma_start3A_75, %dma_start3A_76] : memref<10000x128xf32, #tpu.memory_space<hbm>> -> memref<10000x128xf32, #tpu.memory_space<hbm>>
      tpu.enqueue_indirect_dma source(%dma_start3A_77 : memref<10000x128xf32, #tpu.memory_space<hbm>>) target(%arg15 : memref<48x128xf32, #tpu.memory_space<vmem>>) offsets(%dma_start3A_74 : memref<48xi32, #tpu.memory_space<vmem>>) semaphore(%arg18 : memref<!tpu.dma_semaphore, #tpu.memory_space<semaphore_mem>>)
      %dma_start3A_78 = arith.constant 0 : i32
      %dma_start3A_79 = tpu.memref_slice %arg12[%while3A_72, %dma_start3A_78] : memref<210x48xi32, #tpu.memory_space<vmem>> -> memref<1x48xi32, #tpu.memory_space<vmem>>
      %dma_start3A_80 = tpu.memref_squeeze %dma_start3A_79 : memref<1x48xi32, #tpu.memory_space<vmem>> -> memref<48xi32, #tpu.memory_space<vmem>>
      %dma_start3A_81 = arith.constant 0 : i32
      %dma_start3A_82 = arith.constant 0 : i32
      %dma_start3A_83 = tpu.memref_slice %arg7[%dma_start3A_81, %dma_start3A_82] : memref<10000x128xf32, #tpu.memory_space<hbm>> -> memref<10000x128xf32, #tpu.memory_space<hbm>>
      tpu.enqueue_indirect_dma source(%dma_start3A_83 : memref<10000x128xf32, #tpu.memory_space<hbm>>) target(%arg16 : memref<48x128xf32, #tpu.memory_space<vmem>>) offsets(%dma_start3A_80 : memref<48xi32, #tpu.memory_space<vmem>>) semaphore(%arg19 : memref<!tpu.dma_semaphore, #tpu.memory_space<semaphore_mem>>)
      %dma_start3A_84 = arith.constant 0 : i32
      %dma_start3A_85 = tpu.memref_slice %arg13[%while3A_72, %dma_start3A_84] : memref<210x48xi32, #tpu.memory_space<vmem>> -> memref<1x48xi32, #tpu.memory_space<vmem>>
      %dma_start3A_86 = tpu.memref_squeeze %dma_start3A_85 : memref<1x48xi32, #tpu.memory_space<vmem>> -> memref<48xi32, #tpu.memory_space<vmem>>
      %dma_start3A_87 = arith.constant 0 : i32
      %dma_start3A_88 = arith.constant 0 : i32
      %dma_start3A_89 = tpu.memref_slice %arg8[%dma_start3A_87, %dma_start3A_88] : memref<320000x128xf32, #tpu.memory_space<hbm>> -> memref<320000x128xf32, #tpu.memory_space<hbm>>
      tpu.enqueue_indirect_dma source(%dma_start3A_89 : memref<320000x128xf32, #tpu.memory_space<hbm>>) target(%arg17 : memref<48x128xf32, #tpu.memory_space<vmem>>) offsets(%dma_start3A_86 : memref<48xi32, #tpu.memory_space<vmem>>) semaphore(%arg20 : memref<!tpu.dma_semaphore, #tpu.memory_space<semaphore_mem>>)
      %dma_wait3A = arith.constant 0 : i32
      %dma_wait3A_90 = tpu.memref_slice %arg11[%while3A_72, %dma_wait3A] : memref<210x48xi32, #tpu.memory_space<vmem>> -> memref<1x48xi32, #tpu.memory_space<vmem>>
      %dma_wait3A_91 = tpu.memref_squeeze %dma_wait3A_90 : memref<1x48xi32, #tpu.memory_space<vmem>> -> memref<48xi32, #tpu.memory_space<vmem>>
      %dma_wait3A_92 = arith.constant 0 : i32
      %dma_wait3A_93 = arith.constant 0 : i32
      %dma_wait3A_94 = tpu.memref_slice %arg6[%dma_wait3A_92, %dma_wait3A_93] : memref<10000x128xf32, #tpu.memory_space<hbm>> -> memref<10000x128xf32, #tpu.memory_space<hbm>>
      tpu.wait_indirect_dma semaphore(%arg18 : memref<!tpu.dma_semaphore, #tpu.memory_space<semaphore_mem>>) src(%dma_wait3A_94 : memref<10000x128xf32, #tpu.memory_space<hbm>>) dst(%arg15 : memref<48x128xf32, #tpu.memory_space<vmem>>)
      %dma_wait3A_95 = arith.constant 0 : i32
      %dma_wait3A_96 = tpu.memref_slice %arg12[%while3A_72, %dma_wait3A_95] : memref<210x48xi32, #tpu.memory_space<vmem>> -> memref<1x48xi32, #tpu.memory_space<vmem>>
      %dma_wait3A_97 = tpu.memref_squeeze %dma_wait3A_96 : memref<1x48xi32, #tpu.memory_space<vmem>> -> memref<48xi32, #tpu.memory_space<vmem>>
      %dma_wait3A_98 = arith.constant 0 : i32
      %dma_wait3A_99 = arith.constant 0 : i32
      %dma_wait3A_100 = tpu.memref_slice %arg7[%dma_wait3A_98, %dma_wait3A_99] : memref<10000x128xf32, #tpu.memory_space<hbm>> -> memref<10000x128xf32, #tpu.memory_space<hbm>>
      tpu.wait_indirect_dma semaphore(%arg19 : memref<!tpu.dma_semaphore, #tpu.memory_space<semaphore_mem>>) src(%dma_wait3A_100 : memref<10000x128xf32, #tpu.memory_space<hbm>>) dst(%arg16 : memref<48x128xf32, #tpu.memory_space<vmem>>)
      %dma_wait3A_101 = arith.constant 0 : i32
      %dma_wait3A_102 = tpu.memref_slice %arg13[%while3A_72, %dma_wait3A_101] : memref<210x48xi32, #tpu.memory_space<vmem>> -> memref<1x48xi32, #tpu.memory_space<vmem>>
      %dma_wait3A_103 = tpu.memref_squeeze %dma_wait3A_102 : memref<1x48xi32, #tpu.memory_space<vmem>> -> memref<48xi32, #tpu.memory_space<vmem>>
      %dma_wait3A_104 = arith.constant 0 : i32
      %dma_wait3A_105 = arith.constant 0 : i32
      %dma_wait3A_106 = tpu.memref_slice %arg8[%dma_wait3A_104, %dma_wait3A_105] : memref<320000x128xf32, #tpu.memory_space<hbm>> -> memref<320000x128xf32, #tpu.memory_space<hbm>>
      tpu.wait_indirect_dma semaphore(%arg20 : memref<!tpu.dma_semaphore, #tpu.memory_space<semaphore_mem>>) src(%dma_wait3A_106 : memref<320000x128xf32, #tpu.memory_space<hbm>>) dst(%arg17 : memref<48x128xf32, #tpu.memory_space<vmem>>)
      %scan3A_107 = arith.constant 0 : i32
      %scan3A_108 = arith.constant 0 : i32
      %scan3A_109 = arith.constant 48 : i32
      %scan3A_110 = arith.addi %scan3A_108, %scan3A_109 : i32
      %scan3A_111 = arith.constant 1 : i32
      scf.for %scan3A_113 = %scan3A_108 to %scan3A_110 step %scan3A_111  : i32 {
        %mul3A_114 = arith.constant 48 : i32
        %mul3A_115 = arith.muli %while3A_72, %mul3A_114 : i32
        %add3A_116 = arith.addi %mul3A_115, %scan3A_113 : i32
        %lt3A = arith.cmpi slt, %add3A_116, %reduce_max3A_8 : i32
        %get3A_117 = arith.index_cast %scan3A_113 : i32 to index
        %get3A_118 = arith.constant 0 : index
        %get3A_119 = tpu.vector_load %arg15[%get3A_117, %get3A_118] {strides = array<i32>} : memref<48x128xf32, #tpu.memory_space<vmem>>, vector<16xf32>,
        %get3A_120 = arith.index_cast %scan3A_113 : i32 to index
        %get3A_121 = arith.constant 0 : index
        %get3A_122 = tpu.vector_load %arg16[%get3A_120, %get3A_121] {strides = array<i32>} : memref<48x128xf32, #tpu.memory_space<vmem>>, vector<16xf32>,
        %add3A_123 = arith.addf %get3A_119, %get3A_122 : vector<16xf32>
        %get3A_124 = arith.index_cast %scan3A_113 : i32 to index
        %get3A_125 = arith.constant 0 : index
        %get3A_126 = tpu.vector_load %arg17[%get3A_124, %get3A_125] {strides = array<i32>} : memref<48x128xf32, #tpu.memory_space<vmem>>, vector<16xf32>,
        %add3A_127 = arith.addf %add3A_123, %get3A_126 : vector<16xf32>
        %mul3A_128 = arith.constant 0.00999999977 : f32
        %mul3A_129 = vector.broadcast %mul3A_128 : f32 to vector<16xf32>
        %mul3A_130 = arith.mulf %add3A_127, %mul3A_129 : vector<16xf32>
        %max3A = arith.maximumf %add3A_127, %mul3A_130 : vector<16xf32>
        %broadcast_in_dim3A = arith.constant 0.000000e+00 : f32
        %broadcast_in_dim3A_131 = vector.broadcast %broadcast_in_dim3A : f32 to vector<16xf32>
        %select_n3A_132 = arith.select %lt3A, %max3A, %broadcast_in_dim3A_131 : vector<16xf32>
        %swap3A = arith.index_cast %scan3A_113 : i32 to index
        %swap3A_133 = arith.constant 0 : index
        %swap3A_134 = tpu.vector_load %arg15[%swap3A, %swap3A_133] {strides = array<i32>} : memref<48x128xf32, #tpu.memory_space<vmem>>, vector<16xf32>,
        tpu.vector_store %arg15[%swap3A, %swap3A_133], %select_n3A_132 {strides = array<i32>} : memref<48x128xf32, #tpu.memory_space<vmem>>, vector<16xf32>,
        %get3A_135 = arith.index_cast %scan3A_113 : i32 to index
        %get3A_136 = arith.constant 16 : index
        %get3A_137 = tpu.vector_load %arg15[%get3A_135, %get3A_136] {strides = array<i32>} : memref<48x128xf32, #tpu.memory_space<vmem>>, vector<16xf32>,
        %get3A_138 = arith.index_cast %scan3A_113 : i32 to index
        %get3A_139 = arith.constant 16 : index
        %get3A_140 = tpu.vector_load %arg16[%get3A_138, %get3A_139] {strides = array<i32>} : memref<48x128xf32, #tpu.memory_space<vmem>>, vector<16xf32>,
        %add3A_141 = arith.addf %get3A_137, %get3A_140 : vector<16xf32>
        %get3A_142 = arith.index_cast %scan3A_113 : i32 to index
        %get3A_143 = arith.constant 16 : index
        %get3A_144 = tpu.vector_load %arg17[%get3A_142, %get3A_143] {strides = array<i32>} : memref<48x128xf32, #tpu.memory_space<vmem>>, vector<16xf32>,
        %add3A_145 = arith.addf %add3A_141, %get3A_144 : vector<16xf32>
        %mul3A_146 = arith.constant 0.00999999977 : f32
        %mul3A_147 = vector.broadcast %mul3A_146 : f32 to vector<16xf32>
        %mul3A_148 = arith.mulf %add3A_145, %mul3A_147 : vector<16xf32>
        %max3A_149 = arith.maximumf %add3A_145, %mul3A_148 : vector<16xf32>
        %broadcast_in_dim3A_150 = arith.constant 0.000000e+00 : f32
        %broadcast_in_dim3A_151 = vector.broadcast %broadcast_in_dim3A_150 : f32 to vector<16xf32>
        %select_n3A_152 = arith.select %lt3A, %max3A_149, %broadcast_in_dim3A_151 : vector<16xf32>
        %swap3A_153 = arith.index_cast %scan3A_113 : i32 to index
        %swap3A_154 = arith.constant 16 : index
        %swap3A_155 = tpu.vector_load %arg15[%swap3A_153, %swap3A_154] {strides = array<i32>} : memref<48x128xf32, #tpu.memory_space<vmem>>, vector<16xf32>,
        tpu.vector_store %arg15[%swap3A_153, %swap3A_154], %select_n3A_152 {strides = array<i32>} : memref<48x128xf32, #tpu.memory_space<vmem>>, vector<16xf32>,
        %get3A_156 = arith.index_cast %scan3A_113 : i32 to index
        %get3A_157 = arith.constant 32 : index
        %get3A_158 = tpu.vector_load %arg15[%get3A_156, %get3A_157] {strides = array<i32>} : memref<48x128xf32, #tpu.memory_space<vmem>>, vector<16xf32>,
        %get3A_159 = arith.index_cast %scan3A_113 : i32 to index
        %get3A_160 = arith.constant 32 : index
        %get3A_161 = tpu.vector_load %arg16[%get3A_159, %get3A_160] {strides = array<i32>} : memref<48x128xf32, #tpu.memory_space<vmem>>, vector<16xf32>,
        %add3A_162 = arith.addf %get3A_158, %get3A_161 : vector<16xf32>
        %get3A_163 = arith.index_cast %scan3A_113 : i32 to index
        %get3A_164 = arith.constant 32 : index
        %get3A_165 = tpu.vector_load %arg17[%get3A_163, %get3A_164] {strides = array<i32>} : memref<48x128xf32, #tpu.memory_space<vmem>>, vector<16xf32>,
        %add3A_166 = arith.addf %add3A_162, %get3A_165 : vector<16xf32>
        %mul3A_167 = arith.constant 0.00999999977 : f32
        %mul3A_168 = vector.broadcast %mul3A_167 : f32 to vector<16xf32>
        %mul3A_169 = arith.mulf %add3A_166, %mul3A_168 : vector<16xf32>
        %max3A_170 = arith.maximumf %add3A_166, %mul3A_169 : vector<16xf32>
        %broadcast_in_dim3A_171 = arith.constant 0.000000e+00 : f32
        %broadcast_in_dim3A_172 = vector.broadcast %broadcast_in_dim3A_171 : f32 to vector<16xf32>
        %select_n3A_173 = arith.select %lt3A, %max3A_170, %broadcast_in_dim3A_172 : vector<16xf32>
        %swap3A_174 = arith.index_cast %scan3A_113 : i32 to index
        %swap3A_175 = arith.constant 32 : index
        %swap3A_176 = tpu.vector_load %arg15[%swap3A_174, %swap3A_175] {strides = array<i32>} : memref<48x128xf32, #tpu.memory_space<vmem>>, vector<16xf32>,
        tpu.vector_store %arg15[%swap3A_174, %swap3A_175], %select_n3A_173 {strides = array<i32>} : memref<48x128xf32, #tpu.memory_space<vmem>>, vector<16xf32>,
        %get3A_177 = arith.index_cast %scan3A_113 : i32 to index
        %get3A_178 = arith.constant 48 : index
        %get3A_179 = tpu.vector_load %arg15[%get3A_177, %get3A_178] {strides = array<i32>} : memref<48x128xf32, #tpu.memory_space<vmem>>, vector<16xf32>,
        %get3A_180 = arith.index_cast %scan3A_113 : i32 to index
        %get3A_181 = arith.constant 48 : index
        %get3A_182 = tpu.vector_load %arg16[%get3A_180, %get3A_181] {strides = array<i32>} : memref<48x128xf32, #tpu.memory_space<vmem>>, vector<16xf32>,
        %add3A_183 = arith.addf %get3A_179, %get3A_182 : vector<16xf32>
        %get3A_184 = arith.index_cast %scan3A_113 : i32 to index
        %get3A_185 = arith.constant 48 : index
        %get3A_186 = tpu.vector_load %arg17[%get3A_184, %get3A_185] {strides = array<i32>} : memref<48x128xf32, #tpu.memory_space<vmem>>, vector<16xf32>,
        %add3A_187 = arith.addf %add3A_183, %get3A_186 : vector<16xf32>
        %mul3A_188 = arith.constant 0.00999999977 : f32
        %mul3A_189 = vector.broadcast %mul3A_188 : f32 to vector<16xf32>
        %mul3A_190 = arith.mulf %add3A_187, %mul3A_189 : vector<16xf32>
        %max3A_191 = arith.maximumf %add3A_187, %mul3A_190 : vector<16xf32>
        %broadcast_in_dim3A_192 = arith.constant 0.000000e+00 : f32
        %broadcast_in_dim3A_193 = vector.broadcast %broadcast_in_dim3A_192 : f32 to vector<16xf32>
        %select_n3A_194 = arith.select %lt3A, %max3A_191, %broadcast_in_dim3A_193 : vector<16xf32>
        %swap3A_195 = arith.index_cast %scan3A_113 : i32 to index
        %swap3A_196 = arith.constant 48 : index
        %swap3A_197 = tpu.vector_load %arg15[%swap3A_195, %swap3A_196] {strides = array<i32>} : memref<48x128xf32, #tpu.memory_space<vmem>>, vector<16xf32>,
        tpu.vector_store %arg15[%swap3A_195, %swap3A_196], %select_n3A_194 {strides = array<i32>} : memref<48x128xf32, #tpu.memory_space<vmem>>, vector<16xf32>,
        %get3A_198 = arith.index_cast %scan3A_113 : i32 to index
        %get3A_199 = arith.constant 64 : index
        %get3A_200 = tpu.vector_load %arg15[%get3A_198, %get3A_199] {strides = array<i32>} : memref<48x128xf32, #tpu.memory_space<vmem>>, vector<16xf32>,
        %get3A_201 = arith.index_cast %scan3A_113 : i32 to index
        %get3A_202 = arith.constant 64 : index
        %get3A_203 = tpu.vector_load %arg16[%get3A_201, %get3A_202] {strides = array<i32>} : memref<48x128xf32, #tpu.memory_space<vmem>>, vector<16xf32>,
        %add3A_204 = arith.addf %get3A_200, %get3A_203 : vector<16xf32>
        %get3A_205 = arith.index_cast %scan3A_113 : i32 to index
        %get3A_206 = arith.constant 64 : index
        %get3A_207 = tpu.vector_load %arg17[%get3A_205, %get3A_206] {strides = array<i32>} : memref<48x128xf32, #tpu.memory_space<vmem>>, vector<16xf32>,
        %add3A_208 = arith.addf %add3A_204, %get3A_207 : vector<16xf32>
        %mul3A_209 = arith.constant 0.00999999977 : f32
        %mul3A_210 = vector.broadcast %mul3A_209 : f32 to vector<16xf32>
        %mul3A_211 = arith.mulf %add3A_208, %mul3A_210 : vector<16xf32>
        %max3A_212 = arith.maximumf %add3A_208, %mul3A_211 : vector<16xf32>
        %broadcast_in_dim3A_213 = arith.constant 0.000000e+00 : f32
        %broadcast_in_dim3A_214 = vector.broadcast %broadcast_in_dim3A_213 : f32 to vector<16xf32>
        %select_n3A_215 = arith.select %lt3A, %max3A_212, %broadcast_in_dim3A_214 : vector<16xf32>
        %swap3A_216 = arith.index_cast %scan3A_113 : i32 to index
        %swap3A_217 = arith.constant 64 : index
        %swap3A_218 = tpu.vector_load %arg15[%swap3A_216, %swap3A_217] {strides = array<i32>} : memref<48x128xf32, #tpu.memory_space<vmem>>, vector<16xf32>,
        tpu.vector_store %arg15[%swap3A_216, %swap3A_217], %select_n3A_215 {strides = array<i32>} : memref<48x128xf32, #tpu.memory_space<vmem>>, vector<16xf32>,
        %get3A_219 = arith.index_cast %scan3A_113 : i32 to index
        %get3A_220 = arith.constant 80 : index
        %get3A_221 = tpu.vector_load %arg15[%get3A_219, %get3A_220] {strides = array<i32>} : memref<48x128xf32, #tpu.memory_space<vmem>>, vector<16xf32>,
        %get3A_222 = arith.index_cast %scan3A_113 : i32 to index
        %get3A_223 = arith.constant 80 : index
        %get3A_224 = tpu.vector_load %arg16[%get3A_222, %get3A_223] {strides = array<i32>} : memref<48x128xf32, #tpu.memory_space<vmem>>, vector<16xf32>,
        %add3A_225 = arith.addf %get3A_221, %get3A_224 : vector<16xf32>
        %get3A_226 = arith.index_cast %scan3A_113 : i32 to index
        %get3A_227 = arith.constant 80 : index
        %get3A_228 = tpu.vector_load %arg17[%get3A_226, %get3A_227] {strides = array<i32>} : memref<48x128xf32, #tpu.memory_space<vmem>>, vector<16xf32>,
        %add3A_229 = arith.addf %add3A_225, %get3A_228 : vector<16xf32>
        %mul3A_230 = arith.constant 0.00999999977 : f32
        %mul3A_231 = vector.broadcast %mul3A_230 : f32 to vector<16xf32>
        %mul3A_232 = arith.mulf %add3A_229, %mul3A_231 : vector<16xf32>
        %max3A_233 = arith.maximumf %add3A_229, %mul3A_232 : vector<16xf32>
        %broadcast_in_dim3A_234 = arith.constant 0.000000e+00 : f32
        %broadcast_in_dim3A_235 = vector.broadcast %broadcast_in_dim3A_234 : f32 to vector<16xf32>
        %select_n3A_236 = arith.select %lt3A, %max3A_233, %broadcast_in_dim3A_235 : vector<16xf32>
        %swap3A_237 = arith.index_cast %scan3A_113 : i32 to index
        %swap3A_238 = arith.constant 80 : index
        %swap3A_239 = tpu.vector_load %arg15[%swap3A_237, %swap3A_238] {strides = array<i32>} : memref<48x128xf32, #tpu.memory_space<vmem>>, vector<16xf32>,
        tpu.vector_store %arg15[%swap3A_237, %swap3A_238], %select_n3A_236 {strides = array<i32>} : memref<48x128xf32, #tpu.memory_space<vmem>>, vector<16xf32>,
        %get3A_240 = arith.index_cast %scan3A_113 : i32 to index
        %get3A_241 = arith.constant 96 : index
        %get3A_242 = tpu.vector_load %arg15[%get3A_240, %get3A_241] {strides = array<i32>} : memref<48x128xf32, #tpu.memory_space<vmem>>, vector<16xf32>,
        %get3A_243 = arith.index_cast %scan3A_113 : i32 to index
        %get3A_244 = arith.constant 96 : index
        %get3A_245 = tpu.vector_load %arg16[%get3A_243, %get3A_244] {strides = array<i32>} : memref<48x128xf32, #tpu.memory_space<vmem>>, vector<16xf32>,
        %add3A_246 = arith.addf %get3A_242, %get3A_245 : vector<16xf32>
        %get3A_247 = arith.index_cast %scan3A_113 : i32 to index
        %get3A_248 = arith.constant 96 : index
        %get3A_249 = tpu.vector_load %arg17[%get3A_247, %get3A_248] {strides = array<i32>} : memref<48x128xf32, #tpu.memory_space<vmem>>, vector<16xf32>,
        %add3A_250 = arith.addf %add3A_246, %get3A_249 : vector<16xf32>
        %mul3A_251 = arith.constant 0.00999999977 : f32
        %mul3A_252 = vector.broadcast %mul3A_251 : f32 to vector<16xf32>
        %mul3A_253 = arith.mulf %add3A_250, %mul3A_252 : vector<16xf32>
        %max3A_254 = arith.maximumf %add3A_250, %mul3A_253 : vector<16xf32>
        %broadcast_in_dim3A_255 = arith.constant 0.000000e+00 : f32
        %broadcast_in_dim3A_256 = vector.broadcast %broadcast_in_dim3A_255 : f32 to vector<16xf32>
        %select_n3A_257 = arith.select %lt3A, %max3A_254, %broadcast_in_dim3A_256 : vector<16xf32>
        %swap3A_258 = arith.index_cast %scan3A_113 : i32 to index
        %swap3A_259 = arith.constant 96 : index
        %swap3A_260 = tpu.vector_load %arg15[%swap3A_258, %swap3A_259] {strides = array<i32>} : memref<48x128xf32, #tpu.memory_space<vmem>>, vector<16xf32>,
        tpu.vector_store %arg15[%swap3A_258, %swap3A_259], %select_n3A_257 {strides = array<i32>} : memref<48x128xf32, #tpu.memory_space<vmem>>, vector<16xf32>,
        %get3A_261 = arith.index_cast %scan3A_113 : i32 to index
        %get3A_262 = arith.constant 112 : index
        %get3A_263 = tpu.vector_load %arg15[%get3A_261, %get3A_262] {strides = array<i32>} : memref<48x128xf32, #tpu.memory_space<vmem>>, vector<16xf32>,
        %get3A_264 = arith.index_cast %scan3A_113 : i32 to index
        %get3A_265 = arith.constant 112 : index
        %get3A_266 = tpu.vector_load %arg16[%get3A_264, %get3A_265] {strides = array<i32>} : memref<48x128xf32, #tpu.memory_space<vmem>>, vector<16xf32>,
        %add3A_267 = arith.addf %get3A_263, %get3A_266 : vector<16xf32>
        %get3A_268 = arith.index_cast %scan3A_113 : i32 to index
        %get3A_269 = arith.constant 112 : index
        %get3A_270 = tpu.vector_load %arg17[%get3A_268, %get3A_269] {strides = array<i32>} : memref<48x128xf32, #tpu.memory_space<vmem>>, vector<16xf32>,
        %add3A_271 = arith.addf %add3A_267, %get3A_270 : vector<16xf32>
        %mul3A_272 = arith.constant 0.00999999977 : f32
        %mul3A_273 = vector.broadcast %mul3A_272 : f32 to vector<16xf32>
        %mul3A_274 = arith.mulf %add3A_271, %mul3A_273 : vector<16xf32>
        %max3A_275 = arith.maximumf %add3A_271, %mul3A_274 : vector<16xf32>
        %broadcast_in_dim3A_276 = arith.constant 0.000000e+00 : f32
        %broadcast_in_dim3A_277 = vector.broadcast %broadcast_in_dim3A_276 : f32 to vector<16xf32>
        %select_n3A_278 = arith.select %lt3A, %max3A_275, %broadcast_in_dim3A_277 : vector<16xf32>
        %swap3A_279 = arith.index_cast %scan3A_113 : i32 to index
        %swap3A_280 = arith.constant 112 : index
        %swap3A_281 = tpu.vector_load %arg15[%swap3A_279, %swap3A_280] {strides = array<i32>} : memref<48x128xf32, #tpu.memory_space<vmem>>, vector<16xf32>,
        tpu.vector_store %arg15[%swap3A_279, %swap3A_280], %select_n3A_278 {strides = array<i32>} : memref<48x128xf32, #tpu.memory_space<vmem>>, vector<16xf32>,
      }
      %scan3A_112 = arith.constant 48 : i32
      "tpu.region"() ({
        %run_scoped3A = tpu.sem_alloc : memref<!tpu.dma_semaphore, #tpu.memory_space<semaphore_mem>>
        %dma_start3A_113 = arith.constant 0 : i32
        %dma_start3A_114 = tpu.memref_slice %arg12[%while3A_72, %dma_start3A_113] : memref<210x48xi32, #tpu.memory_space<vmem>> -> memref<1x48xi32, #tpu.memory_space<vmem>>
        %dma_start3A_115 = tpu.memref_squeeze %dma_start3A_114 : memref<1x48xi32, #tpu.memory_space<vmem>> -> memref<48xi32, #tpu.memory_space<vmem>>
        %dma_start3A_116 = arith.constant 0 : i32
        %dma_start3A_117 = arith.constant 0 : i32
        %dma_start3A_118 = tpu.memref_slice %arg10[%dma_start3A_116, %dma_start3A_117] : memref<10016x128xf32, #tpu.memory_space<vmem_shared>> -> memref<10016x128xf32, #tpu.memory_space<vmem_shared>>
        tpu.enqueue_indirect_dma source(%arg15 : memref<48x128xf32, #tpu.memory_space<vmem>>) target(%dma_start3A_118 : memref<10016x128xf32, #tpu.memory_space<vmem_shared>>) offsets(%dma_start3A_115 : memref<48xi32, #tpu.memory_space<vmem>>) semaphore(%run_scoped3A : memref<!tpu.dma_semaphore, #tpu.memory_space<semaphore_mem>>) {add = true}
        %dma_wait3A_119 = arith.constant 0 : i32
        %dma_wait3A_120 = tpu.memref_slice %arg12[%while3A_72, %dma_wait3A_119] : memref<210x48xi32, #tpu.memory_space<vmem>> -> memref<1x48xi32, #tpu.memory_space<vmem>>
        %dma_wait3A_121 = tpu.memref_squeeze %dma_wait3A_120 : memref<1x48xi32, #tpu.memory_space<vmem>> -> memref<48xi32, #tpu.memory_space<vmem>>
        %dma_wait3A_122 = arith.constant 0 : i32
        %dma_wait3A_123 = arith.constant 0 : i32
        %dma_wait3A_124 = tpu.memref_slice %arg10[%dma_wait3A_122, %dma_wait3A_123] : memref<10016x128xf32, #tpu.memory_space<vmem_shared>> -> memref<10016x128xf32, #tpu.memory_space<vmem_shared>>
        tpu.wait_indirect_dma semaphore(%run_scoped3A : memref<!tpu.dma_semaphore, #tpu.memory_space<semaphore_mem>>) src(%arg15 : memref<48x128xf32, #tpu.memory_space<vmem>>) dst(%dma_wait3A_124 : memref<10016x128xf32, #tpu.memory_space<vmem_shared>>)
        tpu.yield
      }) : () -> ()
    }
    %barrier3A_71 = arith.constant 0 : index
    tpu.barrier barrier_id(%barrier3A_71)
    "tpu.region"() ({
      %run_scoped3A = tpu.sem_alloc : memref<!tpu.dma_semaphore, #tpu.memory_space<semaphore_mem>>
      %dma_start3A = arith.constant 0 : i32
      %dma_start3A_72 = tpu.memref_slice %arg9[%arg0, %mul3A_15, %dma_start3A] : memref<2x10016x128xf32, #tpu.memory_space<hbm>> -> memref<1x626x128xf32, #tpu.memory_space<hbm>>
      %dma_start3A_73 = tpu.memref_squeeze %dma_start3A_72 : memref<1x626x128xf32, #tpu.memory_space<hbm>> -> memref<626x128xf32, #tpu.memory_space<hbm>>
      %dma_start3A_74 = arith.constant 0 : i32
      %dma_start3A_75 = tpu.memref_slice %arg10[%mul3A_15, %dma_start3A_74] : memref<10016x128xf32, #tpu.memory_space<vmem_shared>> -> memref<626x128xf32, #tpu.memory_space<vmem_shared>>
      tpu.enqueue_dma source(%dma_start3A_75 : memref<626x128xf32, #tpu.memory_space<vmem_shared>>) target(%dma_start3A_73 : memref<626x128xf32, #tpu.memory_space<hbm>>) target_semaphore(%run_scoped3A : memref<!tpu.dma_semaphore, #tpu.memory_space<semaphore_mem>>)
      %dma_wait3A = arith.constant 0 : i32
      %dma_wait3A_76 = tpu.memref_slice %arg9[%arg0, %mul3A_15, %dma_wait3A] : memref<2x10016x128xf32, #tpu.memory_space<hbm>> -> memref<1x626x128xf32, #tpu.memory_space<hbm>>
      %dma_wait3A_77 = tpu.memref_squeeze %dma_wait3A_76 : memref<1x626x128xf32, #tpu.memory_space<hbm>> -> memref<626x128xf32, #tpu.memory_space<hbm>>
      %dma_wait3A_78 = arith.constant 0 : i32
      %dma_wait3A_79 = tpu.memref_slice %arg10[%mul3A_15, %dma_wait3A_78] : memref<10016x128xf32, #tpu.memory_space<vmem_shared>> -> memref<626x128xf32, #tpu.memory_space<vmem_shared>>
      tpu.wait_dma2 semaphore(%run_scoped3A : memref<!tpu.dma_semaphore, #tpu.memory_space<semaphore_mem>>) src(%dma_wait3A_79 : memref<626x128xf32, #tpu.memory_space<vmem_shared>>) dst(%dma_wait3A_77 : memref<626x128xf32, #tpu.memory_space<hbm>>)
      tpu.yield
    }) : () -> ()
    return
  }
}

#map = affine_map<(d0, d1) -> (0)>
#map1 = affine_map<(d0, d1) -> (0, 0)>
#map2 = affine_map<(d0, d1) -> (0, 0, 0)>
module attributes {stable_mosaic.version = 14 : i64} {
  func.func @_compact_body(%arg0: i32, %arg1: i32, %arg2: memref<320000xi32, #tpu.memory_space<hbm>>, %arg3: memref<320000xi32, #tpu.memory_space<hbm>>, %arg4: memref<10000xi32, #tpu.memory_space<hbm>>, %arg5: memref<32x10080xi32, #tpu.memory_space<hbm>>, %arg6: memref<32x10080xi32, #tpu.memory_space<hbm>>, %arg7: memref<32x10080xi32, #tpu.memory_space<hbm>>, %arg8: memref<32x16xi32, #tpu.memory_space<hbm>>, %arg9: memref<2x10016x16xf32, #tpu.memory_space<hbm>>, %arg10: memref<10016x16xf32, #tpu.memory_space<vmem_shared>>, %arg11: memref<10000xi32, #tpu.memory_space<vmem>>, %arg12: memref<2000xi32, #tpu.memory_space<vmem>>, %arg13: memref<2000xi32, #tpu.memory_space<vmem>>, %arg14: memref<10080xi32, #tpu.memory_space<vmem>>, %arg15: memref<10080xi32, #tpu.memory_space<vmem>>, %arg16: memref<10080xi32, #tpu.memory_space<vmem>>, %arg17: memref<210x48xi32, #tpu.memory_space<vmem>>, %arg18: memref<48x16xf32, #tpu.memory_space<vmem>>, %arg19: memref<16xi32, #tpu.memory_space<vmem>>) attributes {dimension_semantics = [#tpu.dimension_semantics<core_parallel>, #tpu.dimension_semantics<subcore_parallel>], iteration_bounds = array<i64: 2, 16>, scalar_prefetch = 0 : i64, scratch_operands = 10 : i64, tpu.core_type = #tpu.core_type<sc_vector_subcore>, window_params = [{transform_indices = #map}, {transform_indices = #map}, {transform_indices = #map}, {transform_indices = #map1}, {transform_indices = #map1}, {transform_indices = #map1}, {transform_indices = #map1}, {transform_indices = #map2}]} {
    %mul3A = arith.constant 16 : i32
    %mul3A_0 = arith.muli %arg0, %mul3A : i32
    %add3A = arith.addi %mul3A_0, %arg1 : i32
    "tpu.region"() ({
      %run_scoped3A = tpu.sem_alloc : memref<!tpu.dma_semaphore, #tpu.memory_space<semaphore_mem>>
      tpu.enqueue_dma source(%arg4 : memref<10000xi32, #tpu.memory_space<hbm>>) target(%arg11 : memref<10000xi32, #tpu.memory_space<vmem>>) target_semaphore(%run_scoped3A : memref<!tpu.dma_semaphore, #tpu.memory_space<semaphore_mem>>)
      tpu.wait_dma2 semaphore(%run_scoped3A : memref<!tpu.dma_semaphore, #tpu.memory_space<semaphore_mem>>) src(%arg4 : memref<10000xi32, #tpu.memory_space<hbm>>) dst(%arg11 : memref<10000xi32, #tpu.memory_space<vmem>>)
      tpu.yield
    }) : () -> ()
    %broadcast_in_dim3A = arith.constant 0 : i32
    %broadcast_in_dim3A_1 = vector.broadcast %broadcast_in_dim3A : i32 to vector<16xi32>
    %scan3A = arith.constant 0 : i32
    %scan3A_2 = arith.constant 0 : i32
    %scan3A_3 = arith.constant 630 : i32
    %scan3A_4 = arith.addi %scan3A_2, %scan3A_3 : i32
    %scan3A_5 = arith.constant 1 : i32
    scf.for %scan3A_130 = %scan3A_2 to %scan3A_4 step %scan3A_5  : i32 {
      %mul3A_131 = arith.constant 16 : i32
      %mul3A_132 = arith.muli %scan3A_130, %mul3A_131 : i32
      %swap3A_133 = arith.index_cast %mul3A_132 : i32 to index
      %swap3A_134 = tpu.vector_load %arg14[%swap3A_133] {strides = array<i32>} : memref<10080xi32, #tpu.memory_space<vmem>>, vector<16xi32>,
      tpu.vector_store %arg14[%swap3A_133], %broadcast_in_dim3A_1 {strides = array<i32>} : memref<10080xi32, #tpu.memory_space<vmem>>, vector<16xi32>,
      %swap3A_135 = arith.index_cast %mul3A_132 : i32 to index
      %swap3A_136 = tpu.vector_load %arg15[%swap3A_135] {strides = array<i32>} : memref<10080xi32, #tpu.memory_space<vmem>>, vector<16xi32>,
      tpu.vector_store %arg15[%swap3A_135], %broadcast_in_dim3A_1 {strides = array<i32>} : memref<10080xi32, #tpu.memory_space<vmem>>, vector<16xi32>,
      %swap3A_137 = arith.index_cast %mul3A_132 : i32 to index
      %swap3A_138 = tpu.vector_load %arg16[%swap3A_137] {strides = array<i32>} : memref<10080xi32, #tpu.memory_space<vmem>>, vector<16xi32>,
      tpu.vector_store %arg16[%swap3A_137], %broadcast_in_dim3A_1 {strides = array<i32>} : memref<10080xi32, #tpu.memory_space<vmem>>, vector<16xi32>,
    }
    %scan3A_6 = arith.constant 630 : i32
    %scan3A_7 = arith.constant 0 : i32
    %scan3A_8 = arith.constant 0 : i32
    %scan3A_9 = arith.constant 48 : i32
    %scan3A_10 = arith.addi %scan3A_8, %scan3A_9 : i32
    %scan3A_11 = arith.constant 1 : i32
    scf.for %scan3A_130 = %scan3A_8 to %scan3A_10 step %scan3A_11  : i32 {
      %broadcast_in_dim3A_131 = arith.constant 0.000000e+00 : f32
      %broadcast_in_dim3A_132 = vector.broadcast %broadcast_in_dim3A_131 : f32 to vector<16xf32>
      %swap3A_133 = arith.index_cast %scan3A_130 : i32 to index
      %swap3A_134 = arith.constant 0 : index
      %swap3A_135 = tpu.vector_load %arg18[%swap3A_133, %swap3A_134] {strides = array<i32>} : memref<48x16xf32, #tpu.memory_space<vmem>>, vector<16xf32>,
      tpu.vector_store %arg18[%swap3A_133, %swap3A_134], %broadcast_in_dim3A_132 {strides = array<i32>} : memref<48x16xf32, #tpu.memory_space<vmem>>, vector<16xf32>,
    }
    %scan3A_12 = arith.constant 48 : i32
    %mul3A_13 = arith.constant 626 : i32
    %mul3A_14 = arith.muli %arg1, %mul3A_13 : i32
    %add3A_15 = arith.constant 0 : i32
    %add3A_16 = arith.addi %mul3A_14, %add3A_15 : i32
    "tpu.region"() ({
      %run_scoped3A = tpu.sem_alloc : memref<!tpu.dma_semaphore, #tpu.memory_space<semaphore_mem>>
      %dma_start3A = arith.constant 0 : i32
      %dma_start3A_130 = tpu.memref_slice %arg10[%add3A_16, %dma_start3A] : memref<10016x16xf32, #tpu.memory_space<vmem_shared>> -> memref<48x16xf32, #tpu.memory_space<vmem_shared>>
      %dma_start3A_131 = arith.constant 0 : i32
      %dma_start3A_132 = tpu.memref_slice %arg10[%add3A_16, %dma_start3A_131] : memref<10016x16xf32, #tpu.memory_space<vmem_shared>> -> memref<48x16xf32, #tpu.memory_space<vmem_shared>>
      tpu.enqueue_dma source(%arg18 : memref<48x16xf32, #tpu.memory_space<vmem>>) target(%dma_start3A_132 : memref<48x16xf32, #tpu.memory_space<vmem_shared>>) target_semaphore(%run_scoped3A : memref<!tpu.dma_semaphore, #tpu.memory_space<semaphore_mem>>)
      %dma_wait3A = arith.constant 0 : i32
      %dma_wait3A_133 = tpu.memref_slice %arg10[%add3A_16, %dma_wait3A] : memref<10016x16xf32, #tpu.memory_space<vmem_shared>> -> memref<48x16xf32, #tpu.memory_space<vmem_shared>>
      %dma_wait3A_134 = arith.constant 0 : i32
      %dma_wait3A_135 = tpu.memref_slice %arg10[%add3A_16, %dma_wait3A_134] : memref<10016x16xf32, #tpu.memory_space<vmem_shared>> -> memref<48x16xf32, #tpu.memory_space<vmem_shared>>
      tpu.wait_dma2 semaphore(%run_scoped3A : memref<!tpu.dma_semaphore, #tpu.memory_space<semaphore_mem>>) src(%arg18 : memref<48x16xf32, #tpu.memory_space<vmem>>) dst(%dma_wait3A_135 : memref<48x16xf32, #tpu.memory_space<vmem_shared>>)
      tpu.yield
    }) : () -> ()
    %add3A_17 = arith.constant 48 : i32
    %add3A_18 = arith.addi %mul3A_14, %add3A_17 : i32
    "tpu.region"() ({
      %run_scoped3A = tpu.sem_alloc : memref<!tpu.dma_semaphore, #tpu.memory_space<semaphore_mem>>
      %dma_start3A = arith.constant 0 : i32
      %dma_start3A_130 = tpu.memref_slice %arg10[%add3A_18, %dma_start3A] : memref<10016x16xf32, #tpu.memory_space<vmem_shared>> -> memref<48x16xf32, #tpu.memory_space<vmem_shared>>
      %dma_start3A_131 = arith.constant 0 : i32
      %dma_start3A_132 = tpu.memref_slice %arg10[%add3A_18, %dma_start3A_131] : memref<10016x16xf32, #tpu.memory_space<vmem_shared>> -> memref<48x16xf32, #tpu.memory_space<vmem_shared>>
      tpu.enqueue_dma source(%arg18 : memref<48x16xf32, #tpu.memory_space<vmem>>) target(%dma_start3A_132 : memref<48x16xf32, #tpu.memory_space<vmem_shared>>) target_semaphore(%run_scoped3A : memref<!tpu.dma_semaphore, #tpu.memory_space<semaphore_mem>>)
      %dma_wait3A = arith.constant 0 : i32
      %dma_wait3A_133 = tpu.memref_slice %arg10[%add3A_18, %dma_wait3A] : memref<10016x16xf32, #tpu.memory_space<vmem_shared>> -> memref<48x16xf32, #tpu.memory_space<vmem_shared>>
      %dma_wait3A_134 = arith.constant 0 : i32
      %dma_wait3A_135 = tpu.memref_slice %arg10[%add3A_18, %dma_wait3A_134] : memref<10016x16xf32, #tpu.memory_space<vmem_shared>> -> memref<48x16xf32, #tpu.memory_space<vmem_shared>>
      tpu.wait_dma2 semaphore(%run_scoped3A : memref<!tpu.dma_semaphore, #tpu.memory_space<semaphore_mem>>) src(%arg18 : memref<48x16xf32, #tpu.memory_space<vmem>>) dst(%dma_wait3A_135 : memref<48x16xf32, #tpu.memory_space<vmem_shared>>)
      tpu.yield
    }) : () -> ()
    %add3A_19 = arith.constant 96 : i32
    %add3A_20 = arith.addi %mul3A_14, %add3A_19 : i32
    "tpu.region"() ({
      %run_scoped3A = tpu.sem_alloc : memref<!tpu.dma_semaphore, #tpu.memory_space<semaphore_mem>>
      %dma_start3A = arith.constant 0 : i32
      %dma_start3A_130 = tpu.memref_slice %arg10[%add3A_20, %dma_start3A] : memref<10016x16xf32, #tpu.memory_space<vmem_shared>> -> memref<48x16xf32, #tpu.memory_space<vmem_shared>>
      %dma_start3A_131 = arith.constant 0 : i32
      %dma_start3A_132 = tpu.memref_slice %arg10[%add3A_20, %dma_start3A_131] : memref<10016x16xf32, #tpu.memory_space<vmem_shared>> -> memref<48x16xf32, #tpu.memory_space<vmem_shared>>
      tpu.enqueue_dma source(%arg18 : memref<48x16xf32, #tpu.memory_space<vmem>>) target(%dma_start3A_132 : memref<48x16xf32, #tpu.memory_space<vmem_shared>>) target_semaphore(%run_scoped3A : memref<!tpu.dma_semaphore, #tpu.memory_space<semaphore_mem>>)
      %dma_wait3A = arith.constant 0 : i32
      %dma_wait3A_133 = tpu.memref_slice %arg10[%add3A_20, %dma_wait3A] : memref<10016x16xf32, #tpu.memory_space<vmem_shared>> -> memref<48x16xf32, #tpu.memory_space<vmem_shared>>
      %dma_wait3A_134 = arith.constant 0 : i32
      %dma_wait3A_135 = tpu.memref_slice %arg10[%add3A_20, %dma_wait3A_134] : memref<10016x16xf32, #tpu.memory_space<vmem_shared>> -> memref<48x16xf32, #tpu.memory_space<vmem_shared>>
      tpu.wait_dma2 semaphore(%run_scoped3A : memref<!tpu.dma_semaphore, #tpu.memory_space<semaphore_mem>>) src(%arg18 : memref<48x16xf32, #tpu.memory_space<vmem>>) dst(%dma_wait3A_135 : memref<48x16xf32, #tpu.memory_space<vmem_shared>>)
      tpu.yield
    }) : () -> ()
    %add3A_21 = arith.constant 144 : i32
    %add3A_22 = arith.addi %mul3A_14, %add3A_21 : i32
    "tpu.region"() ({
      %run_scoped3A = tpu.sem_alloc : memref<!tpu.dma_semaphore, #tpu.memory_space<semaphore_mem>>
      %dma_start3A = arith.constant 0 : i32
      %dma_start3A_130 = tpu.memref_slice %arg10[%add3A_22, %dma_start3A] : memref<10016x16xf32, #tpu.memory_space<vmem_shared>> -> memref<48x16xf32, #tpu.memory_space<vmem_shared>>
      %dma_start3A_131 = arith.constant 0 : i32
      %dma_start3A_132 = tpu.memref_slice %arg10[%add3A_22, %dma_start3A_131] : memref<10016x16xf32, #tpu.memory_space<vmem_shared>> -> memref<48x16xf32, #tpu.memory_space<vmem_shared>>
      tpu.enqueue_dma source(%arg18 : memref<48x16xf32, #tpu.memory_space<vmem>>) target(%dma_start3A_132 : memref<48x16xf32, #tpu.memory_space<vmem_shared>>) target_semaphore(%run_scoped3A : memref<!tpu.dma_semaphore, #tpu.memory_space<semaphore_mem>>)
      %dma_wait3A = arith.constant 0 : i32
      %dma_wait3A_133 = tpu.memref_slice %arg10[%add3A_22, %dma_wait3A] : memref<10016x16xf32, #tpu.memory_space<vmem_shared>> -> memref<48x16xf32, #tpu.memory_space<vmem_shared>>
      %dma_wait3A_134 = arith.constant 0 : i32
      %dma_wait3A_135 = tpu.memref_slice %arg10[%add3A_22, %dma_wait3A_134] : memref<10016x16xf32, #tpu.memory_space<vmem_shared>> -> memref<48x16xf32, #tpu.memory_space<vmem_shared>>
      tpu.wait_dma2 semaphore(%run_scoped3A : memref<!tpu.dma_semaphore, #tpu.memory_space<semaphore_mem>>) src(%arg18 : memref<48x16xf32, #tpu.memory_space<vmem>>) dst(%dma_wait3A_135 : memref<48x16xf32, #tpu.memory_space<vmem_shared>>)
      tpu.yield
    }) : () -> ()
    %add3A_23 = arith.constant 192 : i32
    %add3A_24 = arith.addi %mul3A_14, %add3A_23 : i32
    "tpu.region"() ({
      %run_scoped3A = tpu.sem_alloc : memref<!tpu.dma_semaphore, #tpu.memory_space<semaphore_mem>>
      %dma_start3A = arith.constant 0 : i32
      %dma_start3A_130 = tpu.memref_slice %arg10[%add3A_24, %dma_start3A] : memref<10016x16xf32, #tpu.memory_space<vmem_shared>> -> memref<48x16xf32, #tpu.memory_space<vmem_shared>>
      %dma_start3A_131 = arith.constant 0 : i32
      %dma_start3A_132 = tpu.memref_slice %arg10[%add3A_24, %dma_start3A_131] : memref<10016x16xf32, #tpu.memory_space<vmem_shared>> -> memref<48x16xf32, #tpu.memory_space<vmem_shared>>
      tpu.enqueue_dma source(%arg18 : memref<48x16xf32, #tpu.memory_space<vmem>>) target(%dma_start3A_132 : memref<48x16xf32, #tpu.memory_space<vmem_shared>>) target_semaphore(%run_scoped3A : memref<!tpu.dma_semaphore, #tpu.memory_space<semaphore_mem>>)
      %dma_wait3A = arith.constant 0 : i32
      %dma_wait3A_133 = tpu.memref_slice %arg10[%add3A_24, %dma_wait3A] : memref<10016x16xf32, #tpu.memory_space<vmem_shared>> -> memref<48x16xf32, #tpu.memory_space<vmem_shared>>
      %dma_wait3A_134 = arith.constant 0 : i32
      %dma_wait3A_135 = tpu.memref_slice %arg10[%add3A_24, %dma_wait3A_134] : memref<10016x16xf32, #tpu.memory_space<vmem_shared>> -> memref<48x16xf32, #tpu.memory_space<vmem_shared>>
      tpu.wait_dma2 semaphore(%run_scoped3A : memref<!tpu.dma_semaphore, #tpu.memory_space<semaphore_mem>>) src(%arg18 : memref<48x16xf32, #tpu.memory_space<vmem>>) dst(%dma_wait3A_135 : memref<48x16xf32, #tpu.memory_space<vmem_shared>>)
      tpu.yield
    }) : () -> ()
    %add3A_25 = arith.constant 240 : i32
    %add3A_26 = arith.addi %mul3A_14, %add3A_25 : i32
    "tpu.region"() ({
      %run_scoped3A = tpu.sem_alloc : memref<!tpu.dma_semaphore, #tpu.memory_space<semaphore_mem>>
      %dma_start3A = arith.constant 0 : i32
      %dma_start3A_130 = tpu.memref_slice %arg10[%add3A_26, %dma_start3A] : memref<10016x16xf32, #tpu.memory_space<vmem_shared>> -> memref<48x16xf32, #tpu.memory_space<vmem_shared>>
      %dma_start3A_131 = arith.constant 0 : i32
      %dma_start3A_132 = tpu.memref_slice %arg10[%add3A_26, %dma_start3A_131] : memref<10016x16xf32, #tpu.memory_space<vmem_shared>> -> memref<48x16xf32, #tpu.memory_space<vmem_shared>>
      tpu.enqueue_dma source(%arg18 : memref<48x16xf32, #tpu.memory_space<vmem>>) target(%dma_start3A_132 : memref<48x16xf32, #tpu.memory_space<vmem_shared>>) target_semaphore(%run_scoped3A : memref<!tpu.dma_semaphore, #tpu.memory_space<semaphore_mem>>)
      %dma_wait3A = arith.constant 0 : i32
      %dma_wait3A_133 = tpu.memref_slice %arg10[%add3A_26, %dma_wait3A] : memref<10016x16xf32, #tpu.memory_space<vmem_shared>> -> memref<48x16xf32, #tpu.memory_space<vmem_shared>>
      %dma_wait3A_134 = arith.constant 0 : i32
      %dma_wait3A_135 = tpu.memref_slice %arg10[%add3A_26, %dma_wait3A_134] : memref<10016x16xf32, #tpu.memory_space<vmem_shared>> -> memref<48x16xf32, #tpu.memory_space<vmem_shared>>
      tpu.wait_dma2 semaphore(%run_scoped3A : memref<!tpu.dma_semaphore, #tpu.memory_space<semaphore_mem>>) src(%arg18 : memref<48x16xf32, #tpu.memory_space<vmem>>) dst(%dma_wait3A_135 : memref<48x16xf32, #tpu.memory_space<vmem_shared>>)
      tpu.yield
    }) : () -> ()
    %add3A_27 = arith.constant 288 : i32
    %add3A_28 = arith.addi %mul3A_14, %add3A_27 : i32
    "tpu.region"() ({
      %run_scoped3A = tpu.sem_alloc : memref<!tpu.dma_semaphore, #tpu.memory_space<semaphore_mem>>
      %dma_start3A = arith.constant 0 : i32
      %dma_start3A_130 = tpu.memref_slice %arg10[%add3A_28, %dma_start3A] : memref<10016x16xf32, #tpu.memory_space<vmem_shared>> -> memref<48x16xf32, #tpu.memory_space<vmem_shared>>
      %dma_start3A_131 = arith.constant 0 : i32
      %dma_start3A_132 = tpu.memref_slice %arg10[%add3A_28, %dma_start3A_131] : memref<10016x16xf32, #tpu.memory_space<vmem_shared>> -> memref<48x16xf32, #tpu.memory_space<vmem_shared>>
      tpu.enqueue_dma source(%arg18 : memref<48x16xf32, #tpu.memory_space<vmem>>) target(%dma_start3A_132 : memref<48x16xf32, #tpu.memory_space<vmem_shared>>) target_semaphore(%run_scoped3A : memref<!tpu.dma_semaphore, #tpu.memory_space<semaphore_mem>>)
      %dma_wait3A = arith.constant 0 : i32
      %dma_wait3A_133 = tpu.memref_slice %arg10[%add3A_28, %dma_wait3A] : memref<10016x16xf32, #tpu.memory_space<vmem_shared>> -> memref<48x16xf32, #tpu.memory_space<vmem_shared>>
      %dma_wait3A_134 = arith.constant 0 : i32
      %dma_wait3A_135 = tpu.memref_slice %arg10[%add3A_28, %dma_wait3A_134] : memref<10016x16xf32, #tpu.memory_space<vmem_shared>> -> memref<48x16xf32, #tpu.memory_space<vmem_shared>>
      tpu.wait_dma2 semaphore(%run_scoped3A : memref<!tpu.dma_semaphore, #tpu.memory_space<semaphore_mem>>) src(%arg18 : memref<48x16xf32, #tpu.memory_space<vmem>>) dst(%dma_wait3A_135 : memref<48x16xf32, #tpu.memory_space<vmem_shared>>)
      tpu.yield
    }) : () -> ()
    %add3A_29 = arith.constant 336 : i32
    %add3A_30 = arith.addi %mul3A_14, %add3A_29 : i32
    "tpu.region"() ({
      %run_scoped3A = tpu.sem_alloc : memref<!tpu.dma_semaphore, #tpu.memory_space<semaphore_mem>>
      %dma_start3A = arith.constant 0 : i32
      %dma_start3A_130 = tpu.memref_slice %arg10[%add3A_30, %dma_start3A] : memref<10016x16xf32, #tpu.memory_space<vmem_shared>> -> memref<48x16xf32, #tpu.memory_space<vmem_shared>>
      %dma_start3A_131 = arith.constant 0 : i32
      %dma_start3A_132 = tpu.memref_slice %arg10[%add3A_30, %dma_start3A_131] : memref<10016x16xf32, #tpu.memory_space<vmem_shared>> -> memref<48x16xf32, #tpu.memory_space<vmem_shared>>
      tpu.enqueue_dma source(%arg18 : memref<48x16xf32, #tpu.memory_space<vmem>>) target(%dma_start3A_132 : memref<48x16xf32, #tpu.memory_space<vmem_shared>>) target_semaphore(%run_scoped3A : memref<!tpu.dma_semaphore, #tpu.memory_space<semaphore_mem>>)
      %dma_wait3A = arith.constant 0 : i32
      %dma_wait3A_133 = tpu.memref_slice %arg10[%add3A_30, %dma_wait3A] : memref<10016x16xf32, #tpu.memory_space<vmem_shared>> -> memref<48x16xf32, #tpu.memory_space<vmem_shared>>
      %dma_wait3A_134 = arith.constant 0 : i32
      %dma_wait3A_135 = tpu.memref_slice %arg10[%add3A_30, %dma_wait3A_134] : memref<10016x16xf32, #tpu.memory_space<vmem_shared>> -> memref<48x16xf32, #tpu.memory_space<vmem_shared>>
      tpu.wait_dma2 semaphore(%run_scoped3A : memref<!tpu.dma_semaphore, #tpu.memory_space<semaphore_mem>>) src(%arg18 : memref<48x16xf32, #tpu.memory_space<vmem>>) dst(%dma_wait3A_135 : memref<48x16xf32, #tpu.memory_space<vmem_shared>>)
      tpu.yield
    }) : () -> ()
    %add3A_31 = arith.constant 384 : i32
    %add3A_32 = arith.addi %mul3A_14, %add3A_31 : i32
    "tpu.region"() ({
      %run_scoped3A = tpu.sem_alloc : memref<!tpu.dma_semaphore, #tpu.memory_space<semaphore_mem>>
      %dma_start3A = arith.constant 0 : i32
      %dma_start3A_130 = tpu.memref_slice %arg10[%add3A_32, %dma_start3A] : memref<10016x16xf32, #tpu.memory_space<vmem_shared>> -> memref<48x16xf32, #tpu.memory_space<vmem_shared>>
      %dma_start3A_131 = arith.constant 0 : i32
      %dma_start3A_132 = tpu.memref_slice %arg10[%add3A_32, %dma_start3A_131] : memref<10016x16xf32, #tpu.memory_space<vmem_shared>> -> memref<48x16xf32, #tpu.memory_space<vmem_shared>>
      tpu.enqueue_dma source(%arg18 : memref<48x16xf32, #tpu.memory_space<vmem>>) target(%dma_start3A_132 : memref<48x16xf32, #tpu.memory_space<vmem_shared>>) target_semaphore(%run_scoped3A : memref<!tpu.dma_semaphore, #tpu.memory_space<semaphore_mem>>)
      %dma_wait3A = arith.constant 0 : i32
      %dma_wait3A_133 = tpu.memref_slice %arg10[%add3A_32, %dma_wait3A] : memref<10016x16xf32, #tpu.memory_space<vmem_shared>> -> memref<48x16xf32, #tpu.memory_space<vmem_shared>>
      %dma_wait3A_134 = arith.constant 0 : i32
      %dma_wait3A_135 = tpu.memref_slice %arg10[%add3A_32, %dma_wait3A_134] : memref<10016x16xf32, #tpu.memory_space<vmem_shared>> -> memref<48x16xf32, #tpu.memory_space<vmem_shared>>
      tpu.wait_dma2 semaphore(%run_scoped3A : memref<!tpu.dma_semaphore, #tpu.memory_space<semaphore_mem>>) src(%arg18 : memref<48x16xf32, #tpu.memory_space<vmem>>) dst(%dma_wait3A_135 : memref<48x16xf32, #tpu.memory_space<vmem_shared>>)
      tpu.yield
    }) : () -> ()
    %add3A_33 = arith.constant 432 : i32
    %add3A_34 = arith.addi %mul3A_14, %add3A_33 : i32
    "tpu.region"() ({
      %run_scoped3A = tpu.sem_alloc : memref<!tpu.dma_semaphore, #tpu.memory_space<semaphore_mem>>
      %dma_start3A = arith.constant 0 : i32
      %dma_start3A_130 = tpu.memref_slice %arg10[%add3A_34, %dma_start3A] : memref<10016x16xf32, #tpu.memory_space<vmem_shared>> -> memref<48x16xf32, #tpu.memory_space<vmem_shared>>
      %dma_start3A_131 = arith.constant 0 : i32
      %dma_start3A_132 = tpu.memref_slice %arg10[%add3A_34, %dma_start3A_131] : memref<10016x16xf32, #tpu.memory_space<vmem_shared>> -> memref<48x16xf32, #tpu.memory_space<vmem_shared>>
      tpu.enqueue_dma source(%arg18 : memref<48x16xf32, #tpu.memory_space<vmem>>) target(%dma_start3A_132 : memref<48x16xf32, #tpu.memory_space<vmem_shared>>) target_semaphore(%run_scoped3A : memref<!tpu.dma_semaphore, #tpu.memory_space<semaphore_mem>>)
      %dma_wait3A = arith.constant 0 : i32
      %dma_wait3A_133 = tpu.memref_slice %arg10[%add3A_34, %dma_wait3A] : memref<10016x16xf32, #tpu.memory_space<vmem_shared>> -> memref<48x16xf32, #tpu.memory_space<vmem_shared>>
      %dma_wait3A_134 = arith.constant 0 : i32
      %dma_wait3A_135 = tpu.memref_slice %arg10[%add3A_34, %dma_wait3A_134] : memref<10016x16xf32, #tpu.memory_space<vmem_shared>> -> memref<48x16xf32, #tpu.memory_space<vmem_shared>>
      tpu.wait_dma2 semaphore(%run_scoped3A : memref<!tpu.dma_semaphore, #tpu.memory_space<semaphore_mem>>) src(%arg18 : memref<48x16xf32, #tpu.memory_space<vmem>>) dst(%dma_wait3A_135 : memref<48x16xf32, #tpu.memory_space<vmem_shared>>)
      tpu.yield
    }) : () -> ()
    %add3A_35 = arith.constant 480 : i32
    %add3A_36 = arith.addi %mul3A_14, %add3A_35 : i32
    "tpu.region"() ({
      %run_scoped3A = tpu.sem_alloc : memref<!tpu.dma_semaphore, #tpu.memory_space<semaphore_mem>>
      %dma_start3A = arith.constant 0 : i32
      %dma_start3A_130 = tpu.memref_slice %arg10[%add3A_36, %dma_start3A] : memref<10016x16xf32, #tpu.memory_space<vmem_shared>> -> memref<48x16xf32, #tpu.memory_space<vmem_shared>>
      %dma_start3A_131 = arith.constant 0 : i32
      %dma_start3A_132 = tpu.memref_slice %arg10[%add3A_36, %dma_start3A_131] : memref<10016x16xf32, #tpu.memory_space<vmem_shared>> -> memref<48x16xf32, #tpu.memory_space<vmem_shared>>
      tpu.enqueue_dma source(%arg18 : memref<48x16xf32, #tpu.memory_space<vmem>>) target(%dma_start3A_132 : memref<48x16xf32, #tpu.memory_space<vmem_shared>>) target_semaphore(%run_scoped3A : memref<!tpu.dma_semaphore, #tpu.memory_space<semaphore_mem>>)
      %dma_wait3A = arith.constant 0 : i32
      %dma_wait3A_133 = tpu.memref_slice %arg10[%add3A_36, %dma_wait3A] : memref<10016x16xf32, #tpu.memory_space<vmem_shared>> -> memref<48x16xf32, #tpu.memory_space<vmem_shared>>
      %dma_wait3A_134 = arith.constant 0 : i32
      %dma_wait3A_135 = tpu.memref_slice %arg10[%add3A_36, %dma_wait3A_134] : memref<10016x16xf32, #tpu.memory_space<vmem_shared>> -> memref<48x16xf32, #tpu.memory_space<vmem_shared>>
      tpu.wait_dma2 semaphore(%run_scoped3A : memref<!tpu.dma_semaphore, #tpu.memory_space<semaphore_mem>>) src(%arg18 : memref<48x16xf32, #tpu.memory_space<vmem>>) dst(%dma_wait3A_135 : memref<48x16xf32, #tpu.memory_space<vmem_shared>>)
      tpu.yield
    }) : () -> ()
    %add3A_37 = arith.constant 528 : i32
    %add3A_38 = arith.addi %mul3A_14, %add3A_37 : i32
    "tpu.region"() ({
      %run_scoped3A = tpu.sem_alloc : memref<!tpu.dma_semaphore, #tpu.memory_space<semaphore_mem>>
      %dma_start3A = arith.constant 0 : i32
      %dma_start3A_130 = tpu.memref_slice %arg10[%add3A_38, %dma_start3A] : memref<10016x16xf32, #tpu.memory_space<vmem_shared>> -> memref<48x16xf32, #tpu.memory_space<vmem_shared>>
      %dma_start3A_131 = arith.constant 0 : i32
      %dma_start3A_132 = tpu.memref_slice %arg10[%add3A_38, %dma_start3A_131] : memref<10016x16xf32, #tpu.memory_space<vmem_shared>> -> memref<48x16xf32, #tpu.memory_space<vmem_shared>>
      tpu.enqueue_dma source(%arg18 : memref<48x16xf32, #tpu.memory_space<vmem>>) target(%dma_start3A_132 : memref<48x16xf32, #tpu.memory_space<vmem_shared>>) target_semaphore(%run_scoped3A : memref<!tpu.dma_semaphore, #tpu.memory_space<semaphore_mem>>)
      %dma_wait3A = arith.constant 0 : i32
      %dma_wait3A_133 = tpu.memref_slice %arg10[%add3A_38, %dma_wait3A] : memref<10016x16xf32, #tpu.memory_space<vmem_shared>> -> memref<48x16xf32, #tpu.memory_space<vmem_shared>>
      %dma_wait3A_134 = arith.constant 0 : i32
      %dma_wait3A_135 = tpu.memref_slice %arg10[%add3A_38, %dma_wait3A_134] : memref<10016x16xf32, #tpu.memory_space<vmem_shared>> -> memref<48x16xf32, #tpu.memory_space<vmem_shared>>
      tpu.wait_dma2 semaphore(%run_scoped3A : memref<!tpu.dma_semaphore, #tpu.memory_space<semaphore_mem>>) src(%arg18 : memref<48x16xf32, #tpu.memory_space<vmem>>) dst(%dma_wait3A_135 : memref<48x16xf32, #tpu.memory_space<vmem_shared>>)
      tpu.yield
    }) : () -> ()
    %add3A_39 = arith.constant 576 : i32
    %add3A_40 = arith.addi %mul3A_14, %add3A_39 : i32
    "tpu.region"() ({
      %run_scoped3A = tpu.sem_alloc : memref<!tpu.dma_semaphore, #tpu.memory_space<semaphore_mem>>
      %dma_start3A = arith.constant 0 : i32
      %dma_start3A_130 = tpu.memref_slice %arg10[%add3A_40, %dma_start3A] : memref<10016x16xf32, #tpu.memory_space<vmem_shared>> -> memref<48x16xf32, #tpu.memory_space<vmem_shared>>
      %dma_start3A_131 = arith.constant 0 : i32
      %dma_start3A_132 = tpu.memref_slice %arg10[%add3A_40, %dma_start3A_131] : memref<10016x16xf32, #tpu.memory_space<vmem_shared>> -> memref<48x16xf32, #tpu.memory_space<vmem_shared>>
      tpu.enqueue_dma source(%arg18 : memref<48x16xf32, #tpu.memory_space<vmem>>) target(%dma_start3A_132 : memref<48x16xf32, #tpu.memory_space<vmem_shared>>) target_semaphore(%run_scoped3A : memref<!tpu.dma_semaphore, #tpu.memory_space<semaphore_mem>>)
      %dma_wait3A = arith.constant 0 : i32
      %dma_wait3A_133 = tpu.memref_slice %arg10[%add3A_40, %dma_wait3A] : memref<10016x16xf32, #tpu.memory_space<vmem_shared>> -> memref<48x16xf32, #tpu.memory_space<vmem_shared>>
      %dma_wait3A_134 = arith.constant 0 : i32
      %dma_wait3A_135 = tpu.memref_slice %arg10[%add3A_40, %dma_wait3A_134] : memref<10016x16xf32, #tpu.memory_space<vmem_shared>> -> memref<48x16xf32, #tpu.memory_space<vmem_shared>>
      tpu.wait_dma2 semaphore(%run_scoped3A : memref<!tpu.dma_semaphore, #tpu.memory_space<semaphore_mem>>) src(%arg18 : memref<48x16xf32, #tpu.memory_space<vmem>>) dst(%dma_wait3A_135 : memref<48x16xf32, #tpu.memory_space<vmem_shared>>)
      tpu.yield
    }) : () -> ()
    %add3A_41 = arith.constant 624 : i32
    %add3A_42 = arith.addi %mul3A_14, %add3A_41 : i32
    "tpu.region"() ({
      %run_scoped3A = tpu.sem_alloc : memref<!tpu.dma_semaphore, #tpu.memory_space<semaphore_mem>>
      %dma_start3A = arith.constant 0 : i32
      %dma_start3A_130 = arith.constant 0 : i32
      %dma_start3A_131 = tpu.memref_slice %arg18[%dma_start3A, %dma_start3A_130] : memref<48x16xf32, #tpu.memory_space<vmem>> -> memref<2x16xf32, #tpu.memory_space<vmem>>
      %dma_start3A_132 = arith.constant 0 : i32
      %dma_start3A_133 = tpu.memref_slice %arg10[%add3A_42, %dma_start3A_132] : memref<10016x16xf32, #tpu.memory_space<vmem_shared>> -> memref<2x16xf32, #tpu.memory_space<vmem_shared>>
      %dma_start3A_134 = arith.constant 0 : i32
      %dma_start3A_135 = tpu.memref_slice %arg10[%add3A_42, %dma_start3A_134] : memref<10016x16xf32, #tpu.memory_space<vmem_shared>> -> memref<2x16xf32, #tpu.memory_space<vmem_shared>>
      %dma_start3A_136 = arith.constant 0 : i32
      %dma_start3A_137 = arith.constant 0 : i32
      %dma_start3A_138 = tpu.memref_slice %arg18[%dma_start3A_136, %dma_start3A_137] : memref<48x16xf32, #tpu.memory_space<vmem>> -> memref<2x16xf32, #tpu.memory_space<vmem>>
      tpu.enqueue_dma source(%dma_start3A_138 : memref<2x16xf32, #tpu.memory_space<vmem>>) target(%dma_start3A_135 : memref<2x16xf32, #tpu.memory_space<vmem_shared>>) target_semaphore(%run_scoped3A : memref<!tpu.dma_semaphore, #tpu.memory_space<semaphore_mem>>)
      %dma_wait3A = arith.constant 0 : i32
      %dma_wait3A_139 = arith.constant 0 : i32
      %dma_wait3A_140 = tpu.memref_slice %arg18[%dma_wait3A, %dma_wait3A_139] : memref<48x16xf32, #tpu.memory_space<vmem>> -> memref<2x16xf32, #tpu.memory_space<vmem>>
      %dma_wait3A_141 = arith.constant 0 : i32
      %dma_wait3A_142 = tpu.memref_slice %arg10[%add3A_42, %dma_wait3A_141] : memref<10016x16xf32, #tpu.memory_space<vmem_shared>> -> memref<2x16xf32, #tpu.memory_space<vmem_shared>>
      %dma_wait3A_143 = arith.constant 0 : i32
      %dma_wait3A_144 = tpu.memref_slice %arg10[%add3A_42, %dma_wait3A_143] : memref<10016x16xf32, #tpu.memory_space<vmem_shared>> -> memref<2x16xf32, #tpu.memory_space<vmem_shared>>
      %dma_wait3A_145 = arith.constant 0 : i32
      %dma_wait3A_146 = arith.constant 0 : i32
      %dma_wait3A_147 = tpu.memref_slice %arg18[%dma_wait3A_145, %dma_wait3A_146] : memref<48x16xf32, #tpu.memory_space<vmem>> -> memref<2x16xf32, #tpu.memory_space<vmem>>
      tpu.wait_dma2 semaphore(%run_scoped3A : memref<!tpu.dma_semaphore, #tpu.memory_space<semaphore_mem>>) src(%dma_wait3A_147 : memref<2x16xf32, #tpu.memory_space<vmem>>) dst(%dma_wait3A_144 : memref<2x16xf32, #tpu.memory_space<vmem_shared>>)
      tpu.yield
    }) : () -> ()
    %mul3A_43 = arith.constant 10000 : i32
    %mul3A_44 = arith.muli %add3A, %mul3A_43 : i32
    %add3A_45 = arith.constant 0 : i32
    %add3A_46 = arith.addi %mul3A_44, %add3A_45 : i32
    "tpu.region"() ({
      %run_scoped3A = tpu.sem_alloc : memref<!tpu.dma_semaphore, #tpu.memory_space<semaphore_mem>>
      %dma_start3A = tpu.memref_slice %arg2[%add3A_46] : memref<320000xi32, #tpu.memory_space<hbm>> -> memref<2000xi32, #tpu.memory_space<hbm>>
      %dma_start3A_130 = tpu.memref_slice %arg2[%add3A_46] : memref<320000xi32, #tpu.memory_space<hbm>> -> memref<2000xi32, #tpu.memory_space<hbm>>
      tpu.enqueue_dma source(%dma_start3A_130 : memref<2000xi32, #tpu.memory_space<hbm>>) target(%arg12 : memref<2000xi32, #tpu.memory_space<vmem>>) target_semaphore(%run_scoped3A : memref<!tpu.dma_semaphore, #tpu.memory_space<semaphore_mem>>)
      %dma_wait3A = tpu.memref_slice %arg2[%add3A_46] : memref<320000xi32, #tpu.memory_space<hbm>> -> memref<2000xi32, #tpu.memory_space<hbm>>
      %dma_wait3A_131 = tpu.memref_slice %arg2[%add3A_46] : memref<320000xi32, #tpu.memory_space<hbm>> -> memref<2000xi32, #tpu.memory_space<hbm>>
      tpu.wait_dma2 semaphore(%run_scoped3A : memref<!tpu.dma_semaphore, #tpu.memory_space<semaphore_mem>>) src(%dma_wait3A_131 : memref<2000xi32, #tpu.memory_space<hbm>>) dst(%arg12 : memref<2000xi32, #tpu.memory_space<vmem>>)
      tpu.yield
    }) : () -> ()
    "tpu.region"() ({
      %run_scoped3A = tpu.sem_alloc : memref<!tpu.dma_semaphore, #tpu.memory_space<semaphore_mem>>
      %dma_start3A = tpu.memref_slice %arg3[%add3A_46] : memref<320000xi32, #tpu.memory_space<hbm>> -> memref<2000xi32, #tpu.memory_space<hbm>>
      %dma_start3A_130 = tpu.memref_slice %arg3[%add3A_46] : memref<320000xi32, #tpu.memory_space<hbm>> -> memref<2000xi32, #tpu.memory_space<hbm>>
      tpu.enqueue_dma source(%dma_start3A_130 : memref<2000xi32, #tpu.memory_space<hbm>>) target(%arg13 : memref<2000xi32, #tpu.memory_space<vmem>>) target_semaphore(%run_scoped3A : memref<!tpu.dma_semaphore, #tpu.memory_space<semaphore_mem>>)
      %dma_wait3A = tpu.memref_slice %arg3[%add3A_46] : memref<320000xi32, #tpu.memory_space<hbm>> -> memref<2000xi32, #tpu.memory_space<hbm>>
      %dma_wait3A_131 = tpu.memref_slice %arg3[%add3A_46] : memref<320000xi32, #tpu.memory_space<hbm>> -> memref<2000xi32, #tpu.memory_space<hbm>>
      tpu.wait_dma2 semaphore(%run_scoped3A : memref<!tpu.dma_semaphore, #tpu.memory_space<semaphore_mem>>) src(%dma_wait3A_131 : memref<2000xi32, #tpu.memory_space<hbm>>) dst(%arg13 : memref<2000xi32, #tpu.memory_space<vmem>>)
      tpu.yield
    }) : () -> ()
    %scan3A_47 = arith.constant 0 : i32
    %scan3A_48 = arith.constant 0 : i32
    %scan3A_49 = arith.constant 125 : i32
    %scan3A_50 = arith.addi %scan3A_48, %scan3A_49 : i32
    %scan3A_51 = arith.constant 1 : i32
    %scan3A_52 = scf.for %scan3A_130 = %scan3A_48 to %scan3A_50 step %scan3A_51 iter_args(%scan3A_131 = %scan3A_47) -> (i32)  : i32 {
      %mul3A_132 = arith.constant 16 : i32
      %mul3A_133 = arith.muli %scan3A_130, %mul3A_132 : i32
      %get3A = arith.index_cast %mul3A_133 : i32 to index
      %get3A_134 = tpu.vector_load %arg12[%get3A] {strides = array<i32>} : memref<2000xi32, #tpu.memory_space<vmem>>, vector<16xi32>,
      %get3A_135 = arith.index_cast %mul3A_133 : i32 to index
      %get3A_136 = tpu.vector_load %arg13[%get3A_135] {strides = array<i32>} : memref<2000xi32, #tpu.memory_space<vmem>>, vector<16xi32>,
      %gather3A = tpu.vector_load_idx %arg11[%get3A_134] : memref<10000xi32, #tpu.memory_space<vmem>>[vector<16xi32>], vector<16xi32>,
      %eq3A = arith.constant 2 : i32
      %eq3A_137 = vector.broadcast %eq3A : i32 to vector<16xi32>
      %eq3A_138 = arith.cmpi eq, %gather3A, %eq3A_137 : vector<16xi32>
      %all_reduce_population_count3A = tpu.all_reduce %eq3A_138 {dim = 0 : i64, kind = #tpu.reduction_kind<sum>} : vector<16xi1> -> vector<16xi32>
      %slice3A = vector.extract_strided_slice %all_reduce_population_count3A {offsets = [0], sizes = [1], strides = [1]} : vector<16xi32> to vector<1xi32>
      %squeeze3A = vector.extract %slice3A[0] : i32 from vector<1xi32>
      %swap3A_139 = arith.index_cast %scan3A_131 : i32 to index
      %swap3A_140 = tpu.vector_load %arg14[%swap3A_139] masked %eq3A_138 {strides = array<i32>} : memref<10080xi32, #tpu.memory_space<vmem>>, vector<16xi32>, vector<16xi1>
      tpu.vector_store %arg14[%swap3A_139], %get3A_134 masked %eq3A_138 {strides = array<i32>} : memref<10080xi32, #tpu.memory_space<vmem>>, vector<16xi32>, vector<16xi1>
      %swap3A_141 = arith.index_cast %scan3A_131 : i32 to index
      %swap3A_142 = tpu.vector_load %arg15[%swap3A_141] masked %eq3A_138 {strides = array<i32>} : memref<10080xi32, #tpu.memory_space<vmem>>, vector<16xi32>, vector<16xi1>
      tpu.vector_store %arg15[%swap3A_141], %get3A_136 masked %eq3A_138 {strides = array<i32>} : memref<10080xi32, #tpu.memory_space<vmem>>, vector<16xi32>, vector<16xi1>
      %mul3A_143 = arith.constant 16 : i32
      %mul3A_144 = arith.muli %scan3A_130, %mul3A_143 : i32
      %add3A_145 = arith.addi %add3A_46, %mul3A_144 : i32
      %iota3A = tpu.iota {dimensions = array<i32: 0>} : vector<16xi32>
      %add3A_146 = vector.broadcast %add3A_145 : i32 to vector<16xi32>
      %add3A_147 = arith.addi %add3A_146, %iota3A : vector<16xi32>
      %swap3A_148 = arith.index_cast %scan3A_131 : i32 to index
      %swap3A_149 = tpu.vector_load %arg16[%swap3A_148] masked %eq3A_138 {strides = array<i32>} : memref<10080xi32, #tpu.memory_space<vmem>>, vector<16xi32>, vector<16xi1>
      tpu.vector_store %arg16[%swap3A_148], %add3A_147 masked %eq3A_138 {strides = array<i32>} : memref<10080xi32, #tpu.memory_space<vmem>>, vector<16xi32>, vector<16xi1>
      %add3A_150 = arith.addi %scan3A_131, %squeeze3A : i32
      scf.yield %add3A_150 : i32
    }
    %scan3A_53 = arith.constant 125 : i32
    %mul3A_54 = arith.constant 10000 : i32
    %mul3A_55 = arith.muli %add3A, %mul3A_54 : i32
    %add3A_56 = arith.constant 2000 : i32
    %add3A_57 = arith.addi %mul3A_55, %add3A_56 : i32
    "tpu.region"() ({
      %run_scoped3A = tpu.sem_alloc : memref<!tpu.dma_semaphore, #tpu.memory_space<semaphore_mem>>
      %dma_start3A = tpu.memref_slice %arg2[%add3A_57] : memref<320000xi32, #tpu.memory_space<hbm>> -> memref<2000xi32, #tpu.memory_space<hbm>>
      %dma_start3A_130 = tpu.memref_slice %arg2[%add3A_57] : memref<320000xi32, #tpu.memory_space<hbm>> -> memref<2000xi32, #tpu.memory_space<hbm>>
      tpu.enqueue_dma source(%dma_start3A_130 : memref<2000xi32, #tpu.memory_space<hbm>>) target(%arg12 : memref<2000xi32, #tpu.memory_space<vmem>>) target_semaphore(%run_scoped3A : memref<!tpu.dma_semaphore, #tpu.memory_space<semaphore_mem>>)
      %dma_wait3A = tpu.memref_slice %arg2[%add3A_57] : memref<320000xi32, #tpu.memory_space<hbm>> -> memref<2000xi32, #tpu.memory_space<hbm>>
      %dma_wait3A_131 = tpu.memref_slice %arg2[%add3A_57] : memref<320000xi32, #tpu.memory_space<hbm>> -> memref<2000xi32, #tpu.memory_space<hbm>>
      tpu.wait_dma2 semaphore(%run_scoped3A : memref<!tpu.dma_semaphore, #tpu.memory_space<semaphore_mem>>) src(%dma_wait3A_131 : memref<2000xi32, #tpu.memory_space<hbm>>) dst(%arg12 : memref<2000xi32, #tpu.memory_space<vmem>>)
      tpu.yield
    }) : () -> ()
    "tpu.region"() ({
      %run_scoped3A = tpu.sem_alloc : memref<!tpu.dma_semaphore, #tpu.memory_space<semaphore_mem>>
      %dma_start3A = tpu.memref_slice %arg3[%add3A_57] : memref<320000xi32, #tpu.memory_space<hbm>> -> memref<2000xi32, #tpu.memory_space<hbm>>
      %dma_start3A_130 = tpu.memref_slice %arg3[%add3A_57] : memref<320000xi32, #tpu.memory_space<hbm>> -> memref<2000xi32, #tpu.memory_space<hbm>>
      tpu.enqueue_dma source(%dma_start3A_130 : memref<2000xi32, #tpu.memory_space<hbm>>) target(%arg13 : memref<2000xi32, #tpu.memory_space<vmem>>) target_semaphore(%run_scoped3A : memref<!tpu.dma_semaphore, #tpu.memory_space<semaphore_mem>>)
      %dma_wait3A = tpu.memref_slice %arg3[%add3A_57] : memref<320000xi32, #tpu.memory_space<hbm>> -> memref<2000xi32, #tpu.memory_space<hbm>>
      %dma_wait3A_131 = tpu.memref_slice %arg3[%add3A_57] : memref<320000xi32, #tpu.memory_space<hbm>> -> memref<2000xi32, #tpu.memory_space<hbm>>
      tpu.wait_dma2 semaphore(%run_scoped3A : memref<!tpu.dma_semaphore, #tpu.memory_space<semaphore_mem>>) src(%dma_wait3A_131 : memref<2000xi32, #tpu.memory_space<hbm>>) dst(%arg13 : memref<2000xi32, #tpu.memory_space<vmem>>)
      tpu.yield
    }) : () -> ()
    %scan3A_58 = arith.constant 0 : i32
    %scan3A_59 = arith.constant 125 : i32
    %scan3A_60 = arith.addi %scan3A_58, %scan3A_59 : i32
    %scan3A_61 = arith.constant 1 : i32
    %scan3A_62 = scf.for %scan3A_130 = %scan3A_58 to %scan3A_60 step %scan3A_61 iter_args(%scan3A_131 = %scan3A_52) -> (i32)  : i32 {
      %mul3A_132 = arith.constant 16 : i32
      %mul3A_133 = arith.muli %scan3A_130, %mul3A_132 : i32
      %get3A = arith.index_cast %mul3A_133 : i32 to index
      %get3A_134 = tpu.vector_load %arg12[%get3A] {strides = array<i32>} : memref<2000xi32, #tpu.memory_space<vmem>>, vector<16xi32>,
      %get3A_135 = arith.index_cast %mul3A_133 : i32 to index
      %get3A_136 = tpu.vector_load %arg13[%get3A_135] {strides = array<i32>} : memref<2000xi32, #tpu.memory_space<vmem>>, vector<16xi32>,
      %gather3A = tpu.vector_load_idx %arg11[%get3A_134] : memref<10000xi32, #tpu.memory_space<vmem>>[vector<16xi32>], vector<16xi32>,
      %eq3A = arith.constant 2 : i32
      %eq3A_137 = vector.broadcast %eq3A : i32 to vector<16xi32>
      %eq3A_138 = arith.cmpi eq, %gather3A, %eq3A_137 : vector<16xi32>
      %all_reduce_population_count3A = tpu.all_reduce %eq3A_138 {dim = 0 : i64, kind = #tpu.reduction_kind<sum>} : vector<16xi1> -> vector<16xi32>
      %slice3A = vector.extract_strided_slice %all_reduce_population_count3A {offsets = [0], sizes = [1], strides = [1]} : vector<16xi32> to vector<1xi32>
      %squeeze3A = vector.extract %slice3A[0] : i32 from vector<1xi32>
      %swap3A_139 = arith.index_cast %scan3A_131 : i32 to index
      %swap3A_140 = tpu.vector_load %arg14[%swap3A_139] masked %eq3A_138 {strides = array<i32>} : memref<10080xi32, #tpu.memory_space<vmem>>, vector<16xi32>, vector<16xi1>
      tpu.vector_store %arg14[%swap3A_139], %get3A_134 masked %eq3A_138 {strides = array<i32>} : memref<10080xi32, #tpu.memory_space<vmem>>, vector<16xi32>, vector<16xi1>
      %swap3A_141 = arith.index_cast %scan3A_131 : i32 to index
      %swap3A_142 = tpu.vector_load %arg15[%swap3A_141] masked %eq3A_138 {strides = array<i32>} : memref<10080xi32, #tpu.memory_space<vmem>>, vector<16xi32>, vector<16xi1>
      tpu.vector_store %arg15[%swap3A_141], %get3A_136 masked %eq3A_138 {strides = array<i32>} : memref<10080xi32, #tpu.memory_space<vmem>>, vector<16xi32>, vector<16xi1>
      %mul3A_143 = arith.constant 16 : i32
      %mul3A_144 = arith.muli %scan3A_130, %mul3A_143 : i32
      %add3A_145 = arith.addi %add3A_57, %mul3A_144 : i32
      %iota3A = tpu.iota {dimensions = array<i32: 0>} : vector<16xi32>
      %add3A_146 = vector.broadcast %add3A_145 : i32 to vector<16xi32>
      %add3A_147 = arith.addi %add3A_146, %iota3A : vector<16xi32>
      %swap3A_148 = arith.index_cast %scan3A_131 : i32 to index
      %swap3A_149 = tpu.vector_load %arg16[%swap3A_148] masked %eq3A_138 {strides = array<i32>} : memref<10080xi32, #tpu.memory_space<vmem>>, vector<16xi32>, vector<16xi1>
      tpu.vector_store %arg16[%swap3A_148], %add3A_147 masked %eq3A_138 {strides = array<i32>} : memref<10080xi32, #tpu.memory_space<vmem>>, vector<16xi32>, vector<16xi1>
      %add3A_150 = arith.addi %scan3A_131, %squeeze3A : i32
      scf.yield %add3A_150 : i32
    }
    %scan3A_63 = arith.constant 125 : i32
    %mul3A_64 = arith.constant 10000 : i32
    %mul3A_65 = arith.muli %add3A, %mul3A_64 : i32
    %add3A_66 = arith.constant 4000 : i32
    %add3A_67 = arith.addi %mul3A_65, %add3A_66 : i32
    "tpu.region"() ({
      %run_scoped3A = tpu.sem_alloc : memref<!tpu.dma_semaphore, #tpu.memory_space<semaphore_mem>>
      %dma_start3A = tpu.memref_slice %arg2[%add3A_67] : memref<320000xi32, #tpu.memory_space<hbm>> -> memref<2000xi32, #tpu.memory_space<hbm>>
      %dma_start3A_130 = tpu.memref_slice %arg2[%add3A_67] : memref<320000xi32, #tpu.memory_space<hbm>> -> memref<2000xi32, #tpu.memory_space<hbm>>
      tpu.enqueue_dma source(%dma_start3A_130 : memref<2000xi32, #tpu.memory_space<hbm>>) target(%arg12 : memref<2000xi32, #tpu.memory_space<vmem>>) target_semaphore(%run_scoped3A : memref<!tpu.dma_semaphore, #tpu.memory_space<semaphore_mem>>)
      %dma_wait3A = tpu.memref_slice %arg2[%add3A_67] : memref<320000xi32, #tpu.memory_space<hbm>> -> memref<2000xi32, #tpu.memory_space<hbm>>
      %dma_wait3A_131 = tpu.memref_slice %arg2[%add3A_67] : memref<320000xi32, #tpu.memory_space<hbm>> -> memref<2000xi32, #tpu.memory_space<hbm>>
      tpu.wait_dma2 semaphore(%run_scoped3A : memref<!tpu.dma_semaphore, #tpu.memory_space<semaphore_mem>>) src(%dma_wait3A_131 : memref<2000xi32, #tpu.memory_space<hbm>>) dst(%arg12 : memref<2000xi32, #tpu.memory_space<vmem>>)
      tpu.yield
    }) : () -> ()
    "tpu.region"() ({
      %run_scoped3A = tpu.sem_alloc : memref<!tpu.dma_semaphore, #tpu.memory_space<semaphore_mem>>
      %dma_start3A = tpu.memref_slice %arg3[%add3A_67] : memref<320000xi32, #tpu.memory_space<hbm>> -> memref<2000xi32, #tpu.memory_space<hbm>>
      %dma_start3A_130 = tpu.memref_slice %arg3[%add3A_67] : memref<320000xi32, #tpu.memory_space<hbm>> -> memref<2000xi32, #tpu.memory_space<hbm>>
      tpu.enqueue_dma source(%dma_start3A_130 : memref<2000xi32, #tpu.memory_space<hbm>>) target(%arg13 : memref<2000xi32, #tpu.memory_space<vmem>>) target_semaphore(%run_scoped3A : memref<!tpu.dma_semaphore, #tpu.memory_space<semaphore_mem>>)
      %dma_wait3A = tpu.memref_slice %arg3[%add3A_67] : memref<320000xi32, #tpu.memory_space<hbm>> -> memref<2000xi32, #tpu.memory_space<hbm>>
      %dma_wait3A_131 = tpu.memref_slice %arg3[%add3A_67] : memref<320000xi32, #tpu.memory_space<hbm>> -> memref<2000xi32, #tpu.memory_space<hbm>>
      tpu.wait_dma2 semaphore(%run_scoped3A : memref<!tpu.dma_semaphore, #tpu.memory_space<semaphore_mem>>) src(%dma_wait3A_131 : memref<2000xi32, #tpu.memory_space<hbm>>) dst(%arg13 : memref<2000xi32, #tpu.memory_space<vmem>>)
      tpu.yield
    }) : () -> ()
    %scan3A_68 = arith.constant 0 : i32
    %scan3A_69 = arith.constant 125 : i32
    %scan3A_70 = arith.addi %scan3A_68, %scan3A_69 : i32
    %scan3A_71 = arith.constant 1 : i32
    %scan3A_72 = scf.for %scan3A_130 = %scan3A_68 to %scan3A_70 step %scan3A_71 iter_args(%scan3A_131 = %scan3A_62) -> (i32)  : i32 {
      %mul3A_132 = arith.constant 16 : i32
      %mul3A_133 = arith.muli %scan3A_130, %mul3A_132 : i32
      %get3A = arith.index_cast %mul3A_133 : i32 to index
      %get3A_134 = tpu.vector_load %arg12[%get3A] {strides = array<i32>} : memref<2000xi32, #tpu.memory_space<vmem>>, vector<16xi32>,
      %get3A_135 = arith.index_cast %mul3A_133 : i32 to index
      %get3A_136 = tpu.vector_load %arg13[%get3A_135] {strides = array<i32>} : memref<2000xi32, #tpu.memory_space<vmem>>, vector<16xi32>,
      %gather3A = tpu.vector_load_idx %arg11[%get3A_134] : memref<10000xi32, #tpu.memory_space<vmem>>[vector<16xi32>], vector<16xi32>,
      %eq3A = arith.constant 2 : i32
      %eq3A_137 = vector.broadcast %eq3A : i32 to vector<16xi32>
      %eq3A_138 = arith.cmpi eq, %gather3A, %eq3A_137 : vector<16xi32>
      %all_reduce_population_count3A = tpu.all_reduce %eq3A_138 {dim = 0 : i64, kind = #tpu.reduction_kind<sum>} : vector<16xi1> -> vector<16xi32>
      %slice3A = vector.extract_strided_slice %all_reduce_population_count3A {offsets = [0], sizes = [1], strides = [1]} : vector<16xi32> to vector<1xi32>
      %squeeze3A = vector.extract %slice3A[0] : i32 from vector<1xi32>
      %swap3A_139 = arith.index_cast %scan3A_131 : i32 to index
      %swap3A_140 = tpu.vector_load %arg14[%swap3A_139] masked %eq3A_138 {strides = array<i32>} : memref<10080xi32, #tpu.memory_space<vmem>>, vector<16xi32>, vector<16xi1>
      tpu.vector_store %arg14[%swap3A_139], %get3A_134 masked %eq3A_138 {strides = array<i32>} : memref<10080xi32, #tpu.memory_space<vmem>>, vector<16xi32>, vector<16xi1>
      %swap3A_141 = arith.index_cast %scan3A_131 : i32 to index
      %swap3A_142 = tpu.vector_load %arg15[%swap3A_141] masked %eq3A_138 {strides = array<i32>} : memref<10080xi32, #tpu.memory_space<vmem>>, vector<16xi32>, vector<16xi1>
      tpu.vector_store %arg15[%swap3A_141], %get3A_136 masked %eq3A_138 {strides = array<i32>} : memref<10080xi32, #tpu.memory_space<vmem>>, vector<16xi32>, vector<16xi1>
      %mul3A_143 = arith.constant 16 : i32
      %mul3A_144 = arith.muli %scan3A_130, %mul3A_143 : i32
      %add3A_145 = arith.addi %add3A_67, %mul3A_144 : i32
      %iota3A = tpu.iota {dimensions = array<i32: 0>} : vector<16xi32>
      %add3A_146 = vector.broadcast %add3A_145 : i32 to vector<16xi32>
      %add3A_147 = arith.addi %add3A_146, %iota3A : vector<16xi32>
      %swap3A_148 = arith.index_cast %scan3A_131 : i32 to index
      %swap3A_149 = tpu.vector_load %arg16[%swap3A_148] masked %eq3A_138 {strides = array<i32>} : memref<10080xi32, #tpu.memory_space<vmem>>, vector<16xi32>, vector<16xi1>
      tpu.vector_store %arg16[%swap3A_148], %add3A_147 masked %eq3A_138 {strides = array<i32>} : memref<10080xi32, #tpu.memory_space<vmem>>, vector<16xi32>, vector<16xi1>
      %add3A_150 = arith.addi %scan3A_131, %squeeze3A : i32
      scf.yield %add3A_150 : i32
    }
    %scan3A_73 = arith.constant 125 : i32
    %mul3A_74 = arith.constant 10000 : i32
    %mul3A_75 = arith.muli %add3A, %mul3A_74 : i32
    %add3A_76 = arith.constant 6000 : i32
    %add3A_77 = arith.addi %mul3A_75, %add3A_76 : i32
    "tpu.region"() ({
      %run_scoped3A = tpu.sem_alloc : memref<!tpu.dma_semaphore, #tpu.memory_space<semaphore_mem>>
      %dma_start3A = tpu.memref_slice %arg2[%add3A_77] : memref<320000xi32, #tpu.memory_space<hbm>> -> memref<2000xi32, #tpu.memory_space<hbm>>
      %dma_start3A_130 = tpu.memref_slice %arg2[%add3A_77] : memref<320000xi32, #tpu.memory_space<hbm>> -> memref<2000xi32, #tpu.memory_space<hbm>>
      tpu.enqueue_dma source(%dma_start3A_130 : memref<2000xi32, #tpu.memory_space<hbm>>) target(%arg12 : memref<2000xi32, #tpu.memory_space<vmem>>) target_semaphore(%run_scoped3A : memref<!tpu.dma_semaphore, #tpu.memory_space<semaphore_mem>>)
      %dma_wait3A = tpu.memref_slice %arg2[%add3A_77] : memref<320000xi32, #tpu.memory_space<hbm>> -> memref<2000xi32, #tpu.memory_space<hbm>>
      %dma_wait3A_131 = tpu.memref_slice %arg2[%add3A_77] : memref<320000xi32, #tpu.memory_space<hbm>> -> memref<2000xi32, #tpu.memory_space<hbm>>
      tpu.wait_dma2 semaphore(%run_scoped3A : memref<!tpu.dma_semaphore, #tpu.memory_space<semaphore_mem>>) src(%dma_wait3A_131 : memref<2000xi32, #tpu.memory_space<hbm>>) dst(%arg12 : memref<2000xi32, #tpu.memory_space<vmem>>)
      tpu.yield
    }) : () -> ()
    "tpu.region"() ({
      %run_scoped3A = tpu.sem_alloc : memref<!tpu.dma_semaphore, #tpu.memory_space<semaphore_mem>>
      %dma_start3A = tpu.memref_slice %arg3[%add3A_77] : memref<320000xi32, #tpu.memory_space<hbm>> -> memref<2000xi32, #tpu.memory_space<hbm>>
      %dma_start3A_130 = tpu.memref_slice %arg3[%add3A_77] : memref<320000xi32, #tpu.memory_space<hbm>> -> memref<2000xi32, #tpu.memory_space<hbm>>
      tpu.enqueue_dma source(%dma_start3A_130 : memref<2000xi32, #tpu.memory_space<hbm>>) target(%arg13 : memref<2000xi32, #tpu.memory_space<vmem>>) target_semaphore(%run_scoped3A : memref<!tpu.dma_semaphore, #tpu.memory_space<semaphore_mem>>)
      %dma_wait3A = tpu.memref_slice %arg3[%add3A_77] : memref<320000xi32, #tpu.memory_space<hbm>> -> memref<2000xi32, #tpu.memory_space<hbm>>
      %dma_wait3A_131 = tpu.memref_slice %arg3[%add3A_77] : memref<320000xi32, #tpu.memory_space<hbm>> -> memref<2000xi32, #tpu.memory_space<hbm>>
      tpu.wait_dma2 semaphore(%run_scoped3A : memref<!tpu.dma_semaphore, #tpu.memory_space<semaphore_mem>>) src(%dma_wait3A_131 : memref<2000xi32, #tpu.memory_space<hbm>>) dst(%arg13 : memref<2000xi32, #tpu.memory_space<vmem>>)
      tpu.yield
    }) : () -> ()
    %scan3A_78 = arith.constant 0 : i32
    %scan3A_79 = arith.constant 125 : i32
    %scan3A_80 = arith.addi %scan3A_78, %scan3A_79 : i32
    %scan3A_81 = arith.constant 1 : i32
    %scan3A_82 = scf.for %scan3A_130 = %scan3A_78 to %scan3A_80 step %scan3A_81 iter_args(%scan3A_131 = %scan3A_72) -> (i32)  : i32 {
      %mul3A_132 = arith.constant 16 : i32
      %mul3A_133 = arith.muli %scan3A_130, %mul3A_132 : i32
      %get3A = arith.index_cast %mul3A_133 : i32 to index
      %get3A_134 = tpu.vector_load %arg12[%get3A] {strides = array<i32>} : memref<2000xi32, #tpu.memory_space<vmem>>, vector<16xi32>,
      %get3A_135 = arith.index_cast %mul3A_133 : i32 to index
      %get3A_136 = tpu.vector_load %arg13[%get3A_135] {strides = array<i32>} : memref<2000xi32, #tpu.memory_space<vmem>>, vector<16xi32>,
      %gather3A = tpu.vector_load_idx %arg11[%get3A_134] : memref<10000xi32, #tpu.memory_space<vmem>>[vector<16xi32>], vector<16xi32>,
      %eq3A = arith.constant 2 : i32
      %eq3A_137 = vector.broadcast %eq3A : i32 to vector<16xi32>
      %eq3A_138 = arith.cmpi eq, %gather3A, %eq3A_137 : vector<16xi32>
      %all_reduce_population_count3A = tpu.all_reduce %eq3A_138 {dim = 0 : i64, kind = #tpu.reduction_kind<sum>} : vector<16xi1> -> vector<16xi32>
      %slice3A = vector.extract_strided_slice %all_reduce_population_count3A {offsets = [0], sizes = [1], strides = [1]} : vector<16xi32> to vector<1xi32>
      %squeeze3A = vector.extract %slice3A[0] : i32 from vector<1xi32>
      %swap3A_139 = arith.index_cast %scan3A_131 : i32 to index
      %swap3A_140 = tpu.vector_load %arg14[%swap3A_139] masked %eq3A_138 {strides = array<i32>} : memref<10080xi32, #tpu.memory_space<vmem>>, vector<16xi32>, vector<16xi1>
      tpu.vector_store %arg14[%swap3A_139], %get3A_134 masked %eq3A_138 {strides = array<i32>} : memref<10080xi32, #tpu.memory_space<vmem>>, vector<16xi32>, vector<16xi1>
      %swap3A_141 = arith.index_cast %scan3A_131 : i32 to index
      %swap3A_142 = tpu.vector_load %arg15[%swap3A_141] masked %eq3A_138 {strides = array<i32>} : memref<10080xi32, #tpu.memory_space<vmem>>, vector<16xi32>, vector<16xi1>
      tpu.vector_store %arg15[%swap3A_141], %get3A_136 masked %eq3A_138 {strides = array<i32>} : memref<10080xi32, #tpu.memory_space<vmem>>, vector<16xi32>, vector<16xi1>
      %mul3A_143 = arith.constant 16 : i32
      %mul3A_144 = arith.muli %scan3A_130, %mul3A_143 : i32
      %add3A_145 = arith.addi %add3A_77, %mul3A_144 : i32
      %iota3A = tpu.iota {dimensions = array<i32: 0>} : vector<16xi32>
      %add3A_146 = vector.broadcast %add3A_145 : i32 to vector<16xi32>
      %add3A_147 = arith.addi %add3A_146, %iota3A : vector<16xi32>
      %swap3A_148 = arith.index_cast %scan3A_131 : i32 to index
      %swap3A_149 = tpu.vector_load %arg16[%swap3A_148] masked %eq3A_138 {strides = array<i32>} : memref<10080xi32, #tpu.memory_space<vmem>>, vector<16xi32>, vector<16xi1>
      tpu.vector_store %arg16[%swap3A_148], %add3A_147 masked %eq3A_138 {strides = array<i32>} : memref<10080xi32, #tpu.memory_space<vmem>>, vector<16xi32>, vector<16xi1>
      %add3A_150 = arith.addi %scan3A_131, %squeeze3A : i32
      scf.yield %add3A_150 : i32
    }
    %scan3A_83 = arith.constant 125 : i32
    %mul3A_84 = arith.constant 10000 : i32
    %mul3A_85 = arith.muli %add3A, %mul3A_84 : i32
    %add3A_86 = arith.constant 8000 : i32
    %add3A_87 = arith.addi %mul3A_85, %add3A_86 : i32
    "tpu.region"() ({
      %run_scoped3A = tpu.sem_alloc : memref<!tpu.dma_semaphore, #tpu.memory_space<semaphore_mem>>
      %dma_start3A = tpu.memref_slice %arg2[%add3A_87] : memref<320000xi32, #tpu.memory_space<hbm>> -> memref<2000xi32, #tpu.memory_space<hbm>>
      %dma_start3A_130 = tpu.memref_slice %arg2[%add3A_87] : memref<320000xi32, #tpu.memory_space<hbm>> -> memref<2000xi32, #tpu.memory_space<hbm>>
      tpu.enqueue_dma source(%dma_start3A_130 : memref<2000xi32, #tpu.memory_space<hbm>>) target(%arg12 : memref<2000xi32, #tpu.memory_space<vmem>>) target_semaphore(%run_scoped3A : memref<!tpu.dma_semaphore, #tpu.memory_space<semaphore_mem>>)
      %dma_wait3A = tpu.memref_slice %arg2[%add3A_87] : memref<320000xi32, #tpu.memory_space<hbm>> -> memref<2000xi32, #tpu.memory_space<hbm>>
      %dma_wait3A_131 = tpu.memref_slice %arg2[%add3A_87] : memref<320000xi32, #tpu.memory_space<hbm>> -> memref<2000xi32, #tpu.memory_space<hbm>>
      tpu.wait_dma2 semaphore(%run_scoped3A : memref<!tpu.dma_semaphore, #tpu.memory_space<semaphore_mem>>) src(%dma_wait3A_131 : memref<2000xi32, #tpu.memory_space<hbm>>) dst(%arg12 : memref<2000xi32, #tpu.memory_space<vmem>>)
      tpu.yield
    }) : () -> ()
    "tpu.region"() ({
      %run_scoped3A = tpu.sem_alloc : memref<!tpu.dma_semaphore, #tpu.memory_space<semaphore_mem>>
      %dma_start3A = tpu.memref_slice %arg3[%add3A_87] : memref<320000xi32, #tpu.memory_space<hbm>> -> memref<2000xi32, #tpu.memory_space<hbm>>
      %dma_start3A_130 = tpu.memref_slice %arg3[%add3A_87] : memref<320000xi32, #tpu.memory_space<hbm>> -> memref<2000xi32, #tpu.memory_space<hbm>>
      tpu.enqueue_dma source(%dma_start3A_130 : memref<2000xi32, #tpu.memory_space<hbm>>) target(%arg13 : memref<2000xi32, #tpu.memory_space<vmem>>) target_semaphore(%run_scoped3A : memref<!tpu.dma_semaphore, #tpu.memory_space<semaphore_mem>>)
      %dma_wait3A = tpu.memref_slice %arg3[%add3A_87] : memref<320000xi32, #tpu.memory_space<hbm>> -> memref<2000xi32, #tpu.memory_space<hbm>>
      %dma_wait3A_131 = tpu.memref_slice %arg3[%add3A_87] : memref<320000xi32, #tpu.memory_space<hbm>> -> memref<2000xi32, #tpu.memory_space<hbm>>
      tpu.wait_dma2 semaphore(%run_scoped3A : memref<!tpu.dma_semaphore, #tpu.memory_space<semaphore_mem>>) src(%dma_wait3A_131 : memref<2000xi32, #tpu.memory_space<hbm>>) dst(%arg13 : memref<2000xi32, #tpu.memory_space<vmem>>)
      tpu.yield
    }) : () -> ()
    %scan3A_88 = arith.constant 0 : i32
    %scan3A_89 = arith.constant 125 : i32
    %scan3A_90 = arith.addi %scan3A_88, %scan3A_89 : i32
    %scan3A_91 = arith.constant 1 : i32
    %scan3A_92 = scf.for %scan3A_130 = %scan3A_88 to %scan3A_90 step %scan3A_91 iter_args(%scan3A_131 = %scan3A_82) -> (i32)  : i32 {
      %mul3A_132 = arith.constant 16 : i32
      %mul3A_133 = arith.muli %scan3A_130, %mul3A_132 : i32
      %get3A = arith.index_cast %mul3A_133 : i32 to index
      %get3A_134 = tpu.vector_load %arg12[%get3A] {strides = array<i32>} : memref<2000xi32, #tpu.memory_space<vmem>>, vector<16xi32>,
      %get3A_135 = arith.index_cast %mul3A_133 : i32 to index
      %get3A_136 = tpu.vector_load %arg13[%get3A_135] {strides = array<i32>} : memref<2000xi32, #tpu.memory_space<vmem>>, vector<16xi32>,
      %gather3A = tpu.vector_load_idx %arg11[%get3A_134] : memref<10000xi32, #tpu.memory_space<vmem>>[vector<16xi32>], vector<16xi32>,
      %eq3A = arith.constant 2 : i32
      %eq3A_137 = vector.broadcast %eq3A : i32 to vector<16xi32>
      %eq3A_138 = arith.cmpi eq, %gather3A, %eq3A_137 : vector<16xi32>
      %all_reduce_population_count3A = tpu.all_reduce %eq3A_138 {dim = 0 : i64, kind = #tpu.reduction_kind<sum>} : vector<16xi1> -> vector<16xi32>
      %slice3A = vector.extract_strided_slice %all_reduce_population_count3A {offsets = [0], sizes = [1], strides = [1]} : vector<16xi32> to vector<1xi32>
      %squeeze3A = vector.extract %slice3A[0] : i32 from vector<1xi32>
      %swap3A_139 = arith.index_cast %scan3A_131 : i32 to index
      %swap3A_140 = tpu.vector_load %arg14[%swap3A_139] masked %eq3A_138 {strides = array<i32>} : memref<10080xi32, #tpu.memory_space<vmem>>, vector<16xi32>, vector<16xi1>
      tpu.vector_store %arg14[%swap3A_139], %get3A_134 masked %eq3A_138 {strides = array<i32>} : memref<10080xi32, #tpu.memory_space<vmem>>, vector<16xi32>, vector<16xi1>
      %swap3A_141 = arith.index_cast %scan3A_131 : i32 to index
      %swap3A_142 = tpu.vector_load %arg15[%swap3A_141] masked %eq3A_138 {strides = array<i32>} : memref<10080xi32, #tpu.memory_space<vmem>>, vector<16xi32>, vector<16xi1>
      tpu.vector_store %arg15[%swap3A_141], %get3A_136 masked %eq3A_138 {strides = array<i32>} : memref<10080xi32, #tpu.memory_space<vmem>>, vector<16xi32>, vector<16xi1>
      %mul3A_143 = arith.constant 16 : i32
      %mul3A_144 = arith.muli %scan3A_130, %mul3A_143 : i32
      %add3A_145 = arith.addi %add3A_87, %mul3A_144 : i32
      %iota3A = tpu.iota {dimensions = array<i32: 0>} : vector<16xi32>
      %add3A_146 = vector.broadcast %add3A_145 : i32 to vector<16xi32>
      %add3A_147 = arith.addi %add3A_146, %iota3A : vector<16xi32>
      %swap3A_148 = arith.index_cast %scan3A_131 : i32 to index
      %swap3A_149 = tpu.vector_load %arg16[%swap3A_148] masked %eq3A_138 {strides = array<i32>} : memref<10080xi32, #tpu.memory_space<vmem>>, vector<16xi32>, vector<16xi1>
      tpu.vector_store %arg16[%swap3A_148], %add3A_147 masked %eq3A_138 {strides = array<i32>} : memref<10080xi32, #tpu.memory_space<vmem>>, vector<16xi32>, vector<16xi1>
      %add3A_150 = arith.addi %scan3A_131, %squeeze3A : i32
      scf.yield %add3A_150 : i32
    }
    %scan3A_93 = arith.constant 125 : i32
    %scan3A_94 = arith.constant 0 : i32
    %scan3A_95 = arith.constant 0 : i32
    %scan3A_96 = arith.constant 630 : i32
    %scan3A_97 = arith.addi %scan3A_95, %scan3A_96 : i32
    %scan3A_98 = arith.constant 1 : i32
    scf.for %scan3A_130 = %scan3A_95 to %scan3A_97 step %scan3A_98  : i32 {
      %mul3A_131 = arith.constant 16 : i32
      %mul3A_132 = arith.muli %scan3A_130, %mul3A_131 : i32
      %jit3A_133 = arith.constant 3 : i32
      %div3A_134 = arith.divsi %scan3A_130, %jit3A_133 : i32
      %sign3A_135 = arith.constant 0 : i32
      %sign3A_136 = arith.cmpi sgt, %scan3A_130, %sign3A_135 : i32
      %sign3A_137 = arith.extui %sign3A_136 : i1 to i32
      %sign3A_138 = arith.constant 0 : i32
      %sign3A_139 = arith.cmpi slt, %scan3A_130, %sign3A_138 : i32
      %sign3A_140 = arith.extui %sign3A_139 : i1 to i32
      %sign3A_141 = arith.subi %sign3A_137, %sign3A_140 : i32
      %sign3A_142 = arith.constant 0 : i32
      %sign3A_143 = arith.cmpi sgt, %jit3A_133, %sign3A_142 : i32
      %sign3A_144 = arith.extui %sign3A_143 : i1 to i32
      %sign3A_145 = arith.constant 0 : i32
      %sign3A_146 = arith.cmpi slt, %jit3A_133, %sign3A_145 : i32
      %sign3A_147 = arith.extui %sign3A_146 : i1 to i32
      %sign3A_148 = arith.subi %sign3A_144, %sign3A_147 : i32
      %ne3A_149 = arith.cmpi ne, %sign3A_141, %sign3A_148 : i32
      %rem3A_150 = arith.remsi %scan3A_130, %jit3A_133 : i32
      %ne3A_151 = arith.constant 0 : i32
      %ne3A_152 = arith.cmpi ne, %rem3A_150, %ne3A_151 : i32
      %and3A_153 = arith.andi %ne3A_149, %ne3A_152 : i1
      %sub3A_154 = arith.constant 1 : i32
      %sub3A_155 = arith.subi %div3A_134, %sub3A_154 : i32
      %select_n3A_156 = arith.select %and3A_153, %sub3A_155, %div3A_134 : i32
      %jit3A_157 = arith.constant 3 : i32
      %eq3A = arith.constant 0 : i32
      %eq3A_158 = arith.cmpi eq, %jit3A_157, %eq3A : i32
      %jit3A_159 = arith.constant 1 : i32
      %select_n3A_160 = arith.select %eq3A_158, %jit3A_159, %jit3A_157 : i32
      %rem3A_161 = arith.remsi %scan3A_130, %select_n3A_160 : i32
      %ne3A_162 = arith.constant 0 : i32
      %ne3A_163 = arith.cmpi ne, %rem3A_161, %ne3A_162 : i32
      %lt3A = arith.constant 0 : i32
      %lt3A_164 = arith.cmpi slt, %rem3A_161, %lt3A : i32
      %lt3A_165 = arith.constant 0 : i32
      %lt3A_166 = arith.cmpi slt, %select_n3A_160, %lt3A_165 : i32
      %ne3A_167 = arith.xori %lt3A_164, %lt3A_166 : i1
      %and3A_168 = arith.andi %ne3A_167, %ne3A_163 : i1
      %add3A_169 = arith.addi %rem3A_161, %select_n3A_160 : i32
      %select_n3A_170 = arith.select %and3A_168, %add3A_169, %rem3A_161 : i32
      %mul3A_171 = arith.constant 16 : i32
      %mul3A_172 = arith.muli %select_n3A_170, %mul3A_171 : i32
      %get3A = arith.index_cast %mul3A_132 : i32 to index
      %get3A_173 = tpu.vector_load %arg15[%get3A] {strides = array<i32>} : memref<10080xi32, #tpu.memory_space<vmem>>, vector<16xi32>,
      %swap3A_174 = arith.index_cast %select_n3A_156 : i32 to index
      %swap3A_175 = arith.index_cast %mul3A_172 : i32 to index
      %swap3A_176 = tpu.vector_load %arg17[%swap3A_174, %swap3A_175] {strides = array<i32>} : memref<210x48xi32, #tpu.memory_space<vmem>>, vector<16xi32>,
      tpu.vector_store %arg17[%swap3A_174, %swap3A_175], %get3A_173 {strides = array<i32>} : memref<210x48xi32, #tpu.memory_space<vmem>>, vector<16xi32>,
    }
    %scan3A_99 = arith.constant 630 : i32
    %broadcast_in_dim3A_100 = vector.broadcast %scan3A_92 : i32 to vector<16xi32>
    %swap3A = arith.constant 0 : index
    %swap3A_101 = tpu.vector_load %arg19[%swap3A] {strides = array<i32>} : memref<16xi32, #tpu.memory_space<vmem>>, vector<16xi32>,
    tpu.vector_store %arg19[%swap3A], %broadcast_in_dim3A_100 {strides = array<i32>} : memref<16xi32, #tpu.memory_space<vmem>>, vector<16xi32>,
    "tpu.region"() ({
      %run_scoped3A = tpu.sem_alloc : memref<!tpu.dma_semaphore, #tpu.memory_space<semaphore_mem>>
      %dma_start3A = arith.constant 0 : i32
      %dma_start3A_130 = tpu.memref_slice %arg8[%add3A, %dma_start3A] : memref<32x16xi32, #tpu.memory_space<hbm>> -> memref<1x16xi32, #tpu.memory_space<hbm>>
      %dma_start3A_131 = tpu.memref_squeeze %dma_start3A_130 : memref<1x16xi32, #tpu.memory_space<hbm>> -> memref<16xi32, #tpu.memory_space<hbm>>
      %dma_start3A_132 = arith.constant 0 : i32
      %dma_start3A_133 = tpu.memref_slice %arg8[%add3A, %dma_start3A_132] : memref<32x16xi32, #tpu.memory_space<hbm>> -> memref<1x16xi32, #tpu.memory_space<hbm>>
      %dma_start3A_134 = tpu.memref_squeeze %dma_start3A_133 : memref<1x16xi32, #tpu.memory_space<hbm>> -> memref<16xi32, #tpu.memory_space<hbm>>
      tpu.enqueue_dma source(%arg19 : memref<16xi32, #tpu.memory_space<vmem>>) target(%dma_start3A_134 : memref<16xi32, #tpu.memory_space<hbm>>) target_semaphore(%run_scoped3A : memref<!tpu.dma_semaphore, #tpu.memory_space<semaphore_mem>>)
      %dma_wait3A = arith.constant 0 : i32
      %dma_wait3A_135 = tpu.memref_slice %arg8[%add3A, %dma_wait3A] : memref<32x16xi32, #tpu.memory_space<hbm>> -> memref<1x16xi32, #tpu.memory_space<hbm>>
      %dma_wait3A_136 = tpu.memref_squeeze %dma_wait3A_135 : memref<1x16xi32, #tpu.memory_space<hbm>> -> memref<16xi32, #tpu.memory_space<hbm>>
      %dma_wait3A_137 = arith.constant 0 : i32
      %dma_wait3A_138 = tpu.memref_slice %arg8[%add3A, %dma_wait3A_137] : memref<32x16xi32, #tpu.memory_space<hbm>> -> memref<1x16xi32, #tpu.memory_space<hbm>>
      %dma_wait3A_139 = tpu.memref_squeeze %dma_wait3A_138 : memref<1x16xi32, #tpu.memory_space<hbm>> -> memref<16xi32, #tpu.memory_space<hbm>>
      tpu.wait_dma2 semaphore(%run_scoped3A : memref<!tpu.dma_semaphore, #tpu.memory_space<semaphore_mem>>) src(%arg19 : memref<16xi32, #tpu.memory_space<vmem>>) dst(%dma_wait3A_139 : memref<16xi32, #tpu.memory_space<hbm>>)
      tpu.yield
    }) : () -> ()
    "tpu.region"() ({
      %run_scoped3A = tpu.sem_alloc : memref<!tpu.dma_semaphore, #tpu.memory_space<semaphore_mem>>
      %dma_start3A = arith.constant 0 : i32
      %dma_start3A_130 = tpu.memref_slice %arg5[%add3A, %dma_start3A] : memref<32x10080xi32, #tpu.memory_space<hbm>> -> memref<1x10080xi32, #tpu.memory_space<hbm>>
      %dma_start3A_131 = tpu.memref_squeeze %dma_start3A_130 : memref<1x10080xi32, #tpu.memory_space<hbm>> -> memref<10080xi32, #tpu.memory_space<hbm>>
      %dma_start3A_132 = arith.constant 0 : i32
      %dma_start3A_133 = tpu.memref_slice %arg5[%add3A, %dma_start3A_132] : memref<32x10080xi32, #tpu.memory_space<hbm>> -> memref<1x10080xi32, #tpu.memory_space<hbm>>
      %dma_start3A_134 = tpu.memref_squeeze %dma_start3A_133 : memref<1x10080xi32, #tpu.memory_space<hbm>> -> memref<10080xi32, #tpu.memory_space<hbm>>
      tpu.enqueue_dma source(%arg14 : memref<10080xi32, #tpu.memory_space<vmem>>) target(%dma_start3A_134 : memref<10080xi32, #tpu.memory_space<hbm>>) target_semaphore(%run_scoped3A : memref<!tpu.dma_semaphore, #tpu.memory_space<semaphore_mem>>)
      %dma_wait3A = arith.constant 0 : i32
      %dma_wait3A_135 = tpu.memref_slice %arg5[%add3A, %dma_wait3A] : memref<32x10080xi32, #tpu.memory_space<hbm>> -> memref<1x10080xi32, #tpu.memory_space<hbm>>
      %dma_wait3A_136 = tpu.memref_squeeze %dma_wait3A_135 : memref<1x10080xi32, #tpu.memory_space<hbm>> -> memref<10080xi32, #tpu.memory_space<hbm>>
      %dma_wait3A_137 = arith.constant 0 : i32
      %dma_wait3A_138 = tpu.memref_slice %arg5[%add3A, %dma_wait3A_137] : memref<32x10080xi32, #tpu.memory_space<hbm>> -> memref<1x10080xi32, #tpu.memory_space<hbm>>
      %dma_wait3A_139 = tpu.memref_squeeze %dma_wait3A_138 : memref<1x10080xi32, #tpu.memory_space<hbm>> -> memref<10080xi32, #tpu.memory_space<hbm>>
      tpu.wait_dma2 semaphore(%run_scoped3A : memref<!tpu.dma_semaphore, #tpu.memory_space<semaphore_mem>>) src(%arg14 : memref<10080xi32, #tpu.memory_space<vmem>>) dst(%dma_wait3A_139 : memref<10080xi32, #tpu.memory_space<hbm>>)
      tpu.yield
    }) : () -> ()
    "tpu.region"() ({
      %run_scoped3A = tpu.sem_alloc : memref<!tpu.dma_semaphore, #tpu.memory_space<semaphore_mem>>
      %dma_start3A = arith.constant 0 : i32
      %dma_start3A_130 = tpu.memref_slice %arg6[%add3A, %dma_start3A] : memref<32x10080xi32, #tpu.memory_space<hbm>> -> memref<1x10080xi32, #tpu.memory_space<hbm>>
      %dma_start3A_131 = tpu.memref_squeeze %dma_start3A_130 : memref<1x10080xi32, #tpu.memory_space<hbm>> -> memref<10080xi32, #tpu.memory_space<hbm>>
      %dma_start3A_132 = arith.constant 0 : i32
      %dma_start3A_133 = tpu.memref_slice %arg6[%add3A, %dma_start3A_132] : memref<32x10080xi32, #tpu.memory_space<hbm>> -> memref<1x10080xi32, #tpu.memory_space<hbm>>
      %dma_start3A_134 = tpu.memref_squeeze %dma_start3A_133 : memref<1x10080xi32, #tpu.memory_space<hbm>> -> memref<10080xi32, #tpu.memory_space<hbm>>
      tpu.enqueue_dma source(%arg15 : memref<10080xi32, #tpu.memory_space<vmem>>) target(%dma_start3A_134 : memref<10080xi32, #tpu.memory_space<hbm>>) target_semaphore(%run_scoped3A : memref<!tpu.dma_semaphore, #tpu.memory_space<semaphore_mem>>)
      %dma_wait3A = arith.constant 0 : i32
      %dma_wait3A_135 = tpu.memref_slice %arg6[%add3A, %dma_wait3A] : memref<32x10080xi32, #tpu.memory_space<hbm>> -> memref<1x10080xi32, #tpu.memory_space<hbm>>
      %dma_wait3A_136 = tpu.memref_squeeze %dma_wait3A_135 : memref<1x10080xi32, #tpu.memory_space<hbm>> -> memref<10080xi32, #tpu.memory_space<hbm>>
      %dma_wait3A_137 = arith.constant 0 : i32
      %dma_wait3A_138 = tpu.memref_slice %arg6[%add3A, %dma_wait3A_137] : memref<32x10080xi32, #tpu.memory_space<hbm>> -> memref<1x10080xi32, #tpu.memory_space<hbm>>
      %dma_wait3A_139 = tpu.memref_squeeze %dma_wait3A_138 : memref<1x10080xi32, #tpu.memory_space<hbm>> -> memref<10080xi32, #tpu.memory_space<hbm>>
      tpu.wait_dma2 semaphore(%run_scoped3A : memref<!tpu.dma_semaphore, #tpu.memory_space<semaphore_mem>>) src(%arg15 : memref<10080xi32, #tpu.memory_space<vmem>>) dst(%dma_wait3A_139 : memref<10080xi32, #tpu.memory_space<hbm>>)
      tpu.yield
    }) : () -> ()
    "tpu.region"() ({
      %run_scoped3A = tpu.sem_alloc : memref<!tpu.dma_semaphore, #tpu.memory_space<semaphore_mem>>
      %dma_start3A = arith.constant 0 : i32
      %dma_start3A_130 = tpu.memref_slice %arg7[%add3A, %dma_start3A] : memref<32x10080xi32, #tpu.memory_space<hbm>> -> memref<1x10080xi32, #tpu.memory_space<hbm>>
      %dma_start3A_131 = tpu.memref_squeeze %dma_start3A_130 : memref<1x10080xi32, #tpu.memory_space<hbm>> -> memref<10080xi32, #tpu.memory_space<hbm>>
      %dma_start3A_132 = arith.constant 0 : i32
      %dma_start3A_133 = tpu.memref_slice %arg7[%add3A, %dma_start3A_132] : memref<32x10080xi32, #tpu.memory_space<hbm>> -> memref<1x10080xi32, #tpu.memory_space<hbm>>
      %dma_start3A_134 = tpu.memref_squeeze %dma_start3A_133 : memref<1x10080xi32, #tpu.memory_space<hbm>> -> memref<10080xi32, #tpu.memory_space<hbm>>
      tpu.enqueue_dma source(%arg16 : memref<10080xi32, #tpu.memory_space<vmem>>) target(%dma_start3A_134 : memref<10080xi32, #tpu.memory_space<hbm>>) target_semaphore(%run_scoped3A : memref<!tpu.dma_semaphore, #tpu.memory_space<semaphore_mem>>)
      %dma_wait3A = arith.constant 0 : i32
      %dma_wait3A_135 = tpu.memref_slice %arg7[%add3A, %dma_wait3A] : memref<32x10080xi32, #tpu.memory_space<hbm>> -> memref<1x10080xi32, #tpu.memory_space<hbm>>
      %dma_wait3A_136 = tpu.memref_squeeze %dma_wait3A_135 : memref<1x10080xi32, #tpu.memory_space<hbm>> -> memref<10080xi32, #tpu.memory_space<hbm>>
      %dma_wait3A_137 = arith.constant 0 : i32
      %dma_wait3A_138 = tpu.memref_slice %arg7[%add3A, %dma_wait3A_137] : memref<32x10080xi32, #tpu.memory_space<hbm>> -> memref<1x10080xi32, #tpu.memory_space<hbm>>
      %dma_wait3A_139 = tpu.memref_squeeze %dma_wait3A_138 : memref<1x10080xi32, #tpu.memory_space<hbm>> -> memref<10080xi32, #tpu.memory_space<hbm>>
      tpu.wait_dma2 semaphore(%run_scoped3A : memref<!tpu.dma_semaphore, #tpu.memory_space<semaphore_mem>>) src(%arg16 : memref<10080xi32, #tpu.memory_space<vmem>>) dst(%dma_wait3A_139 : memref<10080xi32, #tpu.memory_space<hbm>>)
      tpu.yield
    }) : () -> ()
    %barrier3A = arith.constant 0 : index
    tpu.barrier barrier_id(%barrier3A)
    %add3A_102 = arith.constant 47 : i32
    %add3A_103 = arith.addi %scan3A_92, %add3A_102 : i32
    %jit3A = arith.constant 48 : i32
    %div3A = arith.divsi %add3A_103, %jit3A : i32
    %sign3A = arith.constant 0 : i32
    %sign3A_104 = arith.cmpi sgt, %add3A_103, %sign3A : i32
    %sign3A_105 = arith.extui %sign3A_104 : i1 to i32
    %sign3A_106 = arith.constant 0 : i32
    %sign3A_107 = arith.cmpi slt, %add3A_103, %sign3A_106 : i32
    %sign3A_108 = arith.extui %sign3A_107 : i1 to i32
    %sign3A_109 = arith.subi %sign3A_105, %sign3A_108 : i32
    %sign3A_110 = arith.constant 0 : i32
    %sign3A_111 = arith.cmpi sgt, %jit3A, %sign3A_110 : i32
    %sign3A_112 = arith.extui %sign3A_111 : i1 to i32
    %sign3A_113 = arith.constant 0 : i32
    %sign3A_114 = arith.cmpi slt, %jit3A, %sign3A_113 : i32
    %sign3A_115 = arith.extui %sign3A_114 : i1 to i32
    %sign3A_116 = arith.subi %sign3A_112, %sign3A_115 : i32
    %ne3A = arith.cmpi ne, %sign3A_109, %sign3A_116 : i32
    %rem3A = arith.remsi %add3A_103, %jit3A : i32
    %ne3A_117 = arith.constant 0 : i32
    %ne3A_118 = arith.cmpi ne, %rem3A, %ne3A_117 : i32
    %and3A = arith.andi %ne3A, %ne3A_118 : i1
    %sub3A = arith.constant 1 : i32
    %sub3A_119 = arith.subi %div3A, %sub3A : i32
    %select_n3A = arith.select %and3A, %sub3A_119, %div3A : i32
    %while3A = arith.constant 0 : i32
    %while3A_120 = arith.constant 0 : i32
    %while3A_121 = arith.subi %select_n3A, %while3A_120 : i32
    %while3A_122 = arith.addi %while3A_120, %while3A_121 : i32
    %while3A_123 = arith.constant 1 : i32
    %while3A_124 = arith.divsi %while3A_121, %while3A_123 : i32
    %while3A_125 = arith.muli %while3A_124, %while3A_123 : i32
    %while3A_126 = arith.addi %while3A_120, %while3A_125 : i32
    %while3A_127 = arith.constant 1 : i32
    scf.for %while3A_130 = %while3A_120 to %while3A_126 step %while3A_127  : i32 {
      %scan3A_131 = arith.constant 0 : i32
      %scan3A_132 = arith.constant 0 : i32
      %scan3A_133 = arith.constant 48 : i32
      %scan3A_134 = arith.addi %scan3A_132, %scan3A_133 : i32
      %scan3A_135 = arith.constant 1 : i32
      scf.for %scan3A_137 = %scan3A_132 to %scan3A_134 step %scan3A_135  : i32 {
        %mul3A_138 = arith.constant 48 : i32
        %mul3A_139 = arith.muli %while3A_130, %mul3A_138 : i32
        %add3A_140 = arith.addi %mul3A_139, %scan3A_137 : i32
        %lt3A = arith.cmpi slt, %add3A_140, %scan3A_92 : i32
        %broadcast_in_dim3A_141 = arith.constant 1.000000e+00 : f32
        %broadcast_in_dim3A_142 = vector.broadcast %broadcast_in_dim3A_141 : f32 to vector<16xf32>
        %broadcast_in_dim3A_143 = arith.constant 0.000000e+00 : f32
        %broadcast_in_dim3A_144 = vector.broadcast %broadcast_in_dim3A_143 : f32 to vector<16xf32>
        %select_n3A_145 = arith.select %lt3A, %broadcast_in_dim3A_142, %broadcast_in_dim3A_144 : vector<16xf32>
        %swap3A_146 = arith.index_cast %scan3A_137 : i32 to index
        %swap3A_147 = arith.constant 0 : index
        %swap3A_148 = tpu.vector_load %arg18[%swap3A_146, %swap3A_147] {strides = array<i32>} : memref<48x16xf32, #tpu.memory_space<vmem>>, vector<16xf32>,
        tpu.vector_store %arg18[%swap3A_146, %swap3A_147], %select_n3A_145 {strides = array<i32>} : memref<48x16xf32, #tpu.memory_space<vmem>>, vector<16xf32>,
      }
      %scan3A_136 = arith.constant 48 : i32
      "tpu.region"() ({
        %run_scoped3A = tpu.sem_alloc : memref<!tpu.dma_semaphore, #tpu.memory_space<semaphore_mem>>
        %dma_start3A = arith.constant 0 : i32
        %dma_start3A_137 = tpu.memref_slice %arg17[%while3A_130, %dma_start3A] : memref<210x48xi32, #tpu.memory_space<vmem>> -> memref<1x48xi32, #tpu.memory_space<vmem>>
        %dma_start3A_138 = tpu.memref_squeeze %dma_start3A_137 : memref<1x48xi32, #tpu.memory_space<vmem>> -> memref<48xi32, #tpu.memory_space<vmem>>
        %dma_start3A_139 = arith.constant 0 : i32
        %dma_start3A_140 = arith.constant 0 : i32
        %dma_start3A_141 = tpu.memref_slice %arg10[%dma_start3A_139, %dma_start3A_140] : memref<10016x16xf32, #tpu.memory_space<vmem_shared>> -> memref<10016x16xf32, #tpu.memory_space<vmem_shared>>
        tpu.enqueue_indirect_dma source(%arg18 : memref<48x16xf32, #tpu.memory_space<vmem>>) target(%dma_start3A_141 : memref<10016x16xf32, #tpu.memory_space<vmem_shared>>) offsets(%dma_start3A_138 : memref<48xi32, #tpu.memory_space<vmem>>) semaphore(%run_scoped3A : memref<!tpu.dma_semaphore, #tpu.memory_space<semaphore_mem>>) {add = true}
        %dma_wait3A = arith.constant 0 : i32
        %dma_wait3A_142 = tpu.memref_slice %arg17[%while3A_130, %dma_wait3A] : memref<210x48xi32, #tpu.memory_space<vmem>> -> memref<1x48xi32, #tpu.memory_space<vmem>>
        %dma_wait3A_143 = tpu.memref_squeeze %dma_wait3A_142 : memref<1x48xi32, #tpu.memory_space<vmem>> -> memref<48xi32, #tpu.memory_space<vmem>>
        %dma_wait3A_144 = arith.constant 0 : i32
        %dma_wait3A_145 = arith.constant 0 : i32
        %dma_wait3A_146 = tpu.memref_slice %arg10[%dma_wait3A_144, %dma_wait3A_145] : memref<10016x16xf32, #tpu.memory_space<vmem_shared>> -> memref<10016x16xf32, #tpu.memory_space<vmem_shared>>
        tpu.wait_indirect_dma semaphore(%run_scoped3A : memref<!tpu.dma_semaphore, #tpu.memory_space<semaphore_mem>>) src(%arg18 : memref<48x16xf32, #tpu.memory_space<vmem>>) dst(%dma_wait3A_146 : memref<10016x16xf32, #tpu.memory_space<vmem_shared>>)
        tpu.yield
      }) : () -> ()
    }
    %while3A_128 = arith.constant 1 : i32
    scf.for %while3A_130 = %while3A_126 to %while3A_122 step %while3A_128  : i32 {
      %scan3A_131 = arith.constant 0 : i32
      %scan3A_132 = arith.constant 0 : i32
      %scan3A_133 = arith.constant 48 : i32
      %scan3A_134 = arith.addi %scan3A_132, %scan3A_133 : i32
      %scan3A_135 = arith.constant 1 : i32
      scf.for %scan3A_137 = %scan3A_132 to %scan3A_134 step %scan3A_135  : i32 {
        %mul3A_138 = arith.constant 48 : i32
        %mul3A_139 = arith.muli %while3A_130, %mul3A_138 : i32
        %add3A_140 = arith.addi %mul3A_139, %scan3A_137 : i32
        %lt3A = arith.cmpi slt, %add3A_140, %scan3A_92 : i32
        %broadcast_in_dim3A_141 = arith.constant 1.000000e+00 : f32
        %broadcast_in_dim3A_142 = vector.broadcast %broadcast_in_dim3A_141 : f32 to vector<16xf32>
        %broadcast_in_dim3A_143 = arith.constant 0.000000e+00 : f32
        %broadcast_in_dim3A_144 = vector.broadcast %broadcast_in_dim3A_143 : f32 to vector<16xf32>
        %select_n3A_145 = arith.select %lt3A, %broadcast_in_dim3A_142, %broadcast_in_dim3A_144 : vector<16xf32>
        %swap3A_146 = arith.index_cast %scan3A_137 : i32 to index
        %swap3A_147 = arith.constant 0 : index
        %swap3A_148 = tpu.vector_load %arg18[%swap3A_146, %swap3A_147] {strides = array<i32>} : memref<48x16xf32, #tpu.memory_space<vmem>>, vector<16xf32>,
        tpu.vector_store %arg18[%swap3A_146, %swap3A_147], %select_n3A_145 {strides = array<i32>} : memref<48x16xf32, #tpu.memory_space<vmem>>, vector<16xf32>,
      }
      %scan3A_136 = arith.constant 48 : i32
      "tpu.region"() ({
        %run_scoped3A = tpu.sem_alloc : memref<!tpu.dma_semaphore, #tpu.memory_space<semaphore_mem>>
        %dma_start3A = arith.constant 0 : i32
        %dma_start3A_137 = tpu.memref_slice %arg17[%while3A_130, %dma_start3A] : memref<210x48xi32, #tpu.memory_space<vmem>> -> memref<1x48xi32, #tpu.memory_space<vmem>>
        %dma_start3A_138 = tpu.memref_squeeze %dma_start3A_137 : memref<1x48xi32, #tpu.memory_space<vmem>> -> memref<48xi32, #tpu.memory_space<vmem>>
        %dma_start3A_139 = arith.constant 0 : i32
        %dma_start3A_140 = arith.constant 0 : i32
        %dma_start3A_141 = tpu.memref_slice %arg10[%dma_start3A_139, %dma_start3A_140] : memref<10016x16xf32, #tpu.memory_space<vmem_shared>> -> memref<10016x16xf32, #tpu.memory_space<vmem_shared>>
        tpu.enqueue_indirect_dma source(%arg18 : memref<48x16xf32, #tpu.memory_space<vmem>>) target(%dma_start3A_141 : memref<10016x16xf32, #tpu.memory_space<vmem_shared>>) offsets(%dma_start3A_138 : memref<48xi32, #tpu.memory_space<vmem>>) semaphore(%run_scoped3A : memref<!tpu.dma_semaphore, #tpu.memory_space<semaphore_mem>>) {add = true}
        %dma_wait3A = arith.constant 0 : i32
        %dma_wait3A_142 = tpu.memref_slice %arg17[%while3A_130, %dma_wait3A] : memref<210x48xi32, #tpu.memory_space<vmem>> -> memref<1x48xi32, #tpu.memory_space<vmem>>
        %dma_wait3A_143 = tpu.memref_squeeze %dma_wait3A_142 : memref<1x48xi32, #tpu.memory_space<vmem>> -> memref<48xi32, #tpu.memory_space<vmem>>
        %dma_wait3A_144 = arith.constant 0 : i32
        %dma_wait3A_145 = arith.constant 0 : i32
        %dma_wait3A_146 = tpu.memref_slice %arg10[%dma_wait3A_144, %dma_wait3A_145] : memref<10016x16xf32, #tpu.memory_space<vmem_shared>> -> memref<10016x16xf32, #tpu.memory_space<vmem_shared>>
        tpu.wait_indirect_dma semaphore(%run_scoped3A : memref<!tpu.dma_semaphore, #tpu.memory_space<semaphore_mem>>) src(%arg18 : memref<48x16xf32, #tpu.memory_space<vmem>>) dst(%dma_wait3A_146 : memref<10016x16xf32, #tpu.memory_space<vmem_shared>>)
        tpu.yield
      }) : () -> ()
    }
    %barrier3A_129 = arith.constant 0 : index
    tpu.barrier barrier_id(%barrier3A_129)
    "tpu.region"() ({
      %run_scoped3A = tpu.sem_alloc : memref<!tpu.dma_semaphore, #tpu.memory_space<semaphore_mem>>
      %dma_start3A = arith.constant 0 : i32
      %dma_start3A_130 = tpu.memref_slice %arg9[%arg0, %mul3A_14, %dma_start3A] : memref<2x10016x16xf32, #tpu.memory_space<hbm>> -> memref<1x626x16xf32, #tpu.memory_space<hbm>>
      %dma_start3A_131 = tpu.memref_squeeze %dma_start3A_130 : memref<1x626x16xf32, #tpu.memory_space<hbm>> -> memref<626x16xf32, #tpu.memory_space<hbm>>
      %dma_start3A_132 = arith.constant 0 : i32
      %dma_start3A_133 = tpu.memref_slice %arg10[%mul3A_14, %dma_start3A_132] : memref<10016x16xf32, #tpu.memory_space<vmem_shared>> -> memref<626x16xf32, #tpu.memory_space<vmem_shared>>
      tpu.enqueue_dma source(%dma_start3A_133 : memref<626x16xf32, #tpu.memory_space<vmem_shared>>) target(%dma_start3A_131 : memref<626x16xf32, #tpu.memory_space<hbm>>) target_semaphore(%run_scoped3A : memref<!tpu.dma_semaphore, #tpu.memory_space<semaphore_mem>>)
      %dma_wait3A = arith.constant 0 : i32
      %dma_wait3A_134 = tpu.memref_slice %arg9[%arg0, %mul3A_14, %dma_wait3A] : memref<2x10016x16xf32, #tpu.memory_space<hbm>> -> memref<1x626x16xf32, #tpu.memory_space<hbm>>
      %dma_wait3A_135 = tpu.memref_squeeze %dma_wait3A_134 : memref<1x626x16xf32, #tpu.memory_space<hbm>> -> memref<626x16xf32, #tpu.memory_space<hbm>>
      %dma_wait3A_136 = arith.constant 0 : i32
      %dma_wait3A_137 = tpu.memref_slice %arg10[%mul3A_14, %dma_wait3A_136] : memref<10016x16xf32, #tpu.memory_space<vmem_shared>> -> memref<626x16xf32, #tpu.memory_space<vmem_shared>>
      tpu.wait_dma2 semaphore(%run_scoped3A : memref<!tpu.dma_semaphore, #tpu.memory_space<semaphore_mem>>) src(%dma_wait3A_137 : memref<626x16xf32, #tpu.memory_space<vmem_shared>>) dst(%dma_wait3A_135 : memref<626x16xf32, #tpu.memory_space<hbm>>)
      tpu.yield
    }) : () -> ()
    return
  }
}

#map = affine_map<(d0, d1) -> (0, 0, 0)>
#map1 = affine_map<(d0, d1) -> (0, 0)>
module attributes {stable_mosaic.version = 14 : i64} {
  func.func @_edge_body(%arg0: i32, %arg1: i32, %arg2: memref<32x210x48xi32, #tpu.memory_space<hbm>>, %arg3: memref<32x210x48xi32, #tpu.memory_space<hbm>>, %arg4: memref<32x210x48xi32, #tpu.memory_space<hbm>>, %arg5: memref<32x16xi32, #tpu.memory_space<hbm>>, %arg6: memref<10000x128xf32, #tpu.memory_space<hbm>>, %arg7: memref<10000x128xf32, #tpu.memory_space<hbm>>, %arg8: memref<320000x128xf32, #tpu.memory_space<hbm>>, %arg9: memref<2x10016x128xf32, #tpu.memory_space<hbm>>, %arg10: memref<10016x128xf32, #tpu.memory_space<vmem_shared>>, %arg11: memref<210x48xi32, #tpu.memory_space<vmem>>, %arg12: memref<210x48xi32, #tpu.memory_space<vmem>>, %arg13: memref<210x48xi32, #tpu.memory_space<vmem>>, %arg14: memref<16xi32, #tpu.memory_space<vmem>>, %arg15: memref<48x128xf32, #tpu.memory_space<vmem>>, %arg16: memref<48x128xf32, #tpu.memory_space<vmem>>, %arg17: memref<48x128xf32, #tpu.memory_space<vmem>>, %arg18: memref<!tpu.dma_semaphore, #tpu.memory_space<semaphore_mem>>, %arg19: memref<!tpu.dma_semaphore, #tpu.memory_space<semaphore_mem>>, %arg20: memref<!tpu.dma_semaphore, #tpu.memory_space<semaphore_mem>>) attributes {dimension_semantics = [#tpu.dimension_semantics<core_parallel>, #tpu.dimension_semantics<subcore_parallel>], iteration_bounds = array<i64: 2, 16>, scalar_prefetch = 0 : i64, scratch_operands = 11 : i64, tpu.core_type = #tpu.core_type<sc_vector_subcore>, window_params = [{transform_indices = #map}, {transform_indices = #map}, {transform_indices = #map}, {transform_indices = #map1}, {transform_indices = #map1}, {transform_indices = #map1}, {transform_indices = #map1}, {transform_indices = #map}]} {
    %mul3A = arith.constant 16 : i32
    %mul3A_0 = arith.muli %arg0, %mul3A : i32
    %add3A = arith.addi %mul3A_0, %arg1 : i32
    "tpu.region"() ({
      %run_scoped3A = tpu.sem_alloc : memref<!tpu.dma_semaphore, #tpu.memory_space<semaphore_mem>>
      %dma_start3A = arith.constant 0 : i32
      %dma_start3A_72 = arith.constant 0 : i32
      %dma_start3A_73 = tpu.memref_slice %arg2[%add3A, %dma_start3A, %dma_start3A_72] : memref<32x210x48xi32, #tpu.memory_space<hbm>> -> memref<1x210x48xi32, #tpu.memory_space<hbm>>
      %dma_start3A_74 = tpu.memref_squeeze %dma_start3A_73 : memref<1x210x48xi32, #tpu.memory_space<hbm>> -> memref<210x48xi32, #tpu.memory_space<hbm>>
      %dma_start3A_75 = arith.constant 0 : i32
      %dma_start3A_76 = arith.constant 0 : i32
      %dma_start3A_77 = tpu.memref_slice %arg2[%add3A, %dma_start3A_75, %dma_start3A_76] : memref<32x210x48xi32, #tpu.memory_space<hbm>> -> memref<1x210x48xi32, #tpu.memory_space<hbm>>
      %dma_start3A_78 = tpu.memref_squeeze %dma_start3A_77 : memref<1x210x48xi32, #tpu.memory_space<hbm>> -> memref<210x48xi32, #tpu.memory_space<hbm>>
      tpu.enqueue_dma source(%dma_start3A_78 : memref<210x48xi32, #tpu.memory_space<hbm>>) target(%arg11 : memref<210x48xi32, #tpu.memory_space<vmem>>) target_semaphore(%run_scoped3A : memref<!tpu.dma_semaphore, #tpu.memory_space<semaphore_mem>>)
      %dma_wait3A = arith.constant 0 : i32
      %dma_wait3A_79 = arith.constant 0 : i32
      %dma_wait3A_80 = tpu.memref_slice %arg2[%add3A, %dma_wait3A, %dma_wait3A_79] : memref<32x210x48xi32, #tpu.memory_space<hbm>> -> memref<1x210x48xi32, #tpu.memory_space<hbm>>
      %dma_wait3A_81 = tpu.memref_squeeze %dma_wait3A_80 : memref<1x210x48xi32, #tpu.memory_space<hbm>> -> memref<210x48xi32, #tpu.memory_space<hbm>>
      %dma_wait3A_82 = arith.constant 0 : i32
      %dma_wait3A_83 = arith.constant 0 : i32
      %dma_wait3A_84 = tpu.memref_slice %arg2[%add3A, %dma_wait3A_82, %dma_wait3A_83] : memref<32x210x48xi32, #tpu.memory_space<hbm>> -> memref<1x210x48xi32, #tpu.memory_space<hbm>>
      %dma_wait3A_85 = tpu.memref_squeeze %dma_wait3A_84 : memref<1x210x48xi32, #tpu.memory_space<hbm>> -> memref<210x48xi32, #tpu.memory_space<hbm>>
      tpu.wait_dma2 semaphore(%run_scoped3A : memref<!tpu.dma_semaphore, #tpu.memory_space<semaphore_mem>>) src(%dma_wait3A_85 : memref<210x48xi32, #tpu.memory_space<hbm>>) dst(%arg11 : memref<210x48xi32, #tpu.memory_space<vmem>>)
      tpu.yield
    }) : () -> ()
    "tpu.region"() ({
      %run_scoped3A = tpu.sem_alloc : memref<!tpu.dma_semaphore, #tpu.memory_space<semaphore_mem>>
      %dma_start3A = arith.constant 0 : i32
      %dma_start3A_72 = arith.constant 0 : i32
      %dma_start3A_73 = tpu.memref_slice %arg3[%add3A, %dma_start3A, %dma_start3A_72] : memref<32x210x48xi32, #tpu.memory_space<hbm>> -> memref<1x210x48xi32, #tpu.memory_space<hbm>>
      %dma_start3A_74 = tpu.memref_squeeze %dma_start3A_73 : memref<1x210x48xi32, #tpu.memory_space<hbm>> -> memref<210x48xi32, #tpu.memory_space<hbm>>
      %dma_start3A_75 = arith.constant 0 : i32
      %dma_start3A_76 = arith.constant 0 : i32
      %dma_start3A_77 = tpu.memref_slice %arg3[%add3A, %dma_start3A_75, %dma_start3A_76] : memref<32x210x48xi32, #tpu.memory_space<hbm>> -> memref<1x210x48xi32, #tpu.memory_space<hbm>>
      %dma_start3A_78 = tpu.memref_squeeze %dma_start3A_77 : memref<1x210x48xi32, #tpu.memory_space<hbm>> -> memref<210x48xi32, #tpu.memory_space<hbm>>
      tpu.enqueue_dma source(%dma_start3A_78 : memref<210x48xi32, #tpu.memory_space<hbm>>) target(%arg12 : memref<210x48xi32, #tpu.memory_space<vmem>>) target_semaphore(%run_scoped3A : memref<!tpu.dma_semaphore, #tpu.memory_space<semaphore_mem>>)
      %dma_wait3A = arith.constant 0 : i32
      %dma_wait3A_79 = arith.constant 0 : i32
      %dma_wait3A_80 = tpu.memref_slice %arg3[%add3A, %dma_wait3A, %dma_wait3A_79] : memref<32x210x48xi32, #tpu.memory_space<hbm>> -> memref<1x210x48xi32, #tpu.memory_space<hbm>>
      %dma_wait3A_81 = tpu.memref_squeeze %dma_wait3A_80 : memref<1x210x48xi32, #tpu.memory_space<hbm>> -> memref<210x48xi32, #tpu.memory_space<hbm>>
      %dma_wait3A_82 = arith.constant 0 : i32
      %dma_wait3A_83 = arith.constant 0 : i32
      %dma_wait3A_84 = tpu.memref_slice %arg3[%add3A, %dma_wait3A_82, %dma_wait3A_83] : memref<32x210x48xi32, #tpu.memory_space<hbm>> -> memref<1x210x48xi32, #tpu.memory_space<hbm>>
      %dma_wait3A_85 = tpu.memref_squeeze %dma_wait3A_84 : memref<1x210x48xi32, #tpu.memory_space<hbm>> -> memref<210x48xi32, #tpu.memory_space<hbm>>
      tpu.wait_dma2 semaphore(%run_scoped3A : memref<!tpu.dma_semaphore, #tpu.memory_space<semaphore_mem>>) src(%dma_wait3A_85 : memref<210x48xi32, #tpu.memory_space<hbm>>) dst(%arg12 : memref<210x48xi32, #tpu.memory_space<vmem>>)
      tpu.yield
    }) : () -> ()
    "tpu.region"() ({
      %run_scoped3A = tpu.sem_alloc : memref<!tpu.dma_semaphore, #tpu.memory_space<semaphore_mem>>
      %dma_start3A = arith.constant 0 : i32
      %dma_start3A_72 = arith.constant 0 : i32
      %dma_start3A_73 = tpu.memref_slice %arg4[%add3A, %dma_start3A, %dma_start3A_72] : memref<32x210x48xi32, #tpu.memory_space<hbm>> -> memref<1x210x48xi32, #tpu.memory_space<hbm>>
      %dma_start3A_74 = tpu.memref_squeeze %dma_start3A_73 : memref<1x210x48xi32, #tpu.memory_space<hbm>> -> memref<210x48xi32, #tpu.memory_space<hbm>>
      %dma_start3A_75 = arith.constant 0 : i32
      %dma_start3A_76 = arith.constant 0 : i32
      %dma_start3A_77 = tpu.memref_slice %arg4[%add3A, %dma_start3A_75, %dma_start3A_76] : memref<32x210x48xi32, #tpu.memory_space<hbm>> -> memref<1x210x48xi32, #tpu.memory_space<hbm>>
      %dma_start3A_78 = tpu.memref_squeeze %dma_start3A_77 : memref<1x210x48xi32, #tpu.memory_space<hbm>> -> memref<210x48xi32, #tpu.memory_space<hbm>>
      tpu.enqueue_dma source(%dma_start3A_78 : memref<210x48xi32, #tpu.memory_space<hbm>>) target(%arg13 : memref<210x48xi32, #tpu.memory_space<vmem>>) target_semaphore(%run_scoped3A : memref<!tpu.dma_semaphore, #tpu.memory_space<semaphore_mem>>)
      %dma_wait3A = arith.constant 0 : i32
      %dma_wait3A_79 = arith.constant 0 : i32
      %dma_wait3A_80 = tpu.memref_slice %arg4[%add3A, %dma_wait3A, %dma_wait3A_79] : memref<32x210x48xi32, #tpu.memory_space<hbm>> -> memref<1x210x48xi32, #tpu.memory_space<hbm>>
      %dma_wait3A_81 = tpu.memref_squeeze %dma_wait3A_80 : memref<1x210x48xi32, #tpu.memory_space<hbm>> -> memref<210x48xi32, #tpu.memory_space<hbm>>
      %dma_wait3A_82 = arith.constant 0 : i32
      %dma_wait3A_83 = arith.constant 0 : i32
      %dma_wait3A_84 = tpu.memref_slice %arg4[%add3A, %dma_wait3A_82, %dma_wait3A_83] : memref<32x210x48xi32, #tpu.memory_space<hbm>> -> memref<1x210x48xi32, #tpu.memory_space<hbm>>
      %dma_wait3A_85 = tpu.memref_squeeze %dma_wait3A_84 : memref<1x210x48xi32, #tpu.memory_space<hbm>> -> memref<210x48xi32, #tpu.memory_space<hbm>>
      tpu.wait_dma2 semaphore(%run_scoped3A : memref<!tpu.dma_semaphore, #tpu.memory_space<semaphore_mem>>) src(%dma_wait3A_85 : memref<210x48xi32, #tpu.memory_space<hbm>>) dst(%arg13 : memref<210x48xi32, #tpu.memory_space<vmem>>)
      tpu.yield
    }) : () -> ()
    "tpu.region"() ({
      %run_scoped3A = tpu.sem_alloc : memref<!tpu.dma_semaphore, #tpu.memory_space<semaphore_mem>>
      %dma_start3A = arith.constant 0 : i32
      %dma_start3A_72 = tpu.memref_slice %arg5[%add3A, %dma_start3A] : memref<32x16xi32, #tpu.memory_space<hbm>> -> memref<1x16xi32, #tpu.memory_space<hbm>>
      %dma_start3A_73 = tpu.memref_squeeze %dma_start3A_72 : memref<1x16xi32, #tpu.memory_space<hbm>> -> memref<16xi32, #tpu.memory_space<hbm>>
      %dma_start3A_74 = arith.constant 0 : i32
      %dma_start3A_75 = tpu.memref_slice %arg5[%add3A, %dma_start3A_74] : memref<32x16xi32, #tpu.memory_space<hbm>> -> memref<1x16xi32, #tpu.memory_space<hbm>>
      %dma_start3A_76 = tpu.memref_squeeze %dma_start3A_75 : memref<1x16xi32, #tpu.memory_space<hbm>> -> memref<16xi32, #tpu.memory_space<hbm>>
      tpu.enqueue_dma source(%dma_start3A_76 : memref<16xi32, #tpu.memory_space<hbm>>) target(%arg14 : memref<16xi32, #tpu.memory_space<vmem>>) target_semaphore(%run_scoped3A : memref<!tpu.dma_semaphore, #tpu.memory_space<semaphore_mem>>)
      %dma_wait3A = arith.constant 0 : i32
      %dma_wait3A_77 = tpu.memref_slice %arg5[%add3A, %dma_wait3A] : memref<32x16xi32, #tpu.memory_space<hbm>> -> memref<1x16xi32, #tpu.memory_space<hbm>>
      %dma_wait3A_78 = tpu.memref_squeeze %dma_wait3A_77 : memref<1x16xi32, #tpu.memory_space<hbm>> -> memref<16xi32, #tpu.memory_space<hbm>>
      %dma_wait3A_79 = arith.constant 0 : i32
      %dma_wait3A_80 = tpu.memref_slice %arg5[%add3A, %dma_wait3A_79] : memref<32x16xi32, #tpu.memory_space<hbm>> -> memref<1x16xi32, #tpu.memory_space<hbm>>
      %dma_wait3A_81 = tpu.memref_squeeze %dma_wait3A_80 : memref<1x16xi32, #tpu.memory_space<hbm>> -> memref<16xi32, #tpu.memory_space<hbm>>
      tpu.wait_dma2 semaphore(%run_scoped3A : memref<!tpu.dma_semaphore, #tpu.memory_space<semaphore_mem>>) src(%dma_wait3A_81 : memref<16xi32, #tpu.memory_space<hbm>>) dst(%arg14 : memref<16xi32, #tpu.memory_space<vmem>>)
      tpu.yield
    }) : () -> ()
    %get3A = arith.constant 0 : index
    %get3A_1 = tpu.vector_load %arg14[%get3A] {strides = array<i32>} : memref<16xi32, #tpu.memory_space<vmem>>, vector<16xi32>,
    %reduce_max3A = arith.constant true
    %reduce_max3A_2 = vector.broadcast %reduce_max3A : i1 to vector<16xi1>
    %reduce_max3A_3 = arith.constant -2147483648 : i32
    %reduce_max3A_4 = vector.broadcast %reduce_max3A_3 : i32 to vector<16xi32>
    %reduce_max3A_5 = arith.xori %get3A_1, %reduce_max3A_4 : vector<16xi32>
    %reduce_max3A_6 = tpu.scan <max>, %reduce_max3A_5 masked %reduce_max3A_2 : vector<16xi32>, vector<16xi1> -> vector<16xi32>
    %reduce_max3A_7 = arith.xori %reduce_max3A_6, %reduce_max3A_4 : vector<16xi32>
    %reduce_max3A_8 = vector.extract %reduce_max3A_7[15] : i32 from vector<16xi32>
    %scan3A = arith.constant 0 : i32
    %scan3A_9 = arith.constant 0 : i32
    %scan3A_10 = arith.constant 48 : i32
    %scan3A_11 = arith.addi %scan3A_9, %scan3A_10 : i32
    %scan3A_12 = arith.constant 1 : i32
    scf.for %scan3A_72 = %scan3A_9 to %scan3A_11 step %scan3A_12  : i32 {
      %broadcast_in_dim3A = arith.constant 0.000000e+00 : f32
      %broadcast_in_dim3A_73 = vector.broadcast %broadcast_in_dim3A : f32 to vector<16xf32>
      %swap3A = arith.index_cast %scan3A_72 : i32 to index
      %swap3A_74 = arith.constant 0 : index
      %swap3A_75 = tpu.vector_load %arg15[%swap3A, %swap3A_74] {strides = array<i32>} : memref<48x128xf32, #tpu.memory_space<vmem>>, vector<16xf32>,
      tpu.vector_store %arg15[%swap3A, %swap3A_74], %broadcast_in_dim3A_73 {strides = array<i32>} : memref<48x128xf32, #tpu.memory_space<vmem>>, vector<16xf32>,
      %broadcast_in_dim3A_76 = arith.constant 0.000000e+00 : f32
      %broadcast_in_dim3A_77 = vector.broadcast %broadcast_in_dim3A_76 : f32 to vector<16xf32>
      %swap3A_78 = arith.index_cast %scan3A_72 : i32 to index
      %swap3A_79 = arith.constant 16 : index
      %swap3A_80 = tpu.vector_load %arg15[%swap3A_78, %swap3A_79] {strides = array<i32>} : memref<48x128xf32, #tpu.memory_space<vmem>>, vector<16xf32>,
      tpu.vector_store %arg15[%swap3A_78, %swap3A_79], %broadcast_in_dim3A_77 {strides = array<i32>} : memref<48x128xf32, #tpu.memory_space<vmem>>, vector<16xf32>,
      %broadcast_in_dim3A_81 = arith.constant 0.000000e+00 : f32
      %broadcast_in_dim3A_82 = vector.broadcast %broadcast_in_dim3A_81 : f32 to vector<16xf32>
      %swap3A_83 = arith.index_cast %scan3A_72 : i32 to index
      %swap3A_84 = arith.constant 32 : index
      %swap3A_85 = tpu.vector_load %arg15[%swap3A_83, %swap3A_84] {strides = array<i32>} : memref<48x128xf32, #tpu.memory_space<vmem>>, vector<16xf32>,
      tpu.vector_store %arg15[%swap3A_83, %swap3A_84], %broadcast_in_dim3A_82 {strides = array<i32>} : memref<48x128xf32, #tpu.memory_space<vmem>>, vector<16xf32>,
      %broadcast_in_dim3A_86 = arith.constant 0.000000e+00 : f32
      %broadcast_in_dim3A_87 = vector.broadcast %broadcast_in_dim3A_86 : f32 to vector<16xf32>
      %swap3A_88 = arith.index_cast %scan3A_72 : i32 to index
      %swap3A_89 = arith.constant 48 : index
      %swap3A_90 = tpu.vector_load %arg15[%swap3A_88, %swap3A_89] {strides = array<i32>} : memref<48x128xf32, #tpu.memory_space<vmem>>, vector<16xf32>,
      tpu.vector_store %arg15[%swap3A_88, %swap3A_89], %broadcast_in_dim3A_87 {strides = array<i32>} : memref<48x128xf32, #tpu.memory_space<vmem>>, vector<16xf32>,
      %broadcast_in_dim3A_91 = arith.constant 0.000000e+00 : f32
      %broadcast_in_dim3A_92 = vector.broadcast %broadcast_in_dim3A_91 : f32 to vector<16xf32>
      %swap3A_93 = arith.index_cast %scan3A_72 : i32 to index
      %swap3A_94 = arith.constant 64 : index
      %swap3A_95 = tpu.vector_load %arg15[%swap3A_93, %swap3A_94] {strides = array<i32>} : memref<48x128xf32, #tpu.memory_space<vmem>>, vector<16xf32>,
      tpu.vector_store %arg15[%swap3A_93, %swap3A_94], %broadcast_in_dim3A_92 {strides = array<i32>} : memref<48x128xf32, #tpu.memory_space<vmem>>, vector<16xf32>,
      %broadcast_in_dim3A_96 = arith.constant 0.000000e+00 : f32
      %broadcast_in_dim3A_97 = vector.broadcast %broadcast_in_dim3A_96 : f32 to vector<16xf32>
      %swap3A_98 = arith.index_cast %scan3A_72 : i32 to index
      %swap3A_99 = arith.constant 80 : index
      %swap3A_100 = tpu.vector_load %arg15[%swap3A_98, %swap3A_99] {strides = array<i32>} : memref<48x128xf32, #tpu.memory_space<vmem>>, vector<16xf32>,
      tpu.vector_store %arg15[%swap3A_98, %swap3A_99], %broadcast_in_dim3A_97 {strides = array<i32>} : memref<48x128xf32, #tpu.memory_space<vmem>>, vector<16xf32>,
      %broadcast_in_dim3A_101 = arith.constant 0.000000e+00 : f32
      %broadcast_in_dim3A_102 = vector.broadcast %broadcast_in_dim3A_101 : f32 to vector<16xf32>
      %swap3A_103 = arith.index_cast %scan3A_72 : i32 to index
      %swap3A_104 = arith.constant 96 : index
      %swap3A_105 = tpu.vector_load %arg15[%swap3A_103, %swap3A_104] {strides = array<i32>} : memref<48x128xf32, #tpu.memory_space<vmem>>, vector<16xf32>,
      tpu.vector_store %arg15[%swap3A_103, %swap3A_104], %broadcast_in_dim3A_102 {strides = array<i32>} : memref<48x128xf32, #tpu.memory_space<vmem>>, vector<16xf32>,
      %broadcast_in_dim3A_106 = arith.constant 0.000000e+00 : f32
      %broadcast_in_dim3A_107 = vector.broadcast %broadcast_in_dim3A_106 : f32 to vector<16xf32>
      %swap3A_108 = arith.index_cast %scan3A_72 : i32 to index
      %swap3A_109 = arith.constant 112 : index
      %swap3A_110 = tpu.vector_load %arg15[%swap3A_108, %swap3A_109] {strides = array<i32>} : memref<48x128xf32, #tpu.memory_space<vmem>>, vector<16xf32>,
      tpu.vector_store %arg15[%swap3A_108, %swap3A_109], %broadcast_in_dim3A_107 {strides = array<i32>} : memref<48x128xf32, #tpu.memory_space<vmem>>, vector<16xf32>,
    }
    %scan3A_13 = arith.constant 48 : i32
    %mul3A_14 = arith.constant 626 : i32
    %mul3A_15 = arith.muli %arg1, %mul3A_14 : i32
    %add3A_16 = arith.constant 0 : i32
    %add3A_17 = arith.addi %mul3A_15, %add3A_16 : i32
    "tpu.region"() ({
      %run_scoped3A = tpu.sem_alloc : memref<!tpu.dma_semaphore, #tpu.memory_space<semaphore_mem>>
      %dma_start3A = arith.constant 0 : i32
      %dma_start3A_72 = tpu.memref_slice %arg10[%add3A_17, %dma_start3A] : memref<10016x128xf32, #tpu.memory_space<vmem_shared>> -> memref<48x128xf32, #tpu.memory_space<vmem_shared>>
      %dma_start3A_73 = arith.constant 0 : i32
      %dma_start3A_74 = tpu.memref_slice %arg10[%add3A_17, %dma_start3A_73] : memref<10016x128xf32, #tpu.memory_space<vmem_shared>> -> memref<48x128xf32, #tpu.memory_space<vmem_shared>>
      tpu.enqueue_dma source(%arg15 : memref<48x128xf32, #tpu.memory_space<vmem>>) target(%dma_start3A_74 : memref<48x128xf32, #tpu.memory_space<vmem_shared>>) target_semaphore(%run_scoped3A : memref<!tpu.dma_semaphore, #tpu.memory_space<semaphore_mem>>)
      %dma_wait3A = arith.constant 0 : i32
      %dma_wait3A_75 = tpu.memref_slice %arg10[%add3A_17, %dma_wait3A] : memref<10016x128xf32, #tpu.memory_space<vmem_shared>> -> memref<48x128xf32, #tpu.memory_space<vmem_shared>>
      %dma_wait3A_76 = arith.constant 0 : i32
      %dma_wait3A_77 = tpu.memref_slice %arg10[%add3A_17, %dma_wait3A_76] : memref<10016x128xf32, #tpu.memory_space<vmem_shared>> -> memref<48x128xf32, #tpu.memory_space<vmem_shared>>
      tpu.wait_dma2 semaphore(%run_scoped3A : memref<!tpu.dma_semaphore, #tpu.memory_space<semaphore_mem>>) src(%arg15 : memref<48x128xf32, #tpu.memory_space<vmem>>) dst(%dma_wait3A_77 : memref<48x128xf32, #tpu.memory_space<vmem_shared>>)
      tpu.yield
    }) : () -> ()
    %add3A_18 = arith.constant 48 : i32
    %add3A_19 = arith.addi %mul3A_15, %add3A_18 : i32
    "tpu.region"() ({
      %run_scoped3A = tpu.sem_alloc : memref<!tpu.dma_semaphore, #tpu.memory_space<semaphore_mem>>
      %dma_start3A = arith.constant 0 : i32
      %dma_start3A_72 = tpu.memref_slice %arg10[%add3A_19, %dma_start3A] : memref<10016x128xf32, #tpu.memory_space<vmem_shared>> -> memref<48x128xf32, #tpu.memory_space<vmem_shared>>
      %dma_start3A_73 = arith.constant 0 : i32
      %dma_start3A_74 = tpu.memref_slice %arg10[%add3A_19, %dma_start3A_73] : memref<10016x128xf32, #tpu.memory_space<vmem_shared>> -> memref<48x128xf32, #tpu.memory_space<vmem_shared>>
      tpu.enqueue_dma source(%arg15 : memref<48x128xf32, #tpu.memory_space<vmem>>) target(%dma_start3A_74 : memref<48x128xf32, #tpu.memory_space<vmem_shared>>) target_semaphore(%run_scoped3A : memref<!tpu.dma_semaphore, #tpu.memory_space<semaphore_mem>>)
      %dma_wait3A = arith.constant 0 : i32
      %dma_wait3A_75 = tpu.memref_slice %arg10[%add3A_19, %dma_wait3A] : memref<10016x128xf32, #tpu.memory_space<vmem_shared>> -> memref<48x128xf32, #tpu.memory_space<vmem_shared>>
      %dma_wait3A_76 = arith.constant 0 : i32
      %dma_wait3A_77 = tpu.memref_slice %arg10[%add3A_19, %dma_wait3A_76] : memref<10016x128xf32, #tpu.memory_space<vmem_shared>> -> memref<48x128xf32, #tpu.memory_space<vmem_shared>>
      tpu.wait_dma2 semaphore(%run_scoped3A : memref<!tpu.dma_semaphore, #tpu.memory_space<semaphore_mem>>) src(%arg15 : memref<48x128xf32, #tpu.memory_space<vmem>>) dst(%dma_wait3A_77 : memref<48x128xf32, #tpu.memory_space<vmem_shared>>)
      tpu.yield
    }) : () -> ()
    %add3A_20 = arith.constant 96 : i32
    %add3A_21 = arith.addi %mul3A_15, %add3A_20 : i32
    "tpu.region"() ({
      %run_scoped3A = tpu.sem_alloc : memref<!tpu.dma_semaphore, #tpu.memory_space<semaphore_mem>>
      %dma_start3A = arith.constant 0 : i32
      %dma_start3A_72 = tpu.memref_slice %arg10[%add3A_21, %dma_start3A] : memref<10016x128xf32, #tpu.memory_space<vmem_shared>> -> memref<48x128xf32, #tpu.memory_space<vmem_shared>>
      %dma_start3A_73 = arith.constant 0 : i32
      %dma_start3A_74 = tpu.memref_slice %arg10[%add3A_21, %dma_start3A_73] : memref<10016x128xf32, #tpu.memory_space<vmem_shared>> -> memref<48x128xf32, #tpu.memory_space<vmem_shared>>
      tpu.enqueue_dma source(%arg15 : memref<48x128xf32, #tpu.memory_space<vmem>>) target(%dma_start3A_74 : memref<48x128xf32, #tpu.memory_space<vmem_shared>>) target_semaphore(%run_scoped3A : memref<!tpu.dma_semaphore, #tpu.memory_space<semaphore_mem>>)
      %dma_wait3A = arith.constant 0 : i32
      %dma_wait3A_75 = tpu.memref_slice %arg10[%add3A_21, %dma_wait3A] : memref<10016x128xf32, #tpu.memory_space<vmem_shared>> -> memref<48x128xf32, #tpu.memory_space<vmem_shared>>
      %dma_wait3A_76 = arith.constant 0 : i32
      %dma_wait3A_77 = tpu.memref_slice %arg10[%add3A_21, %dma_wait3A_76] : memref<10016x128xf32, #tpu.memory_space<vmem_shared>> -> memref<48x128xf32, #tpu.memory_space<vmem_shared>>
      tpu.wait_dma2 semaphore(%run_scoped3A : memref<!tpu.dma_semaphore, #tpu.memory_space<semaphore_mem>>) src(%arg15 : memref<48x128xf32, #tpu.memory_space<vmem>>) dst(%dma_wait3A_77 : memref<48x128xf32, #tpu.memory_space<vmem_shared>>)
      tpu.yield
    }) : () -> ()
    %add3A_22 = arith.constant 144 : i32
    %add3A_23 = arith.addi %mul3A_15, %add3A_22 : i32
    "tpu.region"() ({
      %run_scoped3A = tpu.sem_alloc : memref<!tpu.dma_semaphore, #tpu.memory_space<semaphore_mem>>
      %dma_start3A = arith.constant 0 : i32
      %dma_start3A_72 = tpu.memref_slice %arg10[%add3A_23, %dma_start3A] : memref<10016x128xf32, #tpu.memory_space<vmem_shared>> -> memref<48x128xf32, #tpu.memory_space<vmem_shared>>
      %dma_start3A_73 = arith.constant 0 : i32
      %dma_start3A_74 = tpu.memref_slice %arg10[%add3A_23, %dma_start3A_73] : memref<10016x128xf32, #tpu.memory_space<vmem_shared>> -> memref<48x128xf32, #tpu.memory_space<vmem_shared>>
      tpu.enqueue_dma source(%arg15 : memref<48x128xf32, #tpu.memory_space<vmem>>) target(%dma_start3A_74 : memref<48x128xf32, #tpu.memory_space<vmem_shared>>) target_semaphore(%run_scoped3A : memref<!tpu.dma_semaphore, #tpu.memory_space<semaphore_mem>>)
      %dma_wait3A = arith.constant 0 : i32
      %dma_wait3A_75 = tpu.memref_slice %arg10[%add3A_23, %dma_wait3A] : memref<10016x128xf32, #tpu.memory_space<vmem_shared>> -> memref<48x128xf32, #tpu.memory_space<vmem_shared>>
      %dma_wait3A_76 = arith.constant 0 : i32
      %dma_wait3A_77 = tpu.memref_slice %arg10[%add3A_23, %dma_wait3A_76] : memref<10016x128xf32, #tpu.memory_space<vmem_shared>> -> memref<48x128xf32, #tpu.memory_space<vmem_shared>>
      tpu.wait_dma2 semaphore(%run_scoped3A : memref<!tpu.dma_semaphore, #tpu.memory_space<semaphore_mem>>) src(%arg15 : memref<48x128xf32, #tpu.memory_space<vmem>>) dst(%dma_wait3A_77 : memref<48x128xf32, #tpu.memory_space<vmem_shared>>)
      tpu.yield
    }) : () -> ()
    %add3A_24 = arith.constant 192 : i32
    %add3A_25 = arith.addi %mul3A_15, %add3A_24 : i32
    "tpu.region"() ({
      %run_scoped3A = tpu.sem_alloc : memref<!tpu.dma_semaphore, #tpu.memory_space<semaphore_mem>>
      %dma_start3A = arith.constant 0 : i32
      %dma_start3A_72 = tpu.memref_slice %arg10[%add3A_25, %dma_start3A] : memref<10016x128xf32, #tpu.memory_space<vmem_shared>> -> memref<48x128xf32, #tpu.memory_space<vmem_shared>>
      %dma_start3A_73 = arith.constant 0 : i32
      %dma_start3A_74 = tpu.memref_slice %arg10[%add3A_25, %dma_start3A_73] : memref<10016x128xf32, #tpu.memory_space<vmem_shared>> -> memref<48x128xf32, #tpu.memory_space<vmem_shared>>
      tpu.enqueue_dma source(%arg15 : memref<48x128xf32, #tpu.memory_space<vmem>>) target(%dma_start3A_74 : memref<48x128xf32, #tpu.memory_space<vmem_shared>>) target_semaphore(%run_scoped3A : memref<!tpu.dma_semaphore, #tpu.memory_space<semaphore_mem>>)
      %dma_wait3A = arith.constant 0 : i32
      %dma_wait3A_75 = tpu.memref_slice %arg10[%add3A_25, %dma_wait3A] : memref<10016x128xf32, #tpu.memory_space<vmem_shared>> -> memref<48x128xf32, #tpu.memory_space<vmem_shared>>
      %dma_wait3A_76 = arith.constant 0 : i32
      %dma_wait3A_77 = tpu.memref_slice %arg10[%add3A_25, %dma_wait3A_76] : memref<10016x128xf32, #tpu.memory_space<vmem_shared>> -> memref<48x128xf32, #tpu.memory_space<vmem_shared>>
      tpu.wait_dma2 semaphore(%run_scoped3A : memref<!tpu.dma_semaphore, #tpu.memory_space<semaphore_mem>>) src(%arg15 : memref<48x128xf32, #tpu.memory_space<vmem>>) dst(%dma_wait3A_77 : memref<48x128xf32, #tpu.memory_space<vmem_shared>>)
      tpu.yield
    }) : () -> ()
    %add3A_26 = arith.constant 240 : i32
    %add3A_27 = arith.addi %mul3A_15, %add3A_26 : i32
    "tpu.region"() ({
      %run_scoped3A = tpu.sem_alloc : memref<!tpu.dma_semaphore, #tpu.memory_space<semaphore_mem>>
      %dma_start3A = arith.constant 0 : i32
      %dma_start3A_72 = tpu.memref_slice %arg10[%add3A_27, %dma_start3A] : memref<10016x128xf32, #tpu.memory_space<vmem_shared>> -> memref<48x128xf32, #tpu.memory_space<vmem_shared>>
      %dma_start3A_73 = arith.constant 0 : i32
      %dma_start3A_74 = tpu.memref_slice %arg10[%add3A_27, %dma_start3A_73] : memref<10016x128xf32, #tpu.memory_space<vmem_shared>> -> memref<48x128xf32, #tpu.memory_space<vmem_shared>>
      tpu.enqueue_dma source(%arg15 : memref<48x128xf32, #tpu.memory_space<vmem>>) target(%dma_start3A_74 : memref<48x128xf32, #tpu.memory_space<vmem_shared>>) target_semaphore(%run_scoped3A : memref<!tpu.dma_semaphore, #tpu.memory_space<semaphore_mem>>)
      %dma_wait3A = arith.constant 0 : i32
      %dma_wait3A_75 = tpu.memref_slice %arg10[%add3A_27, %dma_wait3A] : memref<10016x128xf32, #tpu.memory_space<vmem_shared>> -> memref<48x128xf32, #tpu.memory_space<vmem_shared>>
      %dma_wait3A_76 = arith.constant 0 : i32
      %dma_wait3A_77 = tpu.memref_slice %arg10[%add3A_27, %dma_wait3A_76] : memref<10016x128xf32, #tpu.memory_space<vmem_shared>> -> memref<48x128xf32, #tpu.memory_space<vmem_shared>>
      tpu.wait_dma2 semaphore(%run_scoped3A : memref<!tpu.dma_semaphore, #tpu.memory_space<semaphore_mem>>) src(%arg15 : memref<48x128xf32, #tpu.memory_space<vmem>>) dst(%dma_wait3A_77 : memref<48x128xf32, #tpu.memory_space<vmem_shared>>)
      tpu.yield
    }) : () -> ()
    %add3A_28 = arith.constant 288 : i32
    %add3A_29 = arith.addi %mul3A_15, %add3A_28 : i32
    "tpu.region"() ({
      %run_scoped3A = tpu.sem_alloc : memref<!tpu.dma_semaphore, #tpu.memory_space<semaphore_mem>>
      %dma_start3A = arith.constant 0 : i32
      %dma_start3A_72 = tpu.memref_slice %arg10[%add3A_29, %dma_start3A] : memref<10016x128xf32, #tpu.memory_space<vmem_shared>> -> memref<48x128xf32, #tpu.memory_space<vmem_shared>>
      %dma_start3A_73 = arith.constant 0 : i32
      %dma_start3A_74 = tpu.memref_slice %arg10[%add3A_29, %dma_start3A_73] : memref<10016x128xf32, #tpu.memory_space<vmem_shared>> -> memref<48x128xf32, #tpu.memory_space<vmem_shared>>
      tpu.enqueue_dma source(%arg15 : memref<48x128xf32, #tpu.memory_space<vmem>>) target(%dma_start3A_74 : memref<48x128xf32, #tpu.memory_space<vmem_shared>>) target_semaphore(%run_scoped3A : memref<!tpu.dma_semaphore, #tpu.memory_space<semaphore_mem>>)
      %dma_wait3A = arith.constant 0 : i32
      %dma_wait3A_75 = tpu.memref_slice %arg10[%add3A_29, %dma_wait3A] : memref<10016x128xf32, #tpu.memory_space<vmem_shared>> -> memref<48x128xf32, #tpu.memory_space<vmem_shared>>
      %dma_wait3A_76 = arith.constant 0 : i32
      %dma_wait3A_77 = tpu.memref_slice %arg10[%add3A_29, %dma_wait3A_76] : memref<10016x128xf32, #tpu.memory_space<vmem_shared>> -> memref<48x128xf32, #tpu.memory_space<vmem_shared>>
      tpu.wait_dma2 semaphore(%run_scoped3A : memref<!tpu.dma_semaphore, #tpu.memory_space<semaphore_mem>>) src(%arg15 : memref<48x128xf32, #tpu.memory_space<vmem>>) dst(%dma_wait3A_77 : memref<48x128xf32, #tpu.memory_space<vmem_shared>>)
      tpu.yield
    }) : () -> ()
    %add3A_30 = arith.constant 336 : i32
    %add3A_31 = arith.addi %mul3A_15, %add3A_30 : i32
    "tpu.region"() ({
      %run_scoped3A = tpu.sem_alloc : memref<!tpu.dma_semaphore, #tpu.memory_space<semaphore_mem>>
      %dma_start3A = arith.constant 0 : i32
      %dma_start3A_72 = tpu.memref_slice %arg10[%add3A_31, %dma_start3A] : memref<10016x128xf32, #tpu.memory_space<vmem_shared>> -> memref<48x128xf32, #tpu.memory_space<vmem_shared>>
      %dma_start3A_73 = arith.constant 0 : i32
      %dma_start3A_74 = tpu.memref_slice %arg10[%add3A_31, %dma_start3A_73] : memref<10016x128xf32, #tpu.memory_space<vmem_shared>> -> memref<48x128xf32, #tpu.memory_space<vmem_shared>>
      tpu.enqueue_dma source(%arg15 : memref<48x128xf32, #tpu.memory_space<vmem>>) target(%dma_start3A_74 : memref<48x128xf32, #tpu.memory_space<vmem_shared>>) target_semaphore(%run_scoped3A : memref<!tpu.dma_semaphore, #tpu.memory_space<semaphore_mem>>)
      %dma_wait3A = arith.constant 0 : i32
      %dma_wait3A_75 = tpu.memref_slice %arg10[%add3A_31, %dma_wait3A] : memref<10016x128xf32, #tpu.memory_space<vmem_shared>> -> memref<48x128xf32, #tpu.memory_space<vmem_shared>>
      %dma_wait3A_76 = arith.constant 0 : i32
      %dma_wait3A_77 = tpu.memref_slice %arg10[%add3A_31, %dma_wait3A_76] : memref<10016x128xf32, #tpu.memory_space<vmem_shared>> -> memref<48x128xf32, #tpu.memory_space<vmem_shared>>
      tpu.wait_dma2 semaphore(%run_scoped3A : memref<!tpu.dma_semaphore, #tpu.memory_space<semaphore_mem>>) src(%arg15 : memref<48x128xf32, #tpu.memory_space<vmem>>) dst(%dma_wait3A_77 : memref<48x128xf32, #tpu.memory_space<vmem_shared>>)
      tpu.yield
    }) : () -> ()
    %add3A_32 = arith.constant 384 : i32
    %add3A_33 = arith.addi %mul3A_15, %add3A_32 : i32
    "tpu.region"() ({
      %run_scoped3A = tpu.sem_alloc : memref<!tpu.dma_semaphore, #tpu.memory_space<semaphore_mem>>
      %dma_start3A = arith.constant 0 : i32
      %dma_start3A_72 = tpu.memref_slice %arg10[%add3A_33, %dma_start3A] : memref<10016x128xf32, #tpu.memory_space<vmem_shared>> -> memref<48x128xf32, #tpu.memory_space<vmem_shared>>
      %dma_start3A_73 = arith.constant 0 : i32
      %dma_start3A_74 = tpu.memref_slice %arg10[%add3A_33, %dma_start3A_73] : memref<10016x128xf32, #tpu.memory_space<vmem_shared>> -> memref<48x128xf32, #tpu.memory_space<vmem_shared>>
      tpu.enqueue_dma source(%arg15 : memref<48x128xf32, #tpu.memory_space<vmem>>) target(%dma_start3A_74 : memref<48x128xf32, #tpu.memory_space<vmem_shared>>) target_semaphore(%run_scoped3A : memref<!tpu.dma_semaphore, #tpu.memory_space<semaphore_mem>>)
      %dma_wait3A = arith.constant 0 : i32
      %dma_wait3A_75 = tpu.memref_slice %arg10[%add3A_33, %dma_wait3A] : memref<10016x128xf32, #tpu.memory_space<vmem_shared>> -> memref<48x128xf32, #tpu.memory_space<vmem_shared>>
      %dma_wait3A_76 = arith.constant 0 : i32
      %dma_wait3A_77 = tpu.memref_slice %arg10[%add3A_33, %dma_wait3A_76] : memref<10016x128xf32, #tpu.memory_space<vmem_shared>> -> memref<48x128xf32, #tpu.memory_space<vmem_shared>>
      tpu.wait_dma2 semaphore(%run_scoped3A : memref<!tpu.dma_semaphore, #tpu.memory_space<semaphore_mem>>) src(%arg15 : memref<48x128xf32, #tpu.memory_space<vmem>>) dst(%dma_wait3A_77 : memref<48x128xf32, #tpu.memory_space<vmem_shared>>)
      tpu.yield
    }) : () -> ()
    %add3A_34 = arith.constant 432 : i32
    %add3A_35 = arith.addi %mul3A_15, %add3A_34 : i32
    "tpu.region"() ({
      %run_scoped3A = tpu.sem_alloc : memref<!tpu.dma_semaphore, #tpu.memory_space<semaphore_mem>>
      %dma_start3A = arith.constant 0 : i32
      %dma_start3A_72 = tpu.memref_slice %arg10[%add3A_35, %dma_start3A] : memref<10016x128xf32, #tpu.memory_space<vmem_shared>> -> memref<48x128xf32, #tpu.memory_space<vmem_shared>>
      %dma_start3A_73 = arith.constant 0 : i32
      %dma_start3A_74 = tpu.memref_slice %arg10[%add3A_35, %dma_start3A_73] : memref<10016x128xf32, #tpu.memory_space<vmem_shared>> -> memref<48x128xf32, #tpu.memory_space<vmem_shared>>
      tpu.enqueue_dma source(%arg15 : memref<48x128xf32, #tpu.memory_space<vmem>>) target(%dma_start3A_74 : memref<48x128xf32, #tpu.memory_space<vmem_shared>>) target_semaphore(%run_scoped3A : memref<!tpu.dma_semaphore, #tpu.memory_space<semaphore_mem>>)
      %dma_wait3A = arith.constant 0 : i32
      %dma_wait3A_75 = tpu.memref_slice %arg10[%add3A_35, %dma_wait3A] : memref<10016x128xf32, #tpu.memory_space<vmem_shared>> -> memref<48x128xf32, #tpu.memory_space<vmem_shared>>
      %dma_wait3A_76 = arith.constant 0 : i32
      %dma_wait3A_77 = tpu.memref_slice %arg10[%add3A_35, %dma_wait3A_76] : memref<10016x128xf32, #tpu.memory_space<vmem_shared>> -> memref<48x128xf32, #tpu.memory_space<vmem_shared>>
      tpu.wait_dma2 semaphore(%run_scoped3A : memref<!tpu.dma_semaphore, #tpu.memory_space<semaphore_mem>>) src(%arg15 : memref<48x128xf32, #tpu.memory_space<vmem>>) dst(%dma_wait3A_77 : memref<48x128xf32, #tpu.memory_space<vmem_shared>>)
      tpu.yield
    }) : () -> ()
    %add3A_36 = arith.constant 480 : i32
    %add3A_37 = arith.addi %mul3A_15, %add3A_36 : i32
    "tpu.region"() ({
      %run_scoped3A = tpu.sem_alloc : memref<!tpu.dma_semaphore, #tpu.memory_space<semaphore_mem>>
      %dma_start3A = arith.constant 0 : i32
      %dma_start3A_72 = tpu.memref_slice %arg10[%add3A_37, %dma_start3A] : memref<10016x128xf32, #tpu.memory_space<vmem_shared>> -> memref<48x128xf32, #tpu.memory_space<vmem_shared>>
      %dma_start3A_73 = arith.constant 0 : i32
      %dma_start3A_74 = tpu.memref_slice %arg10[%add3A_37, %dma_start3A_73] : memref<10016x128xf32, #tpu.memory_space<vmem_shared>> -> memref<48x128xf32, #tpu.memory_space<vmem_shared>>
      tpu.enqueue_dma source(%arg15 : memref<48x128xf32, #tpu.memory_space<vmem>>) target(%dma_start3A_74 : memref<48x128xf32, #tpu.memory_space<vmem_shared>>) target_semaphore(%run_scoped3A : memref<!tpu.dma_semaphore, #tpu.memory_space<semaphore_mem>>)
      %dma_wait3A = arith.constant 0 : i32
      %dma_wait3A_75 = tpu.memref_slice %arg10[%add3A_37, %dma_wait3A] : memref<10016x128xf32, #tpu.memory_space<vmem_shared>> -> memref<48x128xf32, #tpu.memory_space<vmem_shared>>
      %dma_wait3A_76 = arith.constant 0 : i32
      %dma_wait3A_77 = tpu.memref_slice %arg10[%add3A_37, %dma_wait3A_76] : memref<10016x128xf32, #tpu.memory_space<vmem_shared>> -> memref<48x128xf32, #tpu.memory_space<vmem_shared>>
      tpu.wait_dma2 semaphore(%run_scoped3A : memref<!tpu.dma_semaphore, #tpu.memory_space<semaphore_mem>>) src(%arg15 : memref<48x128xf32, #tpu.memory_space<vmem>>) dst(%dma_wait3A_77 : memref<48x128xf32, #tpu.memory_space<vmem_shared>>)
      tpu.yield
    }) : () -> ()
    %add3A_38 = arith.constant 528 : i32
    %add3A_39 = arith.addi %mul3A_15, %add3A_38 : i32
    "tpu.region"() ({
      %run_scoped3A = tpu.sem_alloc : memref<!tpu.dma_semaphore, #tpu.memory_space<semaphore_mem>>
      %dma_start3A = arith.constant 0 : i32
      %dma_start3A_72 = tpu.memref_slice %arg10[%add3A_39, %dma_start3A] : memref<10016x128xf32, #tpu.memory_space<vmem_shared>> -> memref<48x128xf32, #tpu.memory_space<vmem_shared>>
      %dma_start3A_73 = arith.constant 0 : i32
      %dma_start3A_74 = tpu.memref_slice %arg10[%add3A_39, %dma_start3A_73] : memref<10016x128xf32, #tpu.memory_space<vmem_shared>> -> memref<48x128xf32, #tpu.memory_space<vmem_shared>>
      tpu.enqueue_dma source(%arg15 : memref<48x128xf32, #tpu.memory_space<vmem>>) target(%dma_start3A_74 : memref<48x128xf32, #tpu.memory_space<vmem_shared>>) target_semaphore(%run_scoped3A : memref<!tpu.dma_semaphore, #tpu.memory_space<semaphore_mem>>)
      %dma_wait3A = arith.constant 0 : i32
      %dma_wait3A_75 = tpu.memref_slice %arg10[%add3A_39, %dma_wait3A] : memref<10016x128xf32, #tpu.memory_space<vmem_shared>> -> memref<48x128xf32, #tpu.memory_space<vmem_shared>>
      %dma_wait3A_76 = arith.constant 0 : i32
      %dma_wait3A_77 = tpu.memref_slice %arg10[%add3A_39, %dma_wait3A_76] : memref<10016x128xf32, #tpu.memory_space<vmem_shared>> -> memref<48x128xf32, #tpu.memory_space<vmem_shared>>
      tpu.wait_dma2 semaphore(%run_scoped3A : memref<!tpu.dma_semaphore, #tpu.memory_space<semaphore_mem>>) src(%arg15 : memref<48x128xf32, #tpu.memory_space<vmem>>) dst(%dma_wait3A_77 : memref<48x128xf32, #tpu.memory_space<vmem_shared>>)
      tpu.yield
    }) : () -> ()
    %add3A_40 = arith.constant 576 : i32
    %add3A_41 = arith.addi %mul3A_15, %add3A_40 : i32
    "tpu.region"() ({
      %run_scoped3A = tpu.sem_alloc : memref<!tpu.dma_semaphore, #tpu.memory_space<semaphore_mem>>
      %dma_start3A = arith.constant 0 : i32
      %dma_start3A_72 = tpu.memref_slice %arg10[%add3A_41, %dma_start3A] : memref<10016x128xf32, #tpu.memory_space<vmem_shared>> -> memref<48x128xf32, #tpu.memory_space<vmem_shared>>
      %dma_start3A_73 = arith.constant 0 : i32
      %dma_start3A_74 = tpu.memref_slice %arg10[%add3A_41, %dma_start3A_73] : memref<10016x128xf32, #tpu.memory_space<vmem_shared>> -> memref<48x128xf32, #tpu.memory_space<vmem_shared>>
      tpu.enqueue_dma source(%arg15 : memref<48x128xf32, #tpu.memory_space<vmem>>) target(%dma_start3A_74 : memref<48x128xf32, #tpu.memory_space<vmem_shared>>) target_semaphore(%run_scoped3A : memref<!tpu.dma_semaphore, #tpu.memory_space<semaphore_mem>>)
      %dma_wait3A = arith.constant 0 : i32
      %dma_wait3A_75 = tpu.memref_slice %arg10[%add3A_41, %dma_wait3A] : memref<10016x128xf32, #tpu.memory_space<vmem_shared>> -> memref<48x128xf32, #tpu.memory_space<vmem_shared>>
      %dma_wait3A_76 = arith.constant 0 : i32
      %dma_wait3A_77 = tpu.memref_slice %arg10[%add3A_41, %dma_wait3A_76] : memref<10016x128xf32, #tpu.memory_space<vmem_shared>> -> memref<48x128xf32, #tpu.memory_space<vmem_shared>>
      tpu.wait_dma2 semaphore(%run_scoped3A : memref<!tpu.dma_semaphore, #tpu.memory_space<semaphore_mem>>) src(%arg15 : memref<48x128xf32, #tpu.memory_space<vmem>>) dst(%dma_wait3A_77 : memref<48x128xf32, #tpu.memory_space<vmem_shared>>)
      tpu.yield
    }) : () -> ()
    %add3A_42 = arith.constant 624 : i32
    %add3A_43 = arith.addi %mul3A_15, %add3A_42 : i32
    "tpu.region"() ({
      %run_scoped3A = tpu.sem_alloc : memref<!tpu.dma_semaphore, #tpu.memory_space<semaphore_mem>>
      %dma_start3A = arith.constant 0 : i32
      %dma_start3A_72 = arith.constant 0 : i32
      %dma_start3A_73 = tpu.memref_slice %arg15[%dma_start3A, %dma_start3A_72] : memref<48x128xf32, #tpu.memory_space<vmem>> -> memref<2x128xf32, #tpu.memory_space<vmem>>
      %dma_start3A_74 = arith.constant 0 : i32
      %dma_start3A_75 = tpu.memref_slice %arg10[%add3A_43, %dma_start3A_74] : memref<10016x128xf32, #tpu.memory_space<vmem_shared>> -> memref<2x128xf32, #tpu.memory_space<vmem_shared>>
      %dma_start3A_76 = arith.constant 0 : i32
      %dma_start3A_77 = tpu.memref_slice %arg10[%add3A_43, %dma_start3A_76] : memref<10016x128xf32, #tpu.memory_space<vmem_shared>> -> memref<2x128xf32, #tpu.memory_space<vmem_shared>>
      %dma_start3A_78 = arith.constant 0 : i32
      %dma_start3A_79 = arith.constant 0 : i32
      %dma_start3A_80 = tpu.memref_slice %arg15[%dma_start3A_78, %dma_start3A_79] : memref<48x128xf32, #tpu.memory_space<vmem>> -> memref<2x128xf32, #tpu.memory_space<vmem>>
      tpu.enqueue_dma source(%dma_start3A_80 : memref<2x128xf32, #tpu.memory_space<vmem>>) target(%dma_start3A_77 : memref<2x128xf32, #tpu.memory_space<vmem_shared>>) target_semaphore(%run_scoped3A : memref<!tpu.dma_semaphore, #tpu.memory_space<semaphore_mem>>)
      %dma_wait3A = arith.constant 0 : i32
      %dma_wait3A_81 = arith.constant 0 : i32
      %dma_wait3A_82 = tpu.memref_slice %arg15[%dma_wait3A, %dma_wait3A_81] : memref<48x128xf32, #tpu.memory_space<vmem>> -> memref<2x128xf32, #tpu.memory_space<vmem>>
      %dma_wait3A_83 = arith.constant 0 : i32
      %dma_wait3A_84 = tpu.memref_slice %arg10[%add3A_43, %dma_wait3A_83] : memref<10016x128xf32, #tpu.memory_space<vmem_shared>> -> memref<2x128xf32, #tpu.memory_space<vmem_shared>>
      %dma_wait3A_85 = arith.constant 0 : i32
      %dma_wait3A_86 = tpu.memref_slice %arg10[%add3A_43, %dma_wait3A_85] : memref<10016x128xf32, #tpu.memory_space<vmem_shared>> -> memref<2x128xf32, #tpu.memory_space<vmem_shared>>
      %dma_wait3A_87 = arith.constant 0 : i32
      %dma_wait3A_88 = arith.constant 0 : i32
      %dma_wait3A_89 = tpu.memref_slice %arg15[%dma_wait3A_87, %dma_wait3A_88] : memref<48x128xf32, #tpu.memory_space<vmem>> -> memref<2x128xf32, #tpu.memory_space<vmem>>
      tpu.wait_dma2 semaphore(%run_scoped3A : memref<!tpu.dma_semaphore, #tpu.memory_space<semaphore_mem>>) src(%dma_wait3A_89 : memref<2x128xf32, #tpu.memory_space<vmem>>) dst(%dma_wait3A_86 : memref<2x128xf32, #tpu.memory_space<vmem_shared>>)
      tpu.yield
    }) : () -> ()
    %barrier3A = arith.constant 0 : index
    tpu.barrier barrier_id(%barrier3A)
    %add3A_44 = arith.constant 47 : i32
    %add3A_45 = arith.addi %reduce_max3A_8, %add3A_44 : i32
    %jit3A = arith.constant 48 : i32
    %div3A = arith.divsi %add3A_45, %jit3A : i32
    %sign3A = arith.constant 0 : i32
    %sign3A_46 = arith.cmpi sgt, %add3A_45, %sign3A : i32
    %sign3A_47 = arith.extui %sign3A_46 : i1 to i32
    %sign3A_48 = arith.constant 0 : i32
    %sign3A_49 = arith.cmpi slt, %add3A_45, %sign3A_48 : i32
    %sign3A_50 = arith.extui %sign3A_49 : i1 to i32
    %sign3A_51 = arith.subi %sign3A_47, %sign3A_50 : i32
    %sign3A_52 = arith.constant 0 : i32
    %sign3A_53 = arith.cmpi sgt, %jit3A, %sign3A_52 : i32
    %sign3A_54 = arith.extui %sign3A_53 : i1 to i32
    %sign3A_55 = arith.constant 0 : i32
    %sign3A_56 = arith.cmpi slt, %jit3A, %sign3A_55 : i32
    %sign3A_57 = arith.extui %sign3A_56 : i1 to i32
    %sign3A_58 = arith.subi %sign3A_54, %sign3A_57 : i32
    %ne3A = arith.cmpi ne, %sign3A_51, %sign3A_58 : i32
    %rem3A = arith.remsi %add3A_45, %jit3A : i32
    %ne3A_59 = arith.constant 0 : i32
    %ne3A_60 = arith.cmpi ne, %rem3A, %ne3A_59 : i32
    %and3A = arith.andi %ne3A, %ne3A_60 : i1
    %sub3A = arith.constant 1 : i32
    %sub3A_61 = arith.subi %div3A, %sub3A : i32
    %select_n3A = arith.select %and3A, %sub3A_61, %div3A : i32
    %while3A = arith.constant 0 : i32
    %while3A_62 = arith.constant 0 : i32
    %while3A_63 = arith.subi %select_n3A, %while3A_62 : i32
    %while3A_64 = arith.addi %while3A_62, %while3A_63 : i32
    %while3A_65 = arith.constant 1 : i32
    %while3A_66 = arith.divsi %while3A_63, %while3A_65 : i32
    %while3A_67 = arith.muli %while3A_66, %while3A_65 : i32
    %while3A_68 = arith.addi %while3A_62, %while3A_67 : i32
    %while3A_69 = arith.constant 1 : i32
    scf.for %while3A_72 = %while3A_62 to %while3A_68 step %while3A_69  : i32 {
      %dma_start3A = arith.constant 0 : i32
      %dma_start3A_73 = tpu.memref_slice %arg11[%while3A_72, %dma_start3A] : memref<210x48xi32, #tpu.memory_space<vmem>> -> memref<1x48xi32, #tpu.memory_space<vmem>>
      %dma_start3A_74 = tpu.memref_squeeze %dma_start3A_73 : memref<1x48xi32, #tpu.memory_space<vmem>> -> memref<48xi32, #tpu.memory_space<vmem>>
      %dma_start3A_75 = arith.constant 0 : i32
      %dma_start3A_76 = arith.constant 0 : i32
      %dma_start3A_77 = tpu.memref_slice %arg6[%dma_start3A_75, %dma_start3A_76] : memref<10000x128xf32, #tpu.memory_space<hbm>> -> memref<10000x128xf32, #tpu.memory_space<hbm>>
      tpu.enqueue_indirect_dma source(%dma_start3A_77 : memref<10000x128xf32, #tpu.memory_space<hbm>>) target(%arg15 : memref<48x128xf32, #tpu.memory_space<vmem>>) offsets(%dma_start3A_74 : memref<48xi32, #tpu.memory_space<vmem>>) semaphore(%arg18 : memref<!tpu.dma_semaphore, #tpu.memory_space<semaphore_mem>>)
      %dma_start3A_78 = arith.constant 0 : i32
      %dma_start3A_79 = tpu.memref_slice %arg12[%while3A_72, %dma_start3A_78] : memref<210x48xi32, #tpu.memory_space<vmem>> -> memref<1x48xi32, #tpu.memory_space<vmem>>
      %dma_start3A_80 = tpu.memref_squeeze %dma_start3A_79 : memref<1x48xi32, #tpu.memory_space<vmem>> -> memref<48xi32, #tpu.memory_space<vmem>>
      %dma_start3A_81 = arith.constant 0 : i32
      %dma_start3A_82 = arith.constant 0 : i32
      %dma_start3A_83 = tpu.memref_slice %arg7[%dma_start3A_81, %dma_start3A_82] : memref<10000x128xf32, #tpu.memory_space<hbm>> -> memref<10000x128xf32, #tpu.memory_space<hbm>>
      tpu.enqueue_indirect_dma source(%dma_start3A_83 : memref<10000x128xf32, #tpu.memory_space<hbm>>) target(%arg16 : memref<48x128xf32, #tpu.memory_space<vmem>>) offsets(%dma_start3A_80 : memref<48xi32, #tpu.memory_space<vmem>>) semaphore(%arg19 : memref<!tpu.dma_semaphore, #tpu.memory_space<semaphore_mem>>)
      %dma_start3A_84 = arith.constant 0 : i32
      %dma_start3A_85 = tpu.memref_slice %arg13[%while3A_72, %dma_start3A_84] : memref<210x48xi32, #tpu.memory_space<vmem>> -> memref<1x48xi32, #tpu.memory_space<vmem>>
      %dma_start3A_86 = tpu.memref_squeeze %dma_start3A_85 : memref<1x48xi32, #tpu.memory_space<vmem>> -> memref<48xi32, #tpu.memory_space<vmem>>
      %dma_start3A_87 = arith.constant 0 : i32
      %dma_start3A_88 = arith.constant 0 : i32
      %dma_start3A_89 = tpu.memref_slice %arg8[%dma_start3A_87, %dma_start3A_88] : memref<320000x128xf32, #tpu.memory_space<hbm>> -> memref<320000x128xf32, #tpu.memory_space<hbm>>
      tpu.enqueue_indirect_dma source(%dma_start3A_89 : memref<320000x128xf32, #tpu.memory_space<hbm>>) target(%arg17 : memref<48x128xf32, #tpu.memory_space<vmem>>) offsets(%dma_start3A_86 : memref<48xi32, #tpu.memory_space<vmem>>) semaphore(%arg20 : memref<!tpu.dma_semaphore, #tpu.memory_space<semaphore_mem>>)
      %dma_wait3A = arith.constant 0 : i32
      %dma_wait3A_90 = tpu.memref_slice %arg11[%while3A_72, %dma_wait3A] : memref<210x48xi32, #tpu.memory_space<vmem>> -> memref<1x48xi32, #tpu.memory_space<vmem>>
      %dma_wait3A_91 = tpu.memref_squeeze %dma_wait3A_90 : memref<1x48xi32, #tpu.memory_space<vmem>> -> memref<48xi32, #tpu.memory_space<vmem>>
      %dma_wait3A_92 = arith.constant 0 : i32
      %dma_wait3A_93 = arith.constant 0 : i32
      %dma_wait3A_94 = tpu.memref_slice %arg6[%dma_wait3A_92, %dma_wait3A_93] : memref<10000x128xf32, #tpu.memory_space<hbm>> -> memref<10000x128xf32, #tpu.memory_space<hbm>>
      tpu.wait_indirect_dma semaphore(%arg18 : memref<!tpu.dma_semaphore, #tpu.memory_space<semaphore_mem>>) src(%dma_wait3A_94 : memref<10000x128xf32, #tpu.memory_space<hbm>>) dst(%arg15 : memref<48x128xf32, #tpu.memory_space<vmem>>)
      %dma_wait3A_95 = arith.constant 0 : i32
      %dma_wait3A_96 = tpu.memref_slice %arg12[%while3A_72, %dma_wait3A_95] : memref<210x48xi32, #tpu.memory_space<vmem>> -> memref<1x48xi32, #tpu.memory_space<vmem>>
      %dma_wait3A_97 = tpu.memref_squeeze %dma_wait3A_96 : memref<1x48xi32, #tpu.memory_space<vmem>> -> memref<48xi32, #tpu.memory_space<vmem>>
      %dma_wait3A_98 = arith.constant 0 : i32
      %dma_wait3A_99 = arith.constant 0 : i32
      %dma_wait3A_100 = tpu.memref_slice %arg7[%dma_wait3A_98, %dma_wait3A_99] : memref<10000x128xf32, #tpu.memory_space<hbm>> -> memref<10000x128xf32, #tpu.memory_space<hbm>>
      tpu.wait_indirect_dma semaphore(%arg19 : memref<!tpu.dma_semaphore, #tpu.memory_space<semaphore_mem>>) src(%dma_wait3A_100 : memref<10000x128xf32, #tpu.memory_space<hbm>>) dst(%arg16 : memref<48x128xf32, #tpu.memory_space<vmem>>)
      %dma_wait3A_101 = arith.constant 0 : i32
      %dma_wait3A_102 = tpu.memref_slice %arg13[%while3A_72, %dma_wait3A_101] : memref<210x48xi32, #tpu.memory_space<vmem>> -> memref<1x48xi32, #tpu.memory_space<vmem>>
      %dma_wait3A_103 = tpu.memref_squeeze %dma_wait3A_102 : memref<1x48xi32, #tpu.memory_space<vmem>> -> memref<48xi32, #tpu.memory_space<vmem>>
      %dma_wait3A_104 = arith.constant 0 : i32
      %dma_wait3A_105 = arith.constant 0 : i32
      %dma_wait3A_106 = tpu.memref_slice %arg8[%dma_wait3A_104, %dma_wait3A_105] : memref<320000x128xf32, #tpu.memory_space<hbm>> -> memref<320000x128xf32, #tpu.memory_space<hbm>>
      tpu.wait_indirect_dma semaphore(%arg20 : memref<!tpu.dma_semaphore, #tpu.memory_space<semaphore_mem>>) src(%dma_wait3A_106 : memref<320000x128xf32, #tpu.memory_space<hbm>>) dst(%arg17 : memref<48x128xf32, #tpu.memory_space<vmem>>)
      %scan3A_107 = arith.constant 0 : i32
      %scan3A_108 = arith.constant 0 : i32
      %scan3A_109 = arith.constant 48 : i32
      %scan3A_110 = arith.addi %scan3A_108, %scan3A_109 : i32
      %scan3A_111 = arith.constant 1 : i32
      scf.for %scan3A_113 = %scan3A_108 to %scan3A_110 step %scan3A_111  : i32 {
        %mul3A_114 = arith.constant 48 : i32
        %mul3A_115 = arith.muli %while3A_72, %mul3A_114 : i32
        %add3A_116 = arith.addi %mul3A_115, %scan3A_113 : i32
        %lt3A = arith.cmpi slt, %add3A_116, %reduce_max3A_8 : i32
        %get3A_117 = arith.index_cast %scan3A_113 : i32 to index
        %get3A_118 = arith.constant 0 : index
        %get3A_119 = tpu.vector_load %arg15[%get3A_117, %get3A_118] {strides = array<i32>} : memref<48x128xf32, #tpu.memory_space<vmem>>, vector<16xf32>,
        %get3A_120 = arith.index_cast %scan3A_113 : i32 to index
        %get3A_121 = arith.constant 0 : index
        %get3A_122 = tpu.vector_load %arg16[%get3A_120, %get3A_121] {strides = array<i32>} : memref<48x128xf32, #tpu.memory_space<vmem>>, vector<16xf32>,
        %add3A_123 = arith.addf %get3A_119, %get3A_122 : vector<16xf32>
        %get3A_124 = arith.index_cast %scan3A_113 : i32 to index
        %get3A_125 = arith.constant 0 : index
        %get3A_126 = tpu.vector_load %arg17[%get3A_124, %get3A_125] {strides = array<i32>} : memref<48x128xf32, #tpu.memory_space<vmem>>, vector<16xf32>,
        %add3A_127 = arith.addf %add3A_123, %get3A_126 : vector<16xf32>
        %mul3A_128 = arith.constant 0.00999999977 : f32
        %mul3A_129 = vector.broadcast %mul3A_128 : f32 to vector<16xf32>
        %mul3A_130 = arith.mulf %add3A_127, %mul3A_129 : vector<16xf32>
        %max3A = arith.maximumf %add3A_127, %mul3A_130 : vector<16xf32>
        %broadcast_in_dim3A = arith.constant 0.000000e+00 : f32
        %broadcast_in_dim3A_131 = vector.broadcast %broadcast_in_dim3A : f32 to vector<16xf32>
        %select_n3A_132 = arith.select %lt3A, %max3A, %broadcast_in_dim3A_131 : vector<16xf32>
        %swap3A = arith.index_cast %scan3A_113 : i32 to index
        %swap3A_133 = arith.constant 0 : index
        %swap3A_134 = tpu.vector_load %arg15[%swap3A, %swap3A_133] {strides = array<i32>} : memref<48x128xf32, #tpu.memory_space<vmem>>, vector<16xf32>,
        tpu.vector_store %arg15[%swap3A, %swap3A_133], %select_n3A_132 {strides = array<i32>} : memref<48x128xf32, #tpu.memory_space<vmem>>, vector<16xf32>,
        %get3A_135 = arith.index_cast %scan3A_113 : i32 to index
        %get3A_136 = arith.constant 16 : index
        %get3A_137 = tpu.vector_load %arg15[%get3A_135, %get3A_136] {strides = array<i32>} : memref<48x128xf32, #tpu.memory_space<vmem>>, vector<16xf32>,
        %get3A_138 = arith.index_cast %scan3A_113 : i32 to index
        %get3A_139 = arith.constant 16 : index
        %get3A_140 = tpu.vector_load %arg16[%get3A_138, %get3A_139] {strides = array<i32>} : memref<48x128xf32, #tpu.memory_space<vmem>>, vector<16xf32>,
        %add3A_141 = arith.addf %get3A_137, %get3A_140 : vector<16xf32>
        %get3A_142 = arith.index_cast %scan3A_113 : i32 to index
        %get3A_143 = arith.constant 16 : index
        %get3A_144 = tpu.vector_load %arg17[%get3A_142, %get3A_143] {strides = array<i32>} : memref<48x128xf32, #tpu.memory_space<vmem>>, vector<16xf32>,
        %add3A_145 = arith.addf %add3A_141, %get3A_144 : vector<16xf32>
        %mul3A_146 = arith.constant 0.00999999977 : f32
        %mul3A_147 = vector.broadcast %mul3A_146 : f32 to vector<16xf32>
        %mul3A_148 = arith.mulf %add3A_145, %mul3A_147 : vector<16xf32>
        %max3A_149 = arith.maximumf %add3A_145, %mul3A_148 : vector<16xf32>
        %broadcast_in_dim3A_150 = arith.constant 0.000000e+00 : f32
        %broadcast_in_dim3A_151 = vector.broadcast %broadcast_in_dim3A_150 : f32 to vector<16xf32>
        %select_n3A_152 = arith.select %lt3A, %max3A_149, %broadcast_in_dim3A_151 : vector<16xf32>
        %swap3A_153 = arith.index_cast %scan3A_113 : i32 to index
        %swap3A_154 = arith.constant 16 : index
        %swap3A_155 = tpu.vector_load %arg15[%swap3A_153, %swap3A_154] {strides = array<i32>} : memref<48x128xf32, #tpu.memory_space<vmem>>, vector<16xf32>,
        tpu.vector_store %arg15[%swap3A_153, %swap3A_154], %select_n3A_152 {strides = array<i32>} : memref<48x128xf32, #tpu.memory_space<vmem>>, vector<16xf32>,
        %get3A_156 = arith.index_cast %scan3A_113 : i32 to index
        %get3A_157 = arith.constant 32 : index
        %get3A_158 = tpu.vector_load %arg15[%get3A_156, %get3A_157] {strides = array<i32>} : memref<48x128xf32, #tpu.memory_space<vmem>>, vector<16xf32>,
        %get3A_159 = arith.index_cast %scan3A_113 : i32 to index
        %get3A_160 = arith.constant 32 : index
        %get3A_161 = tpu.vector_load %arg16[%get3A_159, %get3A_160] {strides = array<i32>} : memref<48x128xf32, #tpu.memory_space<vmem>>, vector<16xf32>,
        %add3A_162 = arith.addf %get3A_158, %get3A_161 : vector<16xf32>
        %get3A_163 = arith.index_cast %scan3A_113 : i32 to index
        %get3A_164 = arith.constant 32 : index
        %get3A_165 = tpu.vector_load %arg17[%get3A_163, %get3A_164] {strides = array<i32>} : memref<48x128xf32, #tpu.memory_space<vmem>>, vector<16xf32>,
        %add3A_166 = arith.addf %add3A_162, %get3A_165 : vector<16xf32>
        %mul3A_167 = arith.constant 0.00999999977 : f32
        %mul3A_168 = vector.broadcast %mul3A_167 : f32 to vector<16xf32>
        %mul3A_169 = arith.mulf %add3A_166, %mul3A_168 : vector<16xf32>
        %max3A_170 = arith.maximumf %add3A_166, %mul3A_169 : vector<16xf32>
        %broadcast_in_dim3A_171 = arith.constant 0.000000e+00 : f32
        %broadcast_in_dim3A_172 = vector.broadcast %broadcast_in_dim3A_171 : f32 to vector<16xf32>
        %select_n3A_173 = arith.select %lt3A, %max3A_170, %broadcast_in_dim3A_172 : vector<16xf32>
        %swap3A_174 = arith.index_cast %scan3A_113 : i32 to index
        %swap3A_175 = arith.constant 32 : index
        %swap3A_176 = tpu.vector_load %arg15[%swap3A_174, %swap3A_175] {strides = array<i32>} : memref<48x128xf32, #tpu.memory_space<vmem>>, vector<16xf32>,
        tpu.vector_store %arg15[%swap3A_174, %swap3A_175], %select_n3A_173 {strides = array<i32>} : memref<48x128xf32, #tpu.memory_space<vmem>>, vector<16xf32>,
        %get3A_177 = arith.index_cast %scan3A_113 : i32 to index
        %get3A_178 = arith.constant 48 : index
        %get3A_179 = tpu.vector_load %arg15[%get3A_177, %get3A_178] {strides = array<i32>} : memref<48x128xf32, #tpu.memory_space<vmem>>, vector<16xf32>,
        %get3A_180 = arith.index_cast %scan3A_113 : i32 to index
        %get3A_181 = arith.constant 48 : index
        %get3A_182 = tpu.vector_load %arg16[%get3A_180, %get3A_181] {strides = array<i32>} : memref<48x128xf32, #tpu.memory_space<vmem>>, vector<16xf32>,
        %add3A_183 = arith.addf %get3A_179, %get3A_182 : vector<16xf32>
        %get3A_184 = arith.index_cast %scan3A_113 : i32 to index
        %get3A_185 = arith.constant 48 : index
        %get3A_186 = tpu.vector_load %arg17[%get3A_184, %get3A_185] {strides = array<i32>} : memref<48x128xf32, #tpu.memory_space<vmem>>, vector<16xf32>,
        %add3A_187 = arith.addf %add3A_183, %get3A_186 : vector<16xf32>
        %mul3A_188 = arith.constant 0.00999999977 : f32
        %mul3A_189 = vector.broadcast %mul3A_188 : f32 to vector<16xf32>
        %mul3A_190 = arith.mulf %add3A_187, %mul3A_189 : vector<16xf32>
        %max3A_191 = arith.maximumf %add3A_187, %mul3A_190 : vector<16xf32>
        %broadcast_in_dim3A_192 = arith.constant 0.000000e+00 : f32
        %broadcast_in_dim3A_193 = vector.broadcast %broadcast_in_dim3A_192 : f32 to vector<16xf32>
        %select_n3A_194 = arith.select %lt3A, %max3A_191, %broadcast_in_dim3A_193 : vector<16xf32>
        %swap3A_195 = arith.index_cast %scan3A_113 : i32 to index
        %swap3A_196 = arith.constant 48 : index
        %swap3A_197 = tpu.vector_load %arg15[%swap3A_195, %swap3A_196] {strides = array<i32>} : memref<48x128xf32, #tpu.memory_space<vmem>>, vector<16xf32>,
        tpu.vector_store %arg15[%swap3A_195, %swap3A_196], %select_n3A_194 {strides = array<i32>} : memref<48x128xf32, #tpu.memory_space<vmem>>, vector<16xf32>,
        %get3A_198 = arith.index_cast %scan3A_113 : i32 to index
        %get3A_199 = arith.constant 64 : index
        %get3A_200 = tpu.vector_load %arg15[%get3A_198, %get3A_199] {strides = array<i32>} : memref<48x128xf32, #tpu.memory_space<vmem>>, vector<16xf32>,
        %get3A_201 = arith.index_cast %scan3A_113 : i32 to index
        %get3A_202 = arith.constant 64 : index
        %get3A_203 = tpu.vector_load %arg16[%get3A_201, %get3A_202] {strides = array<i32>} : memref<48x128xf32, #tpu.memory_space<vmem>>, vector<16xf32>,
        %add3A_204 = arith.addf %get3A_200, %get3A_203 : vector<16xf32>
        %get3A_205 = arith.index_cast %scan3A_113 : i32 to index
        %get3A_206 = arith.constant 64 : index
        %get3A_207 = tpu.vector_load %arg17[%get3A_205, %get3A_206] {strides = array<i32>} : memref<48x128xf32, #tpu.memory_space<vmem>>, vector<16xf32>,
        %add3A_208 = arith.addf %add3A_204, %get3A_207 : vector<16xf32>
        %mul3A_209 = arith.constant 0.00999999977 : f32
        %mul3A_210 = vector.broadcast %mul3A_209 : f32 to vector<16xf32>
        %mul3A_211 = arith.mulf %add3A_208, %mul3A_210 : vector<16xf32>
        %max3A_212 = arith.maximumf %add3A_208, %mul3A_211 : vector<16xf32>
        %broadcast_in_dim3A_213 = arith.constant 0.000000e+00 : f32
        %broadcast_in_dim3A_214 = vector.broadcast %broadcast_in_dim3A_213 : f32 to vector<16xf32>
        %select_n3A_215 = arith.select %lt3A, %max3A_212, %broadcast_in_dim3A_214 : vector<16xf32>
        %swap3A_216 = arith.index_cast %scan3A_113 : i32 to index
        %swap3A_217 = arith.constant 64 : index
        %swap3A_218 = tpu.vector_load %arg15[%swap3A_216, %swap3A_217] {strides = array<i32>} : memref<48x128xf32, #tpu.memory_space<vmem>>, vector<16xf32>,
        tpu.vector_store %arg15[%swap3A_216, %swap3A_217], %select_n3A_215 {strides = array<i32>} : memref<48x128xf32, #tpu.memory_space<vmem>>, vector<16xf32>,
        %get3A_219 = arith.index_cast %scan3A_113 : i32 to index
        %get3A_220 = arith.constant 80 : index
        %get3A_221 = tpu.vector_load %arg15[%get3A_219, %get3A_220] {strides = array<i32>} : memref<48x128xf32, #tpu.memory_space<vmem>>, vector<16xf32>,
        %get3A_222 = arith.index_cast %scan3A_113 : i32 to index
        %get3A_223 = arith.constant 80 : index
        %get3A_224 = tpu.vector_load %arg16[%get3A_222, %get3A_223] {strides = array<i32>} : memref<48x128xf32, #tpu.memory_space<vmem>>, vector<16xf32>,
        %add3A_225 = arith.addf %get3A_221, %get3A_224 : vector<16xf32>
        %get3A_226 = arith.index_cast %scan3A_113 : i32 to index
        %get3A_227 = arith.constant 80 : index
        %get3A_228 = tpu.vector_load %arg17[%get3A_226, %get3A_227] {strides = array<i32>} : memref<48x128xf32, #tpu.memory_space<vmem>>, vector<16xf32>,
        %add3A_229 = arith.addf %add3A_225, %get3A_228 : vector<16xf32>
        %mul3A_230 = arith.constant 0.00999999977 : f32
        %mul3A_231 = vector.broadcast %mul3A_230 : f32 to vector<16xf32>
        %mul3A_232 = arith.mulf %add3A_229, %mul3A_231 : vector<16xf32>
        %max3A_233 = arith.maximumf %add3A_229, %mul3A_232 : vector<16xf32>
        %broadcast_in_dim3A_234 = arith.constant 0.000000e+00 : f32
        %broadcast_in_dim3A_235 = vector.broadcast %broadcast_in_dim3A_234 : f32 to vector<16xf32>
        %select_n3A_236 = arith.select %lt3A, %max3A_233, %broadcast_in_dim3A_235 : vector<16xf32>
        %swap3A_237 = arith.index_cast %scan3A_113 : i32 to index
        %swap3A_238 = arith.constant 80 : index
        %swap3A_239 = tpu.vector_load %arg15[%swap3A_237, %swap3A_238] {strides = array<i32>} : memref<48x128xf32, #tpu.memory_space<vmem>>, vector<16xf32>,
        tpu.vector_store %arg15[%swap3A_237, %swap3A_238], %select_n3A_236 {strides = array<i32>} : memref<48x128xf32, #tpu.memory_space<vmem>>, vector<16xf32>,
        %get3A_240 = arith.index_cast %scan3A_113 : i32 to index
        %get3A_241 = arith.constant 96 : index
        %get3A_242 = tpu.vector_load %arg15[%get3A_240, %get3A_241] {strides = array<i32>} : memref<48x128xf32, #tpu.memory_space<vmem>>, vector<16xf32>,
        %get3A_243 = arith.index_cast %scan3A_113 : i32 to index
        %get3A_244 = arith.constant 96 : index
        %get3A_245 = tpu.vector_load %arg16[%get3A_243, %get3A_244] {strides = array<i32>} : memref<48x128xf32, #tpu.memory_space<vmem>>, vector<16xf32>,
        %add3A_246 = arith.addf %get3A_242, %get3A_245 : vector<16xf32>
        %get3A_247 = arith.index_cast %scan3A_113 : i32 to index
        %get3A_248 = arith.constant 96 : index
        %get3A_249 = tpu.vector_load %arg17[%get3A_247, %get3A_248] {strides = array<i32>} : memref<48x128xf32, #tpu.memory_space<vmem>>, vector<16xf32>,
        %add3A_250 = arith.addf %add3A_246, %get3A_249 : vector<16xf32>
        %mul3A_251 = arith.constant 0.00999999977 : f32
        %mul3A_252 = vector.broadcast %mul3A_251 : f32 to vector<16xf32>
        %mul3A_253 = arith.mulf %add3A_250, %mul3A_252 : vector<16xf32>
        %max3A_254 = arith.maximumf %add3A_250, %mul3A_253 : vector<16xf32>
        %broadcast_in_dim3A_255 = arith.constant 0.000000e+00 : f32
        %broadcast_in_dim3A_256 = vector.broadcast %broadcast_in_dim3A_255 : f32 to vector<16xf32>
        %select_n3A_257 = arith.select %lt3A, %max3A_254, %broadcast_in_dim3A_256 : vector<16xf32>
        %swap3A_258 = arith.index_cast %scan3A_113 : i32 to index
        %swap3A_259 = arith.constant 96 : index
        %swap3A_260 = tpu.vector_load %arg15[%swap3A_258, %swap3A_259] {strides = array<i32>} : memref<48x128xf32, #tpu.memory_space<vmem>>, vector<16xf32>,
        tpu.vector_store %arg15[%swap3A_258, %swap3A_259], %select_n3A_257 {strides = array<i32>} : memref<48x128xf32, #tpu.memory_space<vmem>>, vector<16xf32>,
        %get3A_261 = arith.index_cast %scan3A_113 : i32 to index
        %get3A_262 = arith.constant 112 : index
        %get3A_263 = tpu.vector_load %arg15[%get3A_261, %get3A_262] {strides = array<i32>} : memref<48x128xf32, #tpu.memory_space<vmem>>, vector<16xf32>,
        %get3A_264 = arith.index_cast %scan3A_113 : i32 to index
        %get3A_265 = arith.constant 112 : index
        %get3A_266 = tpu.vector_load %arg16[%get3A_264, %get3A_265] {strides = array<i32>} : memref<48x128xf32, #tpu.memory_space<vmem>>, vector<16xf32>,
        %add3A_267 = arith.addf %get3A_263, %get3A_266 : vector<16xf32>
        %get3A_268 = arith.index_cast %scan3A_113 : i32 to index
        %get3A_269 = arith.constant 112 : index
        %get3A_270 = tpu.vector_load %arg17[%get3A_268, %get3A_269] {strides = array<i32>} : memref<48x128xf32, #tpu.memory_space<vmem>>, vector<16xf32>,
        %add3A_271 = arith.addf %add3A_267, %get3A_270 : vector<16xf32>
        %mul3A_272 = arith.constant 0.00999999977 : f32
        %mul3A_273 = vector.broadcast %mul3A_272 : f32 to vector<16xf32>
        %mul3A_274 = arith.mulf %add3A_271, %mul3A_273 : vector<16xf32>
        %max3A_275 = arith.maximumf %add3A_271, %mul3A_274 : vector<16xf32>
        %broadcast_in_dim3A_276 = arith.constant 0.000000e+00 : f32
        %broadcast_in_dim3A_277 = vector.broadcast %broadcast_in_dim3A_276 : f32 to vector<16xf32>
        %select_n3A_278 = arith.select %lt3A, %max3A_275, %broadcast_in_dim3A_277 : vector<16xf32>
        %swap3A_279 = arith.index_cast %scan3A_113 : i32 to index
        %swap3A_280 = arith.constant 112 : index
        %swap3A_281 = tpu.vector_load %arg15[%swap3A_279, %swap3A_280] {strides = array<i32>} : memref<48x128xf32, #tpu.memory_space<vmem>>, vector<16xf32>,
        tpu.vector_store %arg15[%swap3A_279, %swap3A_280], %select_n3A_278 {strides = array<i32>} : memref<48x128xf32, #tpu.memory_space<vmem>>, vector<16xf32>,
      }
      %scan3A_112 = arith.constant 48 : i32
      "tpu.region"() ({
        %run_scoped3A = tpu.sem_alloc : memref<!tpu.dma_semaphore, #tpu.memory_space<semaphore_mem>>
        %dma_start3A_113 = arith.constant 0 : i32
        %dma_start3A_114 = tpu.memref_slice %arg12[%while3A_72, %dma_start3A_113] : memref<210x48xi32, #tpu.memory_space<vmem>> -> memref<1x48xi32, #tpu.memory_space<vmem>>
        %dma_start3A_115 = tpu.memref_squeeze %dma_start3A_114 : memref<1x48xi32, #tpu.memory_space<vmem>> -> memref<48xi32, #tpu.memory_space<vmem>>
        %dma_start3A_116 = arith.constant 0 : i32
        %dma_start3A_117 = arith.constant 0 : i32
        %dma_start3A_118 = tpu.memref_slice %arg10[%dma_start3A_116, %dma_start3A_117] : memref<10016x128xf32, #tpu.memory_space<vmem_shared>> -> memref<10016x128xf32, #tpu.memory_space<vmem_shared>>
        tpu.enqueue_indirect_dma source(%arg15 : memref<48x128xf32, #tpu.memory_space<vmem>>) target(%dma_start3A_118 : memref<10016x128xf32, #tpu.memory_space<vmem_shared>>) offsets(%dma_start3A_115 : memref<48xi32, #tpu.memory_space<vmem>>) semaphore(%run_scoped3A : memref<!tpu.dma_semaphore, #tpu.memory_space<semaphore_mem>>) {add = true}
        %dma_wait3A_119 = arith.constant 0 : i32
        %dma_wait3A_120 = tpu.memref_slice %arg12[%while3A_72, %dma_wait3A_119] : memref<210x48xi32, #tpu.memory_space<vmem>> -> memref<1x48xi32, #tpu.memory_space<vmem>>
        %dma_wait3A_121 = tpu.memref_squeeze %dma_wait3A_120 : memref<1x48xi32, #tpu.memory_space<vmem>> -> memref<48xi32, #tpu.memory_space<vmem>>
        %dma_wait3A_122 = arith.constant 0 : i32
        %dma_wait3A_123 = arith.constant 0 : i32
        %dma_wait3A_124 = tpu.memref_slice %arg10[%dma_wait3A_122, %dma_wait3A_123] : memref<10016x128xf32, #tpu.memory_space<vmem_shared>> -> memref<10016x128xf32, #tpu.memory_space<vmem_shared>>
        tpu.wait_indirect_dma semaphore(%run_scoped3A : memref<!tpu.dma_semaphore, #tpu.memory_space<semaphore_mem>>) src(%arg15 : memref<48x128xf32, #tpu.memory_space<vmem>>) dst(%dma_wait3A_124 : memref<10016x128xf32, #tpu.memory_space<vmem_shared>>)
        tpu.yield
      }) : () -> ()
    }
    %while3A_70 = arith.constant 1 : i32
    scf.for %while3A_72 = %while3A_68 to %while3A_64 step %while3A_70  : i32 {
      %dma_start3A = arith.constant 0 : i32
      %dma_start3A_73 = tpu.memref_slice %arg11[%while3A_72, %dma_start3A] : memref<210x48xi32, #tpu.memory_space<vmem>> -> memref<1x48xi32, #tpu.memory_space<vmem>>
      %dma_start3A_74 = tpu.memref_squeeze %dma_start3A_73 : memref<1x48xi32, #tpu.memory_space<vmem>> -> memref<48xi32, #tpu.memory_space<vmem>>
      %dma_start3A_75 = arith.constant 0 : i32
      %dma_start3A_76 = arith.constant 0 : i32
      %dma_start3A_77 = tpu.memref_slice %arg6[%dma_start3A_75, %dma_start3A_76] : memref<10000x128xf32, #tpu.memory_space<hbm>> -> memref<10000x128xf32, #tpu.memory_space<hbm>>
      tpu.enqueue_indirect_dma source(%dma_start3A_77 : memref<10000x128xf32, #tpu.memory_space<hbm>>) target(%arg15 : memref<48x128xf32, #tpu.memory_space<vmem>>) offsets(%dma_start3A_74 : memref<48xi32, #tpu.memory_space<vmem>>) semaphore(%arg18 : memref<!tpu.dma_semaphore, #tpu.memory_space<semaphore_mem>>)
      %dma_start3A_78 = arith.constant 0 : i32
      %dma_start3A_79 = tpu.memref_slice %arg12[%while3A_72, %dma_start3A_78] : memref<210x48xi32, #tpu.memory_space<vmem>> -> memref<1x48xi32, #tpu.memory_space<vmem>>
      %dma_start3A_80 = tpu.memref_squeeze %dma_start3A_79 : memref<1x48xi32, #tpu.memory_space<vmem>> -> memref<48xi32, #tpu.memory_space<vmem>>
      %dma_start3A_81 = arith.constant 0 : i32
      %dma_start3A_82 = arith.constant 0 : i32
      %dma_start3A_83 = tpu.memref_slice %arg7[%dma_start3A_81, %dma_start3A_82] : memref<10000x128xf32, #tpu.memory_space<hbm>> -> memref<10000x128xf32, #tpu.memory_space<hbm>>
      tpu.enqueue_indirect_dma source(%dma_start3A_83 : memref<10000x128xf32, #tpu.memory_space<hbm>>) target(%arg16 : memref<48x128xf32, #tpu.memory_space<vmem>>) offsets(%dma_start3A_80 : memref<48xi32, #tpu.memory_space<vmem>>) semaphore(%arg19 : memref<!tpu.dma_semaphore, #tpu.memory_space<semaphore_mem>>)
      %dma_start3A_84 = arith.constant 0 : i32
      %dma_start3A_85 = tpu.memref_slice %arg13[%while3A_72, %dma_start3A_84] : memref<210x48xi32, #tpu.memory_space<vmem>> -> memref<1x48xi32, #tpu.memory_space<vmem>>
      %dma_start3A_86 = tpu.memref_squeeze %dma_start3A_85 : memref<1x48xi32, #tpu.memory_space<vmem>> -> memref<48xi32, #tpu.memory_space<vmem>>
      %dma_start3A_87 = arith.constant 0 : i32
      %dma_start3A_88 = arith.constant 0 : i32
      %dma_start3A_89 = tpu.memref_slice %arg8[%dma_start3A_87, %dma_start3A_88] : memref<320000x128xf32, #tpu.memory_space<hbm>> -> memref<320000x128xf32, #tpu.memory_space<hbm>>
      tpu.enqueue_indirect_dma source(%dma_start3A_89 : memref<320000x128xf32, #tpu.memory_space<hbm>>) target(%arg17 : memref<48x128xf32, #tpu.memory_space<vmem>>) offsets(%dma_start3A_86 : memref<48xi32, #tpu.memory_space<vmem>>) semaphore(%arg20 : memref<!tpu.dma_semaphore, #tpu.memory_space<semaphore_mem>>)
      %dma_wait3A = arith.constant 0 : i32
      %dma_wait3A_90 = tpu.memref_slice %arg11[%while3A_72, %dma_wait3A] : memref<210x48xi32, #tpu.memory_space<vmem>> -> memref<1x48xi32, #tpu.memory_space<vmem>>
      %dma_wait3A_91 = tpu.memref_squeeze %dma_wait3A_90 : memref<1x48xi32, #tpu.memory_space<vmem>> -> memref<48xi32, #tpu.memory_space<vmem>>
      %dma_wait3A_92 = arith.constant 0 : i32
      %dma_wait3A_93 = arith.constant 0 : i32
      %dma_wait3A_94 = tpu.memref_slice %arg6[%dma_wait3A_92, %dma_wait3A_93] : memref<10000x128xf32, #tpu.memory_space<hbm>> -> memref<10000x128xf32, #tpu.memory_space<hbm>>
      tpu.wait_indirect_dma semaphore(%arg18 : memref<!tpu.dma_semaphore, #tpu.memory_space<semaphore_mem>>) src(%dma_wait3A_94 : memref<10000x128xf32, #tpu.memory_space<hbm>>) dst(%arg15 : memref<48x128xf32, #tpu.memory_space<vmem>>)
      %dma_wait3A_95 = arith.constant 0 : i32
      %dma_wait3A_96 = tpu.memref_slice %arg12[%while3A_72, %dma_wait3A_95] : memref<210x48xi32, #tpu.memory_space<vmem>> -> memref<1x48xi32, #tpu.memory_space<vmem>>
      %dma_wait3A_97 = tpu.memref_squeeze %dma_wait3A_96 : memref<1x48xi32, #tpu.memory_space<vmem>> -> memref<48xi32, #tpu.memory_space<vmem>>
      %dma_wait3A_98 = arith.constant 0 : i32
      %dma_wait3A_99 = arith.constant 0 : i32
      %dma_wait3A_100 = tpu.memref_slice %arg7[%dma_wait3A_98, %dma_wait3A_99] : memref<10000x128xf32, #tpu.memory_space<hbm>> -> memref<10000x128xf32, #tpu.memory_space<hbm>>
      tpu.wait_indirect_dma semaphore(%arg19 : memref<!tpu.dma_semaphore, #tpu.memory_space<semaphore_mem>>) src(%dma_wait3A_100 : memref<10000x128xf32, #tpu.memory_space<hbm>>) dst(%arg16 : memref<48x128xf32, #tpu.memory_space<vmem>>)
      %dma_wait3A_101 = arith.constant 0 : i32
      %dma_wait3A_102 = tpu.memref_slice %arg13[%while3A_72, %dma_wait3A_101] : memref<210x48xi32, #tpu.memory_space<vmem>> -> memref<1x48xi32, #tpu.memory_space<vmem>>
      %dma_wait3A_103 = tpu.memref_squeeze %dma_wait3A_102 : memref<1x48xi32, #tpu.memory_space<vmem>> -> memref<48xi32, #tpu.memory_space<vmem>>
      %dma_wait3A_104 = arith.constant 0 : i32
      %dma_wait3A_105 = arith.constant 0 : i32
      %dma_wait3A_106 = tpu.memref_slice %arg8[%dma_wait3A_104, %dma_wait3A_105] : memref<320000x128xf32, #tpu.memory_space<hbm>> -> memref<320000x128xf32, #tpu.memory_space<hbm>>
      tpu.wait_indirect_dma semaphore(%arg20 : memref<!tpu.dma_semaphore, #tpu.memory_space<semaphore_mem>>) src(%dma_wait3A_106 : memref<320000x128xf32, #tpu.memory_space<hbm>>) dst(%arg17 : memref<48x128xf32, #tpu.memory_space<vmem>>)
      %scan3A_107 = arith.constant 0 : i32
      %scan3A_108 = arith.constant 0 : i32
      %scan3A_109 = arith.constant 48 : i32
      %scan3A_110 = arith.addi %scan3A_108, %scan3A_109 : i32
      %scan3A_111 = arith.constant 1 : i32
      scf.for %scan3A_113 = %scan3A_108 to %scan3A_110 step %scan3A_111  : i32 {
        %mul3A_114 = arith.constant 48 : i32
        %mul3A_115 = arith.muli %while3A_72, %mul3A_114 : i32
        %add3A_116 = arith.addi %mul3A_115, %scan3A_113 : i32
        %lt3A = arith.cmpi slt, %add3A_116, %reduce_max3A_8 : i32
        %get3A_117 = arith.index_cast %scan3A_113 : i32 to index
        %get3A_118 = arith.constant 0 : index
        %get3A_119 = tpu.vector_load %arg15[%get3A_117, %get3A_118] {strides = array<i32>} : memref<48x128xf32, #tpu.memory_space<vmem>>, vector<16xf32>,
        %get3A_120 = arith.index_cast %scan3A_113 : i32 to index
        %get3A_121 = arith.constant 0 : index
        %get3A_122 = tpu.vector_load %arg16[%get3A_120, %get3A_121] {strides = array<i32>} : memref<48x128xf32, #tpu.memory_space<vmem>>, vector<16xf32>,
        %add3A_123 = arith.addf %get3A_119, %get3A_122 : vector<16xf32>
        %get3A_124 = arith.index_cast %scan3A_113 : i32 to index
        %get3A_125 = arith.constant 0 : index
        %get3A_126 = tpu.vector_load %arg17[%get3A_124, %get3A_125] {strides = array<i32>} : memref<48x128xf32, #tpu.memory_space<vmem>>, vector<16xf32>,
        %add3A_127 = arith.addf %add3A_123, %get3A_126 : vector<16xf32>
        %mul3A_128 = arith.constant 0.00999999977 : f32
        %mul3A_129 = vector.broadcast %mul3A_128 : f32 to vector<16xf32>
        %mul3A_130 = arith.mulf %add3A_127, %mul3A_129 : vector<16xf32>
        %max3A = arith.maximumf %add3A_127, %mul3A_130 : vector<16xf32>
        %broadcast_in_dim3A = arith.constant 0.000000e+00 : f32
        %broadcast_in_dim3A_131 = vector.broadcast %broadcast_in_dim3A : f32 to vector<16xf32>
        %select_n3A_132 = arith.select %lt3A, %max3A, %broadcast_in_dim3A_131 : vector<16xf32>
        %swap3A = arith.index_cast %scan3A_113 : i32 to index
        %swap3A_133 = arith.constant 0 : index
        %swap3A_134 = tpu.vector_load %arg15[%swap3A, %swap3A_133] {strides = array<i32>} : memref<48x128xf32, #tpu.memory_space<vmem>>, vector<16xf32>,
        tpu.vector_store %arg15[%swap3A, %swap3A_133], %select_n3A_132 {strides = array<i32>} : memref<48x128xf32, #tpu.memory_space<vmem>>, vector<16xf32>,
        %get3A_135 = arith.index_cast %scan3A_113 : i32 to index
        %get3A_136 = arith.constant 16 : index
        %get3A_137 = tpu.vector_load %arg15[%get3A_135, %get3A_136] {strides = array<i32>} : memref<48x128xf32, #tpu.memory_space<vmem>>, vector<16xf32>,
        %get3A_138 = arith.index_cast %scan3A_113 : i32 to index
        %get3A_139 = arith.constant 16 : index
        %get3A_140 = tpu.vector_load %arg16[%get3A_138, %get3A_139] {strides = array<i32>} : memref<48x128xf32, #tpu.memory_space<vmem>>, vector<16xf32>,
        %add3A_141 = arith.addf %get3A_137, %get3A_140 : vector<16xf32>
        %get3A_142 = arith.index_cast %scan3A_113 : i32 to index
        %get3A_143 = arith.constant 16 : index
        %get3A_144 = tpu.vector_load %arg17[%get3A_142, %get3A_143] {strides = array<i32>} : memref<48x128xf32, #tpu.memory_space<vmem>>, vector<16xf32>,
        %add3A_145 = arith.addf %add3A_141, %get3A_144 : vector<16xf32>
        %mul3A_146 = arith.constant 0.00999999977 : f32
        %mul3A_147 = vector.broadcast %mul3A_146 : f32 to vector<16xf32>
        %mul3A_148 = arith.mulf %add3A_145, %mul3A_147 : vector<16xf32>
        %max3A_149 = arith.maximumf %add3A_145, %mul3A_148 : vector<16xf32>
        %broadcast_in_dim3A_150 = arith.constant 0.000000e+00 : f32
        %broadcast_in_dim3A_151 = vector.broadcast %broadcast_in_dim3A_150 : f32 to vector<16xf32>
        %select_n3A_152 = arith.select %lt3A, %max3A_149, %broadcast_in_dim3A_151 : vector<16xf32>
        %swap3A_153 = arith.index_cast %scan3A_113 : i32 to index
        %swap3A_154 = arith.constant 16 : index
        %swap3A_155 = tpu.vector_load %arg15[%swap3A_153, %swap3A_154] {strides = array<i32>} : memref<48x128xf32, #tpu.memory_space<vmem>>, vector<16xf32>,
        tpu.vector_store %arg15[%swap3A_153, %swap3A_154], %select_n3A_152 {strides = array<i32>} : memref<48x128xf32, #tpu.memory_space<vmem>>, vector<16xf32>,
        %get3A_156 = arith.index_cast %scan3A_113 : i32 to index
        %get3A_157 = arith.constant 32 : index
        %get3A_158 = tpu.vector_load %arg15[%get3A_156, %get3A_157] {strides = array<i32>} : memref<48x128xf32, #tpu.memory_space<vmem>>, vector<16xf32>,
        %get3A_159 = arith.index_cast %scan3A_113 : i32 to index
        %get3A_160 = arith.constant 32 : index
        %get3A_161 = tpu.vector_load %arg16[%get3A_159, %get3A_160] {strides = array<i32>} : memref<48x128xf32, #tpu.memory_space<vmem>>, vector<16xf32>,
        %add3A_162 = arith.addf %get3A_158, %get3A_161 : vector<16xf32>
        %get3A_163 = arith.index_cast %scan3A_113 : i32 to index
        %get3A_164 = arith.constant 32 : index
        %get3A_165 = tpu.vector_load %arg17[%get3A_163, %get3A_164] {strides = array<i32>} : memref<48x128xf32, #tpu.memory_space<vmem>>, vector<16xf32>,
        %add3A_166 = arith.addf %add3A_162, %get3A_165 : vector<16xf32>
        %mul3A_167 = arith.constant 0.00999999977 : f32
        %mul3A_168 = vector.broadcast %mul3A_167 : f32 to vector<16xf32>
        %mul3A_169 = arith.mulf %add3A_166, %mul3A_168 : vector<16xf32>
        %max3A_170 = arith.maximumf %add3A_166, %mul3A_169 : vector<16xf32>
        %broadcast_in_dim3A_171 = arith.constant 0.000000e+00 : f32
        %broadcast_in_dim3A_172 = vector.broadcast %broadcast_in_dim3A_171 : f32 to vector<16xf32>
        %select_n3A_173 = arith.select %lt3A, %max3A_170, %broadcast_in_dim3A_172 : vector<16xf32>
        %swap3A_174 = arith.index_cast %scan3A_113 : i32 to index
        %swap3A_175 = arith.constant 32 : index
        %swap3A_176 = tpu.vector_load %arg15[%swap3A_174, %swap3A_175] {strides = array<i32>} : memref<48x128xf32, #tpu.memory_space<vmem>>, vector<16xf32>,
        tpu.vector_store %arg15[%swap3A_174, %swap3A_175], %select_n3A_173 {strides = array<i32>} : memref<48x128xf32, #tpu.memory_space<vmem>>, vector<16xf32>,
        %get3A_177 = arith.index_cast %scan3A_113 : i32 to index
        %get3A_178 = arith.constant 48 : index
        %get3A_179 = tpu.vector_load %arg15[%get3A_177, %get3A_178] {strides = array<i32>} : memref<48x128xf32, #tpu.memory_space<vmem>>, vector<16xf32>,
        %get3A_180 = arith.index_cast %scan3A_113 : i32 to index
        %get3A_181 = arith.constant 48 : index
        %get3A_182 = tpu.vector_load %arg16[%get3A_180, %get3A_181] {strides = array<i32>} : memref<48x128xf32, #tpu.memory_space<vmem>>, vector<16xf32>,
        %add3A_183 = arith.addf %get3A_179, %get3A_182 : vector<16xf32>
        %get3A_184 = arith.index_cast %scan3A_113 : i32 to index
        %get3A_185 = arith.constant 48 : index
        %get3A_186 = tpu.vector_load %arg17[%get3A_184, %get3A_185] {strides = array<i32>} : memref<48x128xf32, #tpu.memory_space<vmem>>, vector<16xf32>,
        %add3A_187 = arith.addf %add3A_183, %get3A_186 : vector<16xf32>
        %mul3A_188 = arith.constant 0.00999999977 : f32
        %mul3A_189 = vector.broadcast %mul3A_188 : f32 to vector<16xf32>
        %mul3A_190 = arith.mulf %add3A_187, %mul3A_189 : vector<16xf32>
        %max3A_191 = arith.maximumf %add3A_187, %mul3A_190 : vector<16xf32>
        %broadcast_in_dim3A_192 = arith.constant 0.000000e+00 : f32
        %broadcast_in_dim3A_193 = vector.broadcast %broadcast_in_dim3A_192 : f32 to vector<16xf32>
        %select_n3A_194 = arith.select %lt3A, %max3A_191, %broadcast_in_dim3A_193 : vector<16xf32>
        %swap3A_195 = arith.index_cast %scan3A_113 : i32 to index
        %swap3A_196 = arith.constant 48 : index
        %swap3A_197 = tpu.vector_load %arg15[%swap3A_195, %swap3A_196] {strides = array<i32>} : memref<48x128xf32, #tpu.memory_space<vmem>>, vector<16xf32>,
        tpu.vector_store %arg15[%swap3A_195, %swap3A_196], %select_n3A_194 {strides = array<i32>} : memref<48x128xf32, #tpu.memory_space<vmem>>, vector<16xf32>,
        %get3A_198 = arith.index_cast %scan3A_113 : i32 to index
        %get3A_199 = arith.constant 64 : index
        %get3A_200 = tpu.vector_load %arg15[%get3A_198, %get3A_199] {strides = array<i32>} : memref<48x128xf32, #tpu.memory_space<vmem>>, vector<16xf32>,
        %get3A_201 = arith.index_cast %scan3A_113 : i32 to index
        %get3A_202 = arith.constant 64 : index
        %get3A_203 = tpu.vector_load %arg16[%get3A_201, %get3A_202] {strides = array<i32>} : memref<48x128xf32, #tpu.memory_space<vmem>>, vector<16xf32>,
        %add3A_204 = arith.addf %get3A_200, %get3A_203 : vector<16xf32>
        %get3A_205 = arith.index_cast %scan3A_113 : i32 to index
        %get3A_206 = arith.constant 64 : index
        %get3A_207 = tpu.vector_load %arg17[%get3A_205, %get3A_206] {strides = array<i32>} : memref<48x128xf32, #tpu.memory_space<vmem>>, vector<16xf32>,
        %add3A_208 = arith.addf %add3A_204, %get3A_207 : vector<16xf32>
        %mul3A_209 = arith.constant 0.00999999977 : f32
        %mul3A_210 = vector.broadcast %mul3A_209 : f32 to vector<16xf32>
        %mul3A_211 = arith.mulf %add3A_208, %mul3A_210 : vector<16xf32>
        %max3A_212 = arith.maximumf %add3A_208, %mul3A_211 : vector<16xf32>
        %broadcast_in_dim3A_213 = arith.constant 0.000000e+00 : f32
        %broadcast_in_dim3A_214 = vector.broadcast %broadcast_in_dim3A_213 : f32 to vector<16xf32>
        %select_n3A_215 = arith.select %lt3A, %max3A_212, %broadcast_in_dim3A_214 : vector<16xf32>
        %swap3A_216 = arith.index_cast %scan3A_113 : i32 to index
        %swap3A_217 = arith.constant 64 : index
        %swap3A_218 = tpu.vector_load %arg15[%swap3A_216, %swap3A_217] {strides = array<i32>} : memref<48x128xf32, #tpu.memory_space<vmem>>, vector<16xf32>,
        tpu.vector_store %arg15[%swap3A_216, %swap3A_217], %select_n3A_215 {strides = array<i32>} : memref<48x128xf32, #tpu.memory_space<vmem>>, vector<16xf32>,
        %get3A_219 = arith.index_cast %scan3A_113 : i32 to index
        %get3A_220 = arith.constant 80 : index
        %get3A_221 = tpu.vector_load %arg15[%get3A_219, %get3A_220] {strides = array<i32>} : memref<48x128xf32, #tpu.memory_space<vmem>>, vector<16xf32>,
        %get3A_222 = arith.index_cast %scan3A_113 : i32 to index
        %get3A_223 = arith.constant 80 : index
        %get3A_224 = tpu.vector_load %arg16[%get3A_222, %get3A_223] {strides = array<i32>} : memref<48x128xf32, #tpu.memory_space<vmem>>, vector<16xf32>,
        %add3A_225 = arith.addf %get3A_221, %get3A_224 : vector<16xf32>
        %get3A_226 = arith.index_cast %scan3A_113 : i32 to index
        %get3A_227 = arith.constant 80 : index
        %get3A_228 = tpu.vector_load %arg17[%get3A_226, %get3A_227] {strides = array<i32>} : memref<48x128xf32, #tpu.memory_space<vmem>>, vector<16xf32>,
        %add3A_229 = arith.addf %add3A_225, %get3A_228 : vector<16xf32>
        %mul3A_230 = arith.constant 0.00999999977 : f32
        %mul3A_231 = vector.broadcast %mul3A_230 : f32 to vector<16xf32>
        %mul3A_232 = arith.mulf %add3A_229, %mul3A_231 : vector<16xf32>
        %max3A_233 = arith.maximumf %add3A_229, %mul3A_232 : vector<16xf32>
        %broadcast_in_dim3A_234 = arith.constant 0.000000e+00 : f32
        %broadcast_in_dim3A_235 = vector.broadcast %broadcast_in_dim3A_234 : f32 to vector<16xf32>
        %select_n3A_236 = arith.select %lt3A, %max3A_233, %broadcast_in_dim3A_235 : vector<16xf32>
        %swap3A_237 = arith.index_cast %scan3A_113 : i32 to index
        %swap3A_238 = arith.constant 80 : index
        %swap3A_239 = tpu.vector_load %arg15[%swap3A_237, %swap3A_238] {strides = array<i32>} : memref<48x128xf32, #tpu.memory_space<vmem>>, vector<16xf32>,
        tpu.vector_store %arg15[%swap3A_237, %swap3A_238], %select_n3A_236 {strides = array<i32>} : memref<48x128xf32, #tpu.memory_space<vmem>>, vector<16xf32>,
        %get3A_240 = arith.index_cast %scan3A_113 : i32 to index
        %get3A_241 = arith.constant 96 : index
        %get3A_242 = tpu.vector_load %arg15[%get3A_240, %get3A_241] {strides = array<i32>} : memref<48x128xf32, #tpu.memory_space<vmem>>, vector<16xf32>,
        %get3A_243 = arith.index_cast %scan3A_113 : i32 to index
        %get3A_244 = arith.constant 96 : index
        %get3A_245 = tpu.vector_load %arg16[%get3A_243, %get3A_244] {strides = array<i32>} : memref<48x128xf32, #tpu.memory_space<vmem>>, vector<16xf32>,
        %add3A_246 = arith.addf %get3A_242, %get3A_245 : vector<16xf32>
        %get3A_247 = arith.index_cast %scan3A_113 : i32 to index
        %get3A_248 = arith.constant 96 : index
        %get3A_249 = tpu.vector_load %arg17[%get3A_247, %get3A_248] {strides = array<i32>} : memref<48x128xf32, #tpu.memory_space<vmem>>, vector<16xf32>,
        %add3A_250 = arith.addf %add3A_246, %get3A_249 : vector<16xf32>
        %mul3A_251 = arith.constant 0.00999999977 : f32
        %mul3A_252 = vector.broadcast %mul3A_251 : f32 to vector<16xf32>
        %mul3A_253 = arith.mulf %add3A_250, %mul3A_252 : vector<16xf32>
        %max3A_254 = arith.maximumf %add3A_250, %mul3A_253 : vector<16xf32>
        %broadcast_in_dim3A_255 = arith.constant 0.000000e+00 : f32
        %broadcast_in_dim3A_256 = vector.broadcast %broadcast_in_dim3A_255 : f32 to vector<16xf32>
        %select_n3A_257 = arith.select %lt3A, %max3A_254, %broadcast_in_dim3A_256 : vector<16xf32>
        %swap3A_258 = arith.index_cast %scan3A_113 : i32 to index
        %swap3A_259 = arith.constant 96 : index
        %swap3A_260 = tpu.vector_load %arg15[%swap3A_258, %swap3A_259] {strides = array<i32>} : memref<48x128xf32, #tpu.memory_space<vmem>>, vector<16xf32>,
        tpu.vector_store %arg15[%swap3A_258, %swap3A_259], %select_n3A_257 {strides = array<i32>} : memref<48x128xf32, #tpu.memory_space<vmem>>, vector<16xf32>,
        %get3A_261 = arith.index_cast %scan3A_113 : i32 to index
        %get3A_262 = arith.constant 112 : index
        %get3A_263 = tpu.vector_load %arg15[%get3A_261, %get3A_262] {strides = array<i32>} : memref<48x128xf32, #tpu.memory_space<vmem>>, vector<16xf32>,
        %get3A_264 = arith.index_cast %scan3A_113 : i32 to index
        %get3A_265 = arith.constant 112 : index
        %get3A_266 = tpu.vector_load %arg16[%get3A_264, %get3A_265] {strides = array<i32>} : memref<48x128xf32, #tpu.memory_space<vmem>>, vector<16xf32>,
        %add3A_267 = arith.addf %get3A_263, %get3A_266 : vector<16xf32>
        %get3A_268 = arith.index_cast %scan3A_113 : i32 to index
        %get3A_269 = arith.constant 112 : index
        %get3A_270 = tpu.vector_load %arg17[%get3A_268, %get3A_269] {strides = array<i32>} : memref<48x128xf32, #tpu.memory_space<vmem>>, vector<16xf32>,
        %add3A_271 = arith.addf %add3A_267, %get3A_270 : vector<16xf32>
        %mul3A_272 = arith.constant 0.00999999977 : f32
        %mul3A_273 = vector.broadcast %mul3A_272 : f32 to vector<16xf32>
        %mul3A_274 = arith.mulf %add3A_271, %mul3A_273 : vector<16xf32>
        %max3A_275 = arith.maximumf %add3A_271, %mul3A_274 : vector<16xf32>
        %broadcast_in_dim3A_276 = arith.constant 0.000000e+00 : f32
        %broadcast_in_dim3A_277 = vector.broadcast %broadcast_in_dim3A_276 : f32 to vector<16xf32>
        %select_n3A_278 = arith.select %lt3A, %max3A_275, %broadcast_in_dim3A_277 : vector<16xf32>
        %swap3A_279 = arith.index_cast %scan3A_113 : i32 to index
        %swap3A_280 = arith.constant 112 : index
        %swap3A_281 = tpu.vector_load %arg15[%swap3A_279, %swap3A_280] {strides = array<i32>} : memref<48x128xf32, #tpu.memory_space<vmem>>, vector<16xf32>,
        tpu.vector_store %arg15[%swap3A_279, %swap3A_280], %select_n3A_278 {strides = array<i32>} : memref<48x128xf32, #tpu.memory_space<vmem>>, vector<16xf32>,
      }
      %scan3A_112 = arith.constant 48 : i32
      "tpu.region"() ({
        %run_scoped3A = tpu.sem_alloc : memref<!tpu.dma_semaphore, #tpu.memory_space<semaphore_mem>>
        %dma_start3A_113 = arith.constant 0 : i32
        %dma_start3A_114 = tpu.memref_slice %arg12[%while3A_72, %dma_start3A_113] : memref<210x48xi32, #tpu.memory_space<vmem>> -> memref<1x48xi32, #tpu.memory_space<vmem>>
        %dma_start3A_115 = tpu.memref_squeeze %dma_start3A_114 : memref<1x48xi32, #tpu.memory_space<vmem>> -> memref<48xi32, #tpu.memory_space<vmem>>
        %dma_start3A_116 = arith.constant 0 : i32
        %dma_start3A_117 = arith.constant 0 : i32
        %dma_start3A_118 = tpu.memref_slice %arg10[%dma_start3A_116, %dma_start3A_117] : memref<10016x128xf32, #tpu.memory_space<vmem_shared>> -> memref<10016x128xf32, #tpu.memory_space<vmem_shared>>
        tpu.enqueue_indirect_dma source(%arg15 : memref<48x128xf32, #tpu.memory_space<vmem>>) target(%dma_start3A_118 : memref<10016x128xf32, #tpu.memory_space<vmem_shared>>) offsets(%dma_start3A_115 : memref<48xi32, #tpu.memory_space<vmem>>) semaphore(%run_scoped3A : memref<!tpu.dma_semaphore, #tpu.memory_space<semaphore_mem>>) {add = true}
        %dma_wait3A_119 = arith.constant 0 : i32
        %dma_wait3A_120 = tpu.memref_slice %arg12[%while3A_72, %dma_wait3A_119] : memref<210x48xi32, #tpu.memory_space<vmem>> -> memref<1x48xi32, #tpu.memory_space<vmem>>
        %dma_wait3A_121 = tpu.memref_squeeze %dma_wait3A_120 : memref<1x48xi32, #tpu.memory_space<vmem>> -> memref<48xi32, #tpu.memory_space<vmem>>
        %dma_wait3A_122 = arith.constant 0 : i32
        %dma_wait3A_123 = arith.constant 0 : i32
        %dma_wait3A_124 = tpu.memref_slice %arg10[%dma_wait3A_122, %dma_wait3A_123] : memref<10016x128xf32, #tpu.memory_space<vmem_shared>> -> memref<10016x128xf32, #tpu.memory_space<vmem_shared>>
        tpu.wait_indirect_dma semaphore(%run_scoped3A : memref<!tpu.dma_semaphore, #tpu.memory_space<semaphore_mem>>) src(%arg15 : memref<48x128xf32, #tpu.memory_space<vmem>>) dst(%dma_wait3A_124 : memref<10016x128xf32, #tpu.memory_space<vmem_shared>>)
        tpu.yield
      }) : () -> ()
    }
    %barrier3A_71 = arith.constant 0 : index
    tpu.barrier barrier_id(%barrier3A_71)
    "tpu.region"() ({
      %run_scoped3A = tpu.sem_alloc : memref<!tpu.dma_semaphore, #tpu.memory_space<semaphore_mem>>
      %dma_start3A = arith.constant 0 : i32
      %dma_start3A_72 = tpu.memref_slice %arg9[%arg0, %mul3A_15, %dma_start3A] : memref<2x10016x128xf32, #tpu.memory_space<hbm>> -> memref<1x626x128xf32, #tpu.memory_space<hbm>>
      %dma_start3A_73 = tpu.memref_squeeze %dma_start3A_72 : memref<1x626x128xf32, #tpu.memory_space<hbm>> -> memref<626x128xf32, #tpu.memory_space<hbm>>
      %dma_start3A_74 = arith.constant 0 : i32
      %dma_start3A_75 = tpu.memref_slice %arg10[%mul3A_15, %dma_start3A_74] : memref<10016x128xf32, #tpu.memory_space<vmem_shared>> -> memref<626x128xf32, #tpu.memory_space<vmem_shared>>
      tpu.enqueue_dma source(%dma_start3A_75 : memref<626x128xf32, #tpu.memory_space<vmem_shared>>) target(%dma_start3A_73 : memref<626x128xf32, #tpu.memory_space<hbm>>) target_semaphore(%run_scoped3A : memref<!tpu.dma_semaphore, #tpu.memory_space<semaphore_mem>>)
      %dma_wait3A = arith.constant 0 : i32
      %dma_wait3A_76 = tpu.memref_slice %arg9[%arg0, %mul3A_15, %dma_wait3A] : memref<2x10016x128xf32, #tpu.memory_space<hbm>> -> memref<1x626x128xf32, #tpu.memory_space<hbm>>
      %dma_wait3A_77 = tpu.memref_squeeze %dma_wait3A_76 : memref<1x626x128xf32, #tpu.memory_space<hbm>> -> memref<626x128xf32, #tpu.memory_space<hbm>>
      %dma_wait3A_78 = arith.constant 0 : i32
      %dma_wait3A_79 = tpu.memref_slice %arg10[%mul3A_15, %dma_wait3A_78] : memref<10016x128xf32, #tpu.memory_space<vmem_shared>> -> memref<626x128xf32, #tpu.memory_space<vmem_shared>>
      tpu.wait_dma2 semaphore(%run_scoped3A : memref<!tpu.dma_semaphore, #tpu.memory_space<semaphore_mem>>) src(%dma_wait3A_79 : memref<626x128xf32, #tpu.memory_space<vmem_shared>>) dst(%dma_wait3A_77 : memref<626x128xf32, #tpu.memory_space<hbm>>)
      tpu.yield
    }) : () -> ()
    return
  }
}

module attributes {stable_mosaic.version = 14 : i64} {
  func.func @_ab_body(%arg0: i32, %arg1: memref<400x128xf32, #tpu.memory_space<vmem>>, %arg2: memref<128x128xf32, #tpu.memory_space<vmem>>, %arg3: memref<128x128xf32, #tpu.memory_space<vmem>>, %arg4: memref<400x128xf32, #tpu.memory_space<vmem>>, %arg5: memref<400x128xf32, #tpu.memory_space<vmem>>) attributes {dimension_semantics = [#tpu.dimension_semantics<arbitrary>], iteration_bounds = array<i64: 25>, scalar_prefetch = 0 : i64, scratch_operands = 0 : i64, tpu.core_type = #tpu.core_type<tc>, window_params = [{transform_indices = @transform_0, window_bounds = array<i64: 400, 128>}, {pipeline_mode = #tpu.pipeline_mode<synchronous>, transform_indices = @transform_1, window_bounds = array<i64: 128, 128>}, {pipeline_mode = #tpu.pipeline_mode<synchronous>, transform_indices = @transform_2, window_bounds = array<i64: 128, 128>}, {transform_indices = @transform_3, window_bounds = array<i64: 400, 128>}, {transform_indices = @transform_4, window_bounds = array<i64: 400, 128>}]} {
    %get3A = arith.constant 0 : index
    %get3A_0 = arith.constant 0 : index
    %get3A_1 = vector.load %arg1[%get3A, %get3A_0] : memref<400x128xf32, #tpu.memory_space<vmem>>, vector<400x128xf32>
    %get3A_2 = arith.constant 0 : index
    %get3A_3 = arith.constant 0 : index
    %get3A_4 = vector.load %arg2[%get3A_2, %get3A_3] : memref<128x128xf32, #tpu.memory_space<vmem>>, vector<128x128xf32>
    %dot_general3A = arith.constant dense<0.000000e+00> : vector<400x128xf32>
    %dot_general3A_5 = tpu.matmul %get3A_1, %get3A_4, %dot_general3A {dimension_numbers = #tpu.dot_dimension_numbers<[1], [0], [0], [1], [0, 0, 1, 1], [], []>, transpose_lhs_hint = false} : vector<400x128xf32>, vector<128x128xf32>, vector<400x128xf32> -> vector<400x128xf32>
    %swap3A = arith.constant 0 : index
    %swap3A_6 = arith.constant 0 : index
    %swap3A_7 = vector.load %arg4[%swap3A, %swap3A_6] : memref<400x128xf32, #tpu.memory_space<vmem>>, vector<400x128xf32>
    tpu.vector_store %arg4[%swap3A, %swap3A_6], %dot_general3A_5 {strides = array<i32>} : memref<400x128xf32, #tpu.memory_space<vmem>>, vector<400x128xf32>,
    %get3A_8 = arith.constant 0 : index
    %get3A_9 = arith.constant 0 : index
    %get3A_10 = vector.load %arg3[%get3A_8, %get3A_9] : memref<128x128xf32, #tpu.memory_space<vmem>>, vector<128x128xf32>
    %dot_general3A_11 = arith.constant dense<0.000000e+00> : vector<400x128xf32>
    %dot_general3A_12 = tpu.matmul %get3A_1, %get3A_10, %dot_general3A_11 {dimension_numbers = #tpu.dot_dimension_numbers<[1], [0], [0], [1], [0, 0, 1, 1], [], []>, transpose_lhs_hint = false} : vector<400x128xf32>, vector<128x128xf32>, vector<400x128xf32> -> vector<400x128xf32>
    %swap3A_13 = arith.constant 0 : index
    %swap3A_14 = arith.constant 0 : index
    %swap3A_15 = vector.load %arg5[%swap3A_13, %swap3A_14] : memref<400x128xf32, #tpu.memory_space<vmem>>, vector<400x128xf32>
    tpu.vector_store %arg5[%swap3A_13, %swap3A_14], %dot_general3A_12 {strides = array<i32>} : memref<400x128xf32, #tpu.memory_space<vmem>>, vector<400x128xf32>,
    return
  }
  func.func @transform_0(%arg0: i32) -> (i32, i32) {
    %c0_i32 = arith.constant 0 : i32
    %c0_i32_0 = arith.constant 0 : i32
    return %arg0, %c0_i32 : i32, i32
  }
  func.func @transform_1(%arg0: i32) -> (i32, i32) {
    %c0_i32 = arith.constant 0 : i32
    %c0_i32_0 = arith.constant 0 : i32
    %c0_i32_1 = arith.constant 0 : i32
    return %c0_i32, %c0_i32_0 : i32, i32
  }
  func.func @transform_2(%arg0: i32) -> (i32, i32) {
    %c0_i32 = arith.constant 0 : i32
    %c0_i32_0 = arith.constant 0 : i32
    %c0_i32_1 = arith.constant 0 : i32
    return %c0_i32, %c0_i32_0 : i32, i32
  }
  func.func @transform_3(%arg0: i32) -> (i32, i32) {
    %c0_i32 = arith.constant 0 : i32
    %c0_i32_0 = arith.constant 0 : i32
    return %arg0, %c0_i32 : i32, i32
  }
  func.func @transform_4(%arg0: i32) -> (i32, i32) {
    %c0_i32 = arith.constant 0 : i32
    %c0_i32_0 = arith.constant 0 : i32
    return %arg0, %c0_i32 : i32, i32
  }
}

module attributes {stable_mosaic.version = 14 : i64} {
  func.func @_c_body(%arg0: i32, %arg1: memref<16x2560xf32, #tpu.memory_space<vmem>>, %arg2: memref<16x128xf32, #tpu.memory_space<vmem>>, %arg3: memref<16x128xf32, #tpu.memory_space<vmem>>, %arg4: memref<2560x128xf32, #tpu.memory_space<vmem>>, %arg5: memref<2560x128xf32, #tpu.memory_space<vmem>>) attributes {dimension_semantics = [#tpu.dimension_semantics<arbitrary>], iteration_bounds = array<i64: 125>, scalar_prefetch = 0 : i64, scratch_operands = 0 : i64, tpu.core_type = #tpu.core_type<tc>, window_params = [{transform_indices = @transform_0, window_bounds = array<i64: 16, 2560>}, {pipeline_mode = #tpu.pipeline_mode<synchronous>, transform_indices = @transform_1, window_bounds = array<i64: 16, 128>}, {pipeline_mode = #tpu.pipeline_mode<synchronous>, transform_indices = @transform_2, window_bounds = array<i64: 16, 128>}, {transform_indices = @transform_3, window_bounds = array<i64: 2560, 128>}, {transform_indices = @transform_4, window_bounds = array<i64: 2560, 128>}]} {
    %get3A = arith.constant 0 : index
    %get3A_0 = arith.constant 0 : index
    %get3A_1 = vector.load %arg1[%get3A, %get3A_0] : memref<16x2560xf32, #tpu.memory_space<vmem>>, vector<16x2560xf32>
    %get3A_2 = arith.constant 0 : index
    %get3A_3 = arith.constant 0 : index
    %get3A_4 = vector.load %arg2[%get3A_2, %get3A_3] : memref<16x128xf32, #tpu.memory_space<vmem>>, vector<16x128xf32>
    %dot_general3A = arith.constant dense<0.000000e+00> : vector<2560x128xf32>
    %dot_general3A_5 = tpu.matmul %get3A_1, %get3A_4, %dot_general3A {dimension_numbers = #tpu.dot_dimension_numbers<[0], [0], [1], [1], [0, 1, 1, 1], [], []>, transpose_lhs_hint = false} : vector<16x2560xf32>, vector<16x128xf32>, vector<2560x128xf32> -> vector<2560x128xf32>
    %swap3A = arith.constant 0 : index
    %swap3A_6 = arith.constant 0 : index
    %swap3A_7 = vector.load %arg4[%swap3A, %swap3A_6] : memref<2560x128xf32, #tpu.memory_space<vmem>>, vector<2560x128xf32>
    tpu.vector_store %arg4[%swap3A, %swap3A_6], %dot_general3A_5 {strides = array<i32>} : memref<2560x128xf32, #tpu.memory_space<vmem>>, vector<2560x128xf32>,
    %get3A_8 = arith.constant 0 : index
    %get3A_9 = arith.constant 0 : index
    %get3A_10 = vector.load %arg3[%get3A_8, %get3A_9] : memref<16x128xf32, #tpu.memory_space<vmem>>, vector<16x128xf32>
    %dot_general3A_11 = arith.constant dense<0.000000e+00> : vector<2560x128xf32>
    %dot_general3A_12 = tpu.matmul %get3A_1, %get3A_10, %dot_general3A_11 {dimension_numbers = #tpu.dot_dimension_numbers<[0], [0], [1], [1], [0, 1, 1, 1], [], []>, transpose_lhs_hint = false} : vector<16x2560xf32>, vector<16x128xf32>, vector<2560x128xf32> -> vector<2560x128xf32>
    %swap3A_13 = arith.constant 0 : index
    %swap3A_14 = arith.constant 0 : index
    %swap3A_15 = vector.load %arg5[%swap3A_13, %swap3A_14] : memref<2560x128xf32, #tpu.memory_space<vmem>>, vector<2560x128xf32>
    tpu.vector_store %arg5[%swap3A_13, %swap3A_14], %dot_general3A_12 {strides = array<i32>} : memref<2560x128xf32, #tpu.memory_space<vmem>>, vector<2560x128xf32>,
    return
  }
  func.func @transform_0(%arg0: i32) -> (i32, i32) {
    %c0_i32 = arith.constant 0 : i32
    %c0_i32_0 = arith.constant 0 : i32
    return %c0_i32, %arg0 : i32, i32
  }
  func.func @transform_1(%arg0: i32) -> (i32, i32) {
    %c0_i32 = arith.constant 0 : i32
    %c0_i32_0 = arith.constant 0 : i32
    %c0_i32_1 = arith.constant 0 : i32
    return %c0_i32, %c0_i32_0 : i32, i32
  }
  func.func @transform_2(%arg0: i32) -> (i32, i32) {
    %c0_i32 = arith.constant 0 : i32
    %c0_i32_0 = arith.constant 0 : i32
    %c0_i32_1 = arith.constant 0 : i32
    return %c0_i32, %c0_i32_0 : i32, i32
  }
  func.func @transform_3(%arg0: i32) -> (i32, i32) {
    %c0_i32 = arith.constant 0 : i32
    %c0_i32_0 = arith.constant 0 : i32
    return %arg0, %c0_i32 : i32, i32
  }
  func.func @transform_4(%arg0: i32) -> (i32, i32) {
    %c0_i32 = arith.constant 0 : i32
    %c0_i32_0 = arith.constant 0 : i32
    return %arg0, %c0_i32 : i32, i32
  }
}

module attributes {stable_mosaic.version = 14 : i64} {
  func.func @_update_ab_body(%arg0: i32, %arg1: memref<400x128xf32, #tpu.memory_space<vmem>>, %arg2: memref<2x400x128xf32, #tpu.memory_space<vmem>>, %arg3: memref<2x400x16xf32, #tpu.memory_space<vmem>>, %arg4: memref<128x128xf32, #tpu.memory_space<vmem>>, %arg5: memref<128x128xf32, #tpu.memory_space<vmem>>, %arg6: memref<128x128xf32, #tpu.memory_space<vmem>>, %arg7: memref<128x128xf32, #tpu.memory_space<vmem>>, %arg8: memref<400x128xf32, #tpu.memory_space<vmem>>, %arg9: memref<400x128xf32, #tpu.memory_space<vmem>>, %arg10: memref<400x128xf32, #tpu.memory_space<vmem>>) attributes {dimension_semantics = [#tpu.dimension_semantics<arbitrary>], iteration_bounds = array<i64: 25>, scalar_prefetch = 0 : i64, scratch_operands = 0 : i64, tpu.core_type = #tpu.core_type<tc>, window_params = [{transform_indices = @transform_0, window_bounds = array<i64: 400, 128>}, {transform_indices = @transform_1, window_bounds = array<i64: 2, 400, 128>}, {transform_indices = @transform_2, window_bounds = array<i64: 2, 400, 16>}, {pipeline_mode = #tpu.pipeline_mode<synchronous>, transform_indices = @transform_3, window_bounds = array<i64: 128, 128>}, {pipeline_mode = #tpu.pipeline_mode<synchronous>, transform_indices = @transform_4, window_bounds = array<i64: 128, 128>}, {pipeline_mode = #tpu.pipeline_mode<synchronous>, transform_indices = @transform_5, window_bounds = array<i64: 128, 128>}, {pipeline_mode = #tpu.pipeline_mode<synchronous>, transform_indices = @transform_6, window_bounds = array<i64: 128, 128>}, {transform_indices = @transform_7, window_bounds = array<i64: 400, 128>}, {transform_indices = @transform_8, window_bounds = array<i64: 400, 128>}, {transform_indices = @transform_9, window_bounds = array<i64: 400, 128>}]} {
    %get3A = arith.constant 0 : index
    %get3A_0 = arith.constant 0 : index
    %get3A_1 = vector.load %arg1[%get3A, %get3A_0] : memref<400x128xf32, #tpu.memory_space<vmem>>, vector<400x128xf32>
    %get3A_2 = arith.constant 0 : index
    %get3A_3 = arith.constant 0 : index
    %get3A_4 = arith.constant 0 : index
    %get3A_5 = vector.load %arg2[%get3A_2, %get3A_3, %get3A_4] : memref<2x400x128xf32, #tpu.memory_space<vmem>>, vector<1x400x128xf32>
    %get3A_6 = vector.shape_cast %get3A_5 : vector<1x400x128xf32> to vector<400x128xf32>
    %get3A_7 = arith.constant 1 : index
    %get3A_8 = arith.constant 0 : index
    %get3A_9 = arith.constant 0 : index
    %get3A_10 = vector.load %arg2[%get3A_7, %get3A_8, %get3A_9] : memref<2x400x128xf32, #tpu.memory_space<vmem>>, vector<1x400x128xf32>
    %get3A_11 = vector.shape_cast %get3A_10 : vector<1x400x128xf32> to vector<400x128xf32>
    %add3A = arith.addf %get3A_6, %get3A_11 : vector<400x128xf32>
    %get3A_12 = arith.constant 0 : index
    %get3A_13 = arith.constant 0 : index
    %get3A_14 = vector.load %arg4[%get3A_12, %get3A_13] : memref<128x128xf32, #tpu.memory_space<vmem>>, vector<128x128xf32>
    %dot_general3A = arith.constant dense<0.000000e+00> : vector<400x128xf32>
    %dot_general3A_15 = tpu.matmul %get3A_1, %get3A_14, %dot_general3A {dimension_numbers = #tpu.dot_dimension_numbers<[1], [0], [0], [1], [0, 0, 1, 1], [], []>, transpose_lhs_hint = false} : vector<400x128xf32>, vector<128x128xf32>, vector<400x128xf32> -> vector<400x128xf32>
    %get3A_16 = arith.constant 0 : index
    %get3A_17 = arith.constant 0 : index
    %get3A_18 = vector.load %arg5[%get3A_16, %get3A_17] : memref<128x128xf32, #tpu.memory_space<vmem>>, vector<128x128xf32>
    %dot_general3A_19 = arith.constant dense<0.000000e+00> : vector<400x128xf32>
    %dot_general3A_20 = tpu.matmul %add3A, %get3A_18, %dot_general3A_19 {dimension_numbers = #tpu.dot_dimension_numbers<[1], [0], [0], [1], [0, 0, 1, 1], [], []>, transpose_lhs_hint = false} : vector<400x128xf32>, vector<128x128xf32>, vector<400x128xf32> -> vector<400x128xf32>
    %add3A_21 = arith.addf %dot_general3A_15, %dot_general3A_20 : vector<400x128xf32>
    %mul3A = arith.constant 0.00999999977 : f32
    %mul3A_22 = vector.broadcast %mul3A : f32 to vector<400x128xf32>
    %mul3A_23 = arith.mulf %add3A_21, %mul3A_22 : vector<400x128xf32>
    %max3A = arith.maximumf %add3A_21, %mul3A_23 : vector<400x128xf32>
    %get3A_24 = arith.constant 0 : index
    %get3A_25 = arith.constant 0 : index
    %get3A_26 = arith.constant 0 : index
    %get3A_27 = vector.load %arg3[%get3A_24, %get3A_25, %get3A_26] : memref<2x400x16xf32, #tpu.memory_space<vmem>>, vector<1x400x1xf32>
    %get3A_28 = vector.shape_cast %get3A_27 : vector<1x400x1xf32> to vector<400xf32>
    %get3A_29 = arith.constant 1 : index
    %get3A_30 = arith.constant 0 : index
    %get3A_31 = arith.constant 0 : index
    %get3A_32 = vector.load %arg3[%get3A_29, %get3A_30, %get3A_31] : memref<2x400x16xf32, #tpu.memory_space<vmem>>, vector<1x400x1xf32>
    %get3A_33 = vector.shape_cast %get3A_32 : vector<1x400x1xf32> to vector<400xf32>
    %add3A_34 = arith.addf %get3A_28, %get3A_33 : vector<400xf32>
    %gt3A = arith.constant 0.000000e+00 : f32
    %gt3A_35 = vector.broadcast %gt3A : f32 to vector<400xf32>
    %gt3A_36 = arith.cmpf ogt, %add3A_34, %gt3A_35 : vector<400xf32>
    %broadcast_in_dim3A = vector.shape_cast %gt3A_36 : vector<400xi1> to vector<400x1xi1>
    %jit3A = arith.constant 0.000000e+00 : f32
    %broadcast_in_dim3A_37 = vector.shape_cast %broadcast_in_dim3A : vector<400x1xi1> to vector<400x1xi1>
    %broadcast_in_dim3A_38 = vector.broadcast %broadcast_in_dim3A_37 : vector<400x1xi1> to vector<400x128xi1>
    %broadcast_in_dim3A_39 = vector.broadcast %jit3A : f32 to vector<400x128xf32>
    %select_n3A = arith.select %broadcast_in_dim3A_38, %max3A, %broadcast_in_dim3A_39 : vector<400x128xi1>, vector<400x128xf32>
    %swap3A = arith.constant 0 : index
    %swap3A_40 = arith.constant 0 : index
    %swap3A_41 = vector.load %arg8[%swap3A, %swap3A_40] : memref<400x128xf32, #tpu.memory_space<vmem>>, vector<400x128xf32>
    tpu.vector_store %arg8[%swap3A, %swap3A_40], %select_n3A {strides = array<i32>} : memref<400x128xf32, #tpu.memory_space<vmem>>, vector<400x128xf32>,
    %get3A_42 = arith.constant 0 : index
    %get3A_43 = arith.constant 0 : index
    %get3A_44 = vector.load %arg6[%get3A_42, %get3A_43] : memref<128x128xf32, #tpu.memory_space<vmem>>, vector<128x128xf32>
    %dot_general3A_45 = arith.constant dense<0.000000e+00> : vector<400x128xf32>
    %dot_general3A_46 = tpu.matmul %select_n3A, %get3A_44, %dot_general3A_45 {dimension_numbers = #tpu.dot_dimension_numbers<[1], [0], [0], [1], [0, 0, 1, 1], [], []>, transpose_lhs_hint = false} : vector<400x128xf32>, vector<128x128xf32>, vector<400x128xf32> -> vector<400x128xf32>
    %swap3A_47 = arith.constant 0 : index
    %swap3A_48 = arith.constant 0 : index
    %swap3A_49 = vector.load %arg9[%swap3A_47, %swap3A_48] : memref<400x128xf32, #tpu.memory_space<vmem>>, vector<400x128xf32>
    tpu.vector_store %arg9[%swap3A_47, %swap3A_48], %dot_general3A_46 {strides = array<i32>} : memref<400x128xf32, #tpu.memory_space<vmem>>, vector<400x128xf32>,
    %get3A_50 = arith.constant 0 : index
    %get3A_51 = arith.constant 0 : index
    %get3A_52 = vector.load %arg7[%get3A_50, %get3A_51] : memref<128x128xf32, #tpu.memory_space<vmem>>, vector<128x128xf32>
    %dot_general3A_53 = arith.constant dense<0.000000e+00> : vector<400x128xf32>
    %dot_general3A_54 = tpu.matmul %select_n3A, %get3A_52, %dot_general3A_53 {dimension_numbers = #tpu.dot_dimension_numbers<[1], [0], [0], [1], [0, 0, 1, 1], [], []>, transpose_lhs_hint = false} : vector<400x128xf32>, vector<128x128xf32>, vector<400x128xf32> -> vector<400x128xf32>
    %swap3A_55 = arith.constant 0 : index
    %swap3A_56 = arith.constant 0 : index
    %swap3A_57 = vector.load %arg10[%swap3A_55, %swap3A_56] : memref<400x128xf32, #tpu.memory_space<vmem>>, vector<400x128xf32>
    tpu.vector_store %arg10[%swap3A_55, %swap3A_56], %dot_general3A_54 {strides = array<i32>} : memref<400x128xf32, #tpu.memory_space<vmem>>, vector<400x128xf32>,
    return
  }
  func.func @transform_0(%arg0: i32) -> (i32, i32) {
    %c0_i32 = arith.constant 0 : i32
    %c0_i32_0 = arith.constant 0 : i32
    return %arg0, %c0_i32 : i32, i32
  }
  func.func @transform_1(%arg0: i32) -> (i32, i32, i32) {
    %c0_i32 = arith.constant 0 : i32
    %c0_i32_0 = arith.constant 0 : i32
    %c0_i32_1 = arith.constant 0 : i32
    return %c0_i32, %arg0, %c0_i32_0 : i32, i32, i32
  }
  func.func @transform_2(%arg0: i32) -> (i32, i32, i32) {
    %c0_i32 = arith.constant 0 : i32
    %c0_i32_0 = arith.constant 0 : i32
    %c0_i32_1 = arith.constant 0 : i32
    return %c0_i32, %arg0, %c0_i32_0 : i32, i32, i32
  }
  func.func @transform_3(%arg0: i32) -> (i32, i32) {
    %c0_i32 = arith.constant 0 : i32
    %c0_i32_0 = arith.constant 0 : i32
    %c0_i32_1 = arith.constant 0 : i32
    return %c0_i32, %c0_i32_0 : i32, i32
  }
  func.func @transform_4(%arg0: i32) -> (i32, i32) {
    %c0_i32 = arith.constant 0 : i32
    %c0_i32_0 = arith.constant 0 : i32
    %c0_i32_1 = arith.constant 0 : i32
    return %c0_i32, %c0_i32_0 : i32, i32
  }
  func.func @transform_5(%arg0: i32) -> (i32, i32) {
    %c0_i32 = arith.constant 0 : i32
    %c0_i32_0 = arith.constant 0 : i32
    %c0_i32_1 = arith.constant 0 : i32
    return %c0_i32, %c0_i32_0 : i32, i32
  }
  func.func @transform_6(%arg0: i32) -> (i32, i32) {
    %c0_i32 = arith.constant 0 : i32
    %c0_i32_0 = arith.constant 0 : i32
    %c0_i32_1 = arith.constant 0 : i32
    return %c0_i32, %c0_i32_0 : i32, i32
  }
  func.func @transform_7(%arg0: i32) -> (i32, i32) {
    %c0_i32 = arith.constant 0 : i32
    %c0_i32_0 = arith.constant 0 : i32
    return %arg0, %c0_i32 : i32, i32
  }
  func.func @transform_8(%arg0: i32) -> (i32, i32) {
    %c0_i32 = arith.constant 0 : i32
    %c0_i32_0 = arith.constant 0 : i32
    return %arg0, %c0_i32 : i32, i32
  }
  func.func @transform_9(%arg0: i32) -> (i32, i32) {
    %c0_i32 = arith.constant 0 : i32
    %c0_i32_0 = arith.constant 0 : i32
    return %arg0, %c0_i32 : i32, i32
  }
}

module attributes {stable_mosaic.version = 14 : i64} {
  func.func @_update_body(%arg0: i32, %arg1: memref<400x128xf32, #tpu.memory_space<vmem>>, %arg2: memref<2x400x128xf32, #tpu.memory_space<vmem>>, %arg3: memref<2x400x16xf32, #tpu.memory_space<vmem>>, %arg4: memref<128x128xf32, #tpu.memory_space<vmem>>, %arg5: memref<128x128xf32, #tpu.memory_space<vmem>>, %arg6: memref<400x128xf32, #tpu.memory_space<vmem>>) attributes {dimension_semantics = [#tpu.dimension_semantics<arbitrary>], iteration_bounds = array<i64: 25>, scalar_prefetch = 0 : i64, scratch_operands = 0 : i64, tpu.core_type = #tpu.core_type<tc>, window_params = [{transform_indices = @transform_0, window_bounds = array<i64: 400, 128>}, {transform_indices = @transform_1, window_bounds = array<i64: 2, 400, 128>}, {transform_indices = @transform_2, window_bounds = array<i64: 2, 400, 16>}, {pipeline_mode = #tpu.pipeline_mode<synchronous>, transform_indices = @transform_3, window_bounds = array<i64: 128, 128>}, {pipeline_mode = #tpu.pipeline_mode<synchronous>, transform_indices = @transform_4, window_bounds = array<i64: 128, 128>}, {transform_indices = @transform_5, window_bounds = array<i64: 400, 128>}]} {
    %get3A = arith.constant 0 : index
    %get3A_0 = arith.constant 0 : index
    %get3A_1 = vector.load %arg1[%get3A, %get3A_0] : memref<400x128xf32, #tpu.memory_space<vmem>>, vector<400x128xf32>
    %get3A_2 = arith.constant 0 : index
    %get3A_3 = arith.constant 0 : index
    %get3A_4 = arith.constant 0 : index
    %get3A_5 = vector.load %arg2[%get3A_2, %get3A_3, %get3A_4] : memref<2x400x128xf32, #tpu.memory_space<vmem>>, vector<1x400x128xf32>
    %get3A_6 = vector.shape_cast %get3A_5 : vector<1x400x128xf32> to vector<400x128xf32>
    %get3A_7 = arith.constant 1 : index
    %get3A_8 = arith.constant 0 : index
    %get3A_9 = arith.constant 0 : index
    %get3A_10 = vector.load %arg2[%get3A_7, %get3A_8, %get3A_9] : memref<2x400x128xf32, #tpu.memory_space<vmem>>, vector<1x400x128xf32>
    %get3A_11 = vector.shape_cast %get3A_10 : vector<1x400x128xf32> to vector<400x128xf32>
    %add3A = arith.addf %get3A_6, %get3A_11 : vector<400x128xf32>
    %get3A_12 = arith.constant 0 : index
    %get3A_13 = arith.constant 0 : index
    %get3A_14 = vector.load %arg4[%get3A_12, %get3A_13] : memref<128x128xf32, #tpu.memory_space<vmem>>, vector<128x128xf32>
    %dot_general3A = arith.constant dense<0.000000e+00> : vector<400x128xf32>
    %dot_general3A_15 = tpu.matmul %get3A_1, %get3A_14, %dot_general3A {dimension_numbers = #tpu.dot_dimension_numbers<[1], [0], [0], [1], [0, 0, 1, 1], [], []>, transpose_lhs_hint = false} : vector<400x128xf32>, vector<128x128xf32>, vector<400x128xf32> -> vector<400x128xf32>
    %get3A_16 = arith.constant 0 : index
    %get3A_17 = arith.constant 0 : index
    %get3A_18 = vector.load %arg5[%get3A_16, %get3A_17] : memref<128x128xf32, #tpu.memory_space<vmem>>, vector<128x128xf32>
    %dot_general3A_19 = arith.constant dense<0.000000e+00> : vector<400x128xf32>
    %dot_general3A_20 = tpu.matmul %add3A, %get3A_18, %dot_general3A_19 {dimension_numbers = #tpu.dot_dimension_numbers<[1], [0], [0], [1], [0, 0, 1, 1], [], []>, transpose_lhs_hint = false} : vector<400x128xf32>, vector<128x128xf32>, vector<400x128xf32> -> vector<400x128xf32>
    %add3A_21 = arith.addf %dot_general3A_15, %dot_general3A_20 : vector<400x128xf32>
    %mul3A = arith.constant 0.00999999977 : f32
    %mul3A_22 = vector.broadcast %mul3A : f32 to vector<400x128xf32>
    %mul3A_23 = arith.mulf %add3A_21, %mul3A_22 : vector<400x128xf32>
    %max3A = arith.maximumf %add3A_21, %mul3A_23 : vector<400x128xf32>
    %get3A_24 = arith.constant 0 : index
    %get3A_25 = arith.constant 0 : index
    %get3A_26 = arith.constant 0 : index
    %get3A_27 = vector.load %arg3[%get3A_24, %get3A_25, %get3A_26] : memref<2x400x16xf32, #tpu.memory_space<vmem>>, vector<1x400x1xf32>
    %get3A_28 = vector.shape_cast %get3A_27 : vector<1x400x1xf32> to vector<400xf32>
    %get3A_29 = arith.constant 1 : index
    %get3A_30 = arith.constant 0 : index
    %get3A_31 = arith.constant 0 : index
    %get3A_32 = vector.load %arg3[%get3A_29, %get3A_30, %get3A_31] : memref<2x400x16xf32, #tpu.memory_space<vmem>>, vector<1x400x1xf32>
    %get3A_33 = vector.shape_cast %get3A_32 : vector<1x400x1xf32> to vector<400xf32>
    %add3A_34 = arith.addf %get3A_28, %get3A_33 : vector<400xf32>
    %gt3A = arith.constant 0.000000e+00 : f32
    %gt3A_35 = vector.broadcast %gt3A : f32 to vector<400xf32>
    %gt3A_36 = arith.cmpf ogt, %add3A_34, %gt3A_35 : vector<400xf32>
    %broadcast_in_dim3A = vector.shape_cast %gt3A_36 : vector<400xi1> to vector<400x1xi1>
    %jit3A = arith.constant 0.000000e+00 : f32
    %broadcast_in_dim3A_37 = vector.shape_cast %broadcast_in_dim3A : vector<400x1xi1> to vector<400x1xi1>
    %broadcast_in_dim3A_38 = vector.broadcast %broadcast_in_dim3A_37 : vector<400x1xi1> to vector<400x128xi1>
    %broadcast_in_dim3A_39 = vector.broadcast %jit3A : f32 to vector<400x128xf32>
    %select_n3A = arith.select %broadcast_in_dim3A_38, %max3A, %broadcast_in_dim3A_39 : vector<400x128xi1>, vector<400x128xf32>
    %swap3A = arith.constant 0 : index
    %swap3A_40 = arith.constant 0 : index
    %swap3A_41 = vector.load %arg6[%swap3A, %swap3A_40] : memref<400x128xf32, #tpu.memory_space<vmem>>, vector<400x128xf32>
    tpu.vector_store %arg6[%swap3A, %swap3A_40], %select_n3A {strides = array<i32>} : memref<400x128xf32, #tpu.memory_space<vmem>>, vector<400x128xf32>,
    return
  }
  func.func @transform_0(%arg0: i32) -> (i32, i32) {
    %c0_i32 = arith.constant 0 : i32
    %c0_i32_0 = arith.constant 0 : i32
    return %arg0, %c0_i32 : i32, i32
  }
  func.func @transform_1(%arg0: i32) -> (i32, i32, i32) {
    %c0_i32 = arith.constant 0 : i32
    %c0_i32_0 = arith.constant 0 : i32
    %c0_i32_1 = arith.constant 0 : i32
    return %c0_i32, %arg0, %c0_i32_0 : i32, i32, i32
  }
  func.func @transform_2(%arg0: i32) -> (i32, i32, i32) {
    %c0_i32 = arith.constant 0 : i32
    %c0_i32_0 = arith.constant 0 : i32
    %c0_i32_1 = arith.constant 0 : i32
    return %c0_i32, %arg0, %c0_i32_0 : i32, i32, i32
  }
  func.func @transform_3(%arg0: i32) -> (i32, i32) {
    %c0_i32 = arith.constant 0 : i32
    %c0_i32_0 = arith.constant 0 : i32
    %c0_i32_1 = arith.constant 0 : i32
    return %c0_i32, %c0_i32_0 : i32, i32
  }
  func.func @transform_4(%arg0: i32) -> (i32, i32) {
    %c0_i32 = arith.constant 0 : i32
    %c0_i32_0 = arith.constant 0 : i32
    %c0_i32_1 = arith.constant 0 : i32
    return %c0_i32, %c0_i32_0 : i32, i32
  }
  func.func @transform_5(%arg0: i32) -> (i32, i32) {
    %c0_i32 = arith.constant 0 : i32
    %c0_i32_0 = arith.constant 0 : i32
    return %arg0, %c0_i32 : i32, i32
  }
}

</mosaic_0001>

<sc_bundles>
// kernel: kernel.12.cloned.1.call-start
scs
__scs_entry_jumppad:
0x0: {  	(pc) =	sbr.rel $0x88, $3  }
0x1: {  	(tag) =	ssettag $0x0;
	lr =	simm.s32 $0x1  }
0x2: {  	[smem:$0x3F99] =	sst lr;
	_ =	strace $0xD0000000  }
0x3: {  	_ = 	snop  }
0x4: {  	_ = 	snop  }
0x5: {  	_ = 	snop  }
0x6: {  	_ = 	snop  }
0x7: {  	_ = 	snop  }
__scs_overlays_trampoline_lowered:
0x8: {  	[smem:$0x3FA8] =	sst s0  }
0x9: {  	[smem:$0x3FA9] =	sst s1  }
0xa: {  	[smem:$0x3FAA] =	sst s2  }
0xb: {  	[smem:$0x3FAB] =	sst s3  }
0xc: {  	[smem:$0x3FAC] =	sst s4  }
0xd: {  	[smem:$0x3FAD] =	sst s5  }
0xe: {  	[smem:$0x3FAE] =	sst s6  }
0xf: {  	[smem:$0x3FAF] =	sst s7  }
0x10: {  	[smem:$0x3FB0] =	sst s8  }
0x11: {  	[smem:$0x3FB1] =	sst s9;
	s0 =	simm.s32 @!p0 $0x0  }
0x12: {  	s1 =	sld [smem:$0x3F97];
	s0 =	simm.s32 @p0 $0x1  }
0x13: {  	[smem:$0x3FB2] =	sst s0;
	s0 =	simm.s32 @!p1 $0x0  }
0x14: {  	s2 =	sld [smem:$0x3F96];
	s0 =	simm.s32 @p1 $0x1  }
0x15: {  	[smem:$0x3FB3] =	sst s0;
	s0 =	simm.s32 @!p2 $0x0  }
0x16: {  	s3 =	sld [smem:$0x3FDB];
	s0 =	simm.s32 @p2 $0x1  }
0x17: {  	s4 =	simm.s32 $0x1BF5;
	[smem:$0x3FB5] =	sst s0  }
0x18: {  	s0 =	sld [smem:$0x3F98];
	_ =	swait.ge [sflag:s4], $0x0  }
0x19: {  	s7 =	sld [smem:$0x3F99]  }
0x1a: {  	s8 =	sadd.s32 $0xFFFFE003, lr  }
0x1b: {  	s9 =	sadd.s32 $0xFFFFFEF7, lr;
	s5 =	simm.s32 $0xFFFFFFFF;
	p2 =	slt.u32 s8, $0xFFFFF086  }
0x1c: {  	p1 =	slt.u32 s9, $0xF7A;
	s5 =	simm.s32 @!p2 $0x0  }
0x1d: {  	s5 =	simm.s32 @p1 $0x1;
	p0 =	seq.s32 s7, s2  }
0x1e: {  	s7 =	smul.u32 @!p0 $0xF7A, s2;
	p2 =	seq.s32 @!p0 s5, $0x0  }
0x1f: {  	s9 =	smul.u32 $0xF7A, s1;
	s8 =	simm.s32 @!p0 $0x1BF5;
	p2 =	por !p2, p0  }
0x20: {  	[sflag:s8] =	ssyncset.s32 @!p0 $0xFFFFF086;
	s6 =	sadd.s32 @!p0 s3, s7;
	s7 =	simm.s32 @!p0 $0x108  }
0x21: {  	s3 =	sadd.s32 s3, s9;
	s6 =	sadd.s32 @!p0 $0x88, s6;
	s7 =	simm.s32 @p2 $0x1082  }
0x22: {  	[simem:s7], [sflag:s8] =	dma.local @!p0 [hbm:s6], $0xF7A  }
0x23: {  	s9 =	sor.u32 $0xD0000000, s2;
	s6 =	simm.s32 $0x108;
	_ =	swait.ge @!p0 [sflag:s8], $0x0  }
0x24: {  	s3 =	sadd.s32 $0x88, s3;
	s6 =	simm.s32 @!p1 $0x1082;
	[sflag:s4] =	ssyncset.s32 $0xFFFFF086  }
0x25: {  	[simem:s6], [sflag:s4] =	dma.local [hbm:s3], $0xF7A  }
0x26: {  	[smem:$0x3F99] =	sst s1;
	(tag) =	ssettag s2;
	_ =	strace s9  }
0x27: {  	s1 =	sld [smem:$0x3FA9]  }
0x28: {  	s2 =	sld [smem:$0x3FAA]  }
0x29: {  	s4 =	sld [smem:$0x3FAC]  }
0x2a: {  	p0 =	seq.s32 s5, $0x0;
	s5 =	sld [smem:$0x3FAD]  }
0x2b: {  	s6 =	sld [smem:$0x3FAE]  }
0x2c: {  	s7 =	sld [smem:$0x3FAF]  }
0x2d: {  	s3 =	simm.s32 $0x108;
	s8 =	sld [smem:$0x3FB0]  }
0x2e: {  	s3 =	simm.s32 @!p0 $0x1082;
	s9 =	sld [smem:$0x3FB1]  }
0x2f: {  	lr =	sadd.s32 s0, s3;
	s0 =	sld [smem:$0x3FA8]  }
0x30: {  	s3 =	sld [smem:$0x3FAB]  }
0x31: {  	[smem:$0x3FB4] =	sst s10  }
0x32: {  	s10 =	sld [smem:$0x3FB2];
	_ =	sdelay $0x3  }
0x33: {  	p0 =	seq.s32 s10, $0x1;
	s10 =	sld [smem:$0x3FB4];
	_ =	sdelay $0x3  }
0x34: {  	[smem:$0x3FB4] =	sst s10  }
0x35: {  	s10 =	sld [smem:$0x3FB3];
	_ =	sdelay $0x3  }
0x36: {  	p1 =	seq.s32 s10, $0x1;
	s10 =	sld [smem:$0x3FB4];
	_ =	sdelay $0x3  }
0x37: {  	[smem:$0x3FB4] =	sst s10  }
0x38: {  	s10 =	sld [smem:$0x3FB5]  }
0x39: {  	_ = 	snop;
	(pc) =	sbr.ind lr, $3  }
0x3a: {  	_ = 	snop  }
0x3b: {  	_ = 	snop  }
0x3c: {  	p2 =	seq.s32 s10, $0x1;
	s10 =	sld [smem:$0x3FB4]  }
0x3d: {  	_ =	shalt  }
0x3e: {  	_ =	shalt  }
0x3f: {  	_ =	shalt  }
0x40: {  	_ =	shalt  }
0x41: {  	_ =	shalt  }
0x42: {  	_ =	shalt  }
0x43: {  	_ =	shalt  }
0x44: {  	_ =	shalt  }
0x45: {  	_ =	shalt  }
0x46: {  	_ =	shalt  }
0x47: {  	_ =	shalt  }
0x48: {  	_ =	shalt  }
0x49: {  	_ =	shalt  }
0x4a: {  	_ =	shalt  }
0x4b: {  	_ =	shalt  }
0x4c: {  	_ =	shalt  }
0x4d: {  	_ =	shalt  }
0x4e: {  	_ =	shalt  }
0x4f: {  	_ =	shalt  }
0x50: {  	_ =	shalt  }
0x51: {  	_ =	shalt  }
0x52: {  	_ =	shalt  }
0x53: {  	_ =	shalt  }
0x54: {  	_ =	shalt  }
0x55: {  	_ =	shalt  }
0x56: {  	_ =	shalt  }
0x57: {  	_ =	shalt  }
0x58: {  	_ =	shalt  }
0x59: {  	_ =	shalt  }
0x5a: {  	_ =	shalt  }
0x5b: {  	_ =	shalt  }
0x5c: {  	_ =	shalt  }
0x5d: {  	_ =	shalt  }
0x5e: {  	_ =	shalt  }
0x5f: {  	_ =	shalt  }
0x60: {  	_ =	shalt  }
0x61: {  	_ =	shalt  }
0x62: {  	_ =	shalt  }
0x63: {  	_ =	shalt  }
0x64: {  	_ =	shalt  }
0x65: {  	_ =	shalt  }
0x66: {  	_ =	shalt  }
0x67: {  	_ =	shalt  }
0x68: {  	_ =	shalt  }
0x69: {  	_ =	shalt  }
0x6a: {  	_ =	shalt  }
0x6b: {  	_ =	shalt  }
0x6c: {  	_ =	shalt  }
0x6d: {  	_ =	shalt  }
0x6e: {  	_ =	shalt  }
0x6f: {  	_ =	shalt  }
0x70: {  	_ =	shalt  }
0x71: {  	_ =	shalt  }
0x72: {  	_ =	shalt  }
0x73: {  	_ =	shalt  }
0x74: {  	_ =	shalt  }
0x75: {  	_ =	shalt  }
0x76: {  	_ =	shalt  }
0x77: {  	_ =	shalt  }
0x78: {  	_ =	shalt  }
0x79: {  	_ =	shalt  }
0x7a: {  	_ =	shalt  }
0x7b: {  	_ =	shalt  }
0x7c: {  	_ =	shalt  }
0x7d: {  	_ =	shalt  }
0x7e: {  	_ =	shalt  }
0x7f: {  	_ =	shalt  }
0x80: {  	_ =	shalt  }
0x81: {  	_ =	shalt  }
0x82: {  	_ =	shalt  }
0x83: {  	_ =	shalt  }
0x84: {  	_ =	shalt  }
0x85: {  	_ =	shalt  }
0x86: {  	_ =	shalt  }
0x87: {  	_ =	shalt  }
.Lfunc_end0:
.L_simem_size_0:
called_computation.1_lowered:
.L_overlay_start_0:
0x88: {  	s2 =	sld [smem:$0x3FD9]  }
0x89: {  	s3 =	sld [smem:$0x3FFE];
	_ =	sdelay $0x1  }
0x8a: {  	s1 =	srdreg.scid  }
0x8b: {  	s0 =	sand.u32 $0x1, s1  }
0x8c: {  	s17 =	sshll.u32 s0, $0xA;
	s2 =	sadd.s32 s3, s2  }
0x8d: {  	s2 =	sadd.s32 s2, s17  }
0x8e: {  	[smem:$0x3FC0] =	sst s2  }
0x8f: {  	_ = 	snop  }
0x90: {  	s2 =	sld [smem:$0x3FD0];
	(tm) =	ssettm $0x1  }
0x91: {  	s18 =	sld [smem:$0x3FFB];
	_ =	sdelay $0x3  }
0x92: {  	_ =	strace s18  }
0x93: {  	s3 =	sld [smem:$0x3FFC];
	_ =	sdelay $0x3  }
0x94: {  	_ =	strace s3  }
0x95: {  	s3 =	sld [smem:$0x3FFD];
	_ =	sdelay $0x3  }
0x96: {  	_ =	strace s3  }
0x97: {  	_ =	strace $0x8FFFFFFF  }
0x98: {  	s19 =	sld [smem:$0x3FDB];
	_ =	sdelay $0x1  }
0x99: {  	s4 =	simm.s32 $_scs_section_size  }
0x9a: {  	s5 =	simm.s32 $_size__tile_overlayer_lowered;
	s6 =	simm.s32 $_tile_overlayer_lowered  }
0x9b: {  	s22 =	simm.s32 $0x1BFF;
	s21 =	sshll.u32 s6, $0x1;
	s3 =	sadd.s32 s4, s19  }
0x9c: {  	s7 =	simm.s32 $0x0;
	s20 =	sshll.u32 s5, $0x1;
	s5 =	sadd.s32 s21, s3  }
0x9d: {  	[timem:s7], [sflag:s22] =	dma.local [hbm:s5], s20  }
0x9e: {  	_ =	swait.ge [sflag:s22], s20  }
0x9f: {  	s4 =	ssub.s32 $0x0, s20;
	[sflag:s22] =	ssyncset.done $0x0  }
0xa0: {  	[sflag:s22] =	ssyncadd.s32 s4;
	_ =	sdelay $0x1  }
0xa1: {  	s23 =	simm.s32 $0x1B8B  }
0xa2: {  	_ =	swait.ge [sflag:s23], $0x1  }
0xa3: {  	[sflag:s23] =	ssyncset.done $0x0  }
0xa4: {  	s25 =	simm.s32 $0x1B8E;
	s24 =	sld [smem:$0x3FFE];
	[sflag:s23] =	ssyncadd.s32 $0xFFFFFFFF  }
0xa5: {  	s26 =	simm.s32 $execute0_lowered;
	[smem:$0x3FD2] =	sst s25  }
0xa6: {  	s5 =	sshll.u32 s26, $0x1;
	_ =	strace $0x80000049;
	[dreg:$0x1] =	wrdreg $0xFFFFFFFF  }
0xa7: {  	s28 =	simm.s32 $_size_execute0_lowered;
	s3 =	sadd.s32 s3, s5;
	[dreg:$0x0] =	wrdreg $0x0  }
0xa8: {  	s5 =	sshll.u32 s28, $0x1;
	[dreg:$0x2] =	wrdreg s3  }
0xa9: {  	[dreg:$0x3] =	wrdreg s5  }
0xaa: {  	[dreg:$0x4] =	wrdreg $0xC0  }
0xab: {  	_ =	task [dreg:s7], $0x5FFFF  }
0xac: {  	[dreg:$0x1] =	wrdreg $0xFFFFFFFF  }
0xad: {  	[dreg:$0x0] =	wrdreg $0x60  }
0xae: {  	[dreg:$0x2] =	wrdreg s24  }
0xaf: {  	[dreg:$0x3] =	wrdreg s2  }
0xb0: {  	[dreg:$0x4] =	wrdreg $0x0  }
0xb1: {  	[dreg:$0x5] =	wrdreg $0x9  }
0xb2: {  	_ =	task.clear_ibuf [dreg:s7], $0x6FFFF;
	_ =	strace $0x90000049  }
0xb3: {  	s29 =	simm.s32 $0x9;
	_ =	strace $0x8000004B  }
0xb4: {  	_ =	swait.ge [sflag:s29], $0x1  }
0xb5: {  	[sflag:s29] =	ssyncadd.s32 $0xFFFFFFFF  }
0xb6: {  	_ =	strace $0x9000004B  }
0xb7: {  	_ =	sfence  }
0xb8: {  	s30 =	sld [smem:$0x0];
	_ =	sdelay $0x2  }
0xb9: {  	s31 =	sshll.u32 s1, $0xD;
	s1 =	sshrl.u32 s1, $0x2  }
0xba: {  	s3 =	sand.u32 $0x4000, s31;
	s1 =	sadd.s32 s1, s30  }
0xbb: {  	s0 =	sor.u32 s3, s0;
	s1 =	sshll.u32 s1, $0x11  }
0xbc: {  	s0 =	sor.u32 s1, s0  }
0xbd: {  	s0 =	sadd.s32 $0x8F2B, s0  }
0xbe: {  	[sflag:s0] =	ssyncadd.remote.s32 $0x1  }
0xbf: {  	_ =	sfence.sel $0xFFFF  }
0xc0: {  	[dreg:$0x0] =	wrdreg $0xFFFFFFFF;
	(pc) =	sbr.abs _section_cstart, $3  }
0xc1: {  	[dreg:$0x1] =	wrdreg $0xFFFFFFFF  }
0xc2: {  	_ =	task.clear_ibuf [dreg:s7], $0x2FFFF;
	_ =	strace $0x9FFFFFFF  }
0xc3: {  	(tm) =	ssettm $0x7FFFFFFF  }
tec
execute0_lowered:
.L_overlay_start_1:
0x0: {  	(tag) =	ssettag $0x1  }
0x1: {  	s0 =	srdreg.scid;
	s1 =	rddreg [dreg:$0x0]  }
0x2: {  	s11 =	stileid.u32;
	s2 =	rddreg [dreg:$0x1]  }
0x3: {  	s4 =	simm.s32 $0x0;
	s29 =	simm.s32 $0x4;
	s0 =	sand.u32 $0x1, s0  }
0x4: {  	s28 =	simm.s32 $0x1;
	s7 =	smul.u32 $0x13900, s11;
	s3 =	sshll.u32 s0, $0x4  }
0x5: {  	[smem:$0x7FF] =	sst s4;
	s8 =	smul.u32 $0x139000, s0;
	s5 =	sor.u32 s11, s3  }
0x6: {  	s3 =	rddreg [dreg:$0x2];
	_ =	strace $0x8000004A;
	s11 =	smul.u32 $0x4E400, s11  }
0x7: {  	s6 =	smul.u32 $0x4EC, s5;
	s5 =	sshll.u32 s5, $0x1;
	s13 =	sadd.s32 s7, s8  }
0x8: {  	s10 =	sadd.s32 s5, s1;
	s5 =	sadd.s32 $0x3F400, s1;
	s8 =	sshrl.u32 s13, $0x3  }
0x9: {  	s16 =	sshrl.u32 s11, $0x2;
	s9 =	sadd.s32 s6, s1;
	s18 =	sadd.s32 $0x3F200, s10  }
0xa: {  	s6 =	sadd.s32 $0x66600, s1;
	s15 =	sadd.s32 $0x21800, s9;
	[dreg:$0x7] =	wrdreg s18  }
0xb: {  	s1 =	sadd.s32 s8, s1;
	s17 =	sadd.s32 $0x2B600, s9;
	[dreg:$0x4] =	wrdreg s15  }
0xc: {  	s8 =	sadd.s32 s16, s3;
	s9 =	sadd.s32 $0x35400, s9;
	[dreg:$0x5] =	wrdreg s17  }
0xd: {  	s30 =	simm.s32 $0x30;
	s19 =	sadd.s32 $0x1800, s8;
	[dreg:$0x6] =	wrdreg s9  }
0xe: {  	s31 =	simm.s32 $0x1C730;
	s20 =	sadd.s32 $0x3000, s8;
	[dreg:$0x8] =	wrdreg s19  }
0xf: {  	s0 =	ssub.s32 $0x2, s0;
	s21 =	sadd.s32 $0x4800, s8;
	[dreg:$0x9] =	wrdreg s20  }
0x10: {  	s14 =	sshrl.u32 s0, $0x1;
	s22 =	sadd.s32 $0x6000, s8;
	[dreg:$0xa] =	wrdreg s21  }
0x11: {  	s0 =	ssub.s32 s0, s14;
	s23 =	sadd.s32 $0x7800, s8;
	[dreg:$0xb] =	wrdreg s22  }
0x12: {  	s11 =	sadd.s32 s7, s3;
	s24 =	sadd.s32 $0x9000, s8;
	[dreg:$0xc] =	wrdreg s23  }
0x13: {  	s7 =	simm.s32 $0x2;
	s25 =	sadd.s32 $0xA800, s8;
	[dreg:$0xd] =	wrdreg s24  }
.Ltmp0:
0x14: {  	s26 =	sadd.s32 $0xC000, s8;
	[dreg:$0xe] =	wrdreg s25;
	(pc) =	sbr.rel .LBB2_1-.Ltmp0, $4  }
0x15: {  	[dreg:$0xf] =	wrdreg s26;
	s20 =	sadd.s32 $0xD800, s8;
	s21 =	sadd.s32 $0xF000, s8  }
0x16: {  	s22 =	sadd.s32 $0x10800, s8;
	s23 =	sadd.s32 $0x12000, s8;
	s24 =	sadd.s32 $0x13800, s8  }
0x17: {  	s25 =	sadd.s32 $0xA2A600, s1;
	s26 =	smax.u32 s0, $0x1;
	s0 =	simm.s32 $0x1AF30  }
0x18: {  	v0 =	vimm.f32 $0.0e+00;
	s1 =	simm.s32 $0x1DF30;
	s8 =	simm.s32 $0x3;
	s9 =	simm.s32 $0x0  }
.LBB2_8:
0x19: {  	s10 =	stileid.u32;
	s9 =	sadd.s32 $0x1, s9  }
0x1a: {  	[bflag:$0x0] =	sbarrier.arrive $0xFFFF;
	s10 =	sshll.u32 s10, $0x6;
	p0 =	sne.s32 s9, s26  }
.Ltmp1:
0x1b: {  	s12 =	sshrl.u32 s11, $0x3;
	s10 =	sor.u32 $0x1C04, s10;
	(pc) =	sbr.rel @!p0 .LBB2_9-.Ltmp1, $4  }
0x1c: {  	[hbm:s25], [sflag:s10] =	dma.local [spmem:s12], $0x2720  }
0x1d: {  	_ =	swait.ge [sflag:s29], $0x2720  }
0x1e: {  	[sflag:s29] =	ssyncset.done $0x0  }
0x1f: {  	[sflag:s29] =	ssyncadd.s32 $0xFFFFD8E0  }
.LBB2_1:
0x20: {  	s10 =	rddreg [dreg:$0x4];
	s12 =	simm.s32 $0x13900  }
0x21: {  	[tilespmem:s12], [sflag:$0x4] =	stream.linear.gather [hbm4b:s10+s4], $0x2760, $0x38;
	[tilespmem:$0x1F730] =	vst v63  }
0x22: {  	_ =	swait.ge [sflag:s29], $0x2760  }
0x23: {  	[sflag:s29] =	ssyncset.done $0x0  }
0x24: {  	s15 =	simm.s32 $0x16060;
	s14 =	rddreg [dreg:$0x5];
	[sflag:s29] =	ssyncadd.s32 $0xFFFFD8A0  }
0x25: {  	[tilespmem:s15], [sflag:$0x4] =	stream.linear.gather [hbm4b:s14+s4], $0x2760, $0x38;
	[tilespmem:$0x1F730] =	vst v63  }
0x26: {  	_ =	swait.ge [sflag:s29], $0x2760  }
0x27: {  	[sflag:s29] =	ssyncset.done $0x0  }
0x28: {  	s17 =	simm.s32 $0x187C0;
	s16 =	rddreg [dreg:$0x6];
	[sflag:s29] =	ssyncadd.s32 $0xFFFFD8A0  }
0x29: {  	[tilespmem:s17], [sflag:$0x4] =	stream.linear.gather [hbm4b:s16+s4], $0x2760, $0x38;
	[tilespmem:$0x1F730] =	vst v63  }
0x2a: {  	_ =	swait.ge [sflag:s29], $0x2760  }
0x2b: {  	[sflag:s29] =	ssyncset.done $0x0  }
0x2c: {  	s19 =	simm.s32 $0x1AF20;
	s18 =	rddreg [dreg:$0x7];
	[sflag:s29] =	ssyncadd.s32 $0xFFFFD8A0  }
0x2d: {  	[tilespmem:s19], [sflag:$0x4] =	stream.linear.gather [hbm4b:s18+s4], $0x10, $0x38;
	[tilespmem:$0x1F730] =	vst v63  }
0x2e: {  	_ =	swait.ge [sflag:s29], $0x10  }
0x2f: {  	[sflag:s29] =	ssyncset.done $0x0  }
0x30: {  	[sflag:s29] =	ssyncadd.s32 $0xFFFFFFF0  }
0x31: {  	s10 =	simm.s32 $0x0;
	s12 =	simm.s32 $0x200;
	v1 =	vld [tilespmem:$0x1AF20]  }
.LBB2_2:
0x32: {  	p0 =	sne.s32 s12, $0x5E00;
	[tilespmem:s10+$0x1AFA0] =	vst v0  }
0x33: {  	[tilespmem:s10+$0x1AF30] =	vst v0  }
0x34: {  	[tilespmem:s10+$0x1AF40] =	vst v0  }
.Ltmp2:
0x35: {  	[tilespmem:s10+$0x1AF50] =	vst v0;
	(pc) =	sbr.rel @p0 .LBB2_2-.Ltmp2, $4  }
0x36: {  	[tilespmem:s10+$0x1AF60] =	vst v0  }
0x37: {  	[tilespmem:s10+$0x1AF70] =	vst v0  }
0x38: {  	[tilespmem:s10+$0x1AF80] =	vst v0  }
0x39: {  	[tilespmem:s10+$0x1AF90] =	vst v0;
	s10 =	sshra.s32 s12, $0x2;
	s12 =	sadd.s32 $0x200, s12  }
0x3a: {  	v1 =	vxor.u32 $0x80000000, v1  }
0x3b: {  	(xrf0) =	vmax.scan.msk.u32 $0xffff, v1;
	_ =	sdelay $0x5  }
0x3c: {  	v1, _, _ =	vpop (xrf0)  }
0x3d: {  	(v2sf) =	vpush v1, $0xF;
	_ =	sdelay $0x5  }
0x3e: {  	[tilespmem:s10+$0x1AFA0] =	vst v0  }
0x3f: {  	[tilespmem:s10+$0x1AF30] =	vst v0  }
0x40: {  	[tilespmem:s10+$0x1AF40] =	vst v0  }
0x41: {  	[tilespmem:s10+$0x1AF50] =	vst v0  }
0x42: {  	[tilespmem:s10+$0x1AF60] =	vst v0  }
0x43: {  	[tilespmem:s10+$0x1AF70] =	vst v0  }
0x44: {  	[tilespmem:s10+$0x1AF80] =	vst v0  }
0x45: {  	[tilespmem:s10+$0x1AF90] =	vst v0  }
0x46: {  	[spmem:s11] =	stream.linear.scatter [tilespmem:s0], [sflag:$0x4], $0x1800, $0x38;
	[tilespmem:$0x1F730] =	vst v63  }
0x47: {  	s12 =	spop (v2sf)  }
0x48: {  	_ =	swait.ge [sflag:s29], $0x1800  }
0x49: {  	[sflag:s29] =	ssyncset.done $0x0  }
0x4a: {  	s18 =	rddreg [dreg:$0x8];
	[sflag:s29] =	ssyncadd.s32 $0xFFFFE800  }
0x4b: {  	[spmem:s18] =	stream.linear.scatter [tilespmem:s0], [sflag:$0x4], $0x1800, $0x38;
	[tilespmem:$0x1F730] =	vst v63  }
0x4c: {  	_ =	swait.ge [sflag:s29], $0x1800  }
0x4d: {  	[sflag:s29] =	ssyncset.done $0x0  }
0x4e: {  	s19 =	rddreg [dreg:$0x9];
	[sflag:s29] =	ssyncadd.s32 $0xFFFFE800  }
0x4f: {  	[spmem:s19] =	stream.linear.scatter [tilespmem:s0], [sflag:$0x4], $0x1800, $0x38;
	[tilespmem:$0x1F730] =	vst v63  }
0x50: {  	_ =	swait.ge [sflag:s29], $0x1800  }
0x51: {  	[sflag:s29] =	ssyncset.done $0x0  }
0x52: {  	s13 =	rddreg [dreg:$0xa];
	[sflag:s29] =	ssyncadd.s32 $0xFFFFE800  }
0x53: {  	[spmem:s13] =	stream.linear.scatter [tilespmem:s0], [sflag:$0x4], $0x1800, $0x38;
	[tilespmem:$0x1F730] =	vst v63  }
0x54: {  	_ =	swait.ge [sflag:s29], $0x1800  }
0x55: {  	[sflag:s29] =	ssyncset.done $0x0  }
0x56: {  	s14 =	rddreg [dreg:$0xb];
	[sflag:s29] =	ssyncadd.s32 $0xFFFFE800  }
0x57: {  	[spmem:s14] =	stream.linear.scatter [tilespmem:s0], [sflag:$0x4], $0x1800, $0x38;
	[tilespmem:$0x1F730] =	vst v63  }
0x58: {  	_ =	swait.ge [sflag:s29], $0x1800  }
0x59: {  	[sflag:s29] =	ssyncset.done $0x0  }
0x5a: {  	s15 =	rddreg [dreg:$0xc];
	[sflag:s29] =	ssyncadd.s32 $0xFFFFE800  }
0x5b: {  	[spmem:s15] =	stream.linear.scatter [tilespmem:s0], [sflag:$0x4], $0x1800, $0x38;
	[tilespmem:$0x1F730] =	vst v63  }
0x5c: {  	_ =	swait.ge [sflag:s29], $0x1800  }
0x5d: {  	[sflag:s29] =	ssyncset.done $0x0  }
0x5e: {  	s16 =	rddreg [dreg:$0xd];
	[sflag:s29] =	ssyncadd.s32 $0xFFFFE800  }
0x5f: {  	[spmem:s16] =	stream.linear.scatter [tilespmem:s0], [sflag:$0x4], $0x1800, $0x38;
	[tilespmem:$0x1F730] =	vst v63  }
0x60: {  	_ =	swait.ge [sflag:s29], $0x1800  }
0x61: {  	[sflag:s29] =	ssyncset.done $0x0  }
0x62: {  	s17 =	rddreg [dreg:$0xe];
	[sflag:s29] =	ssyncadd.s32 $0xFFFFE800  }
0x63: {  	[spmem:s17] =	stream.linear.scatter [tilespmem:s0], [sflag:$0x4], $0x1800, $0x38;
	[tilespmem:$0x1F730] =	vst v63  }
0x64: {  	_ =	swait.ge [sflag:s29], $0x1800  }
0x65: {  	[sflag:s29] =	ssyncset.done $0x0  }
0x66: {  	s18 =	rddreg [dreg:$0xf];
	[sflag:s29] =	ssyncadd.s32 $0xFFFFE800  }
0x67: {  	[spmem:s18] =	stream.linear.scatter [tilespmem:s0], [sflag:$0x4], $0x1800, $0x38;
	[tilespmem:$0x1F730] =	vst v63  }
0x68: {  	_ =	swait.ge [sflag:s29], $0x1800  }
0x69: {  	s19 =	sadd.s32 $0x8000002F, s12;
	[sflag:s29] =	ssyncset.done $0x0  }
0x6a: {  	s13 =	smulhi.u32 $0x2AAAAAAB, s19;
	s14 =	sshra.s32 s19, $0x1F;
	[sflag:s29] =	ssyncadd.s32 $0xFFFFE800  }
0x6b: {  	[spmem:s20] =	stream.linear.scatter [tilespmem:s0], [sflag:$0x4], $0x1800, $0x38;
	[tilespmem:$0x1F730] =	vst v63  }
0x6c: {  	s14 =	smul.u32 $0x2AAAAAAB, s14;
	_ =	swait.ge [sflag:s29], $0x1800  }
0x6d: {  	[sflag:s29] =	ssyncset.done $0x0  }
0x6e: {  	s13 =	sadd.s32 s14, s13;
	[sflag:s29] =	ssyncadd.s32 $0xFFFFE800  }
0x6f: {  	[spmem:s21] =	stream.linear.scatter [tilespmem:s0], [sflag:$0x4], $0x1800, $0x38;
	[tilespmem:$0x1F730] =	vst v63  }
0x70: {  	s14 =	sshrl.u32 s13, $0x1F;
	s13 =	sshra.s32 s13, $0x3;
	_ =	swait.ge [sflag:s29], $0x1800  }
0x71: {  	s13 =	sadd.s32 s14, s13;
	[sflag:s29] =	ssyncset.done $0x0  }
0x72: {  	s15 =	ssub.s32 $0x7FFFFFD1, s12;
	s14 =	smul.u32 $0xFFFFFFD0, s13;
	[sflag:s29] =	ssyncadd.s32 $0xFFFFE800  }
0x73: {  	[spmem:s22] =	stream.linear.scatter [tilespmem:s0], [sflag:$0x4], $0x1800, $0x38;
	[tilespmem:$0x1F730] =	vst v63  }
0x74: {  	p0 =	slt.s32 s19, $0x1;
	p1 =	sne.s32 s14, s15;
	_ =	swait.ge [sflag:s29], $0x1800  }
0x75: {  	p0 =	por !p0, !p1;
	[sflag:s29] =	ssyncset.done $0x0  }
0x76: {  	s10 =	simm.s32 $0x1;
	p0 =	por !p0, !p0;
	[sflag:s29] =	ssyncadd.s32 $0xFFFFE800  }
0x77: {  	[spmem:s23] =	stream.linear.scatter [tilespmem:s0], [sflag:$0x4], $0x1800, $0x38;
	[tilespmem:$0x1F730] =	vst v63  }
0x78: {  	s10 =	simm.s32 @!p0 $0x0;
	_ =	swait.ge [sflag:s29], $0x1800  }
0x79: {  	s10 =	ssub.s32 s13, s10;
	[sflag:s29] =	ssyncset.done $0x0  }
0x7a: {  	p0 =	slt.s32 s10, $0x1;
	[sflag:s29] =	ssyncadd.s32 $0xFFFFE800  }
0x7b: {  	[spmem:s24] =	stream.linear.scatter [tilespmem:s0], [sflag:$0x4], $0x100, $0x38;
	[tilespmem:$0x1F730] =	vst v63  }
.Ltmp3:
0x7c: {  	_ =	swait.ge [sflag:s29], $0x100;
	(pc) =	sbr.rel @p0 .LBB2_8-.Ltmp3, $3  }
0x7d: {  	[sflag:s29] =	ssyncset.done $0x0  }
0x7e: {  	[sflag:s29] =	ssyncadd.s32 $0xFFFFFF00  }
0x7f: {  	[bflag:$0x0] =	sbarrier.arrive $0xFFFF;
	_ =	sdelay $0x1  }
0x80: {  	s12 =	sxor.u32 $0x80000000, s12;
	s17 =	simm.s32 $0x0;
	s14 =	simm.s32 $0x0  }
.LBB2_5:
0x81: {  	s13 =	smul.u32 $0x30, s14;
	_ =	sdelay $0x1  }
0x82: {  	s15 =	sadd.s32 $0x13900, s13  }
0x83: {  	[tilespmem:s0], [sflag:$0x1] =	stream.indirect.gather [hbm4b:s2+s30], $0x80, s15, s30, $0xb8;
	[tilespmem:$0x1F730] =	vst v63  }
0x84: {  	s15 =	sadd.s32 $0x16060, s13  }
0x85: {  	[tilespmem:s31], [sflag:$0x2] =	stream.indirect.gather [hbm4b:s5+s30], $0x80, s15, s30, $0xb8;
	[tilespmem:$0x1F730] =	vst v63  }
0x86: {  	s13 =	sadd.s32 $0x187C0, s13  }
0x87: {  	[tilespmem:s1], [sflag:$0x3] =	stream.indirect.gather [hbm4b:s6+s30], $0x80, s13, s30, $0xb8;
	[tilespmem:$0x1F730] =	vst v63  }
0x88: {  	_ =	swait.ge [sflag:s28], $0x1800  }
0x89: {  	[sflag:s28] =	ssyncset.done $0x0  }
0x8a: {  	[sflag:s28] =	ssyncadd.s32 $0xFFFFE800  }
0x8b: {  	_ =	swait.ge [sflag:s7], $0x1800  }
0x8c: {  	[sflag:s7] =	ssyncset.done $0x0  }
0x8d: {  	[sflag:s7] =	ssyncadd.s32 $0xFFFFE800  }
0x8e: {  	_ =	swait.ge [sflag:s8], $0x1800  }
0x8f: {  	[sflag:s8] =	ssyncset.done $0x0  }
0x90: {  	s16 =	simm.s32 $0x0;
	[sflag:s8] =	ssyncadd.s32 $0xFFFFE800  }
0x91: {  	v10 =	vld [tilespmem:s16+$0x1DF30]  }
0x92: {  	v14 =	vld [tilespmem:s16+$0x1DF40]  }
0x93: {  	v4 =	vld [tilespmem:s16+$0x1DF50]  }
0x94: {  	v3 =	vld [tilespmem:s16+$0x1DF60]  }
0x95: {  	v2 =	vld [tilespmem:s16+$0x1DF70]  }
0x96: {  	v1 =	vld [tilespmem:s16+$0x1DF80]  }
0x97: {  	v5 =	vld [tilespmem:s16+$0x1C730]  }
0x98: {  	v11 =	vld [tilespmem:s16+$0x1C740]  }
0x99: {  	v16 =	vld [tilespmem:s16+$0x1C750]  }
0x9a: {  	v8 =	vld [tilespmem:s16+$0x1C760]  }
0x9b: {  	v12 =	vld [tilespmem:s16+$0x1AF30]  }
0x9c: {  	v9 =	vld [tilespmem:s16+$0x1C770]  }
0x9d: {  	v17 =	vld [tilespmem:s16+$0x1AF40]  }
0x9e: {  	v7 =	vld [tilespmem:s16+$0x1C780]  }
0x9f: {  	v18 =	vld [tilespmem:s16+$0x1AF50]  }
0xa0: {  	v6 =	vld [tilespmem:s16+$0x1C790];
	v12 =	vadd.f32 v5, v12  }
0xa1: {  	v13 =	vld [tilespmem:s16+$0x1AF60]  }
0xa2: {  	v5 =	vld [tilespmem:s16+$0x1C7A0];
	v15 =	vadd.f32 v10, v12;
	v10 =	vadd.f32 v11, v17  }
0xa3: {  	v12 =	vld [tilespmem:s16+$0x1AF70]  }
0xa4: {  	v16 =	vadd.f32 v16, v18;
	v11 =	vld [tilespmem:s16+$0x1AF80];
	v14 =	vadd.f32 v14, v10;
	v17 =	vmul.f32 $9.999999770e-03, v15  }
0xa5: {  	s18 =	simm.s32 $0x200;
	s13 =	smov.u32 s17;
	v10 =	vld [tilespmem:s16+$0x1AF90]  }
.LBB2_6:
0xa6: {  	p0 =	sne.s32 s18, $0x5E00;
	p1 =	slt.s32 s13, s12;
	v15 =	vmax.f32 v15, v17;
	v17 =	vmul.f32 $9.999999770e-03, v14;
	v4 =	vadd.f32 v4, v16;
	v16 =	vld [tilespmem:s16+$0x1AFA0]  }
0xa7: {  	v15 =	vpsel !p1, $0x0, v15;
	v8 =	vadd.f32 v8, v13;
	v13 =	vld [tilespmem:s16+$0x1DF90]  }
0xa8: {  	s19 =	sshra.s32 s18, $0x2;
	v14 =	vmax.f32 v14, v17;
	v17 =	vmul.f32 $9.999999770e-03, v4;
	v9 =	vadd.f32 v9, v12;
	v12 =	vld [tilespmem:s16+$0x1DFA0]  }
0xa9: {  	v18 =	vld [tilespmem:s19+$0x1DF30];
	v14 =	vpsel !p1, $0x0, v14;
	v8 =	vadd.f32 v3, v8;
	v3 =	vadd.f32 v7, v11  }
0xaa: {  	v11 =	vld [tilespmem:s19+$0x1DF40];
	v7 =	vmax.f32 v4, v17;
	v9 =	vadd.f32 v2, v9;
	v2 =	vadd.f32 v6, v10  }
0xab: {  	v4 =	vld [tilespmem:s19+$0x1DF50];
	v6 =	vmul.f32 $9.999999770e-03, v8;
	v10 =	vadd.f32 v1, v3;
	v1 =	vadd.f32 v5, v16  }
0xac: {  	v5 =	vpsel !p1, $0x0, v7;
	v3 =	vld [tilespmem:s19+$0x1DF60];
	[tilespmem:s16+$0x1AF30] =	vst v15;
	v7 =	vmul.f32 $9.999999770e-03, v9;
	v13 =	vadd.f32 v13, v2  }
0xad: {  	v2 =	vld [tilespmem:s19+$0x1DF70];
	[tilespmem:s16+$0x1AF40] =	vst v14;
	v6 =	vmax.f32 v8, v6;
	v8 =	vmul.f32 $9.999999770e-03, v10;
	v12 =	vadd.f32 v12, v1  }
0xae: {  	v1 =	vld [tilespmem:s19+$0x1DF80];
	[tilespmem:s16+$0x1AF50] =	vst v5;
	v5 =	vpsel !p1, $0x0, v6;
	v6 =	vmax.f32 v9, v7;
	v7 =	vmul.f32 $9.999999770e-03, v13  }
0xaf: {  	v14 =	vld [tilespmem:s19+$0x1C730];
	[tilespmem:s16+$0x1AF60] =	vst v5;
	v5 =	vpsel !p1, $0x0, v6;
	v6 =	vmax.f32 v10, v8;
	v8 =	vmul.f32 $9.999999770e-03, v12  }
0xb0: {  	v10 =	vld [tilespmem:s19+$0x1C740];
	[tilespmem:s16+$0x1AF70] =	vst v5;
	v5 =	vpsel !p1, $0x0, v6;
	v6 =	vmax.f32 v13, v7  }
0xb1: {  	v16 =	vld [tilespmem:s19+$0x1C750];
	[tilespmem:s16+$0x1AF80] =	vst v5;
	v5 =	vpsel !p1, $0x0, v6;
	v6 =	vmax.f32 v12, v8  }
0xb2: {  	v8 =	vld [tilespmem:s19+$0x1C760];
	[tilespmem:s16+$0x1AF90] =	vst v5;
	v5 =	vpsel !p1, $0x0, v6  }
0xb3: {  	v6 =	vld [tilespmem:s19+$0x1AF30];
	[tilespmem:s16+$0x1AFA0] =	vst v5;
	s16 =	smov.u32 s19  }
0xb4: {  	v9 =	vld [tilespmem:s16+$0x1C770]  }
0xb5: {  	v12 =	vld [tilespmem:s16+$0x1AF40]  }
0xb6: {  	v7 =	vld [tilespmem:s16+$0x1C780]  }
0xb7: {  	v19 =	vld [tilespmem:s16+$0x1AF50]  }
0xb8: {  	v13 =	vadd.f32 v14, v6;
	v6 =	vld [tilespmem:s16+$0x1C790]  }
.Ltmp4:
0xb9: {  	v5 =	vld [tilespmem:s16+$0x1C7A0];
	(pc) =	sbr.rel @p0 .LBB2_6-.Ltmp4, $4  }
0xba: {  	v15 =	vadd.f32 v18, v13;
	v10 =	vadd.f32 v10, v12;
	v13 =	vld [tilespmem:s16+$0x1AF60]  }
0xbb: {  	v12 =	vld [tilespmem:s16+$0x1AF70]  }
0xbc: {  	v17 =	vmul.f32 $9.999999770e-03, v15;
	v14 =	vadd.f32 v11, v10;
	v16 =	vadd.f32 v16, v19;
	v11 =	vld [tilespmem:s16+$0x1AF80]  }
0xbd: {  	s18 =	sadd.s32 $0x200, s18;
	s13 =	sadd.s32 $0x1, s13;
	v10 =	vld [tilespmem:s16+$0x1AF90]  }
0xbe: {  	p0 =	slt.s32 s13, s12;
	v15 =	vmax.f32 v15, v17;
	v56 =	vmul.f32 $9.999999770e-03, v14;
	v4 =	vadd.f32 v4, v16;
	v57 =	vld [tilespmem:s16+$0x1AFA0]  }
0xbf: {  	v58 =	vld [tilespmem:s16+$0x1DF90];
	v15 =	vpsel !p0, $0x0, v15;
	v8 =	vadd.f32 v8, v13  }
0xc0: {  	v60 =	vld [tilespmem:s16+$0x1DFA0];
	v14 =	vmax.f32 v14, v56;
	v59 =	vmul.f32 $9.999999770e-03, v4;
	v9 =	vadd.f32 v9, v12  }
0xc1: {  	v14 =	vpsel !p0, $0x0, v14;
	v3 =	vadd.f32 v3, v8;
	v7 =	vadd.f32 v7, v11  }
0xc2: {  	v4 =	vmax.f32 v4, v59;
	v2 =	vadd.f32 v2, v9;
	v6 =	vadd.f32 v6, v10  }
0xc3: {  	v8 =	vmul.f32 $9.999999770e-03, v3;
	v1 =	vadd.f32 v1, v7;
	v5 =	vadd.f32 v5, v57  }
0xc4: {  	[tilespmem:s16+$0x1AF30] =	vst v15;
	v4 =	vpsel !p0, $0x0, v4;
	v61 =	vmul.f32 $9.999999770e-03, v2;
	v6 =	vadd.f32 v58, v6  }
0xc5: {  	[tilespmem:s16+$0x1AF40] =	vst v14;
	v3 =	vmax.f32 v3, v8;
	v62 =	vmul.f32 $9.999999770e-03, v1;
	v5 =	vadd.f32 v60, v5  }
0xc6: {  	[tilespmem:s16+$0x1AF50] =	vst v4;
	v3 =	vpsel !p0, $0x0, v3;
	v2 =	vmax.f32 v2, v61;
	v63 =	vmul.f32 $9.999999770e-03, v6  }
0xc7: {  	[tilespmem:s16+$0x1AF60] =	vst v3;
	v2 =	vpsel !p0, $0x0, v2;
	v1 =	vmax.f32 v1, v62;
	v3 =	vmul.f32 $9.999999770e-03, v5  }
0xc8: {  	[tilespmem:s16+$0x1AF70] =	vst v2;
	v1 =	vpsel !p0, $0x0, v1;
	v2 =	vmax.f32 v6, v63  }
0xc9: {  	[tilespmem:s16+$0x1AF80] =	vst v1;
	v1 =	vpsel !p0, $0x0, v2;
	v2 =	vmax.f32 v5, v3  }
0xca: {  	s14 =	sadd.s32 $0x1, s14;
	[tilespmem:s16+$0x1AF90] =	vst v1;
	v1 =	vpsel !p0, $0x0, v2  }
0xcb: {  	p0 =	sne.s32 s14, s10;
	[tilespmem:s16+$0x1AFA0] =	vst v1  }
0xcc: {  	[spmem:s3] =	stream.indirect.scatter.add.f32 [tilespmem:s0], [sflag:$0x4], $0x80, s15, s30, $0xb8;
	[tilespmem:$0x1F730] =	vst v63  }
.Ltmp5:
0xcd: {  	_ = 	snop;
	(pc) =	sbr.rel @p0 .LBB2_5-.Ltmp5, $4  }
.Ltmp6:
0xce: {  	_ = 	snop;
	(pc) =	sbr.rel @!p0 .LBB2_8-.Ltmp6, $4  }
0xcf: {  	_ =	swait.ge [sflag:s29], $0x1800  }
0xd0: {  	[sflag:s29] =	ssyncset.done $0x0  }
0xd1: {  	s17 =	sadd.s32 $0x30, s17;
	[sflag:s29] =	ssyncadd.s32 $0xFFFFE800  }
0xd2: {  	_ = 	snop  }
.LBB2_9:
0xd3: {  	_ =	sfence.sel $0x180000  }
0xd4: {  	[bflag:$0x0] =	sbarrier.arrive $0xFFFF  }
0xd5: {  	_ =	strace $0x9000004A  }
0xd6: {  	s0 =	stileid.u32;
	[bflag:$0x2] =	sbarrier.arrive $0xFFFF  }
0xd7: {  	p0 =	sne.s32 s0, $0x0;
	s0 =	rddreg [dreg:$0x3]  }
0xd8: {  	s0 =	sadd.s32 @!p0 $0x100000, s0  }
0xd9: {  	[sflag:s0] =	ssyncadd.tile.s32 @!p0 $0x1;
	_ =	shalt  }
.Lfunc_end2:
_tile_overlayer_lowered:
.L_overlay_start_2:
0xda: {  	(tag) =	ssettag $0x2  }
0xdb: {  	s0 =	rddreg [dreg:$0x0];
	s2 =	stileid.u32  }
0xdc: {  	s1 =	rddreg [dreg:$0x1];
	p0 =	sne.s32 s2, $0x0  }
0xdd: {  	s3 =	rddreg [dreg:$0x2];
	[bflag:$0x3] =	sbarrier.arrive $0xFFFF;
	s2 =	simm.s32 @!p0 $0x1C04  }
0xde: {  	[timem:s3], [sflag:s2] =	dma.local @!p0 [hbm:s0], s1  }
0xdf: {  	s0 =	simm.s32 @!p0 $0x4  }
0xe0: {  	_ =	swait.ge @!p0 [sflag:s0], s1  }
0xe1: {  	s1 =	ssub.s32 @!p0 $0x0, s1;
	[sflag:s0] =	ssyncset.done @!p0 $0x0  }
0xe2: {  	[sflag:s0] =	ssyncadd.s32 @!p0 s1  }
0xe3: {  	[bflag:$0x3] =	sbarrier.arrive $0xFFFF  }
0xe4: {  	_ =	shalt  }

// kernel: kernel.15.cloned.1.call-start
scs
__scs_entry_jumppad:
0x0: {  	(pc) =	sbr.rel $0x88, $3  }
0x1: {  	(tag) =	ssettag $0x0;
	lr =	simm.s32 $0x1  }
0x2: {  	[smem:$0x3F99] =	sst lr;
	_ =	strace $0xD0000000  }
0x3: {  	_ = 	snop  }
0x4: {  	_ = 	snop  }
0x5: {  	_ = 	snop  }
0x6: {  	_ = 	snop  }
0x7: {  	_ = 	snop  }
__scs_overlays_trampoline_lowered:
0x8: {  	[smem:$0x3FA8] =	sst s0  }
0x9: {  	[smem:$0x3FA9] =	sst s1  }
0xa: {  	[smem:$0x3FAA] =	sst s2  }
0xb: {  	[smem:$0x3FAB] =	sst s3  }
0xc: {  	[smem:$0x3FAC] =	sst s4  }
0xd: {  	[smem:$0x3FAD] =	sst s5  }
0xe: {  	[smem:$0x3FAE] =	sst s6  }
0xf: {  	[smem:$0x3FAF] =	sst s7  }
0x10: {  	[smem:$0x3FB0] =	sst s8  }
0x11: {  	[smem:$0x3FB1] =	sst s9;
	s0 =	simm.s32 @!p0 $0x0  }
0x12: {  	s1 =	sld [smem:$0x3F97];
	s0 =	simm.s32 @p0 $0x1  }
0x13: {  	[smem:$0x3FB2] =	sst s0;
	s0 =	simm.s32 @!p1 $0x0  }
0x14: {  	s2 =	sld [smem:$0x3F96];
	s0 =	simm.s32 @p1 $0x1  }
0x15: {  	[smem:$0x3FB3] =	sst s0;
	s0 =	simm.s32 @!p2 $0x0  }
0x16: {  	s3 =	sld [smem:$0x3FDB];
	s0 =	simm.s32 @p2 $0x1  }
0x17: {  	s4 =	simm.s32 $0x1BF5;
	[smem:$0x3FB5] =	sst s0  }
0x18: {  	s0 =	sld [smem:$0x3F98];
	_ =	swait.ge [sflag:s4], $0x0  }
0x19: {  	s7 =	sld [smem:$0x3F99]  }
0x1a: {  	s8 =	sadd.s32 $0xFFFFE003, lr  }
0x1b: {  	s9 =	sadd.s32 $0xFFFFFEF7, lr;
	s5 =	simm.s32 $0xFFFFFFFF;
	p2 =	slt.u32 s8, $0xFFFFF086  }
0x1c: {  	p1 =	slt.u32 s9, $0xF7A;
	s5 =	simm.s32 @!p2 $0x0  }
0x1d: {  	s5 =	simm.s32 @p1 $0x1;
	p0 =	seq.s32 s7, s2  }
0x1e: {  	s7 =	smul.u32 @!p0 $0xF7A, s2;
	p2 =	seq.s32 @!p0 s5, $0x0  }
0x1f: {  	s9 =	smul.u32 $0xF7A, s1;
	s8 =	simm.s32 @!p0 $0x1BF5;
	p2 =	por !p2, p0  }
0x20: {  	[sflag:s8] =	ssyncset.s32 @!p0 $0xFFFFF086;
	s6 =	sadd.s32 @!p0 s3, s7;
	s7 =	simm.s32 @!p0 $0x108  }
0x21: {  	s3 =	sadd.s32 s3, s9;
	s6 =	sadd.s32 @!p0 $0x88, s6;
	s7 =	simm.s32 @p2 $0x1082  }
0x22: {  	[simem:s7], [sflag:s8] =	dma.local @!p0 [hbm:s6], $0xF7A  }
0x23: {  	s9 =	sor.u32 $0xD0000000, s2;
	s6 =	simm.s32 $0x108;
	_ =	swait.ge @!p0 [sflag:s8], $0x0  }
0x24: {  	s3 =	sadd.s32 $0x88, s3;
	s6 =	simm.s32 @!p1 $0x1082;
	[sflag:s4] =	ssyncset.s32 $0xFFFFF086  }
0x25: {  	[simem:s6], [sflag:s4] =	dma.local [hbm:s3], $0xF7A  }
0x26: {  	[smem:$0x3F99] =	sst s1;
	(tag) =	ssettag s2;
	_ =	strace s9  }
0x27: {  	s1 =	sld [smem:$0x3FA9]  }
0x28: {  	s2 =	sld [smem:$0x3FAA]  }
0x29: {  	s4 =	sld [smem:$0x3FAC]  }
0x2a: {  	p0 =	seq.s32 s5, $0x0;
	s5 =	sld [smem:$0x3FAD]  }
0x2b: {  	s6 =	sld [smem:$0x3FAE]  }
0x2c: {  	s7 =	sld [smem:$0x3FAF]  }
0x2d: {  	s3 =	simm.s32 $0x108;
	s8 =	sld [smem:$0x3FB0]  }
0x2e: {  	s3 =	simm.s32 @!p0 $0x1082;
	s9 =	sld [smem:$0x3FB1]  }
0x2f: {  	lr =	sadd.s32 s0, s3;
	s0 =	sld [smem:$0x3FA8]  }
0x30: {  	s3 =	sld [smem:$0x3FAB]  }
0x31: {  	[smem:$0x3FB4] =	sst s10  }
0x32: {  	s10 =	sld [smem:$0x3FB2];
	_ =	sdelay $0x3  }
0x33: {  	p0 =	seq.s32 s10, $0x1;
	s10 =	sld [smem:$0x3FB4];
	_ =	sdelay $0x3  }
0x34: {  	[smem:$0x3FB4] =	sst s10  }
0x35: {  	s10 =	sld [smem:$0x3FB3];
	_ =	sdelay $0x3  }
0x36: {  	p1 =	seq.s32 s10, $0x1;
	s10 =	sld [smem:$0x3FB4];
	_ =	sdelay $0x3  }
0x37: {  	[smem:$0x3FB4] =	sst s10  }
0x38: {  	s10 =	sld [smem:$0x3FB5]  }
0x39: {  	_ = 	snop;
	(pc) =	sbr.ind lr, $3  }
0x3a: {  	_ = 	snop  }
0x3b: {  	_ = 	snop  }
0x3c: {  	p2 =	seq.s32 s10, $0x1;
	s10 =	sld [smem:$0x3FB4]  }
0x3d: {  	_ =	shalt  }
0x3e: {  	_ =	shalt  }
0x3f: {  	_ =	shalt  }
0x40: {  	_ =	shalt  }
0x41: {  	_ =	shalt  }
0x42: {  	_ =	shalt  }
0x43: {  	_ =	shalt  }
0x44: {  	_ =	shalt  }
0x45: {  	_ =	shalt  }
0x46: {  	_ =	shalt  }
0x47: {  	_ =	shalt  }
0x48: {  	_ =	shalt  }
0x49: {  	_ =	shalt  }
0x4a: {  	_ =	shalt  }
0x4b: {  	_ =	shalt  }
0x4c: {  	_ =	shalt  }
0x4d: {  	_ =	shalt  }
0x4e: {  	_ =	shalt  }
0x4f: {  	_ =	shalt  }
0x50: {  	_ =	shalt  }
0x51: {  	_ =	shalt  }
0x52: {  	_ =	shalt  }
0x53: {  	_ =	shalt  }
0x54: {  	_ =	shalt  }
0x55: {  	_ =	shalt  }
0x56: {  	_ =	shalt  }
0x57: {  	_ =	shalt  }
0x58: {  	_ =	shalt  }
0x59: {  	_ =	shalt  }
0x5a: {  	_ =	shalt  }
0x5b: {  	_ =	shalt  }
0x5c: {  	_ =	shalt  }
0x5d: {  	_ =	shalt  }
0x5e: {  	_ =	shalt  }
0x5f: {  	_ =	shalt  }
0x60: {  	_ =	shalt  }
0x61: {  	_ =	shalt  }
0x62: {  	_ =	shalt  }
0x63: {  	_ =	shalt  }
0x64: {  	_ =	shalt  }
0x65: {  	_ =	shalt  }
0x66: {  	_ =	shalt  }
0x67: {  	_ =	shalt  }
0x68: {  	_ =	shalt  }
0x69: {  	_ =	shalt  }
0x6a: {  	_ =	shalt  }
0x6b: {  	_ =	shalt  }
0x6c: {  	_ =	shalt  }
0x6d: {  	_ =	shalt  }
0x6e: {  	_ =	shalt  }
0x6f: {  	_ =	shalt  }
0x70: {  	_ =	shalt  }
0x71: {  	_ =	shalt  }
0x72: {  	_ =	shalt  }
0x73: {  	_ =	shalt  }
0x74: {  	_ =	shalt  }
0x75: {  	_ =	shalt  }
0x76: {  	_ =	shalt  }
0x77: {  	_ =	shalt  }
0x78: {  	_ =	shalt  }
0x79: {  	_ =	shalt  }
0x7a: {  	_ =	shalt  }
0x7b: {  	_ =	shalt  }
0x7c: {  	_ =	shalt  }
0x7d: {  	_ =	shalt  }
0x7e: {  	_ =	shalt  }
0x7f: {  	_ =	shalt  }
0x80: {  	_ =	shalt  }
0x81: {  	_ =	shalt  }
0x82: {  	_ =	shalt  }
0x83: {  	_ =	shalt  }
0x84: {  	_ =	shalt  }
0x85: {  	_ =	shalt  }
0x86: {  	_ =	shalt  }
0x87: {  	_ =	shalt  }
.Lfunc_end0:
.L_simem_size_0:
called_computation.2_lowered:
.L_overlay_start_0:
0x88: {  	s2 =	sld [smem:$0x3FD9]  }
0x89: {  	s3 =	sld [smem:$0x3FFE];
	_ =	sdelay $0x1  }
0x8a: {  	s1 =	srdreg.scid  }
0x8b: {  	s0 =	sand.u32 $0x1, s1  }
0x8c: {  	s16 =	sshll.u32 s0, $0xA;
	s2 =	sadd.s32 s3, s2  }
0x8d: {  	s2 =	sadd.s32 s2, s16  }
0x8e: {  	[smem:$0x3FC0] =	sst s2  }
0x8f: {  	_ = 	snop  }
0x90: {  	(tm) =	ssettm $0x1  }
0x91: {  	s17 =	sld [smem:$0x3FFB];
	_ =	sdelay $0x3  }
0x92: {  	_ =	strace s17  }
0x93: {  	s2 =	sld [smem:$0x3FFC];
	_ =	sdelay $0x3  }
0x94: {  	_ =	strace s2  }
0x95: {  	s2 =	sld [smem:$0x3FFD];
	_ =	sdelay $0x3  }
0x96: {  	_ =	strace s2  }
0x97: {  	_ =	strace $0x8FFFFFFF  }
0x98: {  	s18 =	sld [smem:$0x3FDB];
	_ =	sdelay $0x1  }
0x99: {  	s19 =	simm.s32 $_scs_section_size  }
0x9a: {  	s4 =	simm.s32 $_size__tile_overlayer_lowered;
	s5 =	simm.s32 $_tile_overlayer_lowered  }
0x9b: {  	s22 =	simm.s32 $0x1BFF;
	s21 =	sshll.u32 s5, $0x1;
	s2 =	sadd.s32 s19, s18  }
0x9c: {  	s6 =	simm.s32 $0x0;
	s20 =	sshll.u32 s4, $0x1;
	s4 =	sadd.s32 s21, s2  }
0x9d: {  	[timem:s6], [sflag:s22] =	dma.local [hbm:s4], s20  }
0x9e: {  	_ =	swait.ge [sflag:s22], s20  }
0x9f: {  	s3 =	ssub.s32 $0x0, s20;
	[sflag:s22] =	ssyncset.done $0x0  }
0xa0: {  	[sflag:s22] =	ssyncadd.s32 s3;
	_ =	sdelay $0x1  }
0xa1: {  	s23 =	simm.s32 $0x1B8B  }
0xa2: {  	_ =	swait.ge [sflag:s23], $0x1  }
0xa3: {  	[sflag:s23] =	ssyncset.done $0x0  }
0xa4: {  	s25 =	simm.s32 $0x1B8E;
	s24 =	sld [smem:$0x3FFE];
	[sflag:s23] =	ssyncadd.s32 $0xFFFFFFFF  }
0xa5: {  	s26 =	simm.s32 $execute0_lowered;
	[smem:$0x3FD2] =	sst s25  }
0xa6: {  	s4 =	sshll.u32 s26, $0x1;
	_ =	strace $0x8000004C;
	[dreg:$0x1] =	wrdreg $0xFFFFFFFF  }
0xa7: {  	s28 =	simm.s32 $_size_execute0_lowered;
	s2 =	sadd.s32 s2, s4;
	[dreg:$0x0] =	wrdreg $0x0  }
0xa8: {  	s4 =	sshll.u32 s28, $0x1;
	[dreg:$0x2] =	wrdreg s2  }
0xa9: {  	[dreg:$0x3] =	wrdreg s4  }
0xaa: {  	[dreg:$0x4] =	wrdreg $0xC0  }
0xab: {  	_ =	task [dreg:s6], $0x5FFFF  }
0xac: {  	[dreg:$0x1] =	wrdreg $0xFFFFFFFF  }
0xad: {  	[dreg:$0x0] =	wrdreg $0x60  }
0xae: {  	[dreg:$0x2] =	wrdreg s24  }
0xaf: {  	[dreg:$0x3] =	wrdreg $0x0  }
0xb0: {  	[dreg:$0x4] =	wrdreg $0x9  }
0xb1: {  	_ =	task.clear_ibuf [dreg:s6], $0x5FFFF;
	_ =	strace $0x9000004C  }
0xb2: {  	s29 =	simm.s32 $0x9;
	_ =	strace $0x8000004E  }
0xb3: {  	_ =	swait.ge [sflag:s29], $0x1  }
0xb4: {  	[sflag:s29] =	ssyncadd.s32 $0xFFFFFFFF  }
0xb5: {  	_ =	strace $0x9000004E  }
0xb6: {  	_ =	sfence  }
0xb7: {  	s30 =	sld [smem:$0x0];
	_ =	sdelay $0x2  }
0xb8: {  	s31 =	sshll.u32 s1, $0xD;
	s1 =	sshrl.u32 s1, $0x2  }
0xb9: {  	s3 =	sand.u32 $0x4000, s31;
	s1 =	sadd.s32 s1, s30  }
0xba: {  	s0 =	sor.u32 s3, s0;
	s1 =	sshll.u32 s1, $0x11  }
0xbb: {  	s0 =	sor.u32 s1, s0  }
0xbc: {  	s0 =	sadd.s32 $0x8F2B, s0  }
0xbd: {  	[sflag:s0] =	ssyncadd.remote.s32 $0x1  }
0xbe: {  	_ =	sfence.sel $0xFFFF  }
0xbf: {  	[dreg:$0x0] =	wrdreg $0xFFFFFFFF;
	(pc) =	sbr.abs _section_cstart, $3  }
0xc0: {  	[dreg:$0x1] =	wrdreg $0xFFFFFFFF  }
0xc1: {  	_ =	task.clear_ibuf [dreg:s6], $0x2FFFF;
	_ =	strace $0x9FFFFFFF  }
0xc2: {  	(tm) =	ssettm $0x7FFFFFFF  }
0xc3: {  	_ =	shalt  }
tec
execute0_lowered:
.L_overlay_start_1:
0x0: {  	(tag) =	ssettag $0x1  }
0x1: {  	s0 =	srdreg.scid;
	s7 =	rddreg [dreg:$0x0]  }
0x2: {  	s11 =	stileid.u32;
	s2 =	rddreg [dreg:$0x1]  }
0x3: {  	s3 =	simm.s32 $0x0;
	s29 =	simm.s32 $0x4;
	s28 =	simm.s32 $0x1  }
0x4: {  	s30 =	simm.s32 $0x30;
	s31 =	simm.s32 $0x1C730;
	s0 =	sand.u32 $0x1, s0  }
0x5: {  	s8 =	smul.u32 $0x13900, s11;
	[smem:$0x7FF] =	sst s3;
	s1 =	sshll.u32 s0, $0x4  }
0x6: {  	s5 =	sadd.s32 $0xA51800, s7;
	s6 =	smul.u32 $0x139000, s0;
	s1 =	sor.u32 s11, s1  }
0x7: {  	_ =	strace $0x8000004D;
	s4 =	smul.u32 $0x4EC, s1;
	s1 =	sshll.u32 s1, $0x1  }
0x8: {  	s0 =	ssub.s32 $0x2, s0;
	s11 =	smul.u32 $0x4E400, s11;
	s1 =	sadd.s32 s1, s7  }
0x9: {  	s14 =	sshrl.u32 s0, $0x1;
	s9 =	sadd.s32 s4, s7;
	s1 =	sadd.s32 $0x3F200, s1  }
0xa: {  	s6 =	sadd.s32 s8, s6;
	s15 =	sadd.s32 $0x21800, s9;
	[dreg:$0x6] =	wrdreg s1  }
0xb: {  	s16 =	sshrl.u32 s11, $0x2;
	s17 =	sadd.s32 $0x2B600, s9;
	[dreg:$0x3] =	wrdreg s15  }
0xc: {  	s18 =	sadd.s32 s16, s2;
	s9 =	sadd.s32 $0x35400, s9;
	[dreg:$0x4] =	wrdreg s17  }
0xd: {  	s0 =	ssub.s32 s0, s14;
	s19 =	sadd.s32 $0x1800, s18;
	[dreg:$0x5] =	wrdreg s9  }
0xe: {  	s10 =	sshrl.u32 s6, $0x3;
	s20 =	sadd.s32 $0x3000, s18;
	[dreg:$0x7] =	wrdreg s19  }
0xf: {  	s6 =	sadd.s32 $0x548600, s7;
	s21 =	sadd.s32 $0x4800, s18;
	[dreg:$0x8] =	wrdreg s20  }
0x10: {  	s11 =	sadd.s32 s8, s2;
	s22 =	sadd.s32 $0x6000, s18;
	[dreg:$0x9] =	wrdreg s21  }
0x11: {  	s8 =	simm.s32 $0x3;
	s23 =	sadd.s32 $0x7800, s18;
	[dreg:$0xa] =	wrdreg s22  }
0x12: {  	s4 =	sadd.s32 $0xA2A600, s7;
	s24 =	sadd.s32 $0x9000, s18;
	[dreg:$0xb] =	wrdreg s23  }
0x13: {  	s7 =	sadd.s32 s10, s7;
	s25 =	sadd.s32 $0xA800, s18;
	[dreg:$0xc] =	wrdreg s24  }
.Ltmp0:
0x14: {  	s26 =	sadd.s32 $0xC000, s18;
	[dreg:$0xd] =	wrdreg s25;
	(pc) =	sbr.rel .LBB2_1-.Ltmp0, $4  }
0x15: {  	s1 =	simm.s32 $0x1DF30;
	[dreg:$0xe] =	wrdreg s26;
	s20 =	sadd.s32 $0xD800, s18  }
0x16: {  	s21 =	sadd.s32 $0xF000, s18;
	s22 =	sadd.s32 $0x10800, s18;
	s23 =	sadd.s32 $0x12000, s18  }
0x17: {  	s24 =	sadd.s32 $0x13800, s18;
	s25 =	sadd.s32 $0x3F400, s7;
	s26 =	smax.u32 s0, $0x1  }
0x18: {  	v0 =	vimm.f32 $0.0e+00;
	s0 =	simm.s32 $0x1AF30;
	s7 =	simm.s32 $0x2;
	s9 =	simm.s32 $0x0  }
.LBB2_8:
0x19: {  	s10 =	stileid.u32;
	s9 =	sadd.s32 $0x1, s9  }
0x1a: {  	[bflag:$0x0] =	sbarrier.arrive $0xFFFF;
	s10 =	sshll.u32 s10, $0x6;
	p0 =	sne.s32 s9, s26  }
.Ltmp1:
0x1b: {  	s12 =	sshrl.u32 s11, $0x3;
	s10 =	sor.u32 $0x1C04, s10;
	(pc) =	sbr.rel @!p0 .LBB2_9-.Ltmp1, $4  }
0x1c: {  	[hbm:s25], [sflag:s10] =	dma.local [spmem:s12], $0x2720  }
0x1d: {  	_ =	swait.ge [sflag:s29], $0x2720  }
0x1e: {  	[sflag:s29] =	ssyncset.done $0x0  }
0x1f: {  	[sflag:s29] =	ssyncadd.s32 $0xFFFFD8E0  }
.LBB2_1:
0x20: {  	s10 =	rddreg [dreg:$0x3];
	s12 =	simm.s32 $0x13900  }
0x21: {  	[tilespmem:s12], [sflag:$0x4] =	stream.linear.gather [hbm4b:s10+s3], $0x2760, $0x38;
	[tilespmem:$0x1F730] =	vst v63  }
0x22: {  	_ =	swait.ge [sflag:s29], $0x2760  }
0x23: {  	[sflag:s29] =	ssyncset.done $0x0  }
0x24: {  	s15 =	simm.s32 $0x16060;
	s14 =	rddreg [dreg:$0x4];
	[sflag:s29] =	ssyncadd.s32 $0xFFFFD8A0  }
0x25: {  	[tilespmem:s15], [sflag:$0x4] =	stream.linear.gather [hbm4b:s14+s3], $0x2760, $0x38;
	[tilespmem:$0x1F730] =	vst v63  }
0x26: {  	_ =	swait.ge [sflag:s29], $0x2760  }
0x27: {  	[sflag:s29] =	ssyncset.done $0x0  }
0x28: {  	s17 =	simm.s32 $0x187C0;
	s16 =	rddreg [dreg:$0x5];
	[sflag:s29] =	ssyncadd.s32 $0xFFFFD8A0  }
0x29: {  	[tilespmem:s17], [sflag:$0x4] =	stream.linear.gather [hbm4b:s16+s3], $0x2760, $0x38;
	[tilespmem:$0x1F730] =	vst v63  }
0x2a: {  	_ =	swait.ge [sflag:s29], $0x2760  }
0x2b: {  	[sflag:s29] =	ssyncset.done $0x0  }
0x2c: {  	s19 =	simm.s32 $0x1AF20;
	s18 =	rddreg [dreg:$0x6];
	[sflag:s29] =	ssyncadd.s32 $0xFFFFD8A0  }
0x2d: {  	[tilespmem:s19], [sflag:$0x4] =	stream.linear.gather [hbm4b:s18+s3], $0x10, $0x38;
	[tilespmem:$0x1F730] =	vst v63  }
0x2e: {  	_ =	swait.ge [sflag:s29], $0x10  }
0x2f: {  	[sflag:s29] =	ssyncset.done $0x0  }
0x30: {  	[sflag:s29] =	ssyncadd.s32 $0xFFFFFFF0  }
0x31: {  	s10 =	simm.s32 $0x0;
	s12 =	simm.s32 $0x200;
	v1 =	vld [tilespmem:$0x1AF20]  }
.LBB2_2:
0x32: {  	p0 =	sne.s32 s12, $0x5E00;
	[tilespmem:s10+$0x1AFA0] =	vst v0  }
0x33: {  	[tilespmem:s10+$0x1AF30] =	vst v0  }
0x34: {  	[tilespmem:s10+$0x1AF40] =	vst v0  }
.Ltmp2:
0x35: {  	[tilespmem:s10+$0x1AF50] =	vst v0;
	(pc) =	sbr.rel @p0 .LBB2_2-.Ltmp2, $4  }
0x36: {  	[tilespmem:s10+$0x1AF60] =	vst v0  }
0x37: {  	[tilespmem:s10+$0x1AF70] =	vst v0  }
0x38: {  	[tilespmem:s10+$0x1AF80] =	vst v0  }
0x39: {  	[tilespmem:s10+$0x1AF90] =	vst v0;
	s10 =	sshra.s32 s12, $0x2;
	s12 =	sadd.s32 $0x200, s12  }
0x3a: {  	v1 =	vxor.u32 $0x80000000, v1  }
0x3b: {  	(xrf0) =	vmax.scan.msk.u32 $0xffff, v1;
	_ =	sdelay $0x5  }
0x3c: {  	v1, _, _ =	vpop (xrf0)  }
0x3d: {  	(v2sf) =	vpush v1, $0xF;
	_ =	sdelay $0x5  }
0x3e: {  	[tilespmem:s10+$0x1AFA0] =	vst v0  }
0x3f: {  	[tilespmem:s10+$0x1AF30] =	vst v0  }
0x40: {  	[tilespmem:s10+$0x1AF40] =	vst v0  }
0x41: {  	[tilespmem:s10+$0x1AF50] =	vst v0  }
0x42: {  	[tilespmem:s10+$0x1AF60] =	vst v0  }
0x43: {  	[tilespmem:s10+$0x1AF70] =	vst v0  }
0x44: {  	[tilespmem:s10+$0x1AF80] =	vst v0  }
0x45: {  	[tilespmem:s10+$0x1AF90] =	vst v0  }
0x46: {  	[spmem:s11] =	stream.linear.scatter [tilespmem:s0], [sflag:$0x4], $0x1800, $0x38;
	[tilespmem:$0x1F730] =	vst v63  }
0x47: {  	s12 =	spop (v2sf)  }
0x48: {  	_ =	swait.ge [sflag:s29], $0x1800  }
0x49: {  	[sflag:s29] =	ssyncset.done $0x0  }
0x4a: {  	s18 =	rddreg [dreg:$0x7];
	[sflag:s29] =	ssyncadd.s32 $0xFFFFE800  }
0x4b: {  	[spmem:s18] =	stream.linear.scatter [tilespmem:s0], [sflag:$0x4], $0x1800, $0x38;
	[tilespmem:$0x1F730] =	vst v63  }
0x4c: {  	_ =	swait.ge [sflag:s29], $0x1800  }
0x4d: {  	[sflag:s29] =	ssyncset.done $0x0  }
0x4e: {  	s19 =	rddreg [dreg:$0x8];
	[sflag:s29] =	ssyncadd.s32 $0xFFFFE800  }
0x4f: {  	[spmem:s19] =	stream.linear.scatter [tilespmem:s0], [sflag:$0x4], $0x1800, $0x38;
	[tilespmem:$0x1F730] =	vst v63  }
0x50: {  	_ =	swait.ge [sflag:s29], $0x1800  }
0x51: {  	[sflag:s29] =	ssyncset.done $0x0  }
0x52: {  	s13 =	rddreg [dreg:$0x9];
	[sflag:s29] =	ssyncadd.s32 $0xFFFFE800  }
0x53: {  	[spmem:s13] =	stream.linear.scatter [tilespmem:s0], [sflag:$0x4], $0x1800, $0x38;
	[tilespmem:$0x1F730] =	vst v63  }
0x54: {  	_ =	swait.ge [sflag:s29], $0x1800  }
0x55: {  	[sflag:s29] =	ssyncset.done $0x0  }
0x56: {  	s14 =	rddreg [dreg:$0xa];
	[sflag:s29] =	ssyncadd.s32 $0xFFFFE800  }
0x57: {  	[spmem:s14] =	stream.linear.scatter [tilespmem:s0], [sflag:$0x4], $0x1800, $0x38;
	[tilespmem:$0x1F730] =	vst v63  }
0x58: {  	_ =	swait.ge [sflag:s29], $0x1800  }
0x59: {  	[sflag:s29] =	ssyncset.done $0x0  }
0x5a: {  	s15 =	rddreg [dreg:$0xb];
	[sflag:s29] =	ssyncadd.s32 $0xFFFFE800  }
0x5b: {  	[spmem:s15] =	stream.linear.scatter [tilespmem:s0], [sflag:$0x4], $0x1800, $0x38;
	[tilespmem:$0x1F730] =	vst v63  }
0x5c: {  	_ =	swait.ge [sflag:s29], $0x1800  }
0x5d: {  	[sflag:s29] =	ssyncset.done $0x0  }
0x5e: {  	s16 =	rddreg [dreg:$0xc];
	[sflag:s29] =	ssyncadd.s32 $0xFFFFE800  }
0x5f: {  	[spmem:s16] =	stream.linear.scatter [tilespmem:s0], [sflag:$0x4], $0x1800, $0x38;
	[tilespmem:$0x1F730] =	vst v63  }
0x60: {  	_ =	swait.ge [sflag:s29], $0x1800  }
0x61: {  	[sflag:s29] =	ssyncset.done $0x0  }
0x62: {  	s17 =	rddreg [dreg:$0xd];
	[sflag:s29] =	ssyncadd.s32 $0xFFFFE800  }
0x63: {  	[spmem:s17] =	stream.linear.scatter [tilespmem:s0], [sflag:$0x4], $0x1800, $0x38;
	[tilespmem:$0x1F730] =	vst v63  }
0x64: {  	_ =	swait.ge [sflag:s29], $0x1800  }
0x65: {  	[sflag:s29] =	ssyncset.done $0x0  }
0x66: {  	s18 =	rddreg [dreg:$0xe];
	[sflag:s29] =	ssyncadd.s32 $0xFFFFE800  }
0x67: {  	[spmem:s18] =	stream.linear.scatter [tilespmem:s0], [sflag:$0x4], $0x1800, $0x38;
	[tilespmem:$0x1F730] =	vst v63  }
0x68: {  	_ =	swait.ge [sflag:s29], $0x1800  }
0x69: {  	s19 =	sadd.s32 $0x8000002F, s12;
	[sflag:s29] =	ssyncset.done $0x0  }
0x6a: {  	s13 =	smulhi.u32 $0x2AAAAAAB, s19;
	s14 =	sshra.s32 s19, $0x1F;
	[sflag:s29] =	ssyncadd.s32 $0xFFFFE800  }
0x6b: {  	[spmem:s20] =	stream.linear.scatter [tilespmem:s0], [sflag:$0x4], $0x1800, $0x38;
	[tilespmem:$0x1F730] =	vst v63  }
0x6c: {  	s14 =	smul.u32 $0x2AAAAAAB, s14;
	_ =	swait.ge [sflag:s29], $0x1800  }
0x6d: {  	[sflag:s29] =	ssyncset.done $0x0  }
0x6e: {  	s13 =	sadd.s32 s14, s13;
	[sflag:s29] =	ssyncadd.s32 $0xFFFFE800  }
0x6f: {  	[spmem:s21] =	stream.linear.scatter [tilespmem:s0], [sflag:$0x4], $0x1800, $0x38;
	[tilespmem:$0x1F730] =	vst v63  }
0x70: {  	s14 =	sshrl.u32 s13, $0x1F;
	s13 =	sshra.s32 s13, $0x3;
	_ =	swait.ge [sflag:s29], $0x1800  }
0x71: {  	s13 =	sadd.s32 s14, s13;
	[sflag:s29] =	ssyncset.done $0x0  }
0x72: {  	s15 =	ssub.s32 $0x7FFFFFD1, s12;
	s14 =	smul.u32 $0xFFFFFFD0, s13;
	[sflag:s29] =	ssyncadd.s32 $0xFFFFE800  }
0x73: {  	[spmem:s22] =	stream.linear.scatter [tilespmem:s0], [sflag:$0x4], $0x1800, $0x38;
	[tilespmem:$0x1F730] =	vst v63  }
0x74: {  	p0 =	slt.s32 s19, $0x1;
	p1 =	sne.s32 s14, s15;
	_ =	swait.ge [sflag:s29], $0x1800  }
0x75: {  	p0 =	por !p0, !p1;
	[sflag:s29] =	ssyncset.done $0x0  }
0x76: {  	s10 =	simm.s32 $0x1;
	p0 =	por !p0, !p0;
	[sflag:s29] =	ssyncadd.s32 $0xFFFFE800  }
0x77: {  	[spmem:s23] =	stream.linear.scatter [tilespmem:s0], [sflag:$0x4], $0x1800, $0x38;
	[tilespmem:$0x1F730] =	vst v63  }
0x78: {  	s10 =	simm.s32 @!p0 $0x0;
	_ =	swait.ge [sflag:s29], $0x1800  }
0x79: {  	s10 =	ssub.s32 s13, s10;
	[sflag:s29] =	ssyncset.done $0x0  }
0x7a: {  	p0 =	slt.s32 s10, $0x1;
	[sflag:s29] =	ssyncadd.s32 $0xFFFFE800  }
0x7b: {  	[spmem:s24] =	stream.linear.scatter [tilespmem:s0], [sflag:$0x4], $0x100, $0x38;
	[tilespmem:$0x1F730] =	vst v63  }
.Ltmp3:
0x7c: {  	_ =	swait.ge [sflag:s29], $0x100;
	(pc) =	sbr.rel @p0 .LBB2_8-.Ltmp3, $3  }
0x7d: {  	[sflag:s29] =	ssyncset.done $0x0  }
0x7e: {  	[sflag:s29] =	ssyncadd.s32 $0xFFFFFF00  }
0x7f: {  	[bflag:$0x0] =	sbarrier.arrive $0xFFFF;
	_ =	sdelay $0x1  }
0x80: {  	s12 =	sxor.u32 $0x80000000, s12;
	s17 =	simm.s32 $0x0;
	s14 =	simm.s32 $0x0  }
.LBB2_5:
0x81: {  	s13 =	smul.u32 $0x30, s14;
	_ =	sdelay $0x1  }
0x82: {  	s15 =	sadd.s32 $0x13900, s13  }
0x83: {  	[tilespmem:s0], [sflag:$0x1] =	stream.indirect.gather [hbm4b:s4+s30], $0x80, s15, s30, $0xb8;
	[tilespmem:$0x1F730] =	vst v63  }
0x84: {  	s15 =	sadd.s32 $0x16060, s13  }
0x85: {  	[tilespmem:s31], [sflag:$0x2] =	stream.indirect.gather [hbm4b:s5+s30], $0x80, s15, s30, $0xb8;
	[tilespmem:$0x1F730] =	vst v63  }
0x86: {  	s13 =	sadd.s32 $0x187C0, s13  }
0x87: {  	[tilespmem:s1], [sflag:$0x3] =	stream.indirect.gather [hbm4b:s6+s30], $0x80, s13, s30, $0xb8;
	[tilespmem:$0x1F730] =	vst v63  }
0x88: {  	_ =	swait.ge [sflag:s28], $0x1800  }
0x89: {  	[sflag:s28] =	ssyncset.done $0x0  }
0x8a: {  	[sflag:s28] =	ssyncadd.s32 $0xFFFFE800  }
0x8b: {  	_ =	swait.ge [sflag:s7], $0x1800  }
0x8c: {  	[sflag:s7] =	ssyncset.done $0x0  }
0x8d: {  	[sflag:s7] =	ssyncadd.s32 $0xFFFFE800  }
0x8e: {  	_ =	swait.ge [sflag:s8], $0x1800  }
0x8f: {  	[sflag:s8] =	ssyncset.done $0x0  }
0x90: {  	s16 =	simm.s32 $0x0;
	[sflag:s8] =	ssyncadd.s32 $0xFFFFE800  }
0x91: {  	v10 =	vld [tilespmem:s16+$0x1DF30]  }
0x92: {  	v14 =	vld [tilespmem:s16+$0x1DF40]  }
0x93: {  	v4 =	vld [tilespmem:s16+$0x1DF50]  }
0x94: {  	v3 =	vld [tilespmem:s16+$0x1DF60]  }
0x95: {  	v2 =	vld [tilespmem:s16+$0x1DF70]  }
0x96: {  	v1 =	vld [tilespmem:s16+$0x1DF80]  }
0x97: {  	v5 =	vld [tilespmem:s16+$0x1C730]  }
0x98: {  	v11 =	vld [tilespmem:s16+$0x1C740]  }
0x99: {  	v16 =	vld [tilespmem:s16+$0x1C750]  }
0x9a: {  	v8 =	vld [tilespmem:s16+$0x1C760]  }
0x9b: {  	v12 =	vld [tilespmem:s16+$0x1AF30]  }
0x9c: {  	v9 =	vld [tilespmem:s16+$0x1C770]  }
0x9d: {  	v17 =	vld [tilespmem:s16+$0x1AF40]  }
0x9e: {  	v7 =	vld [tilespmem:s16+$0x1C780]  }
0x9f: {  	v18 =	vld [tilespmem:s16+$0x1AF50]  }
0xa0: {  	v6 =	vld [tilespmem:s16+$0x1C790];
	v12 =	vadd.f32 v5, v12  }
0xa1: {  	v13 =	vld [tilespmem:s16+$0x1AF60]  }
0xa2: {  	v5 =	vld [tilespmem:s16+$0x1C7A0];
	v15 =	vadd.f32 v10, v12;
	v10 =	vadd.f32 v11, v17  }
0xa3: {  	v12 =	vld [tilespmem:s16+$0x1AF70]  }
0xa4: {  	v16 =	vadd.f32 v16, v18;
	v11 =	vld [tilespmem:s16+$0x1AF80];
	v14 =	vadd.f32 v14, v10;
	v17 =	vmul.f32 $9.999999770e-03, v15  }
0xa5: {  	s18 =	simm.s32 $0x200;
	s13 =	smov.u32 s17;
	v10 =	vld [tilespmem:s16+$0x1AF90]  }
.LBB2_6:
0xa6: {  	p0 =	sne.s32 s18, $0x5E00;
	p1 =	slt.s32 s13, s12;
	v15 =	vmax.f32 v15, v17;
	v17 =	vmul.f32 $9.999999770e-03, v14;
	v4 =	vadd.f32 v4, v16;
	v16 =	vld [tilespmem:s16+$0x1AFA0]  }
0xa7: {  	v15 =	vpsel !p1, $0x0, v15;
	v8 =	vadd.f32 v8, v13;
	v13 =	vld [tilespmem:s16+$0x1DF90]  }
0xa8: {  	s19 =	sshra.s32 s18, $0x2;
	v14 =	vmax.f32 v14, v17;
	v17 =	vmul.f32 $9.999999770e-03, v4;
	v9 =	vadd.f32 v9, v12;
	v12 =	vld [tilespmem:s16+$0x1DFA0]  }
0xa9: {  	v18 =	vld [tilespmem:s19+$0x1DF30];
	v14 =	vpsel !p1, $0x0, v14;
	v8 =	vadd.f32 v3, v8;
	v3 =	vadd.f32 v7, v11  }
0xaa: {  	v11 =	vld [tilespmem:s19+$0x1DF40];
	v7 =	vmax.f32 v4, v17;
	v9 =	vadd.f32 v2, v9;
	v2 =	vadd.f32 v6, v10  }
0xab: {  	v4 =	vld [tilespmem:s19+$0x1DF50];
	v6 =	vmul.f32 $9.999999770e-03, v8;
	v10 =	vadd.f32 v1, v3;
	v1 =	vadd.f32 v5, v16  }
0xac: {  	v5 =	vpsel !p1, $0x0, v7;
	v3 =	vld [tilespmem:s19+$0x1DF60];
	[tilespmem:s16+$0x1AF30] =	vst v15;
	v7 =	vmul.f32 $9.999999770e-03, v9;
	v13 =	vadd.f32 v13, v2  }
0xad: {  	v2 =	vld [tilespmem:s19+$0x1DF70];
	[tilespmem:s16+$0x1AF40] =	vst v14;
	v6 =	vmax.f32 v8, v6;
	v8 =	vmul.f32 $9.999999770e-03, v10;
	v12 =	vadd.f32 v12, v1  }
0xae: {  	v1 =	vld [tilespmem:s19+$0x1DF80];
	[tilespmem:s16+$0x1AF50] =	vst v5;
	v5 =	vpsel !p1, $0x0, v6;
	v6 =	vmax.f32 v9, v7;
	v7 =	vmul.f32 $9.999999770e-03, v13  }
0xaf: {  	v14 =	vld [tilespmem:s19+$0x1C730];
	[tilespmem:s16+$0x1AF60] =	vst v5;
	v5 =	vpsel !p1, $0x0, v6;
	v6 =	vmax.f32 v10, v8;
	v8 =	vmul.f32 $9.999999770e-03, v12  }
0xb0: {  	v10 =	vld [tilespmem:s19+$0x1C740];
	[tilespmem:s16+$0x1AF70] =	vst v5;
	v5 =	vpsel !p1, $0x0, v6;
	v6 =	vmax.f32 v13, v7  }
0xb1: {  	v16 =	vld [tilespmem:s19+$0x1C750];
	[tilespmem:s16+$0x1AF80] =	vst v5;
	v5 =	vpsel !p1, $0x0, v6;
	v6 =	vmax.f32 v12, v8  }
0xb2: {  	v8 =	vld [tilespmem:s19+$0x1C760];
	[tilespmem:s16+$0x1AF90] =	vst v5;
	v5 =	vpsel !p1, $0x0, v6  }
0xb3: {  	v6 =	vld [tilespmem:s19+$0x1AF30];
	[tilespmem:s16+$0x1AFA0] =	vst v5;
	s16 =	smov.u32 s19  }
0xb4: {  	v9 =	vld [tilespmem:s16+$0x1C770]  }
0xb5: {  	v12 =	vld [tilespmem:s16+$0x1AF40]  }
0xb6: {  	v7 =	vld [tilespmem:s16+$0x1C780]  }
0xb7: {  	v19 =	vld [tilespmem:s16+$0x1AF50]  }
0xb8: {  	v13 =	vadd.f32 v14, v6;
	v6 =	vld [tilespmem:s16+$0x1C790]  }
.Ltmp4:
0xb9: {  	v5 =	vld [tilespmem:s16+$0x1C7A0];
	(pc) =	sbr.rel @p0 .LBB2_6-.Ltmp4, $4  }
0xba: {  	v15 =	vadd.f32 v18, v13;
	v10 =	vadd.f32 v10, v12;
	v13 =	vld [tilespmem:s16+$0x1AF60]  }
0xbb: {  	v12 =	vld [tilespmem:s16+$0x1AF70]  }
0xbc: {  	v17 =	vmul.f32 $9.999999770e-03, v15;
	v14 =	vadd.f32 v11, v10;
	v16 =	vadd.f32 v16, v19;
	v11 =	vld [tilespmem:s16+$0x1AF80]  }
0xbd: {  	s18 =	sadd.s32 $0x200, s18;
	s13 =	sadd.s32 $0x1, s13;
	v10 =	vld [tilespmem:s16+$0x1AF90]  }
0xbe: {  	p0 =	slt.s32 s13, s12;
	v15 =	vmax.f32 v15, v17;
	v56 =	vmul.f32 $9.999999770e-03, v14;
	v4 =	vadd.f32 v4, v16;
	v57 =	vld [tilespmem:s16+$0x1AFA0]  }
0xbf: {  	v58 =	vld [tilespmem:s16+$0x1DF90];
	v15 =	vpsel !p0, $0x0, v15;
	v8 =	vadd.f32 v8, v13  }
0xc0: {  	v60 =	vld [tilespmem:s16+$0x1DFA0];
	v14 =	vmax.f32 v14, v56;
	v59 =	vmul.f32 $9.999999770e-03, v4;
	v9 =	vadd.f32 v9, v12  }
0xc1: {  	v14 =	vpsel !p0, $0x0, v14;
	v3 =	vadd.f32 v3, v8;
	v7 =	vadd.f32 v7, v11  }
0xc2: {  	v4 =	vmax.f32 v4, v59;
	v2 =	vadd.f32 v2, v9;
	v6 =	vadd.f32 v6, v10  }
0xc3: {  	v8 =	vmul.f32 $9.999999770e-03, v3;
	v1 =	vadd.f32 v1, v7;
	v5 =	vadd.f32 v5, v57  }
0xc4: {  	[tilespmem:s16+$0x1AF30] =	vst v15;
	v4 =	vpsel !p0, $0x0, v4;
	v61 =	vmul.f32 $9.999999770e-03, v2;
	v6 =	vadd.f32 v58, v6  }
0xc5: {  	[tilespmem:s16+$0x1AF40] =	vst v14;
	v3 =	vmax.f32 v3, v8;
	v62 =	vmul.f32 $9.999999770e-03, v1;
	v5 =	vadd.f32 v60, v5  }
0xc6: {  	[tilespmem:s16+$0x1AF50] =	vst v4;
	v3 =	vpsel !p0, $0x0, v3;
	v2 =	vmax.f32 v2, v61;
	v63 =	vmul.f32 $9.999999770e-03, v6  }
0xc7: {  	[tilespmem:s16+$0x1AF60] =	vst v3;
	v2 =	vpsel !p0, $0x0, v2;
	v1 =	vmax.f32 v1, v62;
	v3 =	vmul.f32 $9.999999770e-03, v5  }
0xc8: {  	[tilespmem:s16+$0x1AF70] =	vst v2;
	v1 =	vpsel !p0, $0x0, v1;
	v2 =	vmax.f32 v6, v63  }
0xc9: {  	[tilespmem:s16+$0x1AF80] =	vst v1;
	v1 =	vpsel !p0, $0x0, v2;
	v2 =	vmax.f32 v5, v3  }
0xca: {  	s14 =	sadd.s32 $0x1, s14;
	[tilespmem:s16+$0x1AF90] =	vst v1;
	v1 =	vpsel !p0, $0x0, v2  }
0xcb: {  	p0 =	sne.s32 s14, s10;
	[tilespmem:s16+$0x1AFA0] =	vst v1  }
0xcc: {  	[spmem:s2] =	stream.indirect.scatter.add.f32 [tilespmem:s0], [sflag:$0x4], $0x80, s15, s30, $0xb8;
	[tilespmem:$0x1F730] =	vst v63  }
.Ltmp5:
0xcd: {  	_ = 	snop;
	(pc) =	sbr.rel @p0 .LBB2_5-.Ltmp5, $4  }
.Ltmp6:
0xce: {  	_ = 	snop;
	(pc) =	sbr.rel @!p0 .LBB2_8-.Ltmp6, $4  }
0xcf: {  	_ =	swait.ge [sflag:s29], $0x1800  }
0xd0: {  	[sflag:s29] =	ssyncset.done $0x0  }
0xd1: {  	s17 =	sadd.s32 $0x30, s17;
	[sflag:s29] =	ssyncadd.s32 $0xFFFFE800  }
0xd2: {  	_ = 	snop  }
.LBB2_9:
0xd3: {  	_ =	sfence.sel $0x180000  }
0xd4: {  	[bflag:$0x0] =	sbarrier.arrive $0xFFFF  }
0xd5: {  	_ =	strace $0x9000004D  }
0xd6: {  	s0 =	stileid.u32;
	[bflag:$0x2] =	sbarrier.arrive $0xFFFF  }
0xd7: {  	p0 =	sne.s32 s0, $0x0;
	s0 =	rddreg [dreg:$0x2]  }
0xd8: {  	s0 =	sadd.s32 @!p0 $0x100000, s0  }
0xd9: {  	[sflag:s0] =	ssyncadd.tile.s32 @!p0 $0x1;
	_ =	shalt  }
.Lfunc_end2:
_tile_overlayer_lowered:
.L_overlay_start_2:
0xda: {  	(tag) =	ssettag $0x2  }
0xdb: {  	s0 =	rddreg [dreg:$0x0];
	s2 =	stileid.u32  }
0xdc: {  	s1 =	rddreg [dreg:$0x1];
	p0 =	sne.s32 s2, $0x0  }
0xdd: {  	s3 =	rddreg [dreg:$0x2];
	[bflag:$0x3] =	sbarrier.arrive $0xFFFF;
	s2 =	simm.s32 @!p0 $0x1C04  }
0xde: {  	[timem:s3], [sflag:s2] =	dma.local @!p0 [hbm:s0], s1  }
0xdf: {  	s0 =	simm.s32 @!p0 $0x4  }
0xe0: {  	_ =	swait.ge @!p0 [sflag:s0], s1  }
0xe1: {  	s1 =	ssub.s32 @!p0 $0x0, s1;
	[sflag:s0] =	ssyncset.done @!p0 $0x0  }
0xe2: {  	[sflag:s0] =	ssyncadd.s32 @!p0 s1  }
0xe3: {  	[bflag:$0x3] =	sbarrier.arrive $0xFFFF  }
0xe4: {  	_ =	shalt  }

// kernel: kernel.9.cloned.1.call-start
scs
__scs_entry_jumppad:
0x0: {  	(pc) =	sbr.rel $0x88, $3  }
0x1: {  	(tag) =	ssettag $0x0;
	lr =	simm.s32 $0x1  }
0x2: {  	[smem:$0x3F99] =	sst lr;
	_ =	strace $0xD0000000  }
0x3: {  	_ = 	snop  }
0x4: {  	_ = 	snop  }
0x5: {  	_ = 	snop  }
0x6: {  	_ = 	snop  }
0x7: {  	_ = 	snop  }
__scs_overlays_trampoline_lowered:
0x8: {  	[smem:$0x3FA8] =	sst s0  }
0x9: {  	[smem:$0x3FA9] =	sst s1  }
0xa: {  	[smem:$0x3FAA] =	sst s2  }
0xb: {  	[smem:$0x3FAB] =	sst s3  }
0xc: {  	[smem:$0x3FAC] =	sst s4  }
0xd: {  	[smem:$0x3FAD] =	sst s5  }
0xe: {  	[smem:$0x3FAE] =	sst s6  }
0xf: {  	[smem:$0x3FAF] =	sst s7  }
0x10: {  	[smem:$0x3FB0] =	sst s8  }
0x11: {  	[smem:$0x3FB1] =	sst s9;
	s0 =	simm.s32 @!p0 $0x0  }
0x12: {  	s1 =	sld [smem:$0x3F97];
	s0 =	simm.s32 @p0 $0x1  }
0x13: {  	[smem:$0x3FB2] =	sst s0;
	s0 =	simm.s32 @!p1 $0x0  }
0x14: {  	s2 =	sld [smem:$0x3F96];
	s0 =	simm.s32 @p1 $0x1  }
0x15: {  	[smem:$0x3FB3] =	sst s0;
	s0 =	simm.s32 @!p2 $0x0  }
0x16: {  	s3 =	sld [smem:$0x3FDB];
	s0 =	simm.s32 @p2 $0x1  }
0x17: {  	s4 =	simm.s32 $0x1BF5;
	[smem:$0x3FB5] =	sst s0  }
0x18: {  	s0 =	sld [smem:$0x3F98];
	_ =	swait.ge [sflag:s4], $0x0  }
0x19: {  	s7 =	sld [smem:$0x3F99]  }
0x1a: {  	s8 =	sadd.s32 $0xFFFFE003, lr  }
0x1b: {  	s9 =	sadd.s32 $0xFFFFFEF7, lr;
	s5 =	simm.s32 $0xFFFFFFFF;
	p2 =	slt.u32 s8, $0xFFFFF086  }
0x1c: {  	p1 =	slt.u32 s9, $0xF7A;
	s5 =	simm.s32 @!p2 $0x0  }
0x1d: {  	s5 =	simm.s32 @p1 $0x1;
	p0 =	seq.s32 s7, s2  }
0x1e: {  	s7 =	smul.u32 @!p0 $0xF7A, s2;
	p2 =	seq.s32 @!p0 s5, $0x0  }
0x1f: {  	s9 =	smul.u32 $0xF7A, s1;
	s8 =	simm.s32 @!p0 $0x1BF5;
	p2 =	por !p2, p0  }
0x20: {  	[sflag:s8] =	ssyncset.s32 @!p0 $0xFFFFF086;
	s6 =	sadd.s32 @!p0 s3, s7;
	s7 =	simm.s32 @!p0 $0x108  }
0x21: {  	s3 =	sadd.s32 s3, s9;
	s6 =	sadd.s32 @!p0 $0x88, s6;
	s7 =	simm.s32 @p2 $0x1082  }
0x22: {  	[simem:s7], [sflag:s8] =	dma.local @!p0 [hbm:s6], $0xF7A  }
0x23: {  	s9 =	sor.u32 $0xD0000000, s2;
	s6 =	simm.s32 $0x108;
	_ =	swait.ge @!p0 [sflag:s8], $0x0  }
0x24: {  	s3 =	sadd.s32 $0x88, s3;
	s6 =	simm.s32 @!p1 $0x1082;
	[sflag:s4] =	ssyncset.s32 $0xFFFFF086  }
0x25: {  	[simem:s6], [sflag:s4] =	dma.local [hbm:s3], $0xF7A  }
0x26: {  	[smem:$0x3F99] =	sst s1;
	(tag) =	ssettag s2;
	_ =	strace s9  }
0x27: {  	s1 =	sld [smem:$0x3FA9]  }
0x28: {  	s2 =	sld [smem:$0x3FAA]  }
0x29: {  	s4 =	sld [smem:$0x3FAC]  }
0x2a: {  	p0 =	seq.s32 s5, $0x0;
	s5 =	sld [smem:$0x3FAD]  }
0x2b: {  	s6 =	sld [smem:$0x3FAE]  }
0x2c: {  	s7 =	sld [smem:$0x3FAF]  }
0x2d: {  	s3 =	simm.s32 $0x108;
	s8 =	sld [smem:$0x3FB0]  }
0x2e: {  	s3 =	simm.s32 @!p0 $0x1082;
	s9 =	sld [smem:$0x3FB1]  }
0x2f: {  	lr =	sadd.s32 s0, s3;
	s0 =	sld [smem:$0x3FA8]  }
0x30: {  	s3 =	sld [smem:$0x3FAB]  }
0x31: {  	[smem:$0x3FB4] =	sst s10  }
0x32: {  	s10 =	sld [smem:$0x3FB2];
	_ =	sdelay $0x3  }
0x33: {  	p0 =	seq.s32 s10, $0x1;
	s10 =	sld [smem:$0x3FB4];
	_ =	sdelay $0x3  }
0x34: {  	[smem:$0x3FB4] =	sst s10  }
0x35: {  	s10 =	sld [smem:$0x3FB3];
	_ =	sdelay $0x3  }
0x36: {  	p1 =	seq.s32 s10, $0x1;
	s10 =	sld [smem:$0x3FB4];
	_ =	sdelay $0x3  }
0x37: {  	[smem:$0x3FB4] =	sst s10  }
0x38: {  	s10 =	sld [smem:$0x3FB5]  }
0x39: {  	_ = 	snop;
	(pc) =	sbr.ind lr, $3  }
0x3a: {  	_ = 	snop  }
0x3b: {  	_ = 	snop  }
0x3c: {  	p2 =	seq.s32 s10, $0x1;
	s10 =	sld [smem:$0x3FB4]  }
0x3d: {  	_ =	shalt  }
0x3e: {  	_ =	shalt  }
0x3f: {  	_ =	shalt  }
0x40: {  	_ =	shalt  }
0x41: {  	_ =	shalt  }
0x42: {  	_ =	shalt  }
0x43: {  	_ =	shalt  }
0x44: {  	_ =	shalt  }
0x45: {  	_ =	shalt  }
0x46: {  	_ =	shalt  }
0x47: {  	_ =	shalt  }
0x48: {  	_ =	shalt  }
0x49: {  	_ =	shalt  }
0x4a: {  	_ =	shalt  }
0x4b: {  	_ =	shalt  }
0x4c: {  	_ =	shalt  }
0x4d: {  	_ =	shalt  }
0x4e: {  	_ =	shalt  }
0x4f: {  	_ =	shalt  }
0x50: {  	_ =	shalt  }
0x51: {  	_ =	shalt  }
0x52: {  	_ =	shalt  }
0x53: {  	_ =	shalt  }
0x54: {  	_ =	shalt  }
0x55: {  	_ =	shalt  }
0x56: {  	_ =	shalt  }
0x57: {  	_ =	shalt  }
0x58: {  	_ =	shalt  }
0x59: {  	_ =	shalt  }
0x5a: {  	_ =	shalt  }
0x5b: {  	_ =	shalt  }
0x5c: {  	_ =	shalt  }
0x5d: {  	_ =	shalt  }
0x5e: {  	_ =	shalt  }
0x5f: {  	_ =	shalt  }
0x60: {  	_ =	shalt  }
0x61: {  	_ =	shalt  }
0x62: {  	_ =	shalt  }
0x63: {  	_ =	shalt  }
0x64: {  	_ =	shalt  }
0x65: {  	_ =	shalt  }
0x66: {  	_ =	shalt  }
0x67: {  	_ =	shalt  }
0x68: {  	_ =	shalt  }
0x69: {  	_ =	shalt  }
0x6a: {  	_ =	shalt  }
0x6b: {  	_ =	shalt  }
0x6c: {  	_ =	shalt  }
0x6d: {  	_ =	shalt  }
0x6e: {  	_ =	shalt  }
0x6f: {  	_ =	shalt  }
0x70: {  	_ =	shalt  }
0x71: {  	_ =	shalt  }
0x72: {  	_ =	shalt  }
0x73: {  	_ =	shalt  }
0x74: {  	_ =	shalt  }
0x75: {  	_ =	shalt  }
0x76: {  	_ =	shalt  }
0x77: {  	_ =	shalt  }
0x78: {  	_ =	shalt  }
0x79: {  	_ =	shalt  }
0x7a: {  	_ =	shalt  }
0x7b: {  	_ =	shalt  }
0x7c: {  	_ =	shalt  }
0x7d: {  	_ =	shalt  }
0x7e: {  	_ =	shalt  }
0x7f: {  	_ =	shalt  }
0x80: {  	_ =	shalt  }
0x81: {  	_ =	shalt  }
0x82: {  	_ =	shalt  }
0x83: {  	_ =	shalt  }
0x84: {  	_ =	shalt  }
0x85: {  	_ =	shalt  }
0x86: {  	_ =	shalt  }
0x87: {  	_ =	shalt  }
.Lfunc_end0:
.L_simem_size_0:
called_computation_lowered:
.L_overlay_start_0:
0x88: {  	s2 =	sld [smem:$0x3FD9]  }
0x89: {  	s3 =	sld [smem:$0x3FFE];
	_ =	sdelay $0x1  }
0x8a: {  	s1 =	srdreg.scid  }
0x8b: {  	s0 =	sand.u32 $0x1, s1  }
0x8c: {  	s17 =	sshll.u32 s0, $0xA;
	s2 =	sadd.s32 s3, s2  }
0x8d: {  	s2 =	sadd.s32 s2, s17  }
0x8e: {  	[smem:$0x3FC0] =	sst s2  }
0x8f: {  	_ = 	snop  }
0x90: {  	s2 =	sld [smem:$0x3FC6];
	(tm) =	ssettm $0x1  }
0x91: {  	s18 =	sld [smem:$0x3FFB];
	_ =	sdelay $0x3  }
0x92: {  	_ =	strace s18  }
0x93: {  	s3 =	sld [smem:$0x3FFC];
	_ =	sdelay $0x3  }
0x94: {  	_ =	strace s3  }
0x95: {  	s3 =	sld [smem:$0x3FFD];
	_ =	sdelay $0x3  }
0x96: {  	_ =	strace s3  }
0x97: {  	_ =	strace $0x8FFFFFFF  }
0x98: {  	s19 =	sld [smem:$0x3FDB];
	_ =	sdelay $0x1  }
0x99: {  	s4 =	simm.s32 $_scs_section_size  }
0x9a: {  	s5 =	simm.s32 $_size__tile_overlayer_lowered;
	s6 =	simm.s32 $_tile_overlayer_lowered  }
0x9b: {  	s22 =	simm.s32 $0x1BFF;
	s21 =	sshll.u32 s6, $0x1;
	s3 =	sadd.s32 s4, s19  }
0x9c: {  	s7 =	simm.s32 $0x0;
	s20 =	sshll.u32 s5, $0x1;
	s5 =	sadd.s32 s21, s3  }
0x9d: {  	[timem:s7], [sflag:s22] =	dma.local [hbm:s5], s20  }
0x9e: {  	_ =	swait.ge [sflag:s22], s20  }
0x9f: {  	s4 =	ssub.s32 $0x0, s20;
	[sflag:s22] =	ssyncset.done $0x0  }
0xa0: {  	[sflag:s22] =	ssyncadd.s32 s4;
	_ =	sdelay $0x1  }
0xa1: {  	s23 =	simm.s32 $0x1B8B  }
0xa2: {  	_ =	swait.ge [sflag:s23], $0x1  }
0xa3: {  	[sflag:s23] =	ssyncset.done $0x0  }
0xa4: {  	s25 =	simm.s32 $0x1B8E;
	s24 =	sld [smem:$0x3FFE];
	[sflag:s23] =	ssyncadd.s32 $0xFFFFFFFF  }
0xa5: {  	s26 =	simm.s32 $execute0_lowered;
	[smem:$0x3FD2] =	sst s25  }
0xa6: {  	s5 =	sshll.u32 s26, $0x1;
	_ =	strace $0x80000046;
	[dreg:$0x1] =	wrdreg $0xFFFFFFFF  }
0xa7: {  	s28 =	simm.s32 $_size_execute0_lowered;
	s3 =	sadd.s32 s3, s5;
	[dreg:$0x0] =	wrdreg $0x0  }
0xa8: {  	s5 =	sshll.u32 s28, $0x1;
	[dreg:$0x2] =	wrdreg s3  }
0xa9: {  	[dreg:$0x3] =	wrdreg s5  }
0xaa: {  	[dreg:$0x4] =	wrdreg $0xC0  }
0xab: {  	_ =	task [dreg:s7], $0x5FFFF  }
0xac: {  	[dreg:$0x1] =	wrdreg $0xFFFFFFFF  }
0xad: {  	[dreg:$0x0] =	wrdreg $0x60  }
0xae: {  	[dreg:$0x2] =	wrdreg s24  }
0xaf: {  	[dreg:$0x3] =	wrdreg s2  }
0xb0: {  	[dreg:$0x4] =	wrdreg $0x0  }
0xb1: {  	[dreg:$0x5] =	wrdreg $0x9  }
0xb2: {  	_ =	task.clear_ibuf [dreg:s7], $0x6FFFF;
	_ =	strace $0x90000046  }
0xb3: {  	s29 =	simm.s32 $0x9;
	_ =	strace $0x80000048  }
0xb4: {  	_ =	swait.ge [sflag:s29], $0x1  }
0xb5: {  	[sflag:s29] =	ssyncadd.s32 $0xFFFFFFFF  }
0xb6: {  	_ =	strace $0x90000048  }
0xb7: {  	_ =	sfence  }
0xb8: {  	s30 =	sld [smem:$0x0];
	_ =	sdelay $0x2  }
0xb9: {  	s31 =	sshll.u32 s1, $0xD;
	s1 =	sshrl.u32 s1, $0x2  }
0xba: {  	s3 =	sand.u32 $0x4000, s31;
	s1 =	sadd.s32 s1, s30  }
0xbb: {  	s0 =	sor.u32 s3, s0;
	s1 =	sshll.u32 s1, $0x11  }
0xbc: {  	s0 =	sor.u32 s1, s0  }
0xbd: {  	s0 =	sadd.s32 $0x8F2B, s0  }
0xbe: {  	[sflag:s0] =	ssyncadd.remote.s32 $0x1  }
0xbf: {  	_ =	sfence.sel $0xFFFF  }
0xc0: {  	[dreg:$0x0] =	wrdreg $0xFFFFFFFF;
	(pc) =	sbr.abs _section_cstart, $3  }
0xc1: {  	[dreg:$0x1] =	wrdreg $0xFFFFFFFF  }
0xc2: {  	_ =	task.clear_ibuf [dreg:s7], $0x2FFFF;
	_ =	strace $0x9FFFFFFF  }
0xc3: {  	(tm) =	ssettm $0x7FFFFFFF  }
tec
execute0_lowered:
.L_overlay_start_1:
0x0: {  	(tag) =	ssettag $0x1  }
0x1: {  	s0 =	rddreg [dreg:$0x0]  }
0x2: {  	s1 =	srdreg.scid;
	s13 =	stileid.u32  }
0x3: {  	s3 =	rddreg [dreg:$0x2];
	s4 =	simm.s32 $0x0;
	s5 =	smul.u32 $0x2720, s13  }
0x4: {  	s1 =	sand.u32 $0x1, s1;
	[smem:$0x7FF] =	sst s4;
	s11 =	smul.u32 $0x9C80, s13  }
0x5: {  	s6 =	sadd.s32 $0xDC00, s0;
	s9 =	sadd.s32 $0x3E00, s0;
	s18 =	smul.u32 $0x2710, s13  }
0x6: {  	s2 =	sshll.u32 s1, $0x4;
	_ =	strace $0x80000047;
	s8 =	smul.u32 $0x27200, s1  }
0x7: {  	s10 =	ssub.s32 $0x2, s1;
	s1 =	smul.u32 $0x27100, s1;
	s2 =	sor.u32 s13, s2  }
0x8: {  	s12 =	sshrl.u32 s10, $0x1;
	s21 =	sshrl.u32 s11, $0x2;
	s13 =	simm.s32 $0xFB50  }
0x9: {  	s20 =	smul.u32 $0x4EC, s2;
	s7 =	sshll.u32 s2, $0x1;
	s8 =	sadd.s32 s5, s8  }
0xa: {  	s2 =	smul.u32 $0x2710, s2;
	s7 =	sadd.s32 s7, s0;
	s8 =	sshrl.u32 s8, $0x3  }
0xb: {  	s4 =	sadd.s32 s20, s0;
	s8 =	sadd.s32 s8, s0;
	s0 =	sadd.s32 s21, s3  }
0xc: {  	s10 =	ssub.s32 s10, s12;
	s5 =	sadd.s32 s5, s3;
	s22 =	sadd.s32 $0x300, s0  }
0xd: {  	s2 =	sshrl.u32 s2, $0x3;
	s23 =	sadd.s32 $0x600, s0;
	[dreg:$0x4] =	wrdreg s22  }
0xe: {  	s12 =	simm.s32 $0x1;
	s24 =	sadd.s32 s6, s2;
	[dreg:$0x5] =	wrdreg s23  }
0xf: {  	s31 =	sadd.s32 $0x3F200, s7;
	s25 =	sadd.s32 s9, s2;
	[dreg:$0x6] =	wrdreg s24  }
0x10: {  	s26 =	sadd.s32 $0xFA, s2;
	s19 =	sadd.s32 $0x900, s0;
	[dreg:$0x7] =	wrdreg s25  }
0x11: {  	s28 =	sadd.s32 $0x1F4, s2;
	s20 =	sadd.s32 $0xC00, s0;
	[dreg:$0x10] =	wrdreg s19  }
0x12: {  	s16 =	sadd.s32 $0x2EE, s2;
	s21 =	sadd.s32 $0xF00, s0;
	[dreg:$0x11] =	wrdreg s20  }
0x13: {  	s2 =	sadd.s32 $0x3E8, s2;
	s14 =	sadd.s32 s6, s26;
	[dreg:$0x12] =	wrdreg s21  }
0x14: {  	s29 =	sadd.s32 $0x2400, s0;
	s11 =	sadd.s32 s9, s26;
	[dreg:$0x8] =	wrdreg s14  }
0x15: {  	s30 =	sadd.s32 $0x2700, s0;
	s15 =	sadd.s32 s9, s28;
	[dreg:$0x9] =	wrdreg s11  }
0x16: {  	s17 =	sadd.s32 s6, s16;
	s19 =	sadd.s32 s18, s1;
	[dreg:$0xb] =	wrdreg s15  }
0x17: {  	s22 =	sadd.s32 $0x1200, s0;
	s23 =	sadd.s32 $0x1500, s0;
	[dreg:$0xc] =	wrdreg s17  }
0x18: {  	s24 =	sadd.s32 $0x1800, s0;
	s25 =	sadd.s32 $0x1B00, s0;
	[dreg:$0x13] =	wrdreg s22  }
0x19: {  	s26 =	sadd.s32 $0x1E00, s0;
	s1 =	sadd.s32 $0x17A00, s8;
	[dreg:$0x14] =	wrdreg s23  }
0x1a: {  	s14 =	sadd.s32 s6, s28;
	s11 =	sadd.s32 s9, s16;
	[dreg:$0x15] =	wrdreg s24  }
0x1b: {  	s6 =	sadd.s32 s6, s2;
	s2 =	sadd.s32 s9, s2;
	[dreg:$0x16] =	wrdreg s25  }
0x1c: {  	[dreg:$0x17] =	wrdreg s26;
	s28 =	sadd.s32 $0x2100, s0;
	s0 =	sadd.s32 $0x21800, s4  }
0x1d: {  	s7 =	sadd.s32 $0x7D0, s19;
	s8 =	sadd.s32 $0xFA0, s19;
	[dreg:$0xa] =	wrdreg s14  }
.Ltmp0:
0x1e: {  	s9 =	sadd.s32 $0x1770, s19;
	[dreg:$0xd] =	wrdreg s11;
	(pc) =	sbr.rel .LBB2_1-.Ltmp0, $4  }
0x1f: {  	s21 =	sadd.s32 $0x1F40, s19;
	s15 =	simm.s32 $0x5600;
	[dreg:$0xe] =	wrdreg s6  }
0x20: {  	s16 =	simm.s32 $0x30;
	s17 =	simm.s32 $0x0;
	[dreg:$0xf] =	wrdreg s2  }
0x21: {  	v0 =	vimm.s32 $0x0;
	[dreg:$0x18] =	wrdreg s28;
	s2 =	sadd.s32 $0x2B600, s4;
	s4 =	sadd.s32 $0x35400, s4  }
0x22: {  	v1 =	vimm.f32 $0.0e+00;
	v2 =	vlaneseq.u32;
	v3 =	vimm.f32 $1.000000000e+00;
	s6 =	smax.u32 s10, $0x1;
	s11 =	simm.s32 $0x2720;
	s14 =	simm.s32 $0x4E30  }
.LBB2_19:
0x23: {  	s10 =	stileid.u32;
	s17 =	sadd.s32 $0x1, s17  }
0x24: {  	[bflag:$0x0] =	sbarrier.arrive $0xFFFF;
	s10 =	sshll.u32 s10, $0x6;
	p0 =	sne.s32 s17, s6  }
.Ltmp1:
0x25: {  	s18 =	sshrl.u32 s5, $0x3;
	s10 =	sor.u32 $0x1C01, s10;
	(pc) =	sbr.rel @!p0 .LBB2_20-.Ltmp1, $4  }
0x26: {  	[hbm:s1], [sflag:s10] =	dma.local [spmem:s18], $0x4E4  }
0x27: {  	_ =	swait.ge [sflag:s12], $0x4E4  }
0x28: {  	[sflag:s12] =	ssyncset.done $0x0  }
0x29: {  	[sflag:s12] =	ssyncadd.s32 $0xFFFFFB1C  }
.LBB2_1:
0x2a: {  	s10 =	rddreg [dreg:$0x1];
	s18 =	simm.s32 $0x0  }
0x2b: {  	[tilespmem:s11], [sflag:$0x1] =	stream.linear.gather [hbm4b:s10+s18], $0x2710, $0x38;
	[tilespmem:$0xFE60] =	vst v63  }
0x2c: {  	_ =	swait.ge [sflag:s12], $0x2710  }
0x2d: {  	[sflag:s12] =	ssyncset.done $0x0  }
0x2e: {  	s10 =	simm.s32 $0x40;
	s18 =	simm.s32 $0x0;
	[sflag:s12] =	ssyncadd.s32 $0xFFFFD8F0  }
.LBB2_2:
0x2f: {  	p0 =	sne.s32 s10, $0x9D40;
	[tilespmem:s18+$0xAC90] =	vst v0;
	s20 =	smov.u32 s10;
	s10 =	sadd.s32 $0x40, s10  }
.Ltmp2:
0x30: {  	[tilespmem:s18+$0x5DD0] =	vst v0;
	(pc) =	sbr.rel @p0 .LBB2_2-.Ltmp2, $2  }
0x31: {  	[tilespmem:s18+$0x8530] =	vst v0;
	_ =	sdelay $0x2  }
0x32: {  	s18 =	sshra.s32 s20, $0x2  }
0x33: {  	[tilespmem:s18+$0xAC90] =	vst v0  }
0x34: {  	[tilespmem:s18+$0x5DD0] =	vst v0  }
0x35: {  	[tilespmem:s18+$0x8530] =	vst v0  }
0x36: {  	[tilespmem:$0xFB50] =	vst v1  }
0x37: {  	[tilespmem:$0xFB60] =	vst v1  }
0x38: {  	[tilespmem:$0xFB70] =	vst v1  }
0x39: {  	[tilespmem:$0xFB80] =	vst v1  }
0x3a: {  	[tilespmem:$0xFB90] =	vst v1  }
0x3b: {  	[tilespmem:$0xFBA0] =	vst v1  }
0x3c: {  	[tilespmem:$0xFBB0] =	vst v1  }
0x3d: {  	[tilespmem:$0xFBC0] =	vst v1  }
0x3e: {  	[tilespmem:$0xFBD0] =	vst v1  }
0x3f: {  	[tilespmem:$0xFBE0] =	vst v1  }
0x40: {  	[tilespmem:$0xFBF0] =	vst v1  }
0x41: {  	[tilespmem:$0xFC00] =	vst v1  }
0x42: {  	[tilespmem:$0xFC10] =	vst v1  }
0x43: {  	[tilespmem:$0xFC20] =	vst v1  }
0x44: {  	[tilespmem:$0xFC30] =	vst v1  }
0x45: {  	[tilespmem:$0xFC40] =	vst v1  }
0x46: {  	[tilespmem:$0xFC50] =	vst v1  }
0x47: {  	[tilespmem:$0xFC60] =	vst v1  }
0x48: {  	[tilespmem:$0xFC70] =	vst v1  }
0x49: {  	[tilespmem:$0xFC80] =	vst v1  }
0x4a: {  	[tilespmem:$0xFC90] =	vst v1  }
0x4b: {  	[tilespmem:$0xFCA0] =	vst v1  }
0x4c: {  	[tilespmem:$0xFCB0] =	vst v1  }
0x4d: {  	[tilespmem:$0xFCC0] =	vst v1  }
0x4e: {  	[tilespmem:$0xFCD0] =	vst v1  }
0x4f: {  	[tilespmem:$0xFCE0] =	vst v1  }
0x50: {  	[tilespmem:$0xFCF0] =	vst v1  }
0x51: {  	[tilespmem:$0xFD00] =	vst v1  }
0x52: {  	[tilespmem:$0xFD10] =	vst v1  }
0x53: {  	[tilespmem:$0xFD20] =	vst v1  }
0x54: {  	[tilespmem:$0xFD30] =	vst v1  }
0x55: {  	[tilespmem:$0xFD40] =	vst v1  }
0x56: {  	[tilespmem:$0xFD50] =	vst v1  }
0x57: {  	[tilespmem:$0xFD60] =	vst v1  }
0x58: {  	[tilespmem:$0xFD70] =	vst v1  }
0x59: {  	[tilespmem:$0xFD80] =	vst v1  }
0x5a: {  	[tilespmem:$0xFD90] =	vst v1  }
0x5b: {  	[tilespmem:$0xFDA0] =	vst v1  }
0x5c: {  	[tilespmem:$0xFDB0] =	vst v1  }
0x5d: {  	[tilespmem:$0xFDC0] =	vst v1  }
0x5e: {  	[tilespmem:$0xFDD0] =	vst v1  }
0x5f: {  	[tilespmem:$0xFDE0] =	vst v1  }
0x60: {  	[tilespmem:$0xFDF0] =	vst v1  }
0x61: {  	[tilespmem:$0xFE00] =	vst v1  }
0x62: {  	[tilespmem:$0xFE10] =	vst v1  }
0x63: {  	[tilespmem:$0xFE20] =	vst v1  }
0x64: {  	[tilespmem:$0xFE30] =	vst v1  }
0x65: {  	[tilespmem:$0xFE40] =	vst v1  }
0x66: {  	[spmem:s5] =	stream.linear.scatter [tilespmem:s13], [sflag:$0x1], $0x300, $0x38;
	[tilespmem:$0xFE60] =	vst v63  }
0x67: {  	_ =	swait.ge [sflag:s12], $0x300  }
0x68: {  	[sflag:s12] =	ssyncset.done $0x0  }
0x69: {  	s10 =	rddreg [dreg:$0x4];
	[sflag:s12] =	ssyncadd.s32 $0xFFFFFD00  }
0x6a: {  	[spmem:s10] =	stream.linear.scatter [tilespmem:s13], [sflag:$0x1], $0x300, $0x38;
	[tilespmem:$0xFE60] =	vst v63  }
0x6b: {  	_ =	swait.ge [sflag:s12], $0x300  }
0x6c: {  	[sflag:s12] =	ssyncset.done $0x0  }
0x6d: {  	s23 =	rddreg [dreg:$0x5];
	[sflag:s12] =	ssyncadd.s32 $0xFFFFFD00  }
0x6e: {  	[spmem:s23] =	stream.linear.scatter [tilespmem:s13], [sflag:$0x1], $0x300, $0x38;
	[tilespmem:$0xFE60] =	vst v63  }
0x6f: {  	_ =	swait.ge [sflag:s12], $0x300  }
0x70: {  	[sflag:s12] =	ssyncset.done $0x0  }
0x71: {  	s24 =	rddreg [dreg:$0x10];
	[sflag:s12] =	ssyncadd.s32 $0xFFFFFD00  }
0x72: {  	[spmem:s24] =	stream.linear.scatter [tilespmem:s13], [sflag:$0x1], $0x300, $0x38;
	[tilespmem:$0xFE60] =	vst v63  }
0x73: {  	_ =	swait.ge [sflag:s12], $0x300  }
0x74: {  	[sflag:s12] =	ssyncset.done $0x0  }
0x75: {  	s25 =	rddreg [dreg:$0x11];
	[sflag:s12] =	ssyncadd.s32 $0xFFFFFD00  }
0x76: {  	[spmem:s25] =	stream.linear.scatter [tilespmem:s13], [sflag:$0x1], $0x300, $0x38;
	[tilespmem:$0xFE60] =	vst v63  }
0x77: {  	_ =	swait.ge [sflag:s12], $0x300  }
0x78: {  	[sflag:s12] =	ssyncset.done $0x0  }
0x79: {  	s26 =	rddreg [dreg:$0x12];
	[sflag:s12] =	ssyncadd.s32 $0xFFFFFD00  }
0x7a: {  	[spmem:s26] =	stream.linear.scatter [tilespmem:s13], [sflag:$0x1], $0x300, $0x38;
	[tilespmem:$0xFE60] =	vst v63  }
0x7b: {  	_ =	swait.ge [sflag:s12], $0x300  }
0x7c: {  	[sflag:s12] =	ssyncset.done $0x0  }
0x7d: {  	s28 =	rddreg [dreg:$0x13];
	[sflag:s12] =	ssyncadd.s32 $0xFFFFFD00  }
0x7e: {  	[spmem:s28] =	stream.linear.scatter [tilespmem:s13], [sflag:$0x1], $0x300, $0x38;
	[tilespmem:$0xFE60] =	vst v63  }
0x7f: {  	_ =	swait.ge [sflag:s12], $0x300  }
0x80: {  	[sflag:s12] =	ssyncset.done $0x0  }
0x81: {  	s18 =	rddreg [dreg:$0x14];
	[sflag:s12] =	ssyncadd.s32 $0xFFFFFD00  }
0x82: {  	[spmem:s18] =	stream.linear.scatter [tilespmem:s13], [sflag:$0x1], $0x300, $0x38;
	[tilespmem:$0xFE60] =	vst v63  }
0x83: {  	_ =	swait.ge [sflag:s12], $0x300  }
0x84: {  	[sflag:s12] =	ssyncset.done $0x0  }
0x85: {  	s20 =	rddreg [dreg:$0x15];
	[sflag:s12] =	ssyncadd.s32 $0xFFFFFD00  }
0x86: {  	[spmem:s20] =	stream.linear.scatter [tilespmem:s13], [sflag:$0x1], $0x300, $0x38;
	[tilespmem:$0xFE60] =	vst v63  }
0x87: {  	_ =	swait.ge [sflag:s12], $0x300  }
0x88: {  	[sflag:s12] =	ssyncset.done $0x0  }
0x89: {  	s22 =	rddreg [dreg:$0x16];
	[sflag:s12] =	ssyncadd.s32 $0xFFFFFD00  }
0x8a: {  	[spmem:s22] =	stream.linear.scatter [tilespmem:s13], [sflag:$0x1], $0x300, $0x38;
	[tilespmem:$0xFE60] =	vst v63  }
0x8b: {  	_ =	swait.ge [sflag:s12], $0x300  }
0x8c: {  	[sflag:s12] =	ssyncset.done $0x0  }
0x8d: {  	s23 =	rddreg [dreg:$0x17];
	[sflag:s12] =	ssyncadd.s32 $0xFFFFFD00  }
0x8e: {  	[spmem:s23] =	stream.linear.scatter [tilespmem:s13], [sflag:$0x1], $0x300, $0x38;
	[tilespmem:$0xFE60] =	vst v63  }
0x8f: {  	_ =	swait.ge [sflag:s12], $0x300  }
0x90: {  	[sflag:s12] =	ssyncset.done $0x0  }
0x91: {  	s24 =	rddreg [dreg:$0x18];
	[sflag:s12] =	ssyncadd.s32 $0xFFFFFD00  }
0x92: {  	[spmem:s24] =	stream.linear.scatter [tilespmem:s13], [sflag:$0x1], $0x300, $0x38;
	[tilespmem:$0xFE60] =	vst v63  }
0x93: {  	_ =	swait.ge [sflag:s12], $0x300  }
0x94: {  	[sflag:s12] =	ssyncset.done $0x0  }
0x95: {  	[sflag:s12] =	ssyncadd.s32 $0xFFFFFD00  }
0x96: {  	[spmem:s29] =	stream.linear.scatter [tilespmem:s13], [sflag:$0x1], $0x300, $0x38;
	[tilespmem:$0xFE60] =	vst v63  }
0x97: {  	_ =	swait.ge [sflag:s12], $0x300  }
0x98: {  	[sflag:s12] =	ssyncset.done $0x0  }
0x99: {  	[sflag:s12] =	ssyncadd.s32 $0xFFFFFD00  }
0x9a: {  	[spmem:s30] =	stream.linear.scatter [tilespmem:s13], [sflag:$0x1], $0x20, $0x38;
	[tilespmem:$0xFE60] =	vst v63  }
0x9b: {  	_ =	swait.ge [sflag:s12], $0x20  }
0x9c: {  	[sflag:s12] =	ssyncset.done $0x0  }
0x9d: {  	s18 =	simm.s32 $0x0;
	s25 =	rddreg [dreg:$0x6];
	[sflag:s12] =	ssyncadd.s32 $0xFFFFFFE0  }
0x9e: {  	[tilespmem:s14], [sflag:$0x1] =	stream.linear.gather [hbm4b:s25+s18], $0x7D0, $0x38;
	[tilespmem:$0xFE60] =	vst v63  }
0x9f: {  	_ =	swait.ge [sflag:s12], $0x7D0  }
0xa0: {  	[sflag:s12] =	ssyncset.done $0x0  }
0xa1: {  	s26 =	rddreg [dreg:$0x7];
	[sflag:s12] =	ssyncadd.s32 $0xFFFFF830  }
0xa2: {  	[tilespmem:s15], [sflag:$0x1] =	stream.linear.gather [hbm4b:s26+s18], $0x7D0, $0x38;
	[tilespmem:$0xFE60] =	vst v63  }
0xa3: {  	_ =	swait.ge [sflag:s12], $0x7D0  }
0xa4: {  	[sflag:s12] =	ssyncset.done $0x0  }
0xa5: {  	s28 =	simm.s32 $0x0;
	[sflag:s12] =	ssyncadd.s32 $0xFFFFF830  }
0xa6: {  	v4 =	vld [tilespmem:s28+$0x4E30];
	_ =	sdelay $0x7  }
0xa7: {  	v5 =	vld.idx.msk [tilespmem:v4+s11+$0x0], $0xffff;
	_ =	sdelay $0x1  }
0xa8: {  	v6 =	vld [tilespmem:s28+$0x5600];
	_ =	sdelay $0x2  }
0xa9: {  	vm0 =	veq.s32 v5, $0x2  }
0xaa: {  	[tilespmem:s18+$0x5DD0] =	vst.msk vm0, v4;
	v4 =	vmpcnt.ones.xlane vm0  }
0xab: {  	v5 =	vor.u32 s19, v2;
	[tilespmem:s18+$0x8530] =	vst.msk vm0, v6  }
0xac: {  	s22 =	simm.s32 $0x10;
	[tilespmem:s18+$0xAC90] =	vst.msk vm0, v5;
	(v2sf) =	vpush v4, $0x0  }
0xad: {  	s10 =	simm.s32 $0x80;
	s20 =	smov.u32 s19;
	v4 =	vld [tilespmem:s22+$0x5600]  }
.LBB2_4:
0xae: {  	p0 =	sne.s32 s10, $0x1F00;
	v5 =	vld [tilespmem:s22+$0x4E30];
	_ =	sdelay $0x7  }
0xaf: {  	v6 =	vld.idx.msk [tilespmem:v5+s11+$0x0], $0xffff;
	_ =	sdelay $0x4  }
0xb0: {  	s22 =	spop (v2sf)  }
.Ltmp3:
0xb1: {  	vm0 =	veq.s32 v6, $0x2;
	s18 =	sadd.s32 s18, s22;
	(pc) =	sbr.rel @p0 .LBB2_4-.Ltmp3, $4  }
0xb2: {  	s20 =	sadd.s32 $0x10, s20;
	v6 =	vmpcnt.ones.xlane vm0;
	[tilespmem:s18+$0x5DD0] =	vst.msk vm0, v5  }
0xb3: {  	[tilespmem:s18+$0x8530] =	vst.msk vm0, v4;
	v4 =	vor.u32 s20, v2  }
0xb4: {  	s22 =	sshra.s32 s10, $0x2;
	[tilespmem:s18+$0xAC90] =	vst.msk vm0, v4;
	(v2sf) =	vpush v6, $0x0  }
0xb5: {  	s10 =	sadd.s32 $0x40, s10;
	v4 =	vld [tilespmem:s22+$0x5600]  }
0xb6: {  	v5 =	vld [tilespmem:s22+$0x4E30];
	_ =	sdelay $0x7  }
0xb7: {  	v6 =	vld.idx.msk [tilespmem:v5+s11+$0x0], $0xffff;
	_ =	sdelay $0x4  }
0xb8: {  	vm0 =	veq.s32 v6, $0x2  }
0xb9: {  	v6 =	vmpcnt.ones.xlane vm0;
	_ =	sdelay $0x1  }
0xba: {  	(v2sf) =	vpush v6, $0x0;
	_ =	sdelay $0x8  }
0xbb: {  	s10 =	spop (v2sf)  }
0xbc: {  	s10 =	sadd.s32 s18, s10  }
0xbd: {  	s22 =	sadd.s32 $0x10, s20;
	[tilespmem:s10+$0x5DD0] =	vst.msk vm0, v5  }
0xbe: {  	[tilespmem:s10+$0x8530] =	vst.msk vm0, v4;
	v4 =	vor.u32 s22, v2  }
0xbf: {  	s24 =	simm.s32 $0x0;
	s25 =	rddreg [dreg:$0x8];
	[tilespmem:s10+$0xAC90] =	vst.msk vm0, v4  }
0xc0: {  	[tilespmem:s14], [sflag:$0x1] =	stream.linear.gather [hbm4b:s25+s24], $0x7D0, $0x38;
	[tilespmem:$0xFE60] =	vst v63  }
0xc1: {  	s23 =	spop (v2sf)  }
0xc2: {  	_ =	swait.ge [sflag:s12], $0x7D0  }
0xc3: {  	[sflag:s12] =	ssyncset.done $0x0  }
0xc4: {  	s26 =	rddreg [dreg:$0x9];
	[sflag:s12] =	ssyncadd.s32 $0xFFFFF830  }
0xc5: {  	[tilespmem:s15], [sflag:$0x1] =	stream.linear.gather [hbm4b:s26+s24], $0x7D0, $0x38;
	[tilespmem:$0xFE60] =	vst v63  }
0xc6: {  	_ =	swait.ge [sflag:s12], $0x7D0  }
0xc7: {  	[sflag:s12] =	ssyncset.done $0x0  }
0xc8: {  	s28 =	simm.s32 $0x0;
	[sflag:s12] =	ssyncadd.s32 $0xFFFFF830  }
0xc9: {  	v4 =	vld [tilespmem:s28+$0x4E30];
	_ =	sdelay $0x7  }
0xca: {  	v5 =	vld.idx.msk [tilespmem:v4+s11+$0x0], $0xffff;
	_ =	sdelay $0x1  }
0xcb: {  	v6 =	vld [tilespmem:s28+$0x5600];
	_ =	sdelay $0x2  }
0xcc: {  	s18 =	sadd.s32 s10, s23;
	vm15 =	veq.s32 v5, $0x2  }
0xcd: {  	[tilespmem:s18+$0x5DD0] =	vst.msk vm15, v4;
	v4 =	vmpcnt.ones.xlane vm15  }
0xce: {  	v5 =	vor.u32 s7, v2;
	[tilespmem:s18+$0x8530] =	vst.msk vm15, v6  }
0xcf: {  	s22 =	simm.s32 $0x10;
	[tilespmem:s18+$0xAC90] =	vst.msk vm15, v5;
	(v2sf) =	vpush v4, $0x0  }
0xd0: {  	s20 =	smov.u32 s7;
	s10 =	simm.s32 $0x80;
	v4 =	vld [tilespmem:s22+$0x5600]  }
.LBB2_6:
0xd1: {  	p0 =	sne.s32 s10, $0x1F00;
	v5 =	vld [tilespmem:s22+$0x4E30];
	_ =	sdelay $0x7  }
0xd2: {  	v6 =	vld.idx.msk [tilespmem:v5+s11+$0x0], $0xffff;
	_ =	sdelay $0x4  }
0xd3: {  	s22 =	spop (v2sf)  }
.Ltmp4:
0xd4: {  	vm0 =	veq.s32 v6, $0x2;
	s18 =	sadd.s32 s18, s22;
	(pc) =	sbr.rel @p0 .LBB2_6-.Ltmp4, $4  }
0xd5: {  	s20 =	sadd.s32 $0x10, s20;
	v6 =	vmpcnt.ones.xlane vm0;
	[tilespmem:s18+$0x5DD0] =	vst.msk vm0, v5  }
0xd6: {  	[tilespmem:s18+$0x8530] =	vst.msk vm0, v4;
	v4 =	vor.u32 s20, v2  }
0xd7: {  	s22 =	sshra.s32 s10, $0x2;
	[tilespmem:s18+$0xAC90] =	vst.msk vm0, v4;
	(v2sf) =	vpush v6, $0x0  }
0xd8: {  	s10 =	sadd.s32 $0x40, s10;
	v4 =	vld [tilespmem:s22+$0x5600]  }
0xd9: {  	v5 =	vld [tilespmem:s22+$0x4E30];
	_ =	sdelay $0x7  }
0xda: {  	v6 =	vld.idx.msk [tilespmem:v5+s11+$0x0], $0xffff;
	_ =	sdelay $0x4  }
0xdb: {  	vm0 =	veq.s32 v6, $0x2  }
0xdc: {  	v6 =	vmpcnt.ones.xlane vm0;
	_ =	sdelay $0x1  }
0xdd: {  	(v2sf) =	vpush v6, $0x0;
	_ =	sdelay $0x8  }
0xde: {  	s10 =	spop (v2sf)  }
0xdf: {  	s10 =	sadd.s32 s18, s10  }
0xe0: {  	s22 =	sadd.s32 $0x10, s20;
	[tilespmem:s10+$0x5DD0] =	vst.msk vm0, v5  }
0xe1: {  	[tilespmem:s10+$0x8530] =	vst.msk vm0, v4;
	v4 =	vor.u32 s22, v2  }
0xe2: {  	s24 =	simm.s32 $0x0;
	s25 =	rddreg [dreg:$0xa];
	[tilespmem:s10+$0xAC90] =	vst.msk vm0, v4  }
0xe3: {  	[tilespmem:s14], [sflag:$0x1] =	stream.linear.gather [hbm4b:s25+s24], $0x7D0, $0x38;
	[tilespmem:$0xFE60] =	vst v63  }
0xe4: {  	s23 =	spop (v2sf)  }
0xe5: {  	_ =	swait.ge [sflag:s12], $0x7D0  }
0xe6: {  	[sflag:s12] =	ssyncset.done $0x0  }
0xe7: {  	s26 =	rddreg [dreg:$0xb];
	[sflag:s12] =	ssyncadd.s32 $0xFFFFF830  }
0xe8: {  	[tilespmem:s15], [sflag:$0x1] =	stream.linear.gather [hbm4b:s26+s24], $0x7D0, $0x38;
	[tilespmem:$0xFE60] =	vst v63  }
0xe9: {  	_ =	swait.ge [sflag:s12], $0x7D0  }
0xea: {  	[sflag:s12] =	ssyncset.done $0x0  }
0xeb: {  	s28 =	simm.s32 $0x0;
	[sflag:s12] =	ssyncadd.s32 $0xFFFFF830  }
0xec: {  	v4 =	vld [tilespmem:s28+$0x4E30];
	_ =	sdelay $0x7  }
0xed: {  	v5 =	vld.idx.msk [tilespmem:v4+s11+$0x0], $0xffff;
	_ =	sdelay $0x1  }
0xee: {  	v6 =	vld [tilespmem:s28+$0x5600];
	_ =	sdelay $0x2  }
0xef: {  	s18 =	sadd.s32 s10, s23;
	vm15 =	veq.s32 v5, $0x2  }
0xf0: {  	[tilespmem:s18+$0x5DD0] =	vst.msk vm15, v4;
	v4 =	vmpcnt.ones.xlane vm15  }
0xf1: {  	v5 =	vor.u32 s8, v2;
	[tilespmem:s18+$0x8530] =	vst.msk vm15, v6  }
0xf2: {  	s22 =	simm.s32 $0x10;
	[tilespmem:s18+$0xAC90] =	vst.msk vm15, v5;
	(v2sf) =	vpush v4, $0x0  }
0xf3: {  	s20 =	smov.u32 s8;
	s10 =	simm.s32 $0x80;
	v4 =	vld [tilespmem:s22+$0x5600]  }
.LBB2_8:
0xf4: {  	p0 =	sne.s32 s10, $0x1F00;
	v5 =	vld [tilespmem:s22+$0x4E30];
	_ =	sdelay $0x7  }
0xf5: {  	v6 =	vld.idx.msk [tilespmem:v5+s11+$0x0], $0xffff;
	_ =	sdelay $0x4  }
0xf6: {  	s22 =	spop (v2sf)  }
.Ltmp5:
0xf7: {  	vm0 =	veq.s32 v6, $0x2;
	s18 =	sadd.s32 s18, s22;
	(pc) =	sbr.rel @p0 .LBB2_8-.Ltmp5, $4  }
0xf8: {  	s20 =	sadd.s32 $0x10, s20;
	v6 =	vmpcnt.ones.xlane vm0;
	[tilespmem:s18+$0x5DD0] =	vst.msk vm0, v5  }
0xf9: {  	[tilespmem:s18+$0x8530] =	vst.msk vm0, v4;
	v4 =	vor.u32 s20, v2  }
0xfa: {  	s22 =	sshra.s32 s10, $0x2;
	[tilespmem:s18+$0xAC90] =	vst.msk vm0, v4;
	(v2sf) =	vpush v6, $0x0  }
0xfb: {  	s10 =	sadd.s32 $0x40, s10;
	v4 =	vld [tilespmem:s22+$0x5600]  }
0xfc: {  	v5 =	vld [tilespmem:s22+$0x4E30];
	_ =	sdelay $0x7  }
0xfd: {  	v6 =	vld.idx.msk [tilespmem:v5+s11+$0x0], $0xffff;
	_ =	sdelay $0x4  }
0xfe: {  	vm0 =	veq.s32 v6, $0x2  }
0xff: {  	v6 =	vmpcnt.ones.xlane vm0;
	_ =	sdelay $0x1  }
0x100: {  	(v2sf) =	vpush v6, $0x0;
	_ =	sdelay $0x8  }
0x101: {  	s10 =	spop (v2sf)  }
0x102: {  	s10 =	sadd.s32 s18, s10  }
0x103: {  	s22 =	sadd.s32 $0x10, s20;
	[tilespmem:s10+$0x5DD0] =	vst.msk vm0, v5  }
0x104: {  	[tilespmem:s10+$0x8530] =	vst.msk vm0, v4;
	v4 =	vor.u32 s22, v2  }
0x105: {  	s24 =	simm.s32 $0x0;
	s25 =	rddreg [dreg:$0xc];
	[tilespmem:s10+$0xAC90] =	vst.msk vm0, v4  }
0x106: {  	[tilespmem:s14], [sflag:$0x1] =	stream.linear.gather [hbm4b:s25+s24], $0x7D0, $0x38;
	[tilespmem:$0xFE60] =	vst v63  }
0x107: {  	s23 =	spop (v2sf)  }
0x108: {  	_ =	swait.ge [sflag:s12], $0x7D0  }
0x109: {  	[sflag:s12] =	ssyncset.done $0x0  }
0x10a: {  	s26 =	rddreg [dreg:$0xd];
	[sflag:s12] =	ssyncadd.s32 $0xFFFFF830  }
0x10b: {  	[tilespmem:s15], [sflag:$0x1] =	stream.linear.gather [hbm4b:s26+s24], $0x7D0, $0x38;
	[tilespmem:$0xFE60] =	vst v63  }
0x10c: {  	_ =	swait.ge [sflag:s12], $0x7D0  }
0x10d: {  	[sflag:s12] =	ssyncset.done $0x0  }
0x10e: {  	s28 =	simm.s32 $0x0;
	[sflag:s12] =	ssyncadd.s32 $0xFFFFF830  }
0x10f: {  	v4 =	vld [tilespmem:s28+$0x4E30];
	_ =	sdelay $0x7  }
0x110: {  	v5 =	vld.idx.msk [tilespmem:v4+s11+$0x0], $0xffff;
	_ =	sdelay $0x1  }
0x111: {  	v6 =	vld [tilespmem:s28+$0x5600];
	_ =	sdelay $0x2  }
0x112: {  	s18 =	sadd.s32 s10, s23;
	vm15 =	veq.s32 v5, $0x2  }
0x113: {  	[tilespmem:s18+$0x5DD0] =	vst.msk vm15, v4;
	v4 =	vmpcnt.ones.xlane vm15  }
0x114: {  	v5 =	vor.u32 s9, v2;
	[tilespmem:s18+$0x8530] =	vst.msk vm15, v6  }
0x115: {  	s22 =	simm.s32 $0x10;
	[tilespmem:s18+$0xAC90] =	vst.msk vm15, v5;
	(v2sf) =	vpush v4, $0x0  }
0x116: {  	s20 =	smov.u32 s9;
	s10 =	simm.s32 $0x80;
	v4 =	vld [tilespmem:s22+$0x5600]  }
.LBB2_10:
0x117: {  	p0 =	sne.s32 s10, $0x1F00;
	v5 =	vld [tilespmem:s22+$0x4E30];
	_ =	sdelay $0x7  }
0x118: {  	v6 =	vld.idx.msk [tilespmem:v5+s11+$0x0], $0xffff;
	_ =	sdelay $0x4  }
0x119: {  	s22 =	spop (v2sf)  }
.Ltmp6:
0x11a: {  	vm0 =	veq.s32 v6, $0x2;
	s18 =	sadd.s32 s18, s22;
	(pc) =	sbr.rel @p0 .LBB2_10-.Ltmp6, $4  }
0x11b: {  	s20 =	sadd.s32 $0x10, s20;
	v6 =	vmpcnt.ones.xlane vm0;
	[tilespmem:s18+$0x5DD0] =	vst.msk vm0, v5  }
0x11c: {  	[tilespmem:s18+$0x8530] =	vst.msk vm0, v4;
	v4 =	vor.u32 s20, v2  }
0x11d: {  	s22 =	sshra.s32 s10, $0x2;
	[tilespmem:s18+$0xAC90] =	vst.msk vm0, v4;
	(v2sf) =	vpush v6, $0x0  }
0x11e: {  	s10 =	sadd.s32 $0x40, s10;
	v4 =	vld [tilespmem:s22+$0x5600]  }
0x11f: {  	v5 =	vld [tilespmem:s22+$0x4E30];
	_ =	sdelay $0x7  }
0x120: {  	v6 =	vld.idx.msk [tilespmem:v5+s11+$0x0], $0xffff;
	_ =	sdelay $0x4  }
0x121: {  	vm0 =	veq.s32 v6, $0x2  }
0x122: {  	v6 =	vmpcnt.ones.xlane vm0;
	_ =	sdelay $0x1  }
0x123: {  	(v2sf) =	vpush v6, $0x0;
	_ =	sdelay $0x8  }
0x124: {  	s10 =	spop (v2sf)  }
0x125: {  	s10 =	sadd.s32 s18, s10  }
0x126: {  	s23 =	sadd.s32 $0x10, s20;
	[tilespmem:s10+$0x5DD0] =	vst.msk vm0, v5  }
0x127: {  	[tilespmem:s10+$0x8530] =	vst.msk vm0, v4;
	v4 =	vor.u32 s23, v2  }
0x128: {  	s20 =	simm.s32 $0x0;
	s25 =	rddreg [dreg:$0xe];
	[tilespmem:s10+$0xAC90] =	vst.msk vm0, v4  }
0x129: {  	[tilespmem:s14], [sflag:$0x1] =	stream.linear.gather [hbm4b:s25+s20], $0x7D0, $0x38;
	[tilespmem:$0xFE60] =	vst v63  }
0x12a: {  	s24 =	spop (v2sf)  }
0x12b: {  	_ =	swait.ge [sflag:s12], $0x7D0  }
0x12c: {  	[sflag:s12] =	ssyncset.done $0x0  }
0x12d: {  	s26 =	rddreg [dreg:$0xf];
	[sflag:s12] =	ssyncadd.s32 $0xFFFFF830  }
0x12e: {  	[tilespmem:s15], [sflag:$0x1] =	stream.linear.gather [hbm4b:s26+s20], $0x7D0, $0x38;
	[tilespmem:$0xFE60] =	vst v63  }
0x12f: {  	_ =	swait.ge [sflag:s12], $0x7D0  }
0x130: {  	[sflag:s12] =	ssyncset.done $0x0  }
0x131: {  	s28 =	simm.s32 $0x0;
	[sflag:s12] =	ssyncadd.s32 $0xFFFFF830  }
0x132: {  	v4 =	vld [tilespmem:s28+$0x4E30];
	_ =	sdelay $0x7  }
0x133: {  	v5 =	vld.idx.msk [tilespmem:v4+s11+$0x0], $0xffff;
	_ =	sdelay $0x1  }
0x134: {  	v6 =	vld [tilespmem:s28+$0x5600];
	_ =	sdelay $0x2  }
0x135: {  	s18 =	sadd.s32 s10, s24;
	vm15 =	veq.s32 v5, $0x2  }
0x136: {  	[tilespmem:s18+$0x5DD0] =	vst.msk vm15, v4;
	v4 =	vmpcnt.ones.xlane vm15  }
0x137: {  	v5 =	vor.u32 s21, v2;
	[tilespmem:s18+$0x8530] =	vst.msk vm15, v6  }
0x138: {  	s23 =	simm.s32 $0x10;
	[tilespmem:s18+$0xAC90] =	vst.msk vm15, v5;
	(v2sf) =	vpush v4, $0x0  }
0x139: {  	s22 =	simm.s32 $0x80;
	s10 =	smov.u32 s21;
	v4 =	vld [tilespmem:s23+$0x5600]  }
.LBB2_12:
0x13a: {  	p0 =	sne.s32 s22, $0x1F00;
	v5 =	vld [tilespmem:s23+$0x4E30];
	_ =	sdelay $0x7  }
0x13b: {  	v6 =	vld.idx.msk [tilespmem:v5+s11+$0x0], $0xffff;
	_ =	sdelay $0x4  }
0x13c: {  	s23 =	spop (v2sf)  }
.Ltmp7:
0x13d: {  	vm0 =	veq.s32 v6, $0x2;
	s18 =	sadd.s32 s18, s23;
	(pc) =	sbr.rel @p0 .LBB2_12-.Ltmp7, $4  }
0x13e: {  	s10 =	sadd.s32 $0x10, s10;
	v6 =	vmpcnt.ones.xlane vm0;
	[tilespmem:s18+$0x5DD0] =	vst.msk vm0, v5  }
0x13f: {  	[tilespmem:s18+$0x8530] =	vst.msk vm0, v4;
	v4 =	vor.u32 s10, v2  }
0x140: {  	s23 =	sshra.s32 s22, $0x2;
	[tilespmem:s18+$0xAC90] =	vst.msk vm0, v4;
	(v2sf) =	vpush v6, $0x0  }
0x141: {  	s22 =	sadd.s32 $0x40, s22;
	v4 =	vld [tilespmem:s23+$0x5600]  }
0x142: {  	v5 =	vld [tilespmem:s23+$0x4E30];
	_ =	sdelay $0x7  }
0x143: {  	v6 =	vld.idx.msk [tilespmem:v5+s11+$0x0], $0xffff;
	_ =	sdelay $0x4  }
0x144: {  	vm0 =	veq.s32 v6, $0x2  }
0x145: {  	v6 =	vmpcnt.ones.xlane vm0;
	_ =	sdelay $0x1  }
0x146: {  	(v2sf) =	vpush v6, $0x0;
	_ =	sdelay $0xb  }
0x147: {  	s26 =	smul.u32 $0xAAAB, s20;
	s22 =	spop (v2sf)  }
0x148: {  	s22 =	sadd.s32 s18, s22  }
0x149: {  	s10 =	sadd.s32 $0x10, s10;
	s23 =	sshrl.u32 s26, $0x11;
	[tilespmem:s22+$0x5DD0] =	vst.msk vm0, v5  }
0x14a: {  	s24 =	smul.u32 $0x3, s23;
	[tilespmem:s22+$0x8530] =	vst.msk vm0, v4;
	v4 =	vor.u32 s10, v2;
	s28 =	spop (v2sf)  }
0x14b: {  	s10 =	simm.s32 $0x8530;
	[tilespmem:s22+$0xAC90] =	vst.msk vm0, v4;
	s18 =	sadd.s32 s22, s28;
	s22 =	simm.s32 $0x1  }
.LBB2_14:
0x14c: {  	s25 =	smul.u32 $0xAAAB, s22  }
0x14d: {  	v4 =	vld [tilespmem:s10+$0x0];
	s26 =	smov.u32 s22;
	s23 =	smul.u32 $0xC0, s23;
	p0 =	sne.s32 s22, $0x275  }
.Ltmp8:
0x14e: {  	s20 =	ssub.s32 s20, s24;
	(pc) =	sbr.rel @p0 .LBB2_14-.Ltmp8, $4  }
0x14f: {  	s22 =	sadd.s32 $0x1, s22;
	s20 =	sand.u32 $0xFFFF, s20  }
0x150: {  	s24 =	sshrl.u32 s23, $0x2;
	s28 =	sshll.u32 s20, $0x4;
	s20 =	smov.u32 s26  }
0x151: {  	s23 =	sshrl.u32 s25, $0x11;
	s25 =	sadd.s32 s28, s24  }
0x152: {  	s10 =	sadd.s32 $0x10, s10;
	s24 =	smul.u32 $0x3, s23;
	[tilespmem:s25+$0xD3F0] =	vst v4  }
0x153: {  	v4 =	vld [tilespmem:s10+$0x0]  }
0x154: {  	s28 =	smul.u32 $0xC0, s23;
	s26 =	ssub.s32 s20, s24  }
0x155: {  	s10 =	sand.u32 $0xFFFF, s26  }
0x156: {  	s20 =	sshrl.u32 s28, $0x2;
	s10 =	sshll.u32 s10, $0x4  }
0x157: {  	s10 =	sadd.s32 s10, s20  }
0x158: {  	[tilespmem:s10+$0xD3F0] =	vst v4;
	v4 =	vmov s18  }
0x159: {  	s24 =	simm.s32 $0x0;
	s20 =	simm.s32 $0xFE50;
	[tilespmem:$0xFE50] =	vst v4  }
0x15a: {  	[hbm4b:s31+s24] =	stream.linear.scatter [tilespmem:s20], [sflag:$0x1], $0x10, $0x38;
	[tilespmem:$0xFE60] =	vst v63  }
0x15b: {  	_ =	swait.ge [sflag:s12], $0x10  }
0x15c: {  	[sflag:s12] =	ssyncset.done $0x0  }
0x15d: {  	s22 =	simm.s32 $0x5DD0;
	s10 =	sadd.s32 $0x2F, s18;
	[sflag:s12] =	ssyncadd.s32 $0xFFFFFFF0  }
0x15e: {  	[hbm4b:s0+s24] =	stream.linear.scatter [tilespmem:s22], [sflag:$0x1], $0x2760, $0x38;
	[tilespmem:$0xFE60] =	vst v63  }
0x15f: {  	s25 =	smulhi.u32 $0x2AAAAAAB, s10;
	s22 =	sshra.s32 s10, $0x1F  }
0x160: {  	_ =	swait.ge [sflag:s12], $0x2760;
	s22 =	smul.u32 $0x2AAAAAAB, s22  }
0x161: {  	[sflag:s12] =	ssyncset.done $0x0  }
0x162: {  	s23 =	simm.s32 $0x8530;
	[sflag:s12] =	ssyncadd.s32 $0xFFFFD8A0;
	s20 =	sadd.s32 s22, s25  }
0x163: {  	[hbm4b:s2+s24] =	stream.linear.scatter [tilespmem:s23], [sflag:$0x1], $0x2760, $0x38;
	[tilespmem:$0xFE60] =	vst v63  }
0x164: {  	s22 =	sshrl.u32 s20, $0x1F;
	s20 =	sshra.s32 s20, $0x3;
	_ =	swait.ge [sflag:s12], $0x2760  }
0x165: {  	s26 =	simm.s32 $0xAC90;
	s20 =	sadd.s32 s22, s20;
	[sflag:s12] =	ssyncset.done $0x0  }
0x166: {  	s28 =	ssub.s32 $0xFFFFFFD1, s18;
	s22 =	smul.u32 $0xFFFFFFD0, s20;
	[sflag:s12] =	ssyncadd.s32 $0xFFFFD8A0  }
0x167: {  	[hbm4b:s4+s24] =	stream.linear.scatter [tilespmem:s26], [sflag:$0x1], $0x2760, $0x38;
	[tilespmem:$0xFE60] =	vst v63  }
0x168: {  	p0 =	slt.s32 s10, $0x1;
	p1 =	sne.s32 s22, s28  }
0x169: {  	p0 =	por !p0, !p1  }
0x16a: {  	s10 =	simm.s32 $0x1;
	p0 =	por !p0, !p0  }
0x16b: {  	s10 =	simm.s32 @!p0 $0x0  }
0x16c: {  	s10 =	ssub.s32 s20, s10  }
0x16d: {  	p0 =	slt.s32 s10, $0x1  }
.Ltmp9:
0x16e: {  	_ =	swait.ge [sflag:s12], $0x2760;
	(pc) =	sbr.rel @p0 .LBB2_19-.Ltmp9, $4  }
0x16f: {  	[sflag:s12] =	ssyncset.done $0x0  }
0x170: {  	[sflag:s12] =	ssyncadd.s32 $0xFFFFD8A0  }
0x171: {  	[bflag:$0x0] =	sbarrier.arrive $0xFFFF  }
0x172: {  	s22 =	simm.s32 $0x0  }
.LBB2_16:
0x173: {  	p0 =	slt.s32 s24, s18  }
0x174: {  	s23 =	simm.s32 $0x40;
	s25 =	simm.s32 $0x0;
	s20 =	smov.u32 s24;
	v4 =	vpsel !p0, $0x0, v3  }
.LBB2_17:
0x175: {  	p0 =	sne.s32 s23, $0xBC0  }
0x176: {  	[tilespmem:s25+$0xFB50] =	vst v4;
	s20 =	sadd.s32 $0x1, s20;
	s25 =	smov.u32 s23;
	s23 =	sadd.s32 $0x40, s23  }
.Ltmp10:
0x177: {  	(pc) =	sbr.rel @p0 .LBB2_17-.Ltmp10, $3  }
0x178: {  	_ =	sdelay $0x1  }
0x179: {  	p1 =	slt.s32 s20, s18  }
0x17a: {  	s25 =	sshra.s32 s25, $0x2;
	v4 =	vpsel !p1, $0x0, v3  }
0x17b: {  	s20 =	smul.u32 $0xC0, s22;
	_ =	sdelay $0x1  }
0x17c: {  	s22 =	sadd.s32 $0x1, s22;
	s20 =	sshra.s32 s20, $0x2  }
0x17d: {  	[tilespmem:s25+$0xFB50] =	vst v4;
	p0 =	sne.s32 s22, s10;
	s20 =	sadd.s32 $0xD3F0, s20  }
0x17e: {  	[spmem:s3] =	stream.indirect.scatter.add.f32 [tilespmem:s13], [sflag:$0x1], $0x10, s20, s16, $0xb8;
	[tilespmem:$0xFE60] =	vst v63  }
.Ltmp11:
0x17f: {  	_ = 	snop;
	(pc) =	sbr.rel @p0 .LBB2_16-.Ltmp11, $4  }
.Ltmp12:
0x180: {  	_ = 	snop;
	(pc) =	sbr.rel @!p0 .LBB2_19-.Ltmp12, $4  }
0x181: {  	_ =	swait.ge [sflag:s12], $0x300  }
0x182: {  	[sflag:s12] =	ssyncset.done $0x0  }
0x183: {  	s24 =	sadd.s32 $0x30, s24;
	[sflag:s12] =	ssyncadd.s32 $0xFFFFFD00  }
0x184: {  	_ = 	snop  }
.LBB2_20:
0x185: {  	_ =	sfence.sel $0x180000  }
0x186: {  	[bflag:$0x0] =	sbarrier.arrive $0xFFFF  }
0x187: {  	_ =	strace $0x90000047  }
0x188: {  	s0 =	stileid.u32;
	[bflag:$0x2] =	sbarrier.arrive $0xFFFF  }
0x189: {  	p0 =	sne.s32 s0, $0x0;
	s0 =	rddreg [dreg:$0x3]  }
0x18a: {  	s0 =	sadd.s32 @!p0 $0x100000, s0  }
0x18b: {  	[sflag:s0] =	ssyncadd.tile.s32 @!p0 $0x1;
	_ =	shalt  }
.Lfunc_end2:
_tile_overlayer_lowered:
.L_overlay_start_2:
0x18c: {  	(tag) =	ssettag $0x2  }
0x18d: {  	s0 =	rddreg [dreg:$0x0];
	s2 =	stileid.u32  }
0x18e: {  	s1 =	rddreg [dreg:$0x1];
	p0 =	sne.s32 s2, $0x0  }
0x18f: {  	s3 =	rddreg [dreg:$0x2];
	[bflag:$0x3] =	sbarrier.arrive $0xFFFF;
	s2 =	simm.s32 @!p0 $0x1C01  }
0x190: {  	[timem:s3], [sflag:s2] =	dma.local @!p0 [hbm:s0], s1  }
0x191: {  	s0 =	simm.s32 @!p0 $0x1  }
0x192: {  	_ =	swait.ge @!p0 [sflag:s0], s1  }
0x193: {  	s1 =	ssub.s32 @!p0 $0x0, s1;
	[sflag:s0] =	ssyncset.done @!p0 $0x0  }
0x194: {  	[sflag:s0] =	ssyncadd.s32 @!p0 s1  }
0x195: {  	[bflag:$0x3] =	sbarrier.arrive $0xFFFF  }
0x196: {  	_ =	shalt  }

</sc_bundles>
